<compile_context>
chip_gen: v7x
topology: tpu7x:2x2x1
jax: 0.10.2.dev20260603
libtpu: 0.0.44.dev20260713+nightly
codegen_flags: <defaults>
</compile_context>

<pallas_src>
import functools

import jax
import jax.numpy as jnp
from jax import lax
from jax.experimental import pallas as pl
from jax.experimental.pallas import tpu as pltpu



_BLK = 2000


def _mm_body(x_ref, w_ref, b_ref, o_ref):
    o_ref[...] = (
        jnp.dot(x_ref[...], w_ref[...], preferred_element_type=jnp.float32)
        + b_ref[...]
    )


def _fused_matmul(x, w, b):
    r, d = x.shape
    k = w.shape[1]
    grid = (r // _BLK,)
    return pl.pallas_call(
        _mm_body,
        grid=grid,
        in_specs=[
            pl.BlockSpec((_BLK, d), lambda i: (i, 0)),
            pl.BlockSpec((d, k), lambda i: (0, 0)),
            pl.BlockSpec((1, k), lambda i: (0, 0)),
        ],
        out_specs=pl.BlockSpec((_BLK, k), lambda i: (i, 0)),
        out_shape=jax.ShapeDtypeStruct((r, k), jnp.float32),
    )(x, w, b)


def _ln_silu(v, gamma, beta):
    mu = jnp.mean(v, axis=-1, keepdims=True)
    var = jnp.mean((v - mu) ** 2, axis=-1, keepdims=True)
    ln = (v - mu) * lax.rsqrt(var + 1e-5) * gamma + beta
    return ln * jax.nn.sigmoid(ln)


def _edge_stage_body(gs_ref, gd_ref, ef_ref, gb_ref, w_ref, b_ref,
                     gam_ref, bet_ref, sig_ref, p_ref, eout_ref):
    ef = ef_ref[...]
    m = (
        gs_ref[...]
        + gd_ref[...]
        + jnp.dot(ef, w_ref[...], preferred_element_type=jnp.float32)
        + b_ref[...]
    )
    sig = jax.nn.sigmoid(m)
    sig_ref[...] = sig
    p_ref[...] = gb_ref[...] * sig
    eout_ref[...] = ef + _ln_silu(m, gam_ref[...], bet_ref[...])


def _edge_stage(gs, gd, ef, gb, w_eg, b_eg, gamma, beta):
    r, d = ef.shape
    grid = (r // _BLK,)
    blk = lambda i: (i, 0)
    full = lambda i: (0, 0)
    return pl.pallas_call(
        _edge_stage_body,
        grid=grid,
        in_specs=[
            pl.BlockSpec((_BLK, d), blk),
            pl.BlockSpec((_BLK, d), blk),
            pl.BlockSpec((_BLK, d), blk),
            pl.BlockSpec((_BLK, d), blk),
            pl.BlockSpec((d, d), full),
            pl.BlockSpec((1, d), full),
            pl.BlockSpec((1, d), full),
            pl.BlockSpec((1, d), full),
        ],
        out_specs=[pl.BlockSpec((_BLK, d), blk)] * 3,
        out_shape=[jax.ShapeDtypeStruct((r, d), jnp.float32)] * 3,
    )(gs, gd, ef, gb, w_eg, b_eg, gamma, beta)


def _node_stage_body(u_ref, num_ref, den_ref, res_ref, gam_ref, bet_ref,
                     o_ref):
    v = u_ref[...] + num_ref[...] / (den_ref[...] + 1e-6)
    v = _ln_silu(v, gam_ref[...], bet_ref[...])
    o_ref[...] = res_ref[...] + v


def _node_stage(u, num, den, res, gamma, beta):
    r, d = u.shape
    grid = (r // _BLK,)
    blk = lambda i: (i, 0)
    full = lambda i: (0, 0)
    return pl.pallas_call(
        _node_stage_body,
        grid=grid,
        in_specs=[
            pl.BlockSpec((_BLK, d), blk),
            pl.BlockSpec((_BLK, d), blk),
            pl.BlockSpec((_BLK, d), blk),
            pl.BlockSpec((_BLK, d), blk),
            pl.BlockSpec((1, d), full),
            pl.BlockSpec((1, d), full),
        ],
        out_specs=pl.BlockSpec((_BLK, d), blk),
        out_shape=jax.ShapeDtypeStruct((r, d), jnp.float32),
    )(u, num, den, res, gamma, beta)




def _gather_rows(tables, idxs):
    return [t[i] for t, i in zip(tables, idxs)]


def _segment_sums(sig, p, dst, n):
    num = jax.ops.segment_sum(p, dst, num_segments=n)
    den = jax.ops.segment_sum(sig, dst, num_segments=n)
    return num, den




def _cat_w(p, names):
    return jnp.concatenate([p[n]["w"].T for n in names], axis=1)


def _cat_b(p, names):
    return jnp.concatenate([p[n]["b"] for n in names])[None, :]


_NAMES = ["src_gate", "dst_gate", "dst_update", "src_update"]


def _egc_layer(p, src, dst, n_nodes, node_feats, edge_feats):
    d = node_feats.shape[1]
    cat = _fused_matmul(node_feats, _cat_w(p, _NAMES), _cat_b(p, _NAMES))
    sx, dx, bx, ux = (cat[:, i * d:(i + 1) * d] for i in range(4))
    gs, gd, gb = _gather_rows([sx, dx, bx], [src, dst, src])
    sig, pprod, e_out = _edge_stage(
        gs, gd, edge_feats, gb,
        p["edge_gate"]["w"].T, p["edge_gate"]["b"][None, :],
        p["norm_edges"]["gamma"][None, :], p["norm_edges"]["beta"][None, :],
    )
    num, den = _segment_sums(sig, pprod, dst, n_nodes)
    n_out = _node_stage(
        ux, num, den, node_feats,
        p["norm_nodes"]["gamma"][None, :], p["norm_nodes"]["beta"][None, :],
    )
    return n_out, e_out


def kernel(x, y, z, g_src, g_dst, lg_src, lg_dst, params):
    g_src = g_src.astype(jnp.int32)
    g_dst = g_dst.astype(jnp.int32)
    lg_src = lg_src.astype(jnp.int32)
    lg_dst = lg_dst.astype(jnp.int32)

    x_out, m = _egc_layer(params["node_update"], g_src, g_dst, x.shape[0], x, y)
    y_out, z_out = _egc_layer(params["edge_update"], lg_src, lg_dst,
                              m.shape[0], m, z)
    return (x_out, y_out, z_out)

# --- scband reference (transcript-rebuilt; emitter-appended) ---
"""Pipeline reference for scband-sparse-alignnconv-12128987644538 (READ-ONLY COPY).

The authoritative reference and input builder live on the scoring server;
editing this copy changes nothing except your own understanding.
"""

import jax, jax.numpy as jnp
import numpy as np

N = 10000
E = 320000
E_LG = 640000
D = 128


def _linear_params(key, d_in, d_out):
    k1, k2 = jax.random.split(key)
    w = jax.random.normal(k1, (d_out, d_in), dtype=jnp.float32) * 0.05
    b = jax.random.normal(k2, (d_out,), dtype=jnp.float32) * 0.05
    return {"w": w, "b": b}


def _egc_params(key, d_in, d_out):
    keys = jax.random.split(key, 5)
    names = ["src_gate", "dst_gate", "edge_gate", "src_update", "dst_update"]
    p = {name: _linear_params(k, d_in, d_out) for name, k in zip(names, keys)}
    p["norm_nodes"] = {"gamma": jnp.ones((d_out,), jnp.float32), "beta": jnp.zeros((d_out,), jnp.float32)}
    p["norm_edges"] = {"gamma": jnp.ones((d_out,), jnp.float32), "beta": jnp.zeros((d_out,), jnp.float32)}
    return p


def setup_inputs(seed: int = 0) -> dict:
    key = jax.random.key(seed)
    ks = jax.random.split(key, 9)
    x = jax.random.normal(ks[0], (N, D), dtype=jnp.float32)
    y = jax.random.normal(ks[1], (E, D), dtype=jnp.float32)
    z = jax.random.normal(ks[2], (E_LG, D), dtype=jnp.float32)
    g_src = jax.random.randint(ks[3], (E,), 0, N)
    g_dst = jax.random.randint(ks[4], (E,), 0, N)
    lg_src = jax.random.randint(ks[5], (E_LG,), 0, E)
    lg_dst = jax.random.randint(ks[6], (E_LG,), 0, E)
    params = {
        "node_update": _egc_params(ks[7], D, D),
        "edge_update": _egc_params(ks[8], D, D),
    }
    return {"x": x, "y": y, "z": z, "g_src": g_src, "g_dst": g_dst,
            "lg_src": lg_src, "lg_dst": lg_dst, "params": params}


def _linear(p, x):
    return x @ p["w"].T + p["b"]


def _layernorm(x, p, eps=1e-5):
    mu = jnp.mean(x, axis=-1, keepdims=True)
    var = jnp.mean((x - mu) ** 2, axis=-1, keepdims=True)
    return (x - mu) / jnp.sqrt(var + eps) * p["gamma"] + p["beta"]


def _silu(x):
    return x * jax.nn.sigmoid(x)


def _egc(p, src, dst, n_nodes, node_feats, edge_feats, residual, skip_edgenorm):
    # EdgeGatedGraphConv (ALIGNN-style) forward
    e_src = _linear(p["src_gate"], node_feats)[src]
    e_dst = _linear(p["dst_gate"], node_feats)[dst]
    m = e_src + e_dst + _linear(p["edge_gate"], edge_feats)
    sigma = jax.nn.sigmoid(m)
    Bh = _linear(p["dst_update"], node_feats)
    sum_sigma_h = jax.ops.segment_sum(Bh[src] * sigma, dst, num_segments=n_nodes)
    sum_sigma = jax.ops.segment_sum(sigma, dst, num_segments=n_nodes)
    h = sum_sigma_h / (sum_sigma + 1e-6)
    xo = _linear(p["src_update"], node_feats) + h
    xo = _silu(_layernorm(xo, p["norm_nodes"]))
    if residual:
        xo = node_feats + xo
    if skip_edgenorm:
        yo = _silu(m)
    else:
        yo = _silu(_layernorm(m, p["norm_edges"]))
    if residual:
        yo = edge_feats + yo
    return xo, yo


def reference(x, y, z, g_src, g_dst, lg_src, lg_dst, params):
    z_residual = z
    # node update on g (residual=True)
    x_out, m = _egc(params["node_update"], g_src, g_dst, x.shape[0], x, y,
                    residual=True, skip_edgenorm=False)
    # edge update on line graph lg (residual=False, skip_last_norm=False)
    y_upd, z_upd = _egc(params["edge_update"], lg_src, lg_dst, m.shape[0], m, z,
                        residual=False, skip_edgenorm=False)
    y_out = y_upd + m
    z_out = z_upd + z_residual
    return (x_out, y_out, z_out)

if __name__ == "__main__":
    import jax
    _d = setup_inputs()
    print(jax.jit(kernel)(*tuple(_d.values())))

</pallas_src>

<mosaic_0001>
module attributes {stable_mosaic.version = 14 : i64} {
  func.func @_mm_body(%arg0: i32, %arg1: memref<2000x128xf32, #tpu.memory_space<vmem>>, %arg2: memref<128x512xf32, #tpu.memory_space<vmem>>, %arg3: memref<1x512xf32, #tpu.memory_space<vmem>>, %arg4: memref<2000x512xf32, #tpu.memory_space<vmem>>) attributes {dimension_semantics = [#tpu.dimension_semantics<arbitrary>], iteration_bounds = array<i64: 5>, scalar_prefetch = 0 : i64, scratch_operands = 0 : i64, tpu.core_type = #tpu.core_type<tc>, window_params = [{transform_indices = @transform_0, window_bounds = array<i64: 2000, 128>}, {pipeline_mode = #tpu.pipeline_mode<synchronous>, transform_indices = @transform_1, window_bounds = array<i64: 128, 512>}, {pipeline_mode = #tpu.pipeline_mode<synchronous>, transform_indices = @transform_2, window_bounds = array<i64: 1, 512>}, {transform_indices = @transform_3, window_bounds = array<i64: 2000, 512>}]} {
    %get3A = arith.constant 0 : index
    %get3A_0 = arith.constant 0 : index
    %get3A_1 = vector.load %arg1[%get3A, %get3A_0] : memref<2000x128xf32, #tpu.memory_space<vmem>>, vector<2000x128xf32>
    %get3A_2 = arith.constant 0 : index
    %get3A_3 = arith.constant 0 : index
    %get3A_4 = vector.load %arg2[%get3A_2, %get3A_3] : memref<128x512xf32, #tpu.memory_space<vmem>>, vector<128x512xf32>
    %dot_general3A = arith.constant dense<0.000000e+00> : vector<2000x512xf32>
    %dot_general3A_5 = tpu.matmul %get3A_1, %get3A_4, %dot_general3A {dimension_numbers = #tpu.dot_dimension_numbers<[1], [0], [0], [1], [0, 0, 1, 1], [], []>, transpose_lhs_hint = false} : vector<2000x128xf32>, vector<128x512xf32>, vector<2000x512xf32> -> vector<2000x512xf32>
    %get3A_6 = arith.constant 0 : index
    %get3A_7 = arith.constant 0 : index
    %get3A_8 = vector.load %arg3[%get3A_6, %get3A_7] : memref<1x512xf32, #tpu.memory_space<vmem>>, vector<1x512xf32>
    %add3A = vector.broadcast %get3A_8 : vector<1x512xf32> to vector<2000x512xf32>
    %add3A_9 = arith.addf %dot_general3A_5, %add3A : vector<2000x512xf32>
    %swap3A = arith.constant 0 : index
    %swap3A_10 = arith.constant 0 : index
    %swap3A_11 = vector.load %arg4[%swap3A, %swap3A_10] : memref<2000x512xf32, #tpu.memory_space<vmem>>, vector<2000x512xf32>
    tpu.vector_store %arg4[%swap3A, %swap3A_10], %add3A_9 {strides = array<i32>} : memref<2000x512xf32, #tpu.memory_space<vmem>>, vector<2000x512xf32>,
    return
  }
  func.func @transform_0(%arg0: i32) -> (i32, i32) {
    %c0_i32 = arith.constant 0 : i32
    %c0_i32_0 = arith.constant 0 : i32
    return %arg0, %c0_i32 : i32, i32
  }
  func.func @transform_1(%arg0: i32) -> (i32, i32) {
    %c0_i32 = arith.constant 0 : i32
    %c0_i32_0 = arith.constant 0 : i32
    %c0_i32_1 = arith.constant 0 : i32
    return %c0_i32, %c0_i32_0 : i32, i32
  }
  func.func @transform_2(%arg0: i32) -> (i32, i32) {
    %c0_i32 = arith.constant 0 : i32
    %c0_i32_0 = arith.constant 0 : i32
    %c0_i32_1 = arith.constant 0 : i32
    return %c0_i32, %c0_i32_0 : i32, i32
  }
  func.func @transform_3(%arg0: i32) -> (i32, i32) {
    %c0_i32 = arith.constant 0 : i32
    %c0_i32_0 = arith.constant 0 : i32
    return %arg0, %c0_i32 : i32, i32
  }
}

module attributes {stable_mosaic.version = 14 : i64} {
  func.func @_mm_body(%arg0: i32, %arg1: memref<2000x128xf32, #tpu.memory_space<vmem>>, %arg2: memref<128x512xf32, #tpu.memory_space<vmem>>, %arg3: memref<1x512xf32, #tpu.memory_space<vmem>>, %arg4: memref<2000x512xf32, #tpu.memory_space<vmem>>) attributes {dimension_semantics = [#tpu.dimension_semantics<arbitrary>], iteration_bounds = array<i64: 160>, scalar_prefetch = 0 : i64, scratch_operands = 0 : i64, tpu.core_type = #tpu.core_type<tc>, window_params = [{transform_indices = @transform_0, window_bounds = array<i64: 2000, 128>}, {pipeline_mode = #tpu.pipeline_mode<synchronous>, transform_indices = @transform_1, window_bounds = array<i64: 128, 512>}, {pipeline_mode = #tpu.pipeline_mode<synchronous>, transform_indices = @transform_2, window_bounds = array<i64: 1, 512>}, {transform_indices = @transform_3, window_bounds = array<i64: 2000, 512>}]} {
    %get3A = arith.constant 0 : index
    %get3A_0 = arith.constant 0 : index
    %get3A_1 = vector.load %arg1[%get3A, %get3A_0] : memref<2000x128xf32, #tpu.memory_space<vmem>>, vector<2000x128xf32>
    %get3A_2 = arith.constant 0 : index
    %get3A_3 = arith.constant 0 : index
    %get3A_4 = vector.load %arg2[%get3A_2, %get3A_3] : memref<128x512xf32, #tpu.memory_space<vmem>>, vector<128x512xf32>
    %dot_general3A = arith.constant dense<0.000000e+00> : vector<2000x512xf32>
    %dot_general3A_5 = tpu.matmul %get3A_1, %get3A_4, %dot_general3A {dimension_numbers = #tpu.dot_dimension_numbers<[1], [0], [0], [1], [0, 0, 1, 1], [], []>, transpose_lhs_hint = false} : vector<2000x128xf32>, vector<128x512xf32>, vector<2000x512xf32> -> vector<2000x512xf32>
    %get3A_6 = arith.constant 0 : index
    %get3A_7 = arith.constant 0 : index
    %get3A_8 = vector.load %arg3[%get3A_6, %get3A_7] : memref<1x512xf32, #tpu.memory_space<vmem>>, vector<1x512xf32>
    %add3A = vector.broadcast %get3A_8 : vector<1x512xf32> to vector<2000x512xf32>
    %add3A_9 = arith.addf %dot_general3A_5, %add3A : vector<2000x512xf32>
    %swap3A = arith.constant 0 : index
    %swap3A_10 = arith.constant 0 : index
    %swap3A_11 = vector.load %arg4[%swap3A, %swap3A_10] : memref<2000x512xf32, #tpu.memory_space<vmem>>, vector<2000x512xf32>
    tpu.vector_store %arg4[%swap3A, %swap3A_10], %add3A_9 {strides = array<i32>} : memref<2000x512xf32, #tpu.memory_space<vmem>>, vector<2000x512xf32>,
    return
  }
  func.func @transform_0(%arg0: i32) -> (i32, i32) {
    %c0_i32 = arith.constant 0 : i32
    %c0_i32_0 = arith.constant 0 : i32
    return %arg0, %c0_i32 : i32, i32
  }
  func.func @transform_1(%arg0: i32) -> (i32, i32) {
    %c0_i32 = arith.constant 0 : i32
    %c0_i32_0 = arith.constant 0 : i32
    %c0_i32_1 = arith.constant 0 : i32
    return %c0_i32, %c0_i32_0 : i32, i32
  }
  func.func @transform_2(%arg0: i32) -> (i32, i32) {
    %c0_i32 = arith.constant 0 : i32
    %c0_i32_0 = arith.constant 0 : i32
    %c0_i32_1 = arith.constant 0 : i32
    return %c0_i32, %c0_i32_0 : i32, i32
  }
  func.func @transform_3(%arg0: i32) -> (i32, i32) {
    %c0_i32 = arith.constant 0 : i32
    %c0_i32_0 = arith.constant 0 : i32
    return %arg0, %c0_i32 : i32, i32
  }
}

module attributes {stable_mosaic.version = 14 : i64} {
  func.func @_edge_stage_body(%arg0: i32, %arg1: memref<2000x128xf32, #tpu.memory_space<vmem>>, %arg2: memref<2000x128xf32, #tpu.memory_space<vmem>>, %arg3: memref<2000x128xf32, #tpu.memory_space<vmem>>, %arg4: memref<2000x128xf32, #tpu.memory_space<vmem>>, %arg5: memref<128x128xf32, #tpu.memory_space<vmem>>, %arg6: memref<1x128xf32, #tpu.memory_space<vmem>>, %arg7: memref<1x128xf32, #tpu.memory_space<vmem>>, %arg8: memref<1x128xf32, #tpu.memory_space<vmem>>, %arg9: memref<2000x128xf32, #tpu.memory_space<vmem>>, %arg10: memref<2000x128xf32, #tpu.memory_space<vmem>>, %arg11: memref<2000x128xf32, #tpu.memory_space<vmem>>) attributes {dimension_semantics = [#tpu.dimension_semantics<arbitrary>], iteration_bounds = array<i64: 160>, scalar_prefetch = 0 : i64, scratch_operands = 0 : i64, tpu.core_type = #tpu.core_type<tc>, window_params = [{transform_indices = @transform_0, window_bounds = array<i64: 2000, 128>}, {transform_indices = @transform_1, window_bounds = array<i64: 2000, 128>}, {transform_indices = @transform_2, window_bounds = array<i64: 2000, 128>}, {transform_indices = @transform_3, window_bounds = array<i64: 2000, 128>}, {pipeline_mode = #tpu.pipeline_mode<synchronous>, transform_indices = @transform_4, window_bounds = array<i64: 128, 128>}, {pipeline_mode = #tpu.pipeline_mode<synchronous>, transform_indices = @transform_5, window_bounds = array<i64: 1, 128>}, {pipeline_mode = #tpu.pipeline_mode<synchronous>, transform_indices = @transform_6, window_bounds = array<i64: 1, 128>}, {pipeline_mode = #tpu.pipeline_mode<synchronous>, transform_indices = @transform_7, window_bounds = array<i64: 1, 128>}, {transform_indices = @transform_8, window_bounds = array<i64: 2000, 128>}, {transform_indices = @transform_9, window_bounds = array<i64: 2000, 128>}, {transform_indices = @transform_10, window_bounds = array<i64: 2000, 128>}]} {
    %get3A = arith.constant 0 : index
    %get3A_0 = arith.constant 0 : index
    %get3A_1 = vector.load %arg3[%get3A, %get3A_0] : memref<2000x128xf32, #tpu.memory_space<vmem>>, vector<2000x128xf32>
    %get3A_2 = arith.constant 0 : index
    %get3A_3 = arith.constant 0 : index
    %get3A_4 = vector.load %arg1[%get3A_2, %get3A_3] : memref<2000x128xf32, #tpu.memory_space<vmem>>, vector<2000x128xf32>
    %get3A_5 = arith.constant 0 : index
    %get3A_6 = arith.constant 0 : index
    %get3A_7 = vector.load %arg2[%get3A_5, %get3A_6] : memref<2000x128xf32, #tpu.memory_space<vmem>>, vector<2000x128xf32>
    %add3A = arith.addf %get3A_4, %get3A_7 : vector<2000x128xf32>
    %get3A_8 = arith.constant 0 : index
    %get3A_9 = arith.constant 0 : index
    %get3A_10 = vector.load %arg5[%get3A_8, %get3A_9] : memref<128x128xf32, #tpu.memory_space<vmem>>, vector<128x128xf32>
    %dot_general3A = arith.constant dense<0.000000e+00> : vector<2000x128xf32>
    %dot_general3A_11 = tpu.matmul %get3A_1, %get3A_10, %dot_general3A {dimension_numbers = #tpu.dot_dimension_numbers<[1], [0], [0], [1], [0, 0, 1, 1], [], []>, transpose_lhs_hint = false} : vector<2000x128xf32>, vector<128x128xf32>, vector<2000x128xf32> -> vector<2000x128xf32>
    %add3A_12 = arith.addf %add3A, %dot_general3A_11 : vector<2000x128xf32>
    %get3A_13 = arith.constant 0 : index
    %get3A_14 = arith.constant 0 : index
    %get3A_15 = vector.load %arg6[%get3A_13, %get3A_14] : memref<1x128xf32, #tpu.memory_space<vmem>>, vector<1x128xf32>
    %add3A_16 = vector.broadcast %get3A_15 : vector<1x128xf32> to vector<2000x128xf32>
    %add3A_17 = arith.addf %add3A_12, %add3A_16 : vector<2000x128xf32>
    %logistic3A = arith.negf %add3A_17 : vector<2000x128xf32>
    %logistic3A_18 = math.exp %logistic3A : vector<2000x128xf32>
    %logistic3A_19 = arith.constant 1.000000e+00 : f32
    %logistic3A_20 = vector.broadcast %logistic3A_19 : f32 to vector<2000x128xf32>
    %logistic3A_21 = arith.addf %logistic3A_20, %logistic3A_18 : vector<2000x128xf32>
    %logistic3A_22 = arith.divf %logistic3A_20, %logistic3A_21 : vector<2000x128xf32>
    %swap3A = arith.constant 0 : index
    %swap3A_23 = arith.constant 0 : index
    %swap3A_24 = vector.load %arg9[%swap3A, %swap3A_23] : memref<2000x128xf32, #tpu.memory_space<vmem>>, vector<2000x128xf32>
    tpu.vector_store %arg9[%swap3A, %swap3A_23], %logistic3A_22 {strides = array<i32>} : memref<2000x128xf32, #tpu.memory_space<vmem>>, vector<2000x128xf32>,
    %get3A_25 = arith.constant 0 : index
    %get3A_26 = arith.constant 0 : index
    %get3A_27 = vector.load %arg4[%get3A_25, %get3A_26] : memref<2000x128xf32, #tpu.memory_space<vmem>>, vector<2000x128xf32>
    %mul3A = arith.mulf %get3A_27, %logistic3A_22 : vector<2000x128xf32>
    %swap3A_28 = arith.constant 0 : index
    %swap3A_29 = arith.constant 0 : index
    %swap3A_30 = vector.load %arg10[%swap3A_28, %swap3A_29] : memref<2000x128xf32, #tpu.memory_space<vmem>>, vector<2000x128xf32>
    tpu.vector_store %arg10[%swap3A_28, %swap3A_29], %mul3A {strides = array<i32>} : memref<2000x128xf32, #tpu.memory_space<vmem>>, vector<2000x128xf32>,
    %get3A_31 = arith.constant 0 : index
    %get3A_32 = arith.constant 0 : index
    %get3A_33 = vector.load %arg7[%get3A_31, %get3A_32] : memref<1x128xf32, #tpu.memory_space<vmem>>, vector<1x128xf32>
    %get3A_34 = arith.constant 0 : index
    %get3A_35 = arith.constant 0 : index
    %get3A_36 = vector.load %arg8[%get3A_34, %get3A_35] : memref<1x128xf32, #tpu.memory_space<vmem>>, vector<1x128xf32>
    %reduce_sum3A = arith.constant dense<0.000000e+00> : vector<2000xf32>
    %reduce_sum3A_37 = vector.multi_reduction <add>, %add3A_17, %reduce_sum3A [1] : vector<2000x128xf32> to vector<2000xf32>
    %broadcast_in_dim3A = vector.shape_cast %reduce_sum3A_37 : vector<2000xf32> to vector<2000x1xf32>
    %div3A = arith.constant 1.280000e+02 : f32
    %div3A_38 = vector.broadcast %div3A : f32 to vector<2000x1xf32>
    %div3A_39 = arith.divf %broadcast_in_dim3A, %div3A_38 : vector<2000x1xf32>
    %sub3A = vector.broadcast %div3A_39 : vector<2000x1xf32> to vector<2000x128xf32>
    %sub3A_40 = arith.subf %add3A_17, %sub3A : vector<2000x128xf32>
    %integer_pow3A = arith.mulf %sub3A_40, %sub3A_40 : vector<2000x128xf32>
    %reduce_sum3A_41 = arith.constant dense<0.000000e+00> : vector<2000xf32>
    %reduce_sum3A_42 = vector.multi_reduction <add>, %integer_pow3A, %reduce_sum3A_41 [1] : vector<2000x128xf32> to vector<2000xf32>
    %broadcast_in_dim3A_43 = vector.shape_cast %reduce_sum3A_42 : vector<2000xf32> to vector<2000x1xf32>
    %div3A_44 = arith.constant 1.280000e+02 : f32
    %div3A_45 = vector.broadcast %div3A_44 : f32 to vector<2000x1xf32>
    %div3A_46 = arith.divf %broadcast_in_dim3A_43, %div3A_45 : vector<2000x1xf32>
    %sub3A_47 = vector.broadcast %div3A_39 : vector<2000x1xf32> to vector<2000x128xf32>
    %sub3A_48 = arith.subf %add3A_17, %sub3A_47 : vector<2000x128xf32>
    %add3A_49 = arith.constant 9.99999974E-6 : f32
    %add3A_50 = vector.broadcast %add3A_49 : f32 to vector<2000x1xf32>
    %add3A_51 = arith.addf %div3A_46, %add3A_50 : vector<2000x1xf32>
    %rsqrt3A = math.rsqrt %add3A_51 : vector<2000x1xf32>
    %mul3A_52 = vector.broadcast %rsqrt3A : vector<2000x1xf32> to vector<2000x128xf32>
    %mul3A_53 = arith.mulf %sub3A_48, %mul3A_52 : vector<2000x128xf32>
    %mul3A_54 = vector.broadcast %get3A_33 : vector<1x128xf32> to vector<2000x128xf32>
    %mul3A_55 = arith.mulf %mul3A_53, %mul3A_54 : vector<2000x128xf32>
    %add3A_56 = vector.broadcast %get3A_36 : vector<1x128xf32> to vector<2000x128xf32>
    %add3A_57 = arith.addf %mul3A_55, %add3A_56 : vector<2000x128xf32>
    %logistic3A_58 = arith.negf %add3A_57 : vector<2000x128xf32>
    %logistic3A_59 = math.exp %logistic3A_58 : vector<2000x128xf32>
    %logistic3A_60 = arith.constant 1.000000e+00 : f32
    %logistic3A_61 = vector.broadcast %logistic3A_60 : f32 to vector<2000x128xf32>
    %logistic3A_62 = arith.addf %logistic3A_61, %logistic3A_59 : vector<2000x128xf32>
    %logistic3A_63 = arith.divf %logistic3A_61, %logistic3A_62 : vector<2000x128xf32>
    %mul3A_64 = arith.mulf %add3A_57, %logistic3A_63 : vector<2000x128xf32>
    %add3A_65 = arith.addf %get3A_1, %mul3A_64 : vector<2000x128xf32>
    %swap3A_66 = arith.constant 0 : index
    %swap3A_67 = arith.constant 0 : index
    %swap3A_68 = vector.load %arg11[%swap3A_66, %swap3A_67] : memref<2000x128xf32, #tpu.memory_space<vmem>>, vector<2000x128xf32>
    tpu.vector_store %arg11[%swap3A_66, %swap3A_67], %add3A_65 {strides = array<i32>} : memref<2000x128xf32, #tpu.memory_space<vmem>>, vector<2000x128xf32>,
    return
  }
  func.func @transform_0(%arg0: i32) -> (i32, i32) {
    %c0_i32 = arith.constant 0 : i32
    %c0_i32_0 = arith.constant 0 : i32
    return %arg0, %c0_i32 : i32, i32
  }
  func.func @transform_1(%arg0: i32) -> (i32, i32) {
    %c0_i32 = arith.constant 0 : i32
    %c0_i32_0 = arith.constant 0 : i32
    return %arg0, %c0_i32 : i32, i32
  }
  func.func @transform_2(%arg0: i32) -> (i32, i32) {
    %c0_i32 = arith.constant 0 : i32
    %c0_i32_0 = arith.constant 0 : i32
    return %arg0, %c0_i32 : i32, i32
  }
  func.func @transform_3(%arg0: i32) -> (i32, i32) {
    %c0_i32 = arith.constant 0 : i32
    %c0_i32_0 = arith.constant 0 : i32
    return %arg0, %c0_i32 : i32, i32
  }
  func.func @transform_4(%arg0: i32) -> (i32, i32) {
    %c0_i32 = arith.constant 0 : i32
    %c0_i32_0 = arith.constant 0 : i32
    %c0_i32_1 = arith.constant 0 : i32
    return %c0_i32, %c0_i32_0 : i32, i32
  }
  func.func @transform_5(%arg0: i32) -> (i32, i32) {
    %c0_i32 = arith.constant 0 : i32
    %c0_i32_0 = arith.constant 0 : i32
    %c0_i32_1 = arith.constant 0 : i32
    return %c0_i32, %c0_i32_0 : i32, i32
  }
  func.func @transform_6(%arg0: i32) -> (i32, i32) {
    %c0_i32 = arith.constant 0 : i32
    %c0_i32_0 = arith.constant 0 : i32
    %c0_i32_1 = arith.constant 0 : i32
    return %c0_i32, %c0_i32_0 : i32, i32
  }
  func.func @transform_7(%arg0: i32) -> (i32, i32) {
    %c0_i32 = arith.constant 0 : i32
    %c0_i32_0 = arith.constant 0 : i32
    %c0_i32_1 = arith.constant 0 : i32
    return %c0_i32, %c0_i32_0 : i32, i32
  }
  func.func @transform_8(%arg0: i32) -> (i32, i32) {
    %c0_i32 = arith.constant 0 : i32
    %c0_i32_0 = arith.constant 0 : i32
    return %arg0, %c0_i32 : i32, i32
  }
  func.func @transform_9(%arg0: i32) -> (i32, i32) {
    %c0_i32 = arith.constant 0 : i32
    %c0_i32_0 = arith.constant 0 : i32
    return %arg0, %c0_i32 : i32, i32
  }
  func.func @transform_10(%arg0: i32) -> (i32, i32) {
    %c0_i32 = arith.constant 0 : i32
    %c0_i32_0 = arith.constant 0 : i32
    return %arg0, %c0_i32 : i32, i32
  }
}

module attributes {stable_mosaic.version = 14 : i64} {
  func.func @_edge_stage_body(%arg0: i32, %arg1: memref<2000x128xf32, #tpu.memory_space<vmem>>, %arg2: memref<2000x128xf32, #tpu.memory_space<vmem>>, %arg3: memref<2000x128xf32, #tpu.memory_space<vmem>>, %arg4: memref<2000x128xf32, #tpu.memory_space<vmem>>, %arg5: memref<128x128xf32, #tpu.memory_space<vmem>>, %arg6: memref<1x128xf32, #tpu.memory_space<vmem>>, %arg7: memref<1x128xf32, #tpu.memory_space<vmem>>, %arg8: memref<1x128xf32, #tpu.memory_space<vmem>>, %arg9: memref<2000x128xf32, #tpu.memory_space<vmem>>, %arg10: memref<2000x128xf32, #tpu.memory_space<vmem>>, %arg11: memref<2000x128xf32, #tpu.memory_space<vmem>>) attributes {dimension_semantics = [#tpu.dimension_semantics<arbitrary>], iteration_bounds = array<i64: 320>, scalar_prefetch = 0 : i64, scratch_operands = 0 : i64, tpu.core_type = #tpu.core_type<tc>, window_params = [{transform_indices = @transform_0, window_bounds = array<i64: 2000, 128>}, {transform_indices = @transform_1, window_bounds = array<i64: 2000, 128>}, {transform_indices = @transform_2, window_bounds = array<i64: 2000, 128>}, {transform_indices = @transform_3, window_bounds = array<i64: 2000, 128>}, {pipeline_mode = #tpu.pipeline_mode<synchronous>, transform_indices = @transform_4, window_bounds = array<i64: 128, 128>}, {pipeline_mode = #tpu.pipeline_mode<synchronous>, transform_indices = @transform_5, window_bounds = array<i64: 1, 128>}, {pipeline_mode = #tpu.pipeline_mode<synchronous>, transform_indices = @transform_6, window_bounds = array<i64: 1, 128>}, {pipeline_mode = #tpu.pipeline_mode<synchronous>, transform_indices = @transform_7, window_bounds = array<i64: 1, 128>}, {transform_indices = @transform_8, window_bounds = array<i64: 2000, 128>}, {transform_indices = @transform_9, window_bounds = array<i64: 2000, 128>}, {transform_indices = @transform_10, window_bounds = array<i64: 2000, 128>}]} {
    %get3A = arith.constant 0 : index
    %get3A_0 = arith.constant 0 : index
    %get3A_1 = vector.load %arg3[%get3A, %get3A_0] : memref<2000x128xf32, #tpu.memory_space<vmem>>, vector<2000x128xf32>
    %get3A_2 = arith.constant 0 : index
    %get3A_3 = arith.constant 0 : index
    %get3A_4 = vector.load %arg1[%get3A_2, %get3A_3] : memref<2000x128xf32, #tpu.memory_space<vmem>>, vector<2000x128xf32>
    %get3A_5 = arith.constant 0 : index
    %get3A_6 = arith.constant 0 : index
    %get3A_7 = vector.load %arg2[%get3A_5, %get3A_6] : memref<2000x128xf32, #tpu.memory_space<vmem>>, vector<2000x128xf32>
    %add3A = arith.addf %get3A_4, %get3A_7 : vector<2000x128xf32>
    %get3A_8 = arith.constant 0 : index
    %get3A_9 = arith.constant 0 : index
    %get3A_10 = vector.load %arg5[%get3A_8, %get3A_9] : memref<128x128xf32, #tpu.memory_space<vmem>>, vector<128x128xf32>
    %dot_general3A = arith.constant dense<0.000000e+00> : vector<2000x128xf32>
    %dot_general3A_11 = tpu.matmul %get3A_1, %get3A_10, %dot_general3A {dimension_numbers = #tpu.dot_dimension_numbers<[1], [0], [0], [1], [0, 0, 1, 1], [], []>, transpose_lhs_hint = false} : vector<2000x128xf32>, vector<128x128xf32>, vector<2000x128xf32> -> vector<2000x128xf32>
    %add3A_12 = arith.addf %add3A, %dot_general3A_11 : vector<2000x128xf32>
    %get3A_13 = arith.constant 0 : index
    %get3A_14 = arith.constant 0 : index
    %get3A_15 = vector.load %arg6[%get3A_13, %get3A_14] : memref<1x128xf32, #tpu.memory_space<vmem>>, vector<1x128xf32>
    %add3A_16 = vector.broadcast %get3A_15 : vector<1x128xf32> to vector<2000x128xf32>
    %add3A_17 = arith.addf %add3A_12, %add3A_16 : vector<2000x128xf32>
    %logistic3A = arith.negf %add3A_17 : vector<2000x128xf32>
    %logistic3A_18 = math.exp %logistic3A : vector<2000x128xf32>
    %logistic3A_19 = arith.constant 1.000000e+00 : f32
    %logistic3A_20 = vector.broadcast %logistic3A_19 : f32 to vector<2000x128xf32>
    %logistic3A_21 = arith.addf %logistic3A_20, %logistic3A_18 : vector<2000x128xf32>
    %logistic3A_22 = arith.divf %logistic3A_20, %logistic3A_21 : vector<2000x128xf32>
    %swap3A = arith.constant 0 : index
    %swap3A_23 = arith.constant 0 : index
    %swap3A_24 = vector.load %arg9[%swap3A, %swap3A_23] : memref<2000x128xf32, #tpu.memory_space<vmem>>, vector<2000x128xf32>
    tpu.vector_store %arg9[%swap3A, %swap3A_23], %logistic3A_22 {strides = array<i32>} : memref<2000x128xf32, #tpu.memory_space<vmem>>, vector<2000x128xf32>,
    %get3A_25 = arith.constant 0 : index
    %get3A_26 = arith.constant 0 : index
    %get3A_27 = vector.load %arg4[%get3A_25, %get3A_26] : memref<2000x128xf32, #tpu.memory_space<vmem>>, vector<2000x128xf32>
    %mul3A = arith.mulf %get3A_27, %logistic3A_22 : vector<2000x128xf32>
    %swap3A_28 = arith.constant 0 : index
    %swap3A_29 = arith.constant 0 : index
    %swap3A_30 = vector.load %arg10[%swap3A_28, %swap3A_29] : memref<2000x128xf32, #tpu.memory_space<vmem>>, vector<2000x128xf32>
    tpu.vector_store %arg10[%swap3A_28, %swap3A_29], %mul3A {strides = array<i32>} : memref<2000x128xf32, #tpu.memory_space<vmem>>, vector<2000x128xf32>,
    %get3A_31 = arith.constant 0 : index
    %get3A_32 = arith.constant 0 : index
    %get3A_33 = vector.load %arg7[%get3A_31, %get3A_32] : memref<1x128xf32, #tpu.memory_space<vmem>>, vector<1x128xf32>
    %get3A_34 = arith.constant 0 : index
    %get3A_35 = arith.constant 0 : index
    %get3A_36 = vector.load %arg8[%get3A_34, %get3A_35] : memref<1x128xf32, #tpu.memory_space<vmem>>, vector<1x128xf32>
    %reduce_sum3A = arith.constant dense<0.000000e+00> : vector<2000xf32>
    %reduce_sum3A_37 = vector.multi_reduction <add>, %add3A_17, %reduce_sum3A [1] : vector<2000x128xf32> to vector<2000xf32>
    %broadcast_in_dim3A = vector.shape_cast %reduce_sum3A_37 : vector<2000xf32> to vector<2000x1xf32>
    %div3A = arith.constant 1.280000e+02 : f32
    %div3A_38 = vector.broadcast %div3A : f32 to vector<2000x1xf32>
    %div3A_39 = arith.divf %broadcast_in_dim3A, %div3A_38 : vector<2000x1xf32>
    %sub3A = vector.broadcast %div3A_39 : vector<2000x1xf32> to vector<2000x128xf32>
    %sub3A_40 = arith.subf %add3A_17, %sub3A : vector<2000x128xf32>
    %integer_pow3A = arith.mulf %sub3A_40, %sub3A_40 : vector<2000x128xf32>
    %reduce_sum3A_41 = arith.constant dense<0.000000e+00> : vector<2000xf32>
    %reduce_sum3A_42 = vector.multi_reduction <add>, %integer_pow3A, %reduce_sum3A_41 [1] : vector<2000x128xf32> to vector<2000xf32>
    %broadcast_in_dim3A_43 = vector.shape_cast %reduce_sum3A_42 : vector<2000xf32> to vector<2000x1xf32>
    %div3A_44 = arith.constant 1.280000e+02 : f32
    %div3A_45 = vector.broadcast %div3A_44 : f32 to vector<2000x1xf32>
    %div3A_46 = arith.divf %broadcast_in_dim3A_43, %div3A_45 : vector<2000x1xf32>
    %sub3A_47 = vector.broadcast %div3A_39 : vector<2000x1xf32> to vector<2000x128xf32>
    %sub3A_48 = arith.subf %add3A_17, %sub3A_47 : vector<2000x128xf32>
    %add3A_49 = arith.constant 9.99999974E-6 : f32
    %add3A_50 = vector.broadcast %add3A_49 : f32 to vector<2000x1xf32>
    %add3A_51 = arith.addf %div3A_46, %add3A_50 : vector<2000x1xf32>
    %rsqrt3A = math.rsqrt %add3A_51 : vector<2000x1xf32>
    %mul3A_52 = vector.broadcast %rsqrt3A : vector<2000x1xf32> to vector<2000x128xf32>
    %mul3A_53 = arith.mulf %sub3A_48, %mul3A_52 : vector<2000x128xf32>
    %mul3A_54 = vector.broadcast %get3A_33 : vector<1x128xf32> to vector<2000x128xf32>
    %mul3A_55 = arith.mulf %mul3A_53, %mul3A_54 : vector<2000x128xf32>
    %add3A_56 = vector.broadcast %get3A_36 : vector<1x128xf32> to vector<2000x128xf32>
    %add3A_57 = arith.addf %mul3A_55, %add3A_56 : vector<2000x128xf32>
    %logistic3A_58 = arith.negf %add3A_57 : vector<2000x128xf32>
    %logistic3A_59 = math.exp %logistic3A_58 : vector<2000x128xf32>
    %logistic3A_60 = arith.constant 1.000000e+00 : f32
    %logistic3A_61 = vector.broadcast %logistic3A_60 : f32 to vector<2000x128xf32>
    %logistic3A_62 = arith.addf %logistic3A_61, %logistic3A_59 : vector<2000x128xf32>
    %logistic3A_63 = arith.divf %logistic3A_61, %logistic3A_62 : vector<2000x128xf32>
    %mul3A_64 = arith.mulf %add3A_57, %logistic3A_63 : vector<2000x128xf32>
    %add3A_65 = arith.addf %get3A_1, %mul3A_64 : vector<2000x128xf32>
    %swap3A_66 = arith.constant 0 : index
    %swap3A_67 = arith.constant 0 : index
    %swap3A_68 = vector.load %arg11[%swap3A_66, %swap3A_67] : memref<2000x128xf32, #tpu.memory_space<vmem>>, vector<2000x128xf32>
    tpu.vector_store %arg11[%swap3A_66, %swap3A_67], %add3A_65 {strides = array<i32>} : memref<2000x128xf32, #tpu.memory_space<vmem>>, vector<2000x128xf32>,
    return
  }
  func.func @transform_0(%arg0: i32) -> (i32, i32) {
    %c0_i32 = arith.constant 0 : i32
    %c0_i32_0 = arith.constant 0 : i32
    return %arg0, %c0_i32 : i32, i32
  }
  func.func @transform_1(%arg0: i32) -> (i32, i32) {
    %c0_i32 = arith.constant 0 : i32
    %c0_i32_0 = arith.constant 0 : i32
    return %arg0, %c0_i32 : i32, i32
  }
  func.func @transform_2(%arg0: i32) -> (i32, i32) {
    %c0_i32 = arith.constant 0 : i32
    %c0_i32_0 = arith.constant 0 : i32
    return %arg0, %c0_i32 : i32, i32
  }
  func.func @transform_3(%arg0: i32) -> (i32, i32) {
    %c0_i32 = arith.constant 0 : i32
    %c0_i32_0 = arith.constant 0 : i32
    return %arg0, %c0_i32 : i32, i32
  }
  func.func @transform_4(%arg0: i32) -> (i32, i32) {
    %c0_i32 = arith.constant 0 : i32
    %c0_i32_0 = arith.constant 0 : i32
    %c0_i32_1 = arith.constant 0 : i32
    return %c0_i32, %c0_i32_0 : i32, i32
  }
  func.func @transform_5(%arg0: i32) -> (i32, i32) {
    %c0_i32 = arith.constant 0 : i32
    %c0_i32_0 = arith.constant 0 : i32
    %c0_i32_1 = arith.constant 0 : i32
    return %c0_i32, %c0_i32_0 : i32, i32
  }
  func.func @transform_6(%arg0: i32) -> (i32, i32) {
    %c0_i32 = arith.constant 0 : i32
    %c0_i32_0 = arith.constant 0 : i32
    %c0_i32_1 = arith.constant 0 : i32
    return %c0_i32, %c0_i32_0 : i32, i32
  }
  func.func @transform_7(%arg0: i32) -> (i32, i32) {
    %c0_i32 = arith.constant 0 : i32
    %c0_i32_0 = arith.constant 0 : i32
    %c0_i32_1 = arith.constant 0 : i32
    return %c0_i32, %c0_i32_0 : i32, i32
  }
  func.func @transform_8(%arg0: i32) -> (i32, i32) {
    %c0_i32 = arith.constant 0 : i32
    %c0_i32_0 = arith.constant 0 : i32
    return %arg0, %c0_i32 : i32, i32
  }
  func.func @transform_9(%arg0: i32) -> (i32, i32) {
    %c0_i32 = arith.constant 0 : i32
    %c0_i32_0 = arith.constant 0 : i32
    return %arg0, %c0_i32 : i32, i32
  }
  func.func @transform_10(%arg0: i32) -> (i32, i32) {
    %c0_i32 = arith.constant 0 : i32
    %c0_i32_0 = arith.constant 0 : i32
    return %arg0, %c0_i32 : i32, i32
  }
}

module attributes {stable_mosaic.version = 14 : i64} {
  func.func @_node_stage_body(%arg0: i32, %arg1: memref<2000x128xf32, #tpu.memory_space<vmem>>, %arg2: memref<2000x128xf32, #tpu.memory_space<vmem>>, %arg3: memref<2000x128xf32, #tpu.memory_space<vmem>>, %arg4: memref<2000x128xf32, #tpu.memory_space<vmem>>, %arg5: memref<1x128xf32, #tpu.memory_space<vmem>>, %arg6: memref<1x128xf32, #tpu.memory_space<vmem>>, %arg7: memref<2000x128xf32, #tpu.memory_space<vmem>>) attributes {dimension_semantics = [#tpu.dimension_semantics<arbitrary>], iteration_bounds = array<i64: 5>, scalar_prefetch = 0 : i64, scratch_operands = 0 : i64, tpu.core_type = #tpu.core_type<tc>, window_params = [{transform_indices = @transform_0, window_bounds = array<i64: 2000, 128>}, {transform_indices = @transform_1, window_bounds = array<i64: 2000, 128>}, {transform_indices = @transform_2, window_bounds = array<i64: 2000, 128>}, {transform_indices = @transform_3, window_bounds = array<i64: 2000, 128>}, {pipeline_mode = #tpu.pipeline_mode<synchronous>, transform_indices = @transform_4, window_bounds = array<i64: 1, 128>}, {pipeline_mode = #tpu.pipeline_mode<synchronous>, transform_indices = @transform_5, window_bounds = array<i64: 1, 128>}, {transform_indices = @transform_6, window_bounds = array<i64: 2000, 128>}]} {
    %get3A = arith.constant 0 : index
    %get3A_0 = arith.constant 0 : index
    %get3A_1 = vector.load %arg1[%get3A, %get3A_0] : memref<2000x128xf32, #tpu.memory_space<vmem>>, vector<2000x128xf32>
    %get3A_2 = arith.constant 0 : index
    %get3A_3 = arith.constant 0 : index
    %get3A_4 = vector.load %arg2[%get3A_2, %get3A_3] : memref<2000x128xf32, #tpu.memory_space<vmem>>, vector<2000x128xf32>
    %get3A_5 = arith.constant 0 : index
    %get3A_6 = arith.constant 0 : index
    %get3A_7 = vector.load %arg3[%get3A_5, %get3A_6] : memref<2000x128xf32, #tpu.memory_space<vmem>>, vector<2000x128xf32>
    %add3A = arith.constant 9.99999997E-7 : f32
    %add3A_8 = vector.broadcast %add3A : f32 to vector<2000x128xf32>
    %add3A_9 = arith.addf %get3A_7, %add3A_8 : vector<2000x128xf32>
    %div3A = arith.divf %get3A_4, %add3A_9 : vector<2000x128xf32>
    %add3A_10 = arith.addf %get3A_1, %div3A : vector<2000x128xf32>
    %get3A_11 = arith.constant 0 : index
    %get3A_12 = arith.constant 0 : index
    %get3A_13 = vector.load %arg5[%get3A_11, %get3A_12] : memref<1x128xf32, #tpu.memory_space<vmem>>, vector<1x128xf32>
    %get3A_14 = arith.constant 0 : index
    %get3A_15 = arith.constant 0 : index
    %get3A_16 = vector.load %arg6[%get3A_14, %get3A_15] : memref<1x128xf32, #tpu.memory_space<vmem>>, vector<1x128xf32>
    %reduce_sum3A = arith.constant dense<0.000000e+00> : vector<2000xf32>
    %reduce_sum3A_17 = vector.multi_reduction <add>, %add3A_10, %reduce_sum3A [1] : vector<2000x128xf32> to vector<2000xf32>
    %broadcast_in_dim3A = vector.shape_cast %reduce_sum3A_17 : vector<2000xf32> to vector<2000x1xf32>
    %div3A_18 = arith.constant 1.280000e+02 : f32
    %div3A_19 = vector.broadcast %div3A_18 : f32 to vector<2000x1xf32>
    %div3A_20 = arith.divf %broadcast_in_dim3A, %div3A_19 : vector<2000x1xf32>
    %sub3A = vector.broadcast %div3A_20 : vector<2000x1xf32> to vector<2000x128xf32>
    %sub3A_21 = arith.subf %add3A_10, %sub3A : vector<2000x128xf32>
    %integer_pow3A = arith.mulf %sub3A_21, %sub3A_21 : vector<2000x128xf32>
    %reduce_sum3A_22 = arith.constant dense<0.000000e+00> : vector<2000xf32>
    %reduce_sum3A_23 = vector.multi_reduction <add>, %integer_pow3A, %reduce_sum3A_22 [1] : vector<2000x128xf32> to vector<2000xf32>
    %broadcast_in_dim3A_24 = vector.shape_cast %reduce_sum3A_23 : vector<2000xf32> to vector<2000x1xf32>
    %div3A_25 = arith.constant 1.280000e+02 : f32
    %div3A_26 = vector.broadcast %div3A_25 : f32 to vector<2000x1xf32>
    %div3A_27 = arith.divf %broadcast_in_dim3A_24, %div3A_26 : vector<2000x1xf32>
    %sub3A_28 = vector.broadcast %div3A_20 : vector<2000x1xf32> to vector<2000x128xf32>
    %sub3A_29 = arith.subf %add3A_10, %sub3A_28 : vector<2000x128xf32>
    %add3A_30 = arith.constant 9.99999974E-6 : f32
    %add3A_31 = vector.broadcast %add3A_30 : f32 to vector<2000x1xf32>
    %add3A_32 = arith.addf %div3A_27, %add3A_31 : vector<2000x1xf32>
    %rsqrt3A = math.rsqrt %add3A_32 : vector<2000x1xf32>
    %mul3A = vector.broadcast %rsqrt3A : vector<2000x1xf32> to vector<2000x128xf32>
    %mul3A_33 = arith.mulf %sub3A_29, %mul3A : vector<2000x128xf32>
    %mul3A_34 = vector.broadcast %get3A_13 : vector<1x128xf32> to vector<2000x128xf32>
    %mul3A_35 = arith.mulf %mul3A_33, %mul3A_34 : vector<2000x128xf32>
    %add3A_36 = vector.broadcast %get3A_16 : vector<1x128xf32> to vector<2000x128xf32>
    %add3A_37 = arith.addf %mul3A_35, %add3A_36 : vector<2000x128xf32>
    %logistic3A = arith.negf %add3A_37 : vector<2000x128xf32>
    %logistic3A_38 = math.exp %logistic3A : vector<2000x128xf32>
    %logistic3A_39 = arith.constant 1.000000e+00 : f32
    %logistic3A_40 = vector.broadcast %logistic3A_39 : f32 to vector<2000x128xf32>
    %logistic3A_41 = arith.addf %logistic3A_40, %logistic3A_38 : vector<2000x128xf32>
    %logistic3A_42 = arith.divf %logistic3A_40, %logistic3A_41 : vector<2000x128xf32>
    %mul3A_43 = arith.mulf %add3A_37, %logistic3A_42 : vector<2000x128xf32>
    %get3A_44 = arith.constant 0 : index
    %get3A_45 = arith.constant 0 : index
    %get3A_46 = vector.load %arg4[%get3A_44, %get3A_45] : memref<2000x128xf32, #tpu.memory_space<vmem>>, vector<2000x128xf32>
    %add3A_47 = arith.addf %get3A_46, %mul3A_43 : vector<2000x128xf32>
    %swap3A = arith.constant 0 : index
    %swap3A_48 = arith.constant 0 : index
    %swap3A_49 = vector.load %arg7[%swap3A, %swap3A_48] : memref<2000x128xf32, #tpu.memory_space<vmem>>, vector<2000x128xf32>
    tpu.vector_store %arg7[%swap3A, %swap3A_48], %add3A_47 {strides = array<i32>} : memref<2000x128xf32, #tpu.memory_space<vmem>>, vector<2000x128xf32>,
    return
  }
  func.func @transform_0(%arg0: i32) -> (i32, i32) {
    %c0_i32 = arith.constant 0 : i32
    %c0_i32_0 = arith.constant 0 : i32
    return %arg0, %c0_i32 : i32, i32
  }
  func.func @transform_1(%arg0: i32) -> (i32, i32) {
    %c0_i32 = arith.constant 0 : i32
    %c0_i32_0 = arith.constant 0 : i32
    return %arg0, %c0_i32 : i32, i32
  }
  func.func @transform_2(%arg0: i32) -> (i32, i32) {
    %c0_i32 = arith.constant 0 : i32
    %c0_i32_0 = arith.constant 0 : i32
    return %arg0, %c0_i32 : i32, i32
  }
  func.func @transform_3(%arg0: i32) -> (i32, i32) {
    %c0_i32 = arith.constant 0 : i32
    %c0_i32_0 = arith.constant 0 : i32
    return %arg0, %c0_i32 : i32, i32
  }
  func.func @transform_4(%arg0: i32) -> (i32, i32) {
    %c0_i32 = arith.constant 0 : i32
    %c0_i32_0 = arith.constant 0 : i32
    %c0_i32_1 = arith.constant 0 : i32
    return %c0_i32, %c0_i32_0 : i32, i32
  }
  func.func @transform_5(%arg0: i32) -> (i32, i32) {
    %c0_i32 = arith.constant 0 : i32
    %c0_i32_0 = arith.constant 0 : i32
    %c0_i32_1 = arith.constant 0 : i32
    return %c0_i32, %c0_i32_0 : i32, i32
  }
  func.func @transform_6(%arg0: i32) -> (i32, i32) {
    %c0_i32 = arith.constant 0 : i32
    %c0_i32_0 = arith.constant 0 : i32
    return %arg0, %c0_i32 : i32, i32
  }
}

module attributes {stable_mosaic.version = 14 : i64} {
  func.func @_node_stage_body(%arg0: i32, %arg1: memref<2000x128xf32, #tpu.memory_space<vmem>>, %arg2: memref<2000x128xf32, #tpu.memory_space<vmem>>, %arg3: memref<2000x128xf32, #tpu.memory_space<vmem>>, %arg4: memref<2000x128xf32, #tpu.memory_space<vmem>>, %arg5: memref<1x128xf32, #tpu.memory_space<vmem>>, %arg6: memref<1x128xf32, #tpu.memory_space<vmem>>, %arg7: memref<2000x128xf32, #tpu.memory_space<vmem>>) attributes {dimension_semantics = [#tpu.dimension_semantics<arbitrary>], iteration_bounds = array<i64: 160>, scalar_prefetch = 0 : i64, scratch_operands = 0 : i64, tpu.core_type = #tpu.core_type<tc>, window_params = [{transform_indices = @transform_0, window_bounds = array<i64: 2000, 128>}, {transform_indices = @transform_1, window_bounds = array<i64: 2000, 128>}, {transform_indices = @transform_2, window_bounds = array<i64: 2000, 128>}, {transform_indices = @transform_3, window_bounds = array<i64: 2000, 128>}, {pipeline_mode = #tpu.pipeline_mode<synchronous>, transform_indices = @transform_4, window_bounds = array<i64: 1, 128>}, {pipeline_mode = #tpu.pipeline_mode<synchronous>, transform_indices = @transform_5, window_bounds = array<i64: 1, 128>}, {transform_indices = @transform_6, window_bounds = array<i64: 2000, 128>}]} {
    %get3A = arith.constant 0 : index
    %get3A_0 = arith.constant 0 : index
    %get3A_1 = vector.load %arg1[%get3A, %get3A_0] : memref<2000x128xf32, #tpu.memory_space<vmem>>, vector<2000x128xf32>
    %get3A_2 = arith.constant 0 : index
    %get3A_3 = arith.constant 0 : index
    %get3A_4 = vector.load %arg2[%get3A_2, %get3A_3] : memref<2000x128xf32, #tpu.memory_space<vmem>>, vector<2000x128xf32>
    %get3A_5 = arith.constant 0 : index
    %get3A_6 = arith.constant 0 : index
    %get3A_7 = vector.load %arg3[%get3A_5, %get3A_6] : memref<2000x128xf32, #tpu.memory_space<vmem>>, vector<2000x128xf32>
    %add3A = arith.constant 9.99999997E-7 : f32
    %add3A_8 = vector.broadcast %add3A : f32 to vector<2000x128xf32>
    %add3A_9 = arith.addf %get3A_7, %add3A_8 : vector<2000x128xf32>
    %div3A = arith.divf %get3A_4, %add3A_9 : vector<2000x128xf32>
    %add3A_10 = arith.addf %get3A_1, %div3A : vector<2000x128xf32>
    %get3A_11 = arith.constant 0 : index
    %get3A_12 = arith.constant 0 : index
    %get3A_13 = vector.load %arg5[%get3A_11, %get3A_12] : memref<1x128xf32, #tpu.memory_space<vmem>>, vector<1x128xf32>
    %get3A_14 = arith.constant 0 : index
    %get3A_15 = arith.constant 0 : index
    %get3A_16 = vector.load %arg6[%get3A_14, %get3A_15] : memref<1x128xf32, #tpu.memory_space<vmem>>, vector<1x128xf32>
    %reduce_sum3A = arith.constant dense<0.000000e+00> : vector<2000xf32>
    %reduce_sum3A_17 = vector.multi_reduction <add>, %add3A_10, %reduce_sum3A [1] : vector<2000x128xf32> to vector<2000xf32>
    %broadcast_in_dim3A = vector.shape_cast %reduce_sum3A_17 : vector<2000xf32> to vector<2000x1xf32>
    %div3A_18 = arith.constant 1.280000e+02 : f32
    %div3A_19 = vector.broadcast %div3A_18 : f32 to vector<2000x1xf32>
    %div3A_20 = arith.divf %broadcast_in_dim3A, %div3A_19 : vector<2000x1xf32>
    %sub3A = vector.broadcast %div3A_20 : vector<2000x1xf32> to vector<2000x128xf32>
    %sub3A_21 = arith.subf %add3A_10, %sub3A : vector<2000x128xf32>
    %integer_pow3A = arith.mulf %sub3A_21, %sub3A_21 : vector<2000x128xf32>
    %reduce_sum3A_22 = arith.constant dense<0.000000e+00> : vector<2000xf32>
    %reduce_sum3A_23 = vector.multi_reduction <add>, %integer_pow3A, %reduce_sum3A_22 [1] : vector<2000x128xf32> to vector<2000xf32>
    %broadcast_in_dim3A_24 = vector.shape_cast %reduce_sum3A_23 : vector<2000xf32> to vector<2000x1xf32>
    %div3A_25 = arith.constant 1.280000e+02 : f32
    %div3A_26 = vector.broadcast %div3A_25 : f32 to vector<2000x1xf32>
    %div3A_27 = arith.divf %broadcast_in_dim3A_24, %div3A_26 : vector<2000x1xf32>
    %sub3A_28 = vector.broadcast %div3A_20 : vector<2000x1xf32> to vector<2000x128xf32>
    %sub3A_29 = arith.subf %add3A_10, %sub3A_28 : vector<2000x128xf32>
    %add3A_30 = arith.constant 9.99999974E-6 : f32
    %add3A_31 = vector.broadcast %add3A_30 : f32 to vector<2000x1xf32>
    %add3A_32 = arith.addf %div3A_27, %add3A_31 : vector<2000x1xf32>
    %rsqrt3A = math.rsqrt %add3A_32 : vector<2000x1xf32>
    %mul3A = vector.broadcast %rsqrt3A : vector<2000x1xf32> to vector<2000x128xf32>
    %mul3A_33 = arith.mulf %sub3A_29, %mul3A : vector<2000x128xf32>
    %mul3A_34 = vector.broadcast %get3A_13 : vector<1x128xf32> to vector<2000x128xf32>
    %mul3A_35 = arith.mulf %mul3A_33, %mul3A_34 : vector<2000x128xf32>
    %add3A_36 = vector.broadcast %get3A_16 : vector<1x128xf32> to vector<2000x128xf32>
    %add3A_37 = arith.addf %mul3A_35, %add3A_36 : vector<2000x128xf32>
    %logistic3A = arith.negf %add3A_37 : vector<2000x128xf32>
    %logistic3A_38 = math.exp %logistic3A : vector<2000x128xf32>
    %logistic3A_39 = arith.constant 1.000000e+00 : f32
    %logistic3A_40 = vector.broadcast %logistic3A_39 : f32 to vector<2000x128xf32>
    %logistic3A_41 = arith.addf %logistic3A_40, %logistic3A_38 : vector<2000x128xf32>
    %logistic3A_42 = arith.divf %logistic3A_40, %logistic3A_41 : vector<2000x128xf32>
    %mul3A_43 = arith.mulf %add3A_37, %logistic3A_42 : vector<2000x128xf32>
    %get3A_44 = arith.constant 0 : index
    %get3A_45 = arith.constant 0 : index
    %get3A_46 = vector.load %arg4[%get3A_44, %get3A_45] : memref<2000x128xf32, #tpu.memory_space<vmem>>, vector<2000x128xf32>
    %add3A_47 = arith.addf %get3A_46, %mul3A_43 : vector<2000x128xf32>
    %swap3A = arith.constant 0 : index
    %swap3A_48 = arith.constant 0 : index
    %swap3A_49 = vector.load %arg7[%swap3A, %swap3A_48] : memref<2000x128xf32, #tpu.memory_space<vmem>>, vector<2000x128xf32>
    tpu.vector_store %arg7[%swap3A, %swap3A_48], %add3A_47 {strides = array<i32>} : memref<2000x128xf32, #tpu.memory_space<vmem>>, vector<2000x128xf32>,
    return
  }
  func.func @transform_0(%arg0: i32) -> (i32, i32) {
    %c0_i32 = arith.constant 0 : i32
    %c0_i32_0 = arith.constant 0 : i32
    return %arg0, %c0_i32 : i32, i32
  }
  func.func @transform_1(%arg0: i32) -> (i32, i32) {
    %c0_i32 = arith.constant 0 : i32
    %c0_i32_0 = arith.constant 0 : i32
    return %arg0, %c0_i32 : i32, i32
  }
  func.func @transform_2(%arg0: i32) -> (i32, i32) {
    %c0_i32 = arith.constant 0 : i32
    %c0_i32_0 = arith.constant 0 : i32
    return %arg0, %c0_i32 : i32, i32
  }
  func.func @transform_3(%arg0: i32) -> (i32, i32) {
    %c0_i32 = arith.constant 0 : i32
    %c0_i32_0 = arith.constant 0 : i32
    return %arg0, %c0_i32 : i32, i32
  }
  func.func @transform_4(%arg0: i32) -> (i32, i32) {
    %c0_i32 = arith.constant 0 : i32
    %c0_i32_0 = arith.constant 0 : i32
    %c0_i32_1 = arith.constant 0 : i32
    return %c0_i32, %c0_i32_0 : i32, i32
  }
  func.func @transform_5(%arg0: i32) -> (i32, i32) {
    %c0_i32 = arith.constant 0 : i32
    %c0_i32_0 = arith.constant 0 : i32
    %c0_i32_1 = arith.constant 0 : i32
    return %c0_i32, %c0_i32_0 : i32, i32
  }
  func.func @transform_6(%arg0: i32) -> (i32, i32) {
    %c0_i32 = arith.constant 0 : i32
    %c0_i32_0 = arith.constant 0 : i32
    return %arg0, %c0_i32 : i32, i32
  }
}

</mosaic_0001>

<sc_bundles>
// kernel: gather_offload_async_start.1
scs
__scs_entry_jumppad:
0x0: {  	(pc) =	sbr.rel $0x88, $3  }
0x1: {  	(tag) =	ssettag $0x0;
	lr =	simm.s32 $0x1  }
0x2: {  	[smem:$0x3F7E] =	sst lr;
	_ =	strace $0xD0000000  }
0x3: {  	_ = 	snop  }
0x4: {  	_ = 	snop  }
0x5: {  	_ = 	snop  }
0x6: {  	_ = 	snop  }
0x7: {  	_ = 	snop  }
__scs_overlays_trampoline_lowered:
0x8: {  	[smem:$0x3F8D] =	sst s0  }
0x9: {  	[smem:$0x3F8E] =	sst s1  }
0xa: {  	[smem:$0x3F8F] =	sst s2  }
0xb: {  	[smem:$0x3F90] =	sst s3  }
0xc: {  	[smem:$0x3F91] =	sst s4  }
0xd: {  	[smem:$0x3F92] =	sst s5  }
0xe: {  	[smem:$0x3F93] =	sst s6  }
0xf: {  	[smem:$0x3F94] =	sst s7  }
0x10: {  	[smem:$0x3F95] =	sst s8  }
0x11: {  	[smem:$0x3F96] =	sst s9;
	s0 =	simm.s32 @!p0 $0x0  }
0x12: {  	s1 =	sld [smem:$0x3F7C];
	s0 =	simm.s32 @p0 $0x1  }
0x13: {  	[smem:$0x3F97] =	sst s0;
	s0 =	simm.s32 @!p1 $0x0  }
0x14: {  	s2 =	sld [smem:$0x3F7B];
	s0 =	simm.s32 @p1 $0x1  }
0x15: {  	[smem:$0x3F98] =	sst s0;
	s0 =	simm.s32 @!p2 $0x0  }
0x16: {  	s3 =	sld [smem:$0x3FDB];
	s0 =	simm.s32 @p2 $0x1  }
0x17: {  	s4 =	simm.s32 $0x1BF5;
	[smem:$0x3F9A] =	sst s0  }
0x18: {  	s0 =	sld [smem:$0x3F7D];
	_ =	swait.ge [sflag:s4], $0x0  }
0x19: {  	s7 =	sld [smem:$0x3F7E]  }
0x1a: {  	s8 =	sadd.s32 $0xFFFFE003, lr  }
0x1b: {  	s9 =	sadd.s32 $0xFFFFFEF7, lr;
	s5 =	simm.s32 $0xFFFFFFFF;
	p2 =	slt.u32 s8, $0xFFFFF086  }
0x1c: {  	p1 =	slt.u32 s9, $0xF7A;
	s5 =	simm.s32 @!p2 $0x0  }
0x1d: {  	s5 =	simm.s32 @p1 $0x1;
	p0 =	seq.s32 s7, s2  }
0x1e: {  	s7 =	smul.u32 @!p0 $0xF7A, s2;
	p2 =	seq.s32 @!p0 s5, $0x0  }
0x1f: {  	s9 =	smul.u32 $0xF7A, s1;
	s8 =	simm.s32 @!p0 $0x1BF5;
	p2 =	por !p2, p0  }
0x20: {  	[sflag:s8] =	ssyncset.s32 @!p0 $0xFFFFF086;
	s6 =	sadd.s32 @!p0 s3, s7;
	s7 =	simm.s32 @!p0 $0x108  }
0x21: {  	s3 =	sadd.s32 s3, s9;
	s6 =	sadd.s32 @!p0 $0x88, s6;
	s7 =	simm.s32 @p2 $0x1082  }
0x22: {  	[simem:s7], [sflag:s8] =	dma.local @!p0 [hbm:s6], $0xF7A  }
0x23: {  	s9 =	sor.u32 $0xD0000000, s2;
	s6 =	simm.s32 $0x108;
	_ =	swait.ge @!p0 [sflag:s8], $0x0  }
0x24: {  	s3 =	sadd.s32 $0x88, s3;
	s6 =	simm.s32 @!p1 $0x1082;
	[sflag:s4] =	ssyncset.s32 $0xFFFFF086  }
0x25: {  	[simem:s6], [sflag:s4] =	dma.local [hbm:s3], $0xF7A  }
0x26: {  	[smem:$0x3F7E] =	sst s1;
	(tag) =	ssettag s2;
	_ =	strace s9  }
0x27: {  	s1 =	sld [smem:$0x3F8E]  }
0x28: {  	s2 =	sld [smem:$0x3F8F]  }
0x29: {  	s4 =	sld [smem:$0x3F91]  }
0x2a: {  	p0 =	seq.s32 s5, $0x0;
	s5 =	sld [smem:$0x3F92]  }
0x2b: {  	s6 =	sld [smem:$0x3F93]  }
0x2c: {  	s7 =	sld [smem:$0x3F94]  }
0x2d: {  	s3 =	simm.s32 $0x108;
	s8 =	sld [smem:$0x3F95]  }
0x2e: {  	s3 =	simm.s32 @!p0 $0x1082;
	s9 =	sld [smem:$0x3F96]  }
0x2f: {  	lr =	sadd.s32 s0, s3;
	s0 =	sld [smem:$0x3F8D]  }
0x30: {  	s3 =	sld [smem:$0x3F90]  }
0x31: {  	[smem:$0x3F99] =	sst s10  }
0x32: {  	s10 =	sld [smem:$0x3F97];
	_ =	sdelay $0x3  }
0x33: {  	p0 =	seq.s32 s10, $0x1;
	s10 =	sld [smem:$0x3F99];
	_ =	sdelay $0x3  }
0x34: {  	[smem:$0x3F99] =	sst s10  }
0x35: {  	s10 =	sld [smem:$0x3F98];
	_ =	sdelay $0x3  }
0x36: {  	p1 =	seq.s32 s10, $0x1;
	s10 =	sld [smem:$0x3F99];
	_ =	sdelay $0x3  }
0x37: {  	[smem:$0x3F99] =	sst s10  }
0x38: {  	s10 =	sld [smem:$0x3F9A]  }
0x39: {  	_ = 	snop;
	(pc) =	sbr.ind lr, $3  }
0x3a: {  	_ = 	snop  }
0x3b: {  	_ = 	snop  }
0x3c: {  	p2 =	seq.s32 s10, $0x1;
	s10 =	sld [smem:$0x3F99]  }
0x3d: {  	_ =	shalt  }
0x3e: {  	_ =	shalt  }
0x3f: {  	_ =	shalt  }
0x40: {  	_ =	shalt  }
0x41: {  	_ =	shalt  }
0x42: {  	_ =	shalt  }
0x43: {  	_ =	shalt  }
0x44: {  	_ =	shalt  }
0x45: {  	_ =	shalt  }
0x46: {  	_ =	shalt  }
0x47: {  	_ =	shalt  }
0x48: {  	_ =	shalt  }
0x49: {  	_ =	shalt  }
0x4a: {  	_ =	shalt  }
0x4b: {  	_ =	shalt  }
0x4c: {  	_ =	shalt  }
0x4d: {  	_ =	shalt  }
0x4e: {  	_ =	shalt  }
0x4f: {  	_ =	shalt  }
0x50: {  	_ =	shalt  }
0x51: {  	_ =	shalt  }
0x52: {  	_ =	shalt  }
0x53: {  	_ =	shalt  }
0x54: {  	_ =	shalt  }
0x55: {  	_ =	shalt  }
0x56: {  	_ =	shalt  }
0x57: {  	_ =	shalt  }
0x58: {  	_ =	shalt  }
0x59: {  	_ =	shalt  }
0x5a: {  	_ =	shalt  }
0x5b: {  	_ =	shalt  }
0x5c: {  	_ =	shalt  }
0x5d: {  	_ =	shalt  }
0x5e: {  	_ =	shalt  }
0x5f: {  	_ =	shalt  }
0x60: {  	_ =	shalt  }
0x61: {  	_ =	shalt  }
0x62: {  	_ =	shalt  }
0x63: {  	_ =	shalt  }
0x64: {  	_ =	shalt  }
0x65: {  	_ =	shalt  }
0x66: {  	_ =	shalt  }
0x67: {  	_ =	shalt  }
0x68: {  	_ =	shalt  }
0x69: {  	_ =	shalt  }
0x6a: {  	_ =	shalt  }
0x6b: {  	_ =	shalt  }
0x6c: {  	_ =	shalt  }
0x6d: {  	_ =	shalt  }
0x6e: {  	_ =	shalt  }
0x6f: {  	_ =	shalt  }
0x70: {  	_ =	shalt  }
0x71: {  	_ =	shalt  }
0x72: {  	_ =	shalt  }
0x73: {  	_ =	shalt  }
0x74: {  	_ =	shalt  }
0x75: {  	_ =	shalt  }
0x76: {  	_ =	shalt  }
0x77: {  	_ =	shalt  }
0x78: {  	_ =	shalt  }
0x79: {  	_ =	shalt  }
0x7a: {  	_ =	shalt  }
0x7b: {  	_ =	shalt  }
0x7c: {  	_ =	shalt  }
0x7d: {  	_ =	shalt  }
0x7e: {  	_ =	shalt  }
0x7f: {  	_ =	shalt  }
0x80: {  	_ =	shalt  }
0x81: {  	_ =	shalt  }
0x82: {  	_ =	shalt  }
0x83: {  	_ =	shalt  }
0x84: {  	_ =	shalt  }
0x85: {  	_ =	shalt  }
0x86: {  	_ =	shalt  }
0x87: {  	_ =	shalt  }
.Lfunc_end0:
.L_simem_size_0:
called_computation.5_lowered:
.L_overlay_start_0:
0x88: {  	s2 =	sld [smem:$0x3FD9]  }
0x89: {  	s3 =	sld [smem:$0x3FFE];
	_ =	sdelay $0x1  }
0x8a: {  	s1 =	srdreg.scid  }
0x8b: {  	s0 =	sand.u32 $0x1, s1  }
0x8c: {  	s16 =	sshll.u32 s0, $0xA;
	s2 =	sadd.s32 s3, s2  }
0x8d: {  	s2 =	sadd.s32 s2, s16  }
0x8e: {  	[smem:$0x3FA5] =	sst s2  }
0x8f: {  	_ = 	snop  }
0x90: {  	s2 =	sld [smem:$0x3FD0];
	_ =	sdelay $0x2  }
0x91: {  	s17 =	simm.s32 $0x11;
	s4 =	simm.s32 $0x10  }
0x92: {  	[smem:s4], [sflag:s17] =	dma.local [hbm:s2], $0x1  }
0x93: {  	_ =	swait.eq [sflag:s17], $0x1  }
0x94: {  	[sflag:s17] =	ssyncset.done $0x0  }
0x95: {  	[sflag:s17] =	ssyncadd.s32 $0xFFFFFFFF  }
0x96: {  	s3 =	sld [smem:$0x12];
	(tm) =	ssettm $0x1  }
0x97: {  	s18 =	sld [smem:$0x3FFB];
	_ =	sdelay $0x3  }
0x98: {  	_ =	strace s18  }
0x99: {  	s2 =	sld [smem:$0x3FFC];
	_ =	sdelay $0x3  }
0x9a: {  	_ =	strace s2  }
0x9b: {  	s2 =	sld [smem:$0x3FFD];
	_ =	sdelay $0x3  }
0x9c: {  	_ =	strace s2  }
0x9d: {  	_ =	strace $0x8FFFFFFF  }
0x9e: {  	s19 =	sld [smem:$0x3FDB];
	_ =	sdelay $0x1  }
0x9f: {  	s20 =	simm.s32 $_scs_section_size  }
0xa0: {  	s5 =	simm.s32 $_size__tile_overlayer_lowered;
	s6 =	simm.s32 $_tile_overlayer_lowered  }
0xa1: {  	s7 =	simm.s32 $0x1BFF;
	s21 =	sshll.u32 s6, $0x1;
	s4 =	sadd.s32 s20, s19  }
0xa2: {  	s22 =	simm.s32 $0x0;
	s5 =	sshll.u32 s5, $0x1;
	s6 =	sadd.s32 s21, s4  }
0xa3: {  	[timem:s22], [sflag:s7] =	dma.local [hbm:s6], s5  }
0xa4: {  	_ =	swait.ge [sflag:s7], s5  }
0xa5: {  	s5 =	ssub.s32 $0x0, s5;
	[sflag:s7] =	ssyncset.done $0x0  }
0xa6: {  	[sflag:s7] =	ssyncadd.s32 s5;
	_ =	sdelay $0x1  }
0xa7: {  	s23 =	simm.s32 $0x1B8B  }
0xa8: {  	_ =	swait.ge [sflag:s23], $0x1  }
0xa9: {  	[sflag:s23] =	ssyncset.done $0x0  }
0xaa: {  	[sflag:s23] =	ssyncadd.s32 $0xFFFFFFFF  }
0xab: {  	s5 =	sld [smem:$0x0]  }
0xac: {  	s6 =	sand.u32 $0xFFFFFFFE, s1  }
0xad: {  	p0 =	sne.s32 s1, s6  }
0xae: {  	s6 =	sshll.u32 @p0 s6, $0xE  }
0xaf: {  	s6 =	sadd.s32 @p0 $0x11B8D, s6;
	s7 =	sshll.u32 @p0 s5, $0x11  }
0xb0: {  	s6 =	sor.u32 @p0 s7, s6  }
0xb1: {  	[sflag:s6] =	ssyncadd.remote.s32 @p0 $0x1;
	_ =	sdelay $0x1  }
0xb2: {  	s6 =	simm.s32 @p0 $0x1B8D  }
0xb3: {  	_ =	swait.eq @p0 [sflag:s6], $0x1  }
0xb4: {  	[sflag:s6] =	ssyncadd.s32 @p0 $0xFFFFFFFF  }
0xb5: {  	s7 =	sshll.u32 @!p0 s1, $0xE  }
0xb6: {  	s7 =	sor.u32 @!p0 $0x4000, s7;
	s6 =	simm.s32 @!p0 $0x1B8D  }
0xb7: {  	s5 =	sshll.u32 @!p0 s5, $0x11;
	s7 =	sadd.s32 @!p0 $0x11B8D, s7;
	_ =	swait.eq @!p0 [sflag:s6], $0x1  }
0xb8: {  	s5 =	sor.u32 @!p0 s5, s7;
	[sflag:s6] =	ssyncadd.s32 @!p0 $0xFFFFFFFF  }
0xb9: {  	s25 =	simm.s32 $0x1B8E;
	s24 =	sld [smem:$0x3FFE];
	[sflag:s5] =	ssyncadd.remote.s32 @!p0 $0x1  }
0xba: {  	s26 =	simm.s32 $execute0_lowered;
	[smem:$0x3FD2] =	sst s25  }
0xbb: {  	s6 =	sshll.u32 s26, $0x1;
	_ =	strace $0x80000049;
	[dreg:$0x1] =	wrdreg $0xFFFFFFFF  }
0xbc: {  	s28 =	simm.s32 $_size_execute0_lowered;
	s4 =	sadd.s32 s4, s6;
	[dreg:$0x0] =	wrdreg $0x0  }
0xbd: {  	s6 =	sshll.u32 s28, $0x1;
	[dreg:$0x2] =	wrdreg s4  }
0xbe: {  	[dreg:$0x3] =	wrdreg s6  }
0xbf: {  	[dreg:$0x4] =	wrdreg $0xC0  }
0xc0: {  	_ =	task [dreg:s22], $0x5FFFF  }
0xc1: {  	[dreg:$0x1] =	wrdreg $0xFFFFFFFF  }
0xc2: {  	[dreg:$0x0] =	wrdreg $0x60  }
0xc3: {  	[dreg:$0x2] =	wrdreg s3  }
0xc4: {  	[dreg:$0x3] =	wrdreg s24  }
0xc5: {  	[dreg:$0x4] =	wrdreg $0xE  }
0xc6: {  	_ =	task.clear_ibuf [dreg:s22], $0x5FFFF;
	_ =	strace $0x90000049  }
0xc7: {  	s29 =	simm.s32 $0xE;
	_ =	strace $0x8000004B  }
0xc8: {  	_ =	swait.ge [sflag:s29], $0x1  }
0xc9: {  	[sflag:s29] =	ssyncadd.s32 $0xFFFFFFFF  }
0xca: {  	_ =	strace $0x9000004B  }
0xcb: {  	_ =	sfence  }
0xcc: {  	s30 =	sld [smem:$0x0];
	_ =	sdelay $0x2  }
0xcd: {  	s31 =	sshll.u32 s1, $0xD;
	s1 =	sshrl.u32 s1, $0x2  }
0xce: {  	s4 =	sand.u32 $0x4000, s31;
	s1 =	sadd.s32 s1, s30  }
0xcf: {  	s0 =	sor.u32 s4, s0;
	s1 =	sshll.u32 s1, $0x11  }
0xd0: {  	s0 =	sor.u32 s1, s0  }
0xd1: {  	s0 =	sadd.s32 $0x8F2B, s0  }
0xd2: {  	[sflag:s0] =	ssyncadd.remote.s32 $0x1  }
0xd3: {  	_ =	sfence.sel $0xFFFF  }
0xd4: {  	[dreg:$0x0] =	wrdreg $0xFFFFFFFF;
	(pc) =	sbr.abs _section_cstart, $3  }
0xd5: {  	[dreg:$0x1] =	wrdreg $0xFFFFFFFF  }
0xd6: {  	_ =	task.clear_ibuf [dreg:s22], $0x2FFFF;
	_ =	strace $0x9FFFFFFF  }
0xd7: {  	(tm) =	ssettm $0x7FFFFFFF  }
tec
execute0_lowered:
.L_overlay_start_1:
0x0: {  	(tag) =	ssettag $0x1  }
0x1: {  	s0 =	srdreg.scid  }
0x2: {  	s1 =	sshll.u32 s0, $0x4  }
0x3: {  	s0 =	stileid.u32;
	s1 =	sand.u32 $0x10, s1  }
0x4: {  	s2 =	sor.u32 s0, s1  }
0x5: {  	s3 =	smul.u32 $0x3E, s2  }
0x6: {  	s1 =	sshrl.u32 s1, $0x4;
	s2 =	smin.u32 s2, $0x10  }
0x7: {  	s1 =	sxor.u32 $0x3F, s1;
	s2 =	sadd.s32 s2, s3  }
0x8: {  	s1 =	sadd.s32 s1, s2  }
0x9: {  	s1 =	smul.u32 $0x140, s1  }
0xa: {  	s2 =	smul.u32 $0x140, s2  }
0xb: {  	s3 =	smin.u32 s1, $0x9C400  }
0xc: {  	s7 =	ssub.s32 s3, s2  }
0xd: {  	p0 =	sgt.s32 s7, $0x0  }
0xe: {  	s7 =	simm.s32 @!p0 $0x0  }
0xf: {  	s4 =	rddreg [dreg:$0x0];
	s31 =	smulhi.u32 $0x66666667, s7  }
0x10: {  	s9 =	rddreg [dreg:$0x1];
	s6 =	simm.s32 $0x1  }
0x11: {  	s11 =	simm.s32 $0x3;
	s13 =	simm.s32 $0x0;
	s8 =	sshrl.u32 s31, $0x7  }
0x12: {  	s12 =	simm.s32 $0x0;
	s5 =	sadd.s32 $0x1D97200, s9;
	s10 =	smul.u32 $0x140, s8  }
.Ltmp0:
0x13: {  	s9 =	sadd.s32 $0x2C3D200, s9;
	s1 =	rddreg [dreg:$0x2];
	(pc) =	sbr.rel .LBB2_1-.Ltmp0, $4  }
0x14: {  	_ =	strace $0x8000004A;
	p0 =	sne.s32 s7, s10;
	s10 =	simm.s32 $0x1  }
0x15: {  	[sflag:s6] =	ssyncpa.u1 $0x0;
	s7 =	simm.s32 $0x2;
	s10 =	simm.s32 @!p0 $0x0  }
0x16: {  	[sflag:s7] =	ssyncpa.u1 $0x0;
	p0 =	por $0x0, $0x0;
	s8 =	sadd.s32 s10, s8  }
0x17: {  	vm0 =	vmmov $0xff;
	vm1 =	vcmask $0x3F20;
	[sflag:s11] =	ssyncpa.u1 $0x0;
	s11 =	smov.u32 s2;
	s10 =	sadd.s32 $0x1, s8  }
.LBB2_6:
0x18: {  	[hbm:s17] =	stream.linear.scatter [tilespmem:s14], [sflag:$0x3], $0x400, $0x38;
	[tilespmem:$0x14280] =	vst v63  }
.LBB2_7:
0x19: {  	s13 =	sadd.s32 $0x140, s11  }
0x1a: {  	s15 =	smov.u32 s2;
	p2 =	slt.s32 s13, s3  }
0x1b: {  	s15 =	smov.u32 @p2 s13;
	p2 =	sne.s32 s12, s10  }
.Ltmp1:
0x1c: {  	p1 =	slt.u32 s12, $0x2;
	(pc) =	sbr.rel @!p2 .LBB2_8-.Ltmp1, $4  }
0x1d: {  	s14 =	simm.s32 @!p1 $0x3  }
0x1e: {  	s16 =	sadd.s32 $0x1, s12;
	_ =	swait.ge @!p1 [sflag:s14], $0xA000  }
0x1f: {  	p0 =	por !p0, !p0;
	s13 =	smov.u32 s11;
	[sflag:s14] =	ssyncset.done @!p1 $0x0  }
0x20: {  	s12 =	smov.u32 s16;
	s11 =	smov.u32 s15;
	[sflag:s14] =	ssyncadd.s32 @!p1 $0xFFFF6000  }
.LBB2_1:
0x21: {  	p1 =	sge.u32 s12, s8  }
0x22: {  	s14 =	sxor.u32 @!p1 $0xFFFFFFFF, s12  }
0x23: {  	s14 =	sand.u32 @!p1 $0x1, s14  }
0x24: {  	s14 =	smul.u32 @!p1 $0x500, s14  }
0x25: {  	s31 =	sadd.s32 $0xFFFFFFFF, s12;
	s15 =	sshrl.u32 @!p1 s11, $0x3  }
0x26: {  	s16 =	sand.u32 @!p1 $0x7, s11;
	s15 =	sadd.s32 @!p1 s5, s15;
	s14 =	sshrl.u32 @!p1 s14, $0x2  }
0x27: {  	[tilespmem:s14], [sflag:$0x2] =	stream.linear.gather @!p1 [hbm4b:s15+s16], $0x140, $0x38;
	[tilespmem:$0x14280] =	vst v63  }
0x28: {  	p1 =	sge.u32 s31, s8  }
.Ltmp2:
0x29: {  	_ = 	snop;
	(pc) =	sbr.rel @p1 .LBB2_7-.Ltmp2, $1  }
0x2a: {  	_ =	sdelay $0x3  }
0x2b: {  	s14 =	simm.s32 $0x1  }
0x2c: {  	s14 =	simm.s32 @!p0 $0x0  }
0x2d: {  	s15 =	smul.u32 $0x500, s14  }
0x2e: {  	_ =	swait.ge [sflag:s7], $0x140  }
0x2f: {  	[sflag:s7] =	ssyncset.done $0x0;
	s16 =	sshrl.u32 s15, $0x2  }
0x30: {  	[sflag:s7] =	ssyncadd.s32 $0xFFFFFEC0;
	s15 =	sadd.s32 $0x0, s16  }
0x31: {  	v0 =	vld.msk [tilespmem:s15+$0x0 ss:$0x1], $0xffff;
	_ =	sdelay $0x4  }
0x32: {  	vm2 =	vgt.s32 v0, $0x0  }
0x33: {  	v0 =	vnsel vm2, $0x0, v0  }
0x34: {  	v0 =	vmin.u32 v0, $0x4E1FF  }
0x35: {  	v0 =	vshll.u32 v0, $0x4  }
0x36: {  	s14 =	smul.u32 $0x28000, s14;
	_ =	sdelay $0x1  }
0x37: {  	s14 =	sshrl.u32 s14, $0x2  }
0x38: {  	s14 =	sor.u32 $0x280, s14  }
0x39: {  	[tilespmem:s14], [sflag:$0x1] =	stream.indirect_vreg.gather [hbm:s4], $0x80, v0, vm0, $0x38;
	[tilespmem:$0x14280] =	vst v63  }
0x3a: {  	s17 =	sadd.s32 $0x10, s16;
	s15 =	sadd.s32 $0x400, s14  }
0x3b: {  	[tilespmem:s15], [sflag:$0x1] =	stream.indirect_vreg.gather [hbm:s4], $0x80, v0, vm1, $0x38;
	[tilespmem:$0x14280] =	vst v63  }
0x3c: {  	s18 =	simm.s32 $0x80;
	v0 =	vld.msk [tilespmem:s17+$0x0 ss:$0x1], $0xffff;
	s17 =	smov.u32 s14  }
.LBB2_3:
0x3d: {  	p1 =	sne.s32 s18, $0x4C0;
	_ =	sdelay $0x4  }
0x3e: {  	vm2 =	vgt.s32 v0, $0x0  }
0x3f: {  	v0 =	vnsel vm2, $0x0, v0  }
0x40: {  	v0 =	vmin.u32 v0, $0x4E1FF  }
0x41: {  	v0 =	vshll.u32 v0, $0x4;
	_ =	sdelay $0x3  }
.Ltmp3:
0x42: {  	s19 =	sshra.s32 s18, $0x2;
	s17 =	sadd.s32 $0x800, s17;
	(pc) =	sbr.rel @p1 .LBB2_3-.Ltmp3, $4  }
0x43: {  	[tilespmem:s17], [sflag:$0x1] =	stream.indirect_vreg.gather [hbm:s4], $0x80, v0, vm0, $0x38;
	[tilespmem:$0x14280] =	vst v63  }
0x44: {  	s19 =	sadd.s32 s19, s16;
	s20 =	sadd.s32 $0x400, s17  }
0x45: {  	[tilespmem:s20], [sflag:$0x1] =	stream.indirect_vreg.gather [hbm:s4], $0x80, v0, vm1, $0x38;
	[tilespmem:$0x14280] =	vst v63  }
0x46: {  	s18 =	sadd.s32 $0x40, s18;
	v0 =	vld.msk [tilespmem:s19+$0x0 ss:$0x1], $0xffff  }
0x47: {  	_ =	sdelay $0x3  }
0x48: {  	vm2 =	vgt.s32 v0, $0x0  }
0x49: {  	v0 =	vnsel vm2, $0x0, v0  }
0x4a: {  	v0 =	vmin.u32 v0, $0x4E1FF  }
0x4b: {  	v0 =	vshll.u32 v0, $0x4;
	_ =	sdelay $0x3  }
0x4c: {  	s16 =	sadd.s32 $0x800, s17  }
0x4d: {  	[tilespmem:s16], [sflag:$0x1] =	stream.indirect_vreg.gather [hbm:s4], $0x80, v0, vm0, $0x38;
	[tilespmem:$0x14280] =	vst v63  }
0x4e: {  	s16 =	sadd.s32 $0x400, s16  }
0x4f: {  	[tilespmem:s16], [sflag:$0x1] =	stream.indirect_vreg.gather [hbm:s4], $0x80, v0, vm1, $0x38;
	[tilespmem:$0x14280] =	vst v63  }
0x50: {  	s13 =	sshll.u32 s13, $0x4;
	_ =	swait.ge [sflag:s6], $0xA000  }
0x51: {  	s13 =	sadd.s32 s13, s9;
	[sflag:s6] =	ssyncset.done $0x0  }
0x52: {  	s17 =	sadd.s32 $0x0, s13;
	s16 =	simm.s32 $0x80;
	[sflag:s6] =	ssyncadd.s32 $0xFFFF6000  }
.LBB2_5:
0x53: {  	[hbm:s17] =	stream.linear.scatter [tilespmem:s14], [sflag:$0x3], $0x400, $0x38;
	[tilespmem:$0x14280] =	vst v63  }
0x54: {  	s17 =	smov.u32 s16;
	s14 =	smov.u32 s15;
	p1 =	sne.s32 s16, $0x1380  }
.Ltmp4:
0x55: {  	s16 =	sadd.s32 $0x80, s16;
	(pc) =	sbr.rel @p1 .LBB2_5-.Ltmp4, $2  }
0x56: {  	_ =	sdelay $0x2  }
0x57: {  	s15 =	sadd.s32 $0x400, s15;
	s17 =	sadd.s32 s17, s13  }
.Ltmp5:
0x58: {  	_ = 	snop;
	(pc) =	sbr.rel .LBB2_6-.Ltmp5, $1  }
0x59: {  	_ =	sdelay $0x3  }
.LBB2_8:
0x5a: {  	_ =	sfence.sel $0x180000  }
0x5b: {  	s2 =	simm.s32 $0x2;
	[bflag:$0x0] =	sbarrier.arrive $0xFFFF  }
0x5c: {  	s30 =	simm.s32 $0x3;
	[sflag:s2] =	ssyncpa.u1 $0x1  }
0x5d: {  	s31 =	simm.s32 $0x1;
	[sflag:s30] =	ssyncpa.u1 $0x1  }
0x5e: {  	[sflag:s31] =	ssyncpa.u1 $0x1  }
0x5f: {  	p0 =	sne.s32 s0, $0x0;
	_ =	strace $0x9000004A  }
0x60: {  	s0 =	sadd.s32 @!p0 $0x100000, s1;
	[bflag:$0x2] =	sbarrier.arrive $0xFFFF  }
0x61: {  	[sflag:s0] =	ssyncadd.tile.s32 @!p0 $0x1;
	_ =	shalt  }
.Lfunc_end2:
_tile_overlayer_lowered:
.L_overlay_start_2:
0x62: {  	(tag) =	ssettag $0x2  }
0x63: {  	s0 =	rddreg [dreg:$0x0];
	s2 =	stileid.u32  }
0x64: {  	s1 =	rddreg [dreg:$0x1];
	p0 =	sne.s32 s2, $0x0  }
0x65: {  	s3 =	rddreg [dreg:$0x2];
	[bflag:$0x3] =	sbarrier.arrive $0xFFFF;
	s2 =	simm.s32 @!p0 $0x1C01  }
0x66: {  	[timem:s3], [sflag:s2] =	dma.local @!p0 [hbm:s0], s1  }
0x67: {  	s0 =	simm.s32 @!p0 $0x1  }
0x68: {  	_ =	swait.ge @!p0 [sflag:s0], s1  }
0x69: {  	s1 =	ssub.s32 @!p0 $0x0, s1;
	[sflag:s0] =	ssyncset.done @!p0 $0x0  }
0x6a: {  	[sflag:s0] =	ssyncadd.s32 @!p0 s1  }
0x6b: {  	[bflag:$0x3] =	sbarrier.arrive $0xFFFF  }
0x6c: {  	_ =	shalt  }

// kernel: gather_offload_async_start.2
scs
__scs_entry_jumppad:
0x0: {  	(pc) =	sbr.rel $0x88, $3  }
0x1: {  	(tag) =	ssettag $0x0;
	lr =	simm.s32 $0x1  }
0x2: {  	[smem:$0x3F7E] =	sst lr;
	_ =	strace $0xD0000000  }
0x3: {  	_ = 	snop  }
0x4: {  	_ = 	snop  }
0x5: {  	_ = 	snop  }
0x6: {  	_ = 	snop  }
0x7: {  	_ = 	snop  }
__scs_overlays_trampoline_lowered:
0x8: {  	[smem:$0x3F8D] =	sst s0  }
0x9: {  	[smem:$0x3F8E] =	sst s1  }
0xa: {  	[smem:$0x3F8F] =	sst s2  }
0xb: {  	[smem:$0x3F90] =	sst s3  }
0xc: {  	[smem:$0x3F91] =	sst s4  }
0xd: {  	[smem:$0x3F92] =	sst s5  }
0xe: {  	[smem:$0x3F93] =	sst s6  }
0xf: {  	[smem:$0x3F94] =	sst s7  }
0x10: {  	[smem:$0x3F95] =	sst s8  }
0x11: {  	[smem:$0x3F96] =	sst s9;
	s0 =	simm.s32 @!p0 $0x0  }
0x12: {  	s1 =	sld [smem:$0x3F7C];
	s0 =	simm.s32 @p0 $0x1  }
0x13: {  	[smem:$0x3F97] =	sst s0;
	s0 =	simm.s32 @!p1 $0x0  }
0x14: {  	s2 =	sld [smem:$0x3F7B];
	s0 =	simm.s32 @p1 $0x1  }
0x15: {  	[smem:$0x3F98] =	sst s0;
	s0 =	simm.s32 @!p2 $0x0  }
0x16: {  	s3 =	sld [smem:$0x3FDB];
	s0 =	simm.s32 @p2 $0x1  }
0x17: {  	s4 =	simm.s32 $0x1BF5;
	[smem:$0x3F9A] =	sst s0  }
0x18: {  	s0 =	sld [smem:$0x3F7D];
	_ =	swait.ge [sflag:s4], $0x0  }
0x19: {  	s7 =	sld [smem:$0x3F7E]  }
0x1a: {  	s8 =	sadd.s32 $0xFFFFE003, lr  }
0x1b: {  	s9 =	sadd.s32 $0xFFFFFEF7, lr;
	s5 =	simm.s32 $0xFFFFFFFF;
	p2 =	slt.u32 s8, $0xFFFFF086  }
0x1c: {  	p1 =	slt.u32 s9, $0xF7A;
	s5 =	simm.s32 @!p2 $0x0  }
0x1d: {  	s5 =	simm.s32 @p1 $0x1;
	p0 =	seq.s32 s7, s2  }
0x1e: {  	s7 =	smul.u32 @!p0 $0xF7A, s2;
	p2 =	seq.s32 @!p0 s5, $0x0  }
0x1f: {  	s9 =	smul.u32 $0xF7A, s1;
	s8 =	simm.s32 @!p0 $0x1BF5;
	p2 =	por !p2, p0  }
0x20: {  	[sflag:s8] =	ssyncset.s32 @!p0 $0xFFFFF086;
	s6 =	sadd.s32 @!p0 s3, s7;
	s7 =	simm.s32 @!p0 $0x108  }
0x21: {  	s3 =	sadd.s32 s3, s9;
	s6 =	sadd.s32 @!p0 $0x88, s6;
	s7 =	simm.s32 @p2 $0x1082  }
0x22: {  	[simem:s7], [sflag:s8] =	dma.local @!p0 [hbm:s6], $0xF7A  }
0x23: {  	s9 =	sor.u32 $0xD0000000, s2;
	s6 =	simm.s32 $0x108;
	_ =	swait.ge @!p0 [sflag:s8], $0x0  }
0x24: {  	s3 =	sadd.s32 $0x88, s3;
	s6 =	simm.s32 @!p1 $0x1082;
	[sflag:s4] =	ssyncset.s32 $0xFFFFF086  }
0x25: {  	[simem:s6], [sflag:s4] =	dma.local [hbm:s3], $0xF7A  }
0x26: {  	[smem:$0x3F7E] =	sst s1;
	(tag) =	ssettag s2;
	_ =	strace s9  }
0x27: {  	s1 =	sld [smem:$0x3F8E]  }
0x28: {  	s2 =	sld [smem:$0x3F8F]  }
0x29: {  	s4 =	sld [smem:$0x3F91]  }
0x2a: {  	p0 =	seq.s32 s5, $0x0;
	s5 =	sld [smem:$0x3F92]  }
0x2b: {  	s6 =	sld [smem:$0x3F93]  }
0x2c: {  	s7 =	sld [smem:$0x3F94]  }
0x2d: {  	s3 =	simm.s32 $0x108;
	s8 =	sld [smem:$0x3F95]  }
0x2e: {  	s3 =	simm.s32 @!p0 $0x1082;
	s9 =	sld [smem:$0x3F96]  }
0x2f: {  	lr =	sadd.s32 s0, s3;
	s0 =	sld [smem:$0x3F8D]  }
0x30: {  	s3 =	sld [smem:$0x3F90]  }
0x31: {  	[smem:$0x3F99] =	sst s10  }
0x32: {  	s10 =	sld [smem:$0x3F97];
	_ =	sdelay $0x3  }
0x33: {  	p0 =	seq.s32 s10, $0x1;
	s10 =	sld [smem:$0x3F99];
	_ =	sdelay $0x3  }
0x34: {  	[smem:$0x3F99] =	sst s10  }
0x35: {  	s10 =	sld [smem:$0x3F98];
	_ =	sdelay $0x3  }
0x36: {  	p1 =	seq.s32 s10, $0x1;
	s10 =	sld [smem:$0x3F99];
	_ =	sdelay $0x3  }
0x37: {  	[smem:$0x3F99] =	sst s10  }
0x38: {  	s10 =	sld [smem:$0x3F9A]  }
0x39: {  	_ = 	snop;
	(pc) =	sbr.ind lr, $3  }
0x3a: {  	_ = 	snop  }
0x3b: {  	_ = 	snop  }
0x3c: {  	p2 =	seq.s32 s10, $0x1;
	s10 =	sld [smem:$0x3F99]  }
0x3d: {  	_ =	shalt  }
0x3e: {  	_ =	shalt  }
0x3f: {  	_ =	shalt  }
0x40: {  	_ =	shalt  }
0x41: {  	_ =	shalt  }
0x42: {  	_ =	shalt  }
0x43: {  	_ =	shalt  }
0x44: {  	_ =	shalt  }
0x45: {  	_ =	shalt  }
0x46: {  	_ =	shalt  }
0x47: {  	_ =	shalt  }
0x48: {  	_ =	shalt  }
0x49: {  	_ =	shalt  }
0x4a: {  	_ =	shalt  }
0x4b: {  	_ =	shalt  }
0x4c: {  	_ =	shalt  }
0x4d: {  	_ =	shalt  }
0x4e: {  	_ =	shalt  }
0x4f: {  	_ =	shalt  }
0x50: {  	_ =	shalt  }
0x51: {  	_ =	shalt  }
0x52: {  	_ =	shalt  }
0x53: {  	_ =	shalt  }
0x54: {  	_ =	shalt  }
0x55: {  	_ =	shalt  }
0x56: {  	_ =	shalt  }
0x57: {  	_ =	shalt  }
0x58: {  	_ =	shalt  }
0x59: {  	_ =	shalt  }
0x5a: {  	_ =	shalt  }
0x5b: {  	_ =	shalt  }
0x5c: {  	_ =	shalt  }
0x5d: {  	_ =	shalt  }
0x5e: {  	_ =	shalt  }
0x5f: {  	_ =	shalt  }
0x60: {  	_ =	shalt  }
0x61: {  	_ =	shalt  }
0x62: {  	_ =	shalt  }
0x63: {  	_ =	shalt  }
0x64: {  	_ =	shalt  }
0x65: {  	_ =	shalt  }
0x66: {  	_ =	shalt  }
0x67: {  	_ =	shalt  }
0x68: {  	_ =	shalt  }
0x69: {  	_ =	shalt  }
0x6a: {  	_ =	shalt  }
0x6b: {  	_ =	shalt  }
0x6c: {  	_ =	shalt  }
0x6d: {  	_ =	shalt  }
0x6e: {  	_ =	shalt  }
0x6f: {  	_ =	shalt  }
0x70: {  	_ =	shalt  }
0x71: {  	_ =	shalt  }
0x72: {  	_ =	shalt  }
0x73: {  	_ =	shalt  }
0x74: {  	_ =	shalt  }
0x75: {  	_ =	shalt  }
0x76: {  	_ =	shalt  }
0x77: {  	_ =	shalt  }
0x78: {  	_ =	shalt  }
0x79: {  	_ =	shalt  }
0x7a: {  	_ =	shalt  }
0x7b: {  	_ =	shalt  }
0x7c: {  	_ =	shalt  }
0x7d: {  	_ =	shalt  }
0x7e: {  	_ =	shalt  }
0x7f: {  	_ =	shalt  }
0x80: {  	_ =	shalt  }
0x81: {  	_ =	shalt  }
0x82: {  	_ =	shalt  }
0x83: {  	_ =	shalt  }
0x84: {  	_ =	shalt  }
0x85: {  	_ =	shalt  }
0x86: {  	_ =	shalt  }
0x87: {  	_ =	shalt  }
.Lfunc_end0:
.L_simem_size_0:
called_computation.6_lowered:
.L_overlay_start_0:
0x88: {  	s2 =	sld [smem:$0x3FD9]  }
0x89: {  	s3 =	sld [smem:$0x3FFE];
	_ =	sdelay $0x1  }
0x8a: {  	s1 =	srdreg.scid  }
0x8b: {  	s0 =	sand.u32 $0x1, s1  }
0x8c: {  	s14 =	sshll.u32 s0, $0xA;
	s2 =	sadd.s32 s3, s2  }
0x8d: {  	s2 =	sadd.s32 s2, s14  }
0x8e: {  	[smem:$0x3FA5] =	sst s2  }
0x8f: {  	_ = 	snop  }
0x90: {  	s2 =	sld [smem:$0x3FD0];
	_ =	sdelay $0x2  }
0x91: {  	s15 =	simm.s32 $0x11;
	s4 =	simm.s32 $0x10  }
0x92: {  	[smem:s4], [sflag:s15] =	dma.local [hbm:s2], $0x1  }
0x93: {  	_ =	swait.eq [sflag:s15], $0x1  }
0x94: {  	[sflag:s15] =	ssyncset.done $0x0  }
0x95: {  	[sflag:s15] =	ssyncadd.s32 $0xFFFFFFFF  }
0x96: {  	s16 =	sld [smem:$0x11];
	(tm) =	ssettm $0x1  }
0x97: {  	s17 =	sld [smem:$0x3FFB];
	_ =	sdelay $0x3  }
0x98: {  	_ =	strace s17  }
0x99: {  	s3 =	sld [smem:$0x3FFC];
	_ =	sdelay $0x3  }
0x9a: {  	_ =	strace s3  }
0x9b: {  	s3 =	sld [smem:$0x3FFD];
	_ =	sdelay $0x3  }
0x9c: {  	_ =	strace s3  }
0x9d: {  	_ =	strace $0x8FFFFFFF  }
0x9e: {  	s18 =	sld [smem:$0x3FDB];
	_ =	sdelay $0x1  }
0x9f: {  	s19 =	simm.s32 $_scs_section_size  }
0xa0: {  	s5 =	simm.s32 $_size__tile_overlayer_lowered;
	s6 =	simm.s32 $_tile_overlayer_lowered  }
0xa1: {  	s22 =	simm.s32 $0x1BFF;
	s21 =	sshll.u32 s6, $0x1;
	s3 =	sadd.s32 s19, s18  }
0xa2: {  	s7 =	simm.s32 $0x0;
	s20 =	sshll.u32 s5, $0x1;
	s5 =	sadd.s32 s21, s3  }
0xa3: {  	[timem:s7], [sflag:s22] =	dma.local [hbm:s5], s20  }
0xa4: {  	_ =	swait.ge [sflag:s22], s20  }
0xa5: {  	s4 =	ssub.s32 $0x0, s20;
	[sflag:s22] =	ssyncset.done $0x0  }
0xa6: {  	[sflag:s22] =	ssyncadd.s32 s4;
	_ =	sdelay $0x1  }
0xa7: {  	s23 =	simm.s32 $0x1B8B  }
0xa8: {  	_ =	swait.ge [sflag:s23], $0x1  }
0xa9: {  	[sflag:s23] =	ssyncset.done $0x0  }
0xaa: {  	s25 =	simm.s32 $0x1B8E;
	s24 =	sld [smem:$0x3FFE];
	[sflag:s23] =	ssyncadd.s32 $0xFFFFFFFF  }
0xab: {  	s26 =	simm.s32 $execute0_lowered;
	[smem:$0x3FD2] =	sst s25  }
0xac: {  	s5 =	sshll.u32 s26, $0x1;
	_ =	strace $0x80000046;
	[dreg:$0x1] =	wrdreg $0xFFFFFFFF  }
0xad: {  	s28 =	simm.s32 $_size_execute0_lowered;
	s3 =	sadd.s32 s3, s5;
	[dreg:$0x0] =	wrdreg $0x0  }
0xae: {  	s5 =	sshll.u32 s28, $0x1;
	[dreg:$0x2] =	wrdreg s3  }
0xaf: {  	[dreg:$0x3] =	wrdreg s5  }
0xb0: {  	[dreg:$0x4] =	wrdreg $0xC0  }
0xb1: {  	_ =	task [dreg:s7], $0x5FFFF  }
0xb2: {  	[dreg:$0x1] =	wrdreg $0xFFFFFFFF  }
0xb3: {  	[dreg:$0x0] =	wrdreg $0x60  }
0xb4: {  	[dreg:$0x2] =	wrdreg s16  }
0xb5: {  	[dreg:$0x3] =	wrdreg s24  }
0xb6: {  	[dreg:$0x4] =	wrdreg $0xF  }
0xb7: {  	_ =	task.clear_ibuf [dreg:s7], $0x5FFFF;
	_ =	strace $0x90000046  }
0xb8: {  	s29 =	simm.s32 $0xF;
	_ =	strace $0x80000048  }
0xb9: {  	_ =	swait.ge [sflag:s29], $0x1  }
0xba: {  	[sflag:s29] =	ssyncadd.s32 $0xFFFFFFFF  }
0xbb: {  	_ =	strace $0x90000048  }
0xbc: {  	_ =	sfence  }
0xbd: {  	s30 =	sld [smem:$0x0];
	_ =	sdelay $0x2  }
0xbe: {  	s31 =	sshll.u32 s1, $0xD;
	s1 =	sshrl.u32 s1, $0x2  }
0xbf: {  	s3 =	sand.u32 $0x4000, s31;
	s1 =	sadd.s32 s1, s30  }
0xc0: {  	s0 =	sor.u32 s3, s0;
	s1 =	sshll.u32 s1, $0x11  }
0xc1: {  	s0 =	sor.u32 s1, s0  }
0xc2: {  	s0 =	sadd.s32 $0x8F2B, s0  }
0xc3: {  	[sflag:s0] =	ssyncadd.remote.s32 $0x1  }
0xc4: {  	_ =	sfence.sel $0xFFFF  }
0xc5: {  	[dreg:$0x0] =	wrdreg $0xFFFFFFFF;
	(pc) =	sbr.abs _section_cstart, $3  }
0xc6: {  	[dreg:$0x1] =	wrdreg $0xFFFFFFFF  }
0xc7: {  	_ =	task.clear_ibuf [dreg:s7], $0x2FFFF;
	_ =	strace $0x9FFFFFFF  }
0xc8: {  	(tm) =	ssettm $0x7FFFFFFF  }
0xc9: {  	_ =	shalt  }
tec
execute0_lowered:
.L_overlay_start_1:
0x0: {  	(tag) =	ssettag $0x1  }
0x1: {  	s0 =	srdreg.scid  }
0x2: {  	s1 =	sshll.u32 s0, $0x4  }
0x3: {  	s0 =	stileid.u32;
	s1 =	sand.u32 $0x10, s1  }
0x4: {  	s2 =	sor.u32 s0, s1  }
0x5: {  	s3 =	smul.u32 $0x3E, s2  }
0x6: {  	s1 =	sshrl.u32 s1, $0x4;
	s2 =	smin.u32 s2, $0x10  }
0x7: {  	s1 =	sxor.u32 $0x3F, s1;
	s2 =	sadd.s32 s2, s3  }
0x8: {  	s1 =	sadd.s32 s1, s2  }
0x9: {  	s1 =	smul.u32 $0x140, s1  }
0xa: {  	s2 =	smul.u32 $0x140, s2  }
0xb: {  	s3 =	smin.u32 s1, $0x9C400  }
0xc: {  	s7 =	ssub.s32 s3, s2  }
0xd: {  	p0 =	sgt.s32 s7, $0x0  }
0xe: {  	s7 =	simm.s32 @!p0 $0x0  }
0xf: {  	s4 =	rddreg [dreg:$0x0];
	s31 =	smulhi.u32 $0x66666667, s7  }
0x10: {  	s9 =	rddreg [dreg:$0x1];
	s6 =	simm.s32 $0x1  }
0x11: {  	s11 =	simm.s32 $0x3;
	s13 =	simm.s32 $0x0;
	s8 =	sshrl.u32 s31, $0x7  }
0x12: {  	s12 =	simm.s32 $0x0;
	s5 =	sadd.s32 $0x10600, s9;
	s10 =	smul.u32 $0x140, s8  }
.Ltmp0:
0x13: {  	s9 =	sadd.s32 $0x13D3200, s9;
	s1 =	rddreg [dreg:$0x2];
	(pc) =	sbr.rel .LBB2_1-.Ltmp0, $4  }
0x14: {  	_ =	strace $0x80000047;
	p0 =	sne.s32 s7, s10;
	s10 =	simm.s32 $0x1  }
0x15: {  	[sflag:s6] =	ssyncpa.u1 $0x0;
	s7 =	simm.s32 $0x2;
	s10 =	simm.s32 @!p0 $0x0  }
0x16: {  	[sflag:s7] =	ssyncpa.u1 $0x0;
	p0 =	por $0x0, $0x0;
	s8 =	sadd.s32 s10, s8  }
0x17: {  	vm0 =	vmmov $0xff;
	vm1 =	vcmask $0x3F20;
	[sflag:s11] =	ssyncpa.u1 $0x0;
	s11 =	smov.u32 s2;
	s10 =	sadd.s32 $0x1, s8  }
.LBB2_6:
0x18: {  	[hbm:s17] =	stream.linear.scatter [tilespmem:s14], [sflag:$0x3], $0x400, $0x38;
	[tilespmem:$0x14280] =	vst v63  }
.LBB2_7:
0x19: {  	s13 =	sadd.s32 $0x140, s11  }
0x1a: {  	s15 =	smov.u32 s2;
	p2 =	slt.s32 s13, s3  }
0x1b: {  	s15 =	smov.u32 @p2 s13;
	p2 =	sne.s32 s12, s10  }
.Ltmp1:
0x1c: {  	p1 =	slt.u32 s12, $0x2;
	(pc) =	sbr.rel @!p2 .LBB2_8-.Ltmp1, $4  }
0x1d: {  	s14 =	simm.s32 @!p1 $0x3  }
0x1e: {  	s16 =	sadd.s32 $0x1, s12;
	_ =	swait.ge @!p1 [sflag:s14], $0xA000  }
0x1f: {  	p0 =	por !p0, !p0;
	s13 =	smov.u32 s11;
	[sflag:s14] =	ssyncset.done @!p1 $0x0  }
0x20: {  	s12 =	smov.u32 s16;
	s11 =	smov.u32 s15;
	[sflag:s14] =	ssyncadd.s32 @!p1 $0xFFFF6000  }
.LBB2_1:
0x21: {  	p1 =	sge.u32 s12, s8  }
0x22: {  	s14 =	sxor.u32 @!p1 $0xFFFFFFFF, s12  }
0x23: {  	s14 =	sand.u32 @!p1 $0x1, s14  }
0x24: {  	s14 =	smul.u32 @!p1 $0x500, s14  }
0x25: {  	s31 =	sadd.s32 $0xFFFFFFFF, s12;
	s15 =	sshrl.u32 @!p1 s11, $0x3  }
0x26: {  	s16 =	sand.u32 @!p1 $0x7, s11;
	s15 =	sadd.s32 @!p1 s5, s15;
	s14 =	sshrl.u32 @!p1 s14, $0x2  }
0x27: {  	[tilespmem:s14], [sflag:$0x2] =	stream.linear.gather @!p1 [hbm4b:s15+s16], $0x140, $0x38;
	[tilespmem:$0x14280] =	vst v63  }
0x28: {  	p1 =	sge.u32 s31, s8  }
.Ltmp2:
0x29: {  	_ = 	snop;
	(pc) =	sbr.rel @p1 .LBB2_7-.Ltmp2, $1  }
0x2a: {  	_ =	sdelay $0x3  }
0x2b: {  	s14 =	simm.s32 $0x1  }
0x2c: {  	s14 =	simm.s32 @!p0 $0x0  }
0x2d: {  	s15 =	smul.u32 $0x500, s14  }
0x2e: {  	_ =	swait.ge [sflag:s7], $0x140  }
0x2f: {  	[sflag:s7] =	ssyncset.done $0x0;
	s16 =	sshrl.u32 s15, $0x2  }
0x30: {  	[sflag:s7] =	ssyncadd.s32 $0xFFFFFEC0;
	s15 =	sadd.s32 $0x0, s16  }
0x31: {  	v0 =	vld.msk [tilespmem:s15+$0x0 ss:$0x1], $0xffff;
	_ =	sdelay $0x4  }
0x32: {  	vm2 =	vgt.s32 v0, $0x0  }
0x33: {  	v0 =	vnsel vm2, $0x0, v0  }
0x34: {  	v0 =	vmin.u32 v0, $0x4E1FF  }
0x35: {  	v0 =	vshll.u32 v0, $0x4  }
0x36: {  	s14 =	smul.u32 $0x28000, s14;
	_ =	sdelay $0x1  }
0x37: {  	s14 =	sshrl.u32 s14, $0x2  }
0x38: {  	s14 =	sor.u32 $0x280, s14  }
0x39: {  	[tilespmem:s14], [sflag:$0x1] =	stream.indirect_vreg.gather [hbm:s4], $0x80, v0, vm0, $0x38;
	[tilespmem:$0x14280] =	vst v63  }
0x3a: {  	s17 =	sadd.s32 $0x10, s16;
	s15 =	sadd.s32 $0x400, s14  }
0x3b: {  	[tilespmem:s15], [sflag:$0x1] =	stream.indirect_vreg.gather [hbm:s4], $0x80, v0, vm1, $0x38;
	[tilespmem:$0x14280] =	vst v63  }
0x3c: {  	s18 =	simm.s32 $0x80;
	v0 =	vld.msk [tilespmem:s17+$0x0 ss:$0x1], $0xffff;
	s17 =	smov.u32 s14  }
.LBB2_3:
0x3d: {  	p1 =	sne.s32 s18, $0x4C0;
	_ =	sdelay $0x4  }
0x3e: {  	vm2 =	vgt.s32 v0, $0x0  }
0x3f: {  	v0 =	vnsel vm2, $0x0, v0  }
0x40: {  	v0 =	vmin.u32 v0, $0x4E1FF  }
0x41: {  	v0 =	vshll.u32 v0, $0x4;
	_ =	sdelay $0x3  }
.Ltmp3:
0x42: {  	s19 =	sshra.s32 s18, $0x2;
	s17 =	sadd.s32 $0x800, s17;
	(pc) =	sbr.rel @p1 .LBB2_3-.Ltmp3, $4  }
0x43: {  	[tilespmem:s17], [sflag:$0x1] =	stream.indirect_vreg.gather [hbm:s4], $0x80, v0, vm0, $0x38;
	[tilespmem:$0x14280] =	vst v63  }
0x44: {  	s19 =	sadd.s32 s19, s16;
	s20 =	sadd.s32 $0x400, s17  }
0x45: {  	[tilespmem:s20], [sflag:$0x1] =	stream.indirect_vreg.gather [hbm:s4], $0x80, v0, vm1, $0x38;
	[tilespmem:$0x14280] =	vst v63  }
0x46: {  	s18 =	sadd.s32 $0x40, s18;
	v0 =	vld.msk [tilespmem:s19+$0x0 ss:$0x1], $0xffff  }
0x47: {  	_ =	sdelay $0x3  }
0x48: {  	vm2 =	vgt.s32 v0, $0x0  }
0x49: {  	v0 =	vnsel vm2, $0x0, v0  }
0x4a: {  	v0 =	vmin.u32 v0, $0x4E1FF  }
0x4b: {  	v0 =	vshll.u32 v0, $0x4;
	_ =	sdelay $0x3  }
0x4c: {  	s16 =	sadd.s32 $0x800, s17  }
0x4d: {  	[tilespmem:s16], [sflag:$0x1] =	stream.indirect_vreg.gather [hbm:s4], $0x80, v0, vm0, $0x38;
	[tilespmem:$0x14280] =	vst v63  }
0x4e: {  	s16 =	sadd.s32 $0x400, s16  }
0x4f: {  	[tilespmem:s16], [sflag:$0x1] =	stream.indirect_vreg.gather [hbm:s4], $0x80, v0, vm1, $0x38;
	[tilespmem:$0x14280] =	vst v63  }
0x50: {  	s13 =	sshll.u32 s13, $0x4;
	_ =	swait.ge [sflag:s6], $0xA000  }
0x51: {  	s13 =	sadd.s32 s13, s9;
	[sflag:s6] =	ssyncset.done $0x0  }
0x52: {  	s17 =	sadd.s32 $0x0, s13;
	s16 =	simm.s32 $0x80;
	[sflag:s6] =	ssyncadd.s32 $0xFFFF6000  }
.LBB2_5:
0x53: {  	[hbm:s17] =	stream.linear.scatter [tilespmem:s14], [sflag:$0x3], $0x400, $0x38;
	[tilespmem:$0x14280] =	vst v63  }
0x54: {  	s17 =	smov.u32 s16;
	s14 =	smov.u32 s15;
	p1 =	sne.s32 s16, $0x1380  }
.Ltmp4:
0x55: {  	s16 =	sadd.s32 $0x80, s16;
	(pc) =	sbr.rel @p1 .LBB2_5-.Ltmp4, $2  }
0x56: {  	_ =	sdelay $0x2  }
0x57: {  	s15 =	sadd.s32 $0x400, s15;
	s17 =	sadd.s32 s17, s13  }
.Ltmp5:
0x58: {  	_ = 	snop;
	(pc) =	sbr.rel .LBB2_6-.Ltmp5, $1  }
0x59: {  	_ =	sdelay $0x3  }
.LBB2_8:
0x5a: {  	_ =	sfence.sel $0x180000  }
0x5b: {  	s2 =	simm.s32 $0x2;
	[bflag:$0x0] =	sbarrier.arrive $0xFFFF  }
0x5c: {  	s30 =	simm.s32 $0x3;
	[sflag:s2] =	ssyncpa.u1 $0x1  }
0x5d: {  	s31 =	simm.s32 $0x1;
	[sflag:s30] =	ssyncpa.u1 $0x1  }
0x5e: {  	[sflag:s31] =	ssyncpa.u1 $0x1  }
0x5f: {  	p0 =	sne.s32 s0, $0x0;
	_ =	strace $0x90000047  }
0x60: {  	s0 =	sadd.s32 @!p0 $0x100000, s1;
	[bflag:$0x2] =	sbarrier.arrive $0xFFFF  }
0x61: {  	[sflag:s0] =	ssyncadd.tile.s32 @!p0 $0x1;
	_ =	shalt  }
.Lfunc_end2:
_tile_overlayer_lowered:
.L_overlay_start_2:
0x62: {  	(tag) =	ssettag $0x2  }
0x63: {  	s0 =	rddreg [dreg:$0x0];
	s2 =	stileid.u32  }
0x64: {  	s1 =	rddreg [dreg:$0x1];
	p0 =	sne.s32 s2, $0x0  }
0x65: {  	s3 =	rddreg [dreg:$0x2];
	[bflag:$0x3] =	sbarrier.arrive $0xFFFF;
	s2 =	simm.s32 @!p0 $0x1C01  }
0x66: {  	[timem:s3], [sflag:s2] =	dma.local @!p0 [hbm:s0], s1  }
0x67: {  	s0 =	simm.s32 @!p0 $0x1  }
0x68: {  	_ =	swait.ge @!p0 [sflag:s0], s1  }
0x69: {  	s1 =	ssub.s32 @!p0 $0x0, s1;
	[sflag:s0] =	ssyncset.done @!p0 $0x0  }
0x6a: {  	[sflag:s0] =	ssyncadd.s32 @!p0 s1  }
0x6b: {  	[bflag:$0x3] =	sbarrier.arrive $0xFFFF  }
0x6c: {  	_ =	shalt  }

// kernel: gather_offload_async_start
scs
__scs_entry_jumppad:
0x0: {  	(pc) =	sbr.rel $0x88, $3  }
0x1: {  	(tag) =	ssettag $0x0;
	lr =	simm.s32 $0x1  }
0x2: {  	[smem:$0x3F7E] =	sst lr;
	_ =	strace $0xD0000000  }
0x3: {  	_ = 	snop  }
0x4: {  	_ = 	snop  }
0x5: {  	_ = 	snop  }
0x6: {  	_ = 	snop  }
0x7: {  	_ = 	snop  }
__scs_overlays_trampoline_lowered:
0x8: {  	[smem:$0x3F8D] =	sst s0  }
0x9: {  	[smem:$0x3F8E] =	sst s1  }
0xa: {  	[smem:$0x3F8F] =	sst s2  }
0xb: {  	[smem:$0x3F90] =	sst s3  }
0xc: {  	[smem:$0x3F91] =	sst s4  }
0xd: {  	[smem:$0x3F92] =	sst s5  }
0xe: {  	[smem:$0x3F93] =	sst s6  }
0xf: {  	[smem:$0x3F94] =	sst s7  }
0x10: {  	[smem:$0x3F95] =	sst s8  }
0x11: {  	[smem:$0x3F96] =	sst s9;
	s0 =	simm.s32 @!p0 $0x0  }
0x12: {  	s1 =	sld [smem:$0x3F7C];
	s0 =	simm.s32 @p0 $0x1  }
0x13: {  	[smem:$0x3F97] =	sst s0;
	s0 =	simm.s32 @!p1 $0x0  }
0x14: {  	s2 =	sld [smem:$0x3F7B];
	s0 =	simm.s32 @p1 $0x1  }
0x15: {  	[smem:$0x3F98] =	sst s0;
	s0 =	simm.s32 @!p2 $0x0  }
0x16: {  	s3 =	sld [smem:$0x3FDB];
	s0 =	simm.s32 @p2 $0x1  }
0x17: {  	s4 =	simm.s32 $0x1BF5;
	[smem:$0x3F9A] =	sst s0  }
0x18: {  	s0 =	sld [smem:$0x3F7D];
	_ =	swait.ge [sflag:s4], $0x0  }
0x19: {  	s7 =	sld [smem:$0x3F7E]  }
0x1a: {  	s8 =	sadd.s32 $0xFFFFE003, lr  }
0x1b: {  	s9 =	sadd.s32 $0xFFFFFEF7, lr;
	s5 =	simm.s32 $0xFFFFFFFF;
	p2 =	slt.u32 s8, $0xFFFFF086  }
0x1c: {  	p1 =	slt.u32 s9, $0xF7A;
	s5 =	simm.s32 @!p2 $0x0  }
0x1d: {  	s5 =	simm.s32 @p1 $0x1;
	p0 =	seq.s32 s7, s2  }
0x1e: {  	s7 =	smul.u32 @!p0 $0xF7A, s2;
	p2 =	seq.s32 @!p0 s5, $0x0  }
0x1f: {  	s9 =	smul.u32 $0xF7A, s1;
	s8 =	simm.s32 @!p0 $0x1BF5;
	p2 =	por !p2, p0  }
0x20: {  	[sflag:s8] =	ssyncset.s32 @!p0 $0xFFFFF086;
	s6 =	sadd.s32 @!p0 s3, s7;
	s7 =	simm.s32 @!p0 $0x108  }
0x21: {  	s3 =	sadd.s32 s3, s9;
	s6 =	sadd.s32 @!p0 $0x88, s6;
	s7 =	simm.s32 @p2 $0x1082  }
0x22: {  	[simem:s7], [sflag:s8] =	dma.local @!p0 [hbm:s6], $0xF7A  }
0x23: {  	s9 =	sor.u32 $0xD0000000, s2;
	s6 =	simm.s32 $0x108;
	_ =	swait.ge @!p0 [sflag:s8], $0x0  }
0x24: {  	s3 =	sadd.s32 $0x88, s3;
	s6 =	simm.s32 @!p1 $0x1082;
	[sflag:s4] =	ssyncset.s32 $0xFFFFF086  }
0x25: {  	[simem:s6], [sflag:s4] =	dma.local [hbm:s3], $0xF7A  }
0x26: {  	[smem:$0x3F7E] =	sst s1;
	(tag) =	ssettag s2;
	_ =	strace s9  }
0x27: {  	s1 =	sld [smem:$0x3F8E]  }
0x28: {  	s2 =	sld [smem:$0x3F8F]  }
0x29: {  	s4 =	sld [smem:$0x3F91]  }
0x2a: {  	p0 =	seq.s32 s5, $0x0;
	s5 =	sld [smem:$0x3F92]  }
0x2b: {  	s6 =	sld [smem:$0x3F93]  }
0x2c: {  	s7 =	sld [smem:$0x3F94]  }
0x2d: {  	s3 =	simm.s32 $0x108;
	s8 =	sld [smem:$0x3F95]  }
0x2e: {  	s3 =	simm.s32 @!p0 $0x1082;
	s9 =	sld [smem:$0x3F96]  }
0x2f: {  	lr =	sadd.s32 s0, s3;
	s0 =	sld [smem:$0x3F8D]  }
0x30: {  	s3 =	sld [smem:$0x3F90]  }
0x31: {  	[smem:$0x3F99] =	sst s10  }
0x32: {  	s10 =	sld [smem:$0x3F97];
	_ =	sdelay $0x3  }
0x33: {  	p0 =	seq.s32 s10, $0x1;
	s10 =	sld [smem:$0x3F99];
	_ =	sdelay $0x3  }
0x34: {  	[smem:$0x3F99] =	sst s10  }
0x35: {  	s10 =	sld [smem:$0x3F98];
	_ =	sdelay $0x3  }
0x36: {  	p1 =	seq.s32 s10, $0x1;
	s10 =	sld [smem:$0x3F99];
	_ =	sdelay $0x3  }
0x37: {  	[smem:$0x3F99] =	sst s10  }
0x38: {  	s10 =	sld [smem:$0x3F9A]  }
0x39: {  	_ = 	snop;
	(pc) =	sbr.ind lr, $3  }
0x3a: {  	_ = 	snop  }
0x3b: {  	_ = 	snop  }
0x3c: {  	p2 =	seq.s32 s10, $0x1;
	s10 =	sld [smem:$0x3F99]  }
0x3d: {  	_ =	shalt  }
0x3e: {  	_ =	shalt  }
0x3f: {  	_ =	shalt  }
0x40: {  	_ =	shalt  }
0x41: {  	_ =	shalt  }
0x42: {  	_ =	shalt  }
0x43: {  	_ =	shalt  }
0x44: {  	_ =	shalt  }
0x45: {  	_ =	shalt  }
0x46: {  	_ =	shalt  }
0x47: {  	_ =	shalt  }
0x48: {  	_ =	shalt  }
0x49: {  	_ =	shalt  }
0x4a: {  	_ =	shalt  }
0x4b: {  	_ =	shalt  }
0x4c: {  	_ =	shalt  }
0x4d: {  	_ =	shalt  }
0x4e: {  	_ =	shalt  }
0x4f: {  	_ =	shalt  }
0x50: {  	_ =	shalt  }
0x51: {  	_ =	shalt  }
0x52: {  	_ =	shalt  }
0x53: {  	_ =	shalt  }
0x54: {  	_ =	shalt  }
0x55: {  	_ =	shalt  }
0x56: {  	_ =	shalt  }
0x57: {  	_ =	shalt  }
0x58: {  	_ =	shalt  }
0x59: {  	_ =	shalt  }
0x5a: {  	_ =	shalt  }
0x5b: {  	_ =	shalt  }
0x5c: {  	_ =	shalt  }
0x5d: {  	_ =	shalt  }
0x5e: {  	_ =	shalt  }
0x5f: {  	_ =	shalt  }
0x60: {  	_ =	shalt  }
0x61: {  	_ =	shalt  }
0x62: {  	_ =	shalt  }
0x63: {  	_ =	shalt  }
0x64: {  	_ =	shalt  }
0x65: {  	_ =	shalt  }
0x66: {  	_ =	shalt  }
0x67: {  	_ =	shalt  }
0x68: {  	_ =	shalt  }
0x69: {  	_ =	shalt  }
0x6a: {  	_ =	shalt  }
0x6b: {  	_ =	shalt  }
0x6c: {  	_ =	shalt  }
0x6d: {  	_ =	shalt  }
0x6e: {  	_ =	shalt  }
0x6f: {  	_ =	shalt  }
0x70: {  	_ =	shalt  }
0x71: {  	_ =	shalt  }
0x72: {  	_ =	shalt  }
0x73: {  	_ =	shalt  }
0x74: {  	_ =	shalt  }
0x75: {  	_ =	shalt  }
0x76: {  	_ =	shalt  }
0x77: {  	_ =	shalt  }
0x78: {  	_ =	shalt  }
0x79: {  	_ =	shalt  }
0x7a: {  	_ =	shalt  }
0x7b: {  	_ =	shalt  }
0x7c: {  	_ =	shalt  }
0x7d: {  	_ =	shalt  }
0x7e: {  	_ =	shalt  }
0x7f: {  	_ =	shalt  }
0x80: {  	_ =	shalt  }
0x81: {  	_ =	shalt  }
0x82: {  	_ =	shalt  }
0x83: {  	_ =	shalt  }
0x84: {  	_ =	shalt  }
0x85: {  	_ =	shalt  }
0x86: {  	_ =	shalt  }
0x87: {  	_ =	shalt  }
.Lfunc_end0:
.L_simem_size_0:
called_computation.4_lowered:
.L_overlay_start_0:
0x88: {  	s2 =	sld [smem:$0x3FD9]  }
0x89: {  	s3 =	sld [smem:$0x3FFE];
	_ =	sdelay $0x1  }
0x8a: {  	s1 =	srdreg.scid  }
0x8b: {  	s0 =	sand.u32 $0x1, s1  }
0x8c: {  	s17 =	sshll.u32 s0, $0xA;
	s2 =	sadd.s32 s3, s2  }
0x8d: {  	s2 =	sadd.s32 s2, s17  }
0x8e: {  	[smem:$0x3FA5] =	sst s2  }
0x8f: {  	_ = 	snop  }
0x90: {  	(tm) =	ssettm $0x1  }
0x91: {  	s18 =	sld [smem:$0x3FFB];
	_ =	sdelay $0x3  }
0x92: {  	_ =	strace s18  }
0x93: {  	s2 =	sld [smem:$0x3FFC];
	_ =	sdelay $0x3  }
0x94: {  	_ =	strace s2  }
0x95: {  	s2 =	sld [smem:$0x3FFD];
	_ =	sdelay $0x3  }
0x96: {  	_ =	strace s2  }
0x97: {  	_ =	strace $0x8FFFFFFF  }
0x98: {  	s19 =	sld [smem:$0x3FDB];
	_ =	sdelay $0x1  }
0x99: {  	s20 =	simm.s32 $_scs_section_size  }
0x9a: {  	s4 =	simm.s32 $_size__tile_overlayer_lowered;
	s5 =	simm.s32 $_tile_overlayer_lowered  }
0x9b: {  	s6 =	simm.s32 $0x1BFF;
	s21 =	sshll.u32 s5, $0x1;
	s3 =	sadd.s32 s20, s19  }
0x9c: {  	s22 =	simm.s32 $0x0;
	s4 =	sshll.u32 s4, $0x1;
	s5 =	sadd.s32 s21, s3  }
0x9d: {  	[timem:s22], [sflag:s6] =	dma.local [hbm:s5], s4  }
0x9e: {  	_ =	swait.ge [sflag:s6], s4  }
0x9f: {  	s4 =	ssub.s32 $0x0, s4;
	[sflag:s6] =	ssyncset.done $0x0  }
0xa0: {  	[sflag:s6] =	ssyncadd.s32 s4;
	_ =	sdelay $0x1  }
0xa1: {  	s23 =	simm.s32 $0x1B8B  }
0xa2: {  	_ =	swait.ge [sflag:s23], $0x1  }
0xa3: {  	[sflag:s23] =	ssyncset.done $0x0  }
0xa4: {  	[sflag:s23] =	ssyncadd.s32 $0xFFFFFFFF  }
0xa5: {  	s4 =	sld [smem:$0x0]  }
0xa6: {  	s5 =	sand.u32 $0xFFFFFFFE, s1  }
0xa7: {  	p0 =	sne.s32 s1, s5  }
0xa8: {  	s5 =	sshll.u32 @p0 s5, $0xE  }
0xa9: {  	s5 =	sadd.s32 @p0 $0x11B8D, s5;
	s6 =	sshll.u32 @p0 s4, $0x11  }
0xaa: {  	s5 =	sor.u32 @p0 s6, s5  }
0xab: {  	[sflag:s5] =	ssyncadd.remote.s32 @p0 $0x1;
	_ =	sdelay $0x1  }
0xac: {  	s5 =	simm.s32 @p0 $0x1B8D  }
0xad: {  	_ =	swait.eq @p0 [sflag:s5], $0x1  }
0xae: {  	[sflag:s5] =	ssyncadd.s32 @p0 $0xFFFFFFFF  }
0xaf: {  	s6 =	sshll.u32 @!p0 s1, $0xE  }
0xb0: {  	s6 =	sor.u32 @!p0 $0x4000, s6;
	s5 =	simm.s32 @!p0 $0x1B8D  }
0xb1: {  	s4 =	sshll.u32 @!p0 s4, $0x11;
	s6 =	sadd.s32 @!p0 $0x11B8D, s6;
	_ =	swait.eq @!p0 [sflag:s5], $0x1  }
0xb2: {  	s4 =	sor.u32 @!p0 s4, s6;
	[sflag:s5] =	ssyncadd.s32 @!p0 $0xFFFFFFFF  }
0xb3: {  	s25 =	simm.s32 $0x1B8E;
	s24 =	sld [smem:$0x3FFE];
	[sflag:s4] =	ssyncadd.remote.s32 @!p0 $0x1  }
0xb4: {  	s26 =	simm.s32 $execute0_lowered;
	[smem:$0x3FD2] =	sst s25  }
0xb5: {  	s5 =	sshll.u32 s26, $0x1;
	_ =	strace $0x8000004C;
	[dreg:$0x1] =	wrdreg $0xFFFFFFFF  }
0xb6: {  	s28 =	simm.s32 $_size_execute0_lowered;
	s3 =	sadd.s32 s3, s5;
	[dreg:$0x0] =	wrdreg $0x0  }
0xb7: {  	s5 =	sshll.u32 s28, $0x1;
	[dreg:$0x2] =	wrdreg s3  }
0xb8: {  	[dreg:$0x3] =	wrdreg s5  }
0xb9: {  	[dreg:$0x4] =	wrdreg $0xC0  }
0xba: {  	_ =	task [dreg:s22], $0x5FFFF  }
0xbb: {  	[dreg:$0x1] =	wrdreg $0xFFFFFFFF  }
0xbc: {  	[dreg:$0x0] =	wrdreg $0x60  }
0xbd: {  	[dreg:$0x2] =	wrdreg s24  }
0xbe: {  	[dreg:$0x3] =	wrdreg $0xD  }
0xbf: {  	_ =	task.clear_ibuf [dreg:s22], $0x4FFFF;
	_ =	strace $0x9000004C  }
0xc0: {  	s29 =	simm.s32 $0xD;
	_ =	strace $0x8000004E  }
0xc1: {  	_ =	swait.ge [sflag:s29], $0x1  }
0xc2: {  	[sflag:s29] =	ssyncadd.s32 $0xFFFFFFFF  }
0xc3: {  	_ =	strace $0x9000004E  }
0xc4: {  	_ =	sfence  }
0xc5: {  	s30 =	sld [smem:$0x0];
	_ =	sdelay $0x2  }
0xc6: {  	s31 =	sshll.u32 s1, $0xD;
	s1 =	sshrl.u32 s1, $0x2  }
0xc7: {  	s4 =	sand.u32 $0x4000, s31;
	s1 =	sadd.s32 s1, s30  }
0xc8: {  	s0 =	sor.u32 s4, s0;
	s1 =	sshll.u32 s1, $0x11  }
0xc9: {  	s0 =	sor.u32 s1, s0  }
0xca: {  	s0 =	sadd.s32 $0x8F2B, s0  }
0xcb: {  	[sflag:s0] =	ssyncadd.remote.s32 $0x1  }
0xcc: {  	_ =	sfence.sel $0xFFFF  }
0xcd: {  	[dreg:$0x0] =	wrdreg $0xFFFFFFFF;
	(pc) =	sbr.abs _section_cstart, $3  }
0xce: {  	[dreg:$0x1] =	wrdreg $0xFFFFFFFF  }
0xcf: {  	_ =	task.clear_ibuf [dreg:s22], $0x2FFFF;
	_ =	strace $0x9FFFFFFF  }
0xd0: {  	(tm) =	ssettm $0x7FFFFFFF  }
0xd1: {  	_ =	shalt  }
tec
execute0_lowered:
.L_overlay_start_1:
0x0: {  	(tag) =	ssettag $0x1  }
0x1: {  	s0 =	srdreg.scid  }
0x2: {  	s1 =	sshll.u32 s0, $0x4  }
0x3: {  	s0 =	stileid.u32;
	s1 =	sand.u32 $0x10, s1  }
0x4: {  	s2 =	sor.u32 s0, s1  }
0x5: {  	s3 =	smul.u32 $0x3E, s2  }
0x6: {  	s1 =	sshrl.u32 s1, $0x4;
	s2 =	smin.u32 s2, $0x10  }
0x7: {  	s1 =	sxor.u32 $0x3F, s1;
	s2 =	sadd.s32 s2, s3  }
0x8: {  	s1 =	sadd.s32 s1, s2  }
0x9: {  	s1 =	smul.u32 $0x140, s1  }
0xa: {  	s2 =	smul.u32 $0x140, s2  }
0xb: {  	s3 =	smin.u32 s1, $0x9C400  }
0xc: {  	s7 =	ssub.s32 s3, s2  }
0xd: {  	p0 =	sgt.s32 s7, $0x0  }
0xe: {  	s7 =	simm.s32 @!p0 $0x0  }
0xf: {  	s31 =	smulhi.u32 $0x66666667, s7  }
0x10: {  	s9 =	rddreg [dreg:$0x0];
	s6 =	simm.s32 $0x1;
	s11 =	simm.s32 $0x3  }
0x11: {  	s13 =	simm.s32 $0x0;
	s12 =	simm.s32 $0x0;
	s8 =	sshrl.u32 s31, $0x7  }
0x12: {  	s4 =	sadd.s32 $0x4B200, s9;
	s5 =	sadd.s32 $0x10600, s9;
	s10 =	smul.u32 $0x140, s8  }
.Ltmp0:
0x13: {  	s9 =	sadd.s32 $0x3601200, s9;
	s1 =	rddreg [dreg:$0x1];
	(pc) =	sbr.rel .LBB2_1-.Ltmp0, $4  }
0x14: {  	_ =	strace $0x8000004D;
	p0 =	sne.s32 s7, s10;
	s10 =	simm.s32 $0x1  }
0x15: {  	[sflag:s6] =	ssyncpa.u1 $0x0;
	s7 =	simm.s32 $0x2;
	s10 =	simm.s32 @!p0 $0x0  }
0x16: {  	[sflag:s7] =	ssyncpa.u1 $0x0;
	p0 =	por $0x0, $0x0;
	s8 =	sadd.s32 s10, s8  }
0x17: {  	vm0 =	vmmov $0xff;
	vm1 =	vcmask $0x3F20;
	[sflag:s11] =	ssyncpa.u1 $0x0;
	s11 =	smov.u32 s2;
	s10 =	sadd.s32 $0x1, s8  }
.LBB2_6:
0x18: {  	[hbm:s17] =	stream.linear.scatter [tilespmem:s14], [sflag:$0x3], $0x400, $0x38;
	[tilespmem:$0x14280] =	vst v63  }
.LBB2_7:
0x19: {  	s13 =	sadd.s32 $0x140, s11  }
0x1a: {  	s15 =	smov.u32 s2;
	p2 =	slt.s32 s13, s3  }
0x1b: {  	s15 =	smov.u32 @p2 s13;
	p2 =	sne.s32 s12, s10  }
.Ltmp1:
0x1c: {  	p1 =	slt.u32 s12, $0x2;
	(pc) =	sbr.rel @!p2 .LBB2_8-.Ltmp1, $4  }
0x1d: {  	s14 =	simm.s32 @!p1 $0x3  }
0x1e: {  	s16 =	sadd.s32 $0x1, s12;
	_ =	swait.ge @!p1 [sflag:s14], $0xA000  }
0x1f: {  	p0 =	por !p0, !p0;
	s13 =	smov.u32 s11;
	[sflag:s14] =	ssyncset.done @!p1 $0x0  }
0x20: {  	s12 =	smov.u32 s16;
	s11 =	smov.u32 s15;
	[sflag:s14] =	ssyncadd.s32 @!p1 $0xFFFF6000  }
.LBB2_1:
0x21: {  	p1 =	sge.u32 s12, s8  }
0x22: {  	s14 =	sxor.u32 @!p1 $0xFFFFFFFF, s12  }
0x23: {  	s14 =	sand.u32 @!p1 $0x1, s14  }
0x24: {  	s14 =	smul.u32 @!p1 $0x500, s14  }
0x25: {  	s31 =	sadd.s32 $0xFFFFFFFF, s12;
	s15 =	sshrl.u32 @!p1 s11, $0x3  }
0x26: {  	s16 =	sand.u32 @!p1 $0x7, s11;
	s15 =	sadd.s32 @!p1 s5, s15;
	s14 =	sshrl.u32 @!p1 s14, $0x2  }
0x27: {  	[tilespmem:s14], [sflag:$0x2] =	stream.linear.gather @!p1 [hbm4b:s15+s16], $0x140, $0x38;
	[tilespmem:$0x14280] =	vst v63  }
0x28: {  	p1 =	sge.u32 s31, s8  }
.Ltmp2:
0x29: {  	_ = 	snop;
	(pc) =	sbr.rel @p1 .LBB2_7-.Ltmp2, $1  }
0x2a: {  	_ =	sdelay $0x3  }
0x2b: {  	s14 =	simm.s32 $0x1  }
0x2c: {  	s14 =	simm.s32 @!p0 $0x0  }
0x2d: {  	s15 =	smul.u32 $0x500, s14  }
0x2e: {  	_ =	swait.ge [sflag:s7], $0x140  }
0x2f: {  	[sflag:s7] =	ssyncset.done $0x0;
	s16 =	sshrl.u32 s15, $0x2  }
0x30: {  	[sflag:s7] =	ssyncadd.s32 $0xFFFFFEC0;
	s15 =	sadd.s32 $0x0, s16  }
0x31: {  	v0 =	vld.msk [tilespmem:s15+$0x0 ss:$0x1], $0xffff;
	_ =	sdelay $0x4  }
0x32: {  	vm2 =	vgt.s32 v0, $0x0  }
0x33: {  	v0 =	vnsel vm2, $0x0, v0  }
0x34: {  	v0 =	vmin.u32 v0, $0x4E1FF  }
0x35: {  	v0 =	vshll.u32 v0, $0x4  }
0x36: {  	s14 =	smul.u32 $0x28000, s14;
	_ =	sdelay $0x1  }
0x37: {  	s14 =	sshrl.u32 s14, $0x2  }
0x38: {  	s14 =	sor.u32 $0x280, s14  }
0x39: {  	[tilespmem:s14], [sflag:$0x1] =	stream.indirect_vreg.gather [hbm:s4], $0x80, v0, vm0, $0x38;
	[tilespmem:$0x14280] =	vst v63  }
0x3a: {  	s17 =	sadd.s32 $0x10, s16;
	s15 =	sadd.s32 $0x400, s14  }
0x3b: {  	[tilespmem:s15], [sflag:$0x1] =	stream.indirect_vreg.gather [hbm:s4], $0x80, v0, vm1, $0x38;
	[tilespmem:$0x14280] =	vst v63  }
0x3c: {  	s18 =	simm.s32 $0x80;
	v0 =	vld.msk [tilespmem:s17+$0x0 ss:$0x1], $0xffff;
	s17 =	smov.u32 s14  }
.LBB2_3:
0x3d: {  	p1 =	sne.s32 s18, $0x4C0;
	_ =	sdelay $0x4  }
0x3e: {  	vm2 =	vgt.s32 v0, $0x0  }
0x3f: {  	v0 =	vnsel vm2, $0x0, v0  }
0x40: {  	v0 =	vmin.u32 v0, $0x4E1FF  }
0x41: {  	v0 =	vshll.u32 v0, $0x4;
	_ =	sdelay $0x3  }
.Ltmp3:
0x42: {  	s19 =	sshra.s32 s18, $0x2;
	s17 =	sadd.s32 $0x800, s17;
	(pc) =	sbr.rel @p1 .LBB2_3-.Ltmp3, $4  }
0x43: {  	[tilespmem:s17], [sflag:$0x1] =	stream.indirect_vreg.gather [hbm:s4], $0x80, v0, vm0, $0x38;
	[tilespmem:$0x14280] =	vst v63  }
0x44: {  	s19 =	sadd.s32 s19, s16;
	s20 =	sadd.s32 $0x400, s17  }
0x45: {  	[tilespmem:s20], [sflag:$0x1] =	stream.indirect_vreg.gather [hbm:s4], $0x80, v0, vm1, $0x38;
	[tilespmem:$0x14280] =	vst v63  }
0x46: {  	s18 =	sadd.s32 $0x40, s18;
	v0 =	vld.msk [tilespmem:s19+$0x0 ss:$0x1], $0xffff  }
0x47: {  	_ =	sdelay $0x3  }
0x48: {  	vm2 =	vgt.s32 v0, $0x0  }
0x49: {  	v0 =	vnsel vm2, $0x0, v0  }
0x4a: {  	v0 =	vmin.u32 v0, $0x4E1FF  }
0x4b: {  	v0 =	vshll.u32 v0, $0x4;
	_ =	sdelay $0x3  }
0x4c: {  	s16 =	sadd.s32 $0x800, s17  }
0x4d: {  	[tilespmem:s16], [sflag:$0x1] =	stream.indirect_vreg.gather [hbm:s4], $0x80, v0, vm0, $0x38;
	[tilespmem:$0x14280] =	vst v63  }
0x4e: {  	s16 =	sadd.s32 $0x400, s16  }
0x4f: {  	[tilespmem:s16], [sflag:$0x1] =	stream.indirect_vreg.gather [hbm:s4], $0x80, v0, vm1, $0x38;
	[tilespmem:$0x14280] =	vst v63  }
0x50: {  	s13 =	sshll.u32 s13, $0x4;
	_ =	swait.ge [sflag:s6], $0xA000  }
0x51: {  	s13 =	sadd.s32 s13, s9;
	[sflag:s6] =	ssyncset.done $0x0  }
0x52: {  	s17 =	sadd.s32 $0x0, s13;
	s16 =	simm.s32 $0x80;
	[sflag:s6] =	ssyncadd.s32 $0xFFFF6000  }
.LBB2_5:
0x53: {  	[hbm:s17] =	stream.linear.scatter [tilespmem:s14], [sflag:$0x3], $0x400, $0x38;
	[tilespmem:$0x14280] =	vst v63  }
0x54: {  	s17 =	smov.u32 s16;
	s14 =	smov.u32 s15;
	p1 =	sne.s32 s16, $0x1380  }
.Ltmp4:
0x55: {  	s16 =	sadd.s32 $0x80, s16;
	(pc) =	sbr.rel @p1 .LBB2_5-.Ltmp4, $2  }
0x56: {  	_ =	sdelay $0x2  }
0x57: {  	s15 =	sadd.s32 $0x400, s15;
	s17 =	sadd.s32 s17, s13  }
.Ltmp5:
0x58: {  	_ = 	snop;
	(pc) =	sbr.rel .LBB2_6-.Ltmp5, $1  }
0x59: {  	_ =	sdelay $0x3  }
.LBB2_8:
0x5a: {  	_ =	sfence.sel $0x180000  }
0x5b: {  	s2 =	simm.s32 $0x2;
	[bflag:$0x0] =	sbarrier.arrive $0xFFFF  }
0x5c: {  	s30 =	simm.s32 $0x3;
	[sflag:s2] =	ssyncpa.u1 $0x1  }
0x5d: {  	s31 =	simm.s32 $0x1;
	[sflag:s30] =	ssyncpa.u1 $0x1  }
0x5e: {  	[sflag:s31] =	ssyncpa.u1 $0x1  }
0x5f: {  	p0 =	sne.s32 s0, $0x0;
	_ =	strace $0x9000004D  }
0x60: {  	s0 =	sadd.s32 @!p0 $0x100000, s1;
	[bflag:$0x2] =	sbarrier.arrive $0xFFFF  }
0x61: {  	[sflag:s0] =	ssyncadd.tile.s32 @!p0 $0x1;
	_ =	shalt  }
.Lfunc_end2:
_tile_overlayer_lowered:
.L_overlay_start_2:
0x62: {  	(tag) =	ssettag $0x2  }
0x63: {  	s0 =	rddreg [dreg:$0x0];
	s2 =	stileid.u32  }
0x64: {  	s1 =	rddreg [dreg:$0x1];
	p0 =	sne.s32 s2, $0x0  }
0x65: {  	s3 =	rddreg [dreg:$0x2];
	[bflag:$0x3] =	sbarrier.arrive $0xFFFF;
	s2 =	simm.s32 @!p0 $0x1C01  }
0x66: {  	[timem:s3], [sflag:s2] =	dma.local @!p0 [hbm:s0], s1  }
0x67: {  	s0 =	simm.s32 @!p0 $0x1  }
0x68: {  	_ =	swait.ge @!p0 [sflag:s0], s1  }
0x69: {  	s1 =	ssub.s32 @!p0 $0x0, s1;
	[sflag:s0] =	ssyncset.done @!p0 $0x0  }
0x6a: {  	[sflag:s0] =	ssyncadd.s32 @!p0 s1  }
0x6b: {  	[bflag:$0x3] =	sbarrier.arrive $0xFFFF  }
0x6c: {  	_ =	shalt  }

// kernel: scatter_offload_async_start.1
scs
__scs_entry_jumppad:
0x0: {  	(pc) =	sbr.rel $0x88, $3  }
0x1: {  	(tag) =	ssettag $0x0;
	lr =	simm.s32 $0x1  }
0x2: {  	[smem:$0x3F7E] =	sst lr;
	_ =	strace $0xD0000000  }
0x3: {  	_ = 	snop  }
0x4: {  	_ = 	snop  }
0x5: {  	_ = 	snop  }
0x6: {  	_ = 	snop  }
0x7: {  	_ = 	snop  }
__scs_overlays_trampoline_lowered:
0x8: {  	[smem:$0x3F8D] =	sst s0  }
0x9: {  	[smem:$0x3F8E] =	sst s1  }
0xa: {  	[smem:$0x3F8F] =	sst s2  }
0xb: {  	[smem:$0x3F90] =	sst s3  }
0xc: {  	[smem:$0x3F91] =	sst s4  }
0xd: {  	[smem:$0x3F92] =	sst s5  }
0xe: {  	[smem:$0x3F93] =	sst s6  }
0xf: {  	[smem:$0x3F94] =	sst s7  }
0x10: {  	[smem:$0x3F95] =	sst s8  }
0x11: {  	[smem:$0x3F96] =	sst s9;
	s0 =	simm.s32 @!p0 $0x0  }
0x12: {  	s1 =	sld [smem:$0x3F7C];
	s0 =	simm.s32 @p0 $0x1  }
0x13: {  	[smem:$0x3F97] =	sst s0;
	s0 =	simm.s32 @!p1 $0x0  }
0x14: {  	s2 =	sld [smem:$0x3F7B];
	s0 =	simm.s32 @p1 $0x1  }
0x15: {  	[smem:$0x3F98] =	sst s0;
	s0 =	simm.s32 @!p2 $0x0  }
0x16: {  	s3 =	sld [smem:$0x3FDB];
	s0 =	simm.s32 @p2 $0x1  }
0x17: {  	s4 =	simm.s32 $0x1BF5;
	[smem:$0x3F9A] =	sst s0  }
0x18: {  	s0 =	sld [smem:$0x3F7D];
	_ =	swait.ge [sflag:s4], $0x0  }
0x19: {  	s7 =	sld [smem:$0x3F7E]  }
0x1a: {  	s8 =	sadd.s32 $0xFFFFE003, lr  }
0x1b: {  	s9 =	sadd.s32 $0xFFFFFEF7, lr;
	s5 =	simm.s32 $0xFFFFFFFF;
	p2 =	slt.u32 s8, $0xFFFFF086  }
0x1c: {  	p1 =	slt.u32 s9, $0xF7A;
	s5 =	simm.s32 @!p2 $0x0  }
0x1d: {  	s5 =	simm.s32 @p1 $0x1;
	p0 =	seq.s32 s7, s2  }
0x1e: {  	s7 =	smul.u32 @!p0 $0xF7A, s2;
	p2 =	seq.s32 @!p0 s5, $0x0  }
0x1f: {  	s9 =	smul.u32 $0xF7A, s1;
	s8 =	simm.s32 @!p0 $0x1BF5;
	p2 =	por !p2, p0  }
0x20: {  	[sflag:s8] =	ssyncset.s32 @!p0 $0xFFFFF086;
	s6 =	sadd.s32 @!p0 s3, s7;
	s7 =	simm.s32 @!p0 $0x108  }
0x21: {  	s3 =	sadd.s32 s3, s9;
	s6 =	sadd.s32 @!p0 $0x88, s6;
	s7 =	simm.s32 @p2 $0x1082  }
0x22: {  	[simem:s7], [sflag:s8] =	dma.local @!p0 [hbm:s6], $0xF7A  }
0x23: {  	s9 =	sor.u32 $0xD0000000, s2;
	s6 =	simm.s32 $0x108;
	_ =	swait.ge @!p0 [sflag:s8], $0x0  }
0x24: {  	s3 =	sadd.s32 $0x88, s3;
	s6 =	simm.s32 @!p1 $0x1082;
	[sflag:s4] =	ssyncset.s32 $0xFFFFF086  }
0x25: {  	[simem:s6], [sflag:s4] =	dma.local [hbm:s3], $0xF7A  }
0x26: {  	[smem:$0x3F7E] =	sst s1;
	(tag) =	ssettag s2;
	_ =	strace s9  }
0x27: {  	s1 =	sld [smem:$0x3F8E]  }
0x28: {  	s2 =	sld [smem:$0x3F8F]  }
0x29: {  	s4 =	sld [smem:$0x3F91]  }
0x2a: {  	p0 =	seq.s32 s5, $0x0;
	s5 =	sld [smem:$0x3F92]  }
0x2b: {  	s6 =	sld [smem:$0x3F93]  }
0x2c: {  	s7 =	sld [smem:$0x3F94]  }
0x2d: {  	s3 =	simm.s32 $0x108;
	s8 =	sld [smem:$0x3F95]  }
0x2e: {  	s3 =	simm.s32 @!p0 $0x1082;
	s9 =	sld [smem:$0x3F96]  }
0x2f: {  	lr =	sadd.s32 s0, s3;
	s0 =	sld [smem:$0x3F8D]  }
0x30: {  	s3 =	sld [smem:$0x3F90]  }
0x31: {  	[smem:$0x3F99] =	sst s10  }
0x32: {  	s10 =	sld [smem:$0x3F97];
	_ =	sdelay $0x3  }
0x33: {  	p0 =	seq.s32 s10, $0x1;
	s10 =	sld [smem:$0x3F99];
	_ =	sdelay $0x3  }
0x34: {  	[smem:$0x3F99] =	sst s10  }
0x35: {  	s10 =	sld [smem:$0x3F98];
	_ =	sdelay $0x3  }
0x36: {  	p1 =	seq.s32 s10, $0x1;
	s10 =	sld [smem:$0x3F99];
	_ =	sdelay $0x3  }
0x37: {  	[smem:$0x3F99] =	sst s10  }
0x38: {  	s10 =	sld [smem:$0x3F9A]  }
0x39: {  	_ = 	snop;
	(pc) =	sbr.ind lr, $3  }
0x3a: {  	_ = 	snop  }
0x3b: {  	_ = 	snop  }
0x3c: {  	p2 =	seq.s32 s10, $0x1;
	s10 =	sld [smem:$0x3F99]  }
0x3d: {  	_ =	shalt  }
0x3e: {  	_ =	shalt  }
0x3f: {  	_ =	shalt  }
0x40: {  	_ =	shalt  }
0x41: {  	_ =	shalt  }
0x42: {  	_ =	shalt  }
0x43: {  	_ =	shalt  }
0x44: {  	_ =	shalt  }
0x45: {  	_ =	shalt  }
0x46: {  	_ =	shalt  }
0x47: {  	_ =	shalt  }
0x48: {  	_ =	shalt  }
0x49: {  	_ =	shalt  }
0x4a: {  	_ =	shalt  }
0x4b: {  	_ =	shalt  }
0x4c: {  	_ =	shalt  }
0x4d: {  	_ =	shalt  }
0x4e: {  	_ =	shalt  }
0x4f: {  	_ =	shalt  }
0x50: {  	_ =	shalt  }
0x51: {  	_ =	shalt  }
0x52: {  	_ =	shalt  }
0x53: {  	_ =	shalt  }
0x54: {  	_ =	shalt  }
0x55: {  	_ =	shalt  }
0x56: {  	_ =	shalt  }
0x57: {  	_ =	shalt  }
0x58: {  	_ =	shalt  }
0x59: {  	_ =	shalt  }
0x5a: {  	_ =	shalt  }
0x5b: {  	_ =	shalt  }
0x5c: {  	_ =	shalt  }
0x5d: {  	_ =	shalt  }
0x5e: {  	_ =	shalt  }
0x5f: {  	_ =	shalt  }
0x60: {  	_ =	shalt  }
0x61: {  	_ =	shalt  }
0x62: {  	_ =	shalt  }
0x63: {  	_ =	shalt  }
0x64: {  	_ =	shalt  }
0x65: {  	_ =	shalt  }
0x66: {  	_ =	shalt  }
0x67: {  	_ =	shalt  }
0x68: {  	_ =	shalt  }
0x69: {  	_ =	shalt  }
0x6a: {  	_ =	shalt  }
0x6b: {  	_ =	shalt  }
0x6c: {  	_ =	shalt  }
0x6d: {  	_ =	shalt  }
0x6e: {  	_ =	shalt  }
0x6f: {  	_ =	shalt  }
0x70: {  	_ =	shalt  }
0x71: {  	_ =	shalt  }
0x72: {  	_ =	shalt  }
0x73: {  	_ =	shalt  }
0x74: {  	_ =	shalt  }
0x75: {  	_ =	shalt  }
0x76: {  	_ =	shalt  }
0x77: {  	_ =	shalt  }
0x78: {  	_ =	shalt  }
0x79: {  	_ =	shalt  }
0x7a: {  	_ =	shalt  }
0x7b: {  	_ =	shalt  }
0x7c: {  	_ =	shalt  }
0x7d: {  	_ =	shalt  }
0x7e: {  	_ =	shalt  }
0x7f: {  	_ =	shalt  }
0x80: {  	_ =	shalt  }
0x81: {  	_ =	shalt  }
0x82: {  	_ =	shalt  }
0x83: {  	_ =	shalt  }
0x84: {  	_ =	shalt  }
0x85: {  	_ =	shalt  }
0x86: {  	_ =	shalt  }
0x87: {  	_ =	shalt  }
.Lfunc_end0:
.L_simem_size_0:
called_computation.1_lowered:
.L_overlay_start_0:
0x88: {  	s2 =	sld [smem:$0x3FD9]  }
0x89: {  	s3 =	sld [smem:$0x3FFE];
	_ =	sdelay $0x1  }
0x8a: {  	s1 =	srdreg.scid  }
0x8b: {  	s0 =	sand.u32 $0x1, s1  }
0x8c: {  	s10 =	sshll.u32 s0, $0xA;
	s2 =	sadd.s32 s3, s2  }
0x8d: {  	s2 =	sadd.s32 s2, s10  }
0x8e: {  	[smem:$0x3FA5] =	sst s2  }
0x8f: {  	_ = 	snop  }
0x90: {  	s2 =	sld [smem:$0x3FD0];
	_ =	sdelay $0x2  }
0x91: {  	s11 =	simm.s32 $0x11;
	s4 =	simm.s32 $0x10  }
0x92: {  	[smem:s4], [sflag:s11] =	dma.local [hbm:s2], $0x1  }
0x93: {  	_ =	swait.eq [sflag:s11], $0x1  }
0x94: {  	[sflag:s11] =	ssyncset.done $0x0  }
0x95: {  	[sflag:s11] =	ssyncadd.s32 $0xFFFFFFFF  }
0x96: {  	s12 =	sld [smem:$0x10];
	(tm) =	ssettm $0x1  }
0x97: {  	s13 =	sld [smem:$0x3FFB];
	_ =	sdelay $0x3  }
0x98: {  	_ =	strace s13  }
0x99: {  	s2 =	sld [smem:$0x3FFC];
	_ =	sdelay $0x3  }
0x9a: {  	_ =	strace s2  }
0x9b: {  	s2 =	sld [smem:$0x3FFD];
	_ =	sdelay $0x3  }
0x9c: {  	_ =	strace s2  }
0x9d: {  	_ =	strace $0x8FFFFFFF  }
0x9e: {  	s14 =	sld [smem:$0x3FDB];
	_ =	sdelay $0x1  }
0x9f: {  	s15 =	simm.s32 $_scs_section_size  }
0xa0: {  	s5 =	simm.s32 $_size__tile_overlayer_lowered;
	s6 =	simm.s32 $_tile_overlayer_lowered  }
0xa1: {  	s19 =	simm.s32 $0x1BFF;
	s17 =	sshll.u32 s6, $0x1;
	s7 =	sadd.s32 s15, s14  }
0xa2: {  	s20 =	simm.s32 $0x0;
	s16 =	sshll.u32 s5, $0x1;
	s18 =	sadd.s32 s17, s7  }
0xa3: {  	[timem:s20], [sflag:s19] =	dma.local [hbm:s18], s16  }
0xa4: {  	_ =	swait.ge [sflag:s19], s16  }
0xa5: {  	s3 =	ssub.s32 $0x0, s16;
	[sflag:s19] =	ssyncset.done $0x0  }
0xa6: {  	[sflag:s19] =	ssyncadd.s32 s3;
	_ =	sdelay $0x1  }
0xa7: {  	s21 =	simm.s32 $0x1B8B  }
0xa8: {  	_ =	swait.ge [sflag:s21], $0x1  }
0xa9: {  	[sflag:s21] =	ssyncset.done $0x0  }
0xaa: {  	[sflag:s21] =	ssyncadd.s32 $0xFFFFFFFF  }
0xab: {  	s3 =	sld [smem:$0x0]  }
0xac: {  	s5 =	sand.u32 $0xFFFFFFFE, s1  }
0xad: {  	p0 =	sne.s32 s1, s5  }
0xae: {  	s5 =	sshll.u32 @p0 s5, $0xE  }
0xaf: {  	s6 =	sadd.s32 @p0 $0x11B8D, s5;
	s8 =	sshll.u32 @p0 s3, $0x11  }
0xb0: {  	s6 =	sor.u32 @p0 s8, s6  }
0xb1: {  	[sflag:s6] =	ssyncadd.remote.s32 @p0 $0x1;
	_ =	sdelay $0x1  }
0xb2: {  	s6 =	simm.s32 @p0 $0x1B8D  }
0xb3: {  	_ =	swait.eq @p0 [sflag:s6], $0x1  }
0xb4: {  	[sflag:s6] =	ssyncadd.s32 @p0 $0xFFFFFFFF  }
0xb5: {  	s8 =	sshll.u32 @!p0 s1, $0xE  }
0xb6: {  	s8 =	sor.u32 @!p0 $0x4000, s8;
	s6 =	simm.s32 @!p0 $0x1B8D  }
0xb7: {  	s10 =	sshll.u32 @!p0 s3, $0x11;
	s9 =	sadd.s32 @!p0 $0x11B8D, s8;
	_ =	swait.eq @!p0 [sflag:s6], $0x1  }
0xb8: {  	[sflag:s6] =	ssyncadd.s32 @!p0 $0xFFFFFFFF;
	s6 =	sor.u32 @!p0 s10, s9  }
0xb9: {  	s23 =	simm.s32 $0x1B8E;
	s22 =	sld [smem:$0x3FFE];
	[sflag:s6] =	ssyncadd.remote.s32 @!p0 $0x1  }
0xba: {  	s24 =	simm.s32 $execute0_lowered;
	[smem:$0x3FD2] =	sst s23  }
0xbb: {  	s9 =	sshll.u32 s24, $0x1;
	_ =	strace $0x80000055;
	[dreg:$0x1] =	wrdreg $0xFFFFFFFF  }
0xbc: {  	s25 =	simm.s32 $_size_execute0_lowered;
	s9 =	sadd.s32 s7, s9;
	[dreg:$0x0] =	wrdreg $0x0  }
0xbd: {  	s10 =	sshll.u32 s25, $0x1;
	[dreg:$0x2] =	wrdreg s9  }
0xbe: {  	[dreg:$0x3] =	wrdreg s10  }
0xbf: {  	[dreg:$0x4] =	wrdreg $0xC0  }
0xc0: {  	s26 =	simm.s32 $execute1_lowered;
	_ =	task [dreg:s20], $0x5FFFF  }
0xc1: {  	s9 =	sshll.u32 s26, $0x1;
	[dreg:$0x1] =	wrdreg $0xFFFFFFFF  }
0xc2: {  	s7 =	sadd.s32 s7, s9;
	[dreg:$0x0] =	wrdreg $0x60  }
0xc3: {  	[dreg:$0x2] =	wrdreg s7  }
0xc4: {  	[dreg:$0x3] =	wrdreg s12  }
0xc5: {  	[dreg:$0x4] =	wrdreg s22  }
0xc6: {  	[dreg:$0x5] =	wrdreg $0xB  }
0xc7: {  	_ =	task.clear_ibuf [dreg:s20], $0x6FFFF;
	_ =	strace $0x90000055  }
0xc8: {  	s28 =	simm.s32 $0xB;
	_ =	strace $0x80000057  }
0xc9: {  	_ =	swait.ge [sflag:s28], $0x1  }
0xca: {  	[sflag:s28] =	ssyncadd.s32 $0xFFFFFFFF  }
0xcb: {  	_ =	strace $0x90000057  }
0xcc: {  	s4 =	sld [smem:$0x0];
	_ =	sdelay $0x3  }
0xcd: {  	s5 =	sadd.s32 @p0 $0x11BF3, s5;
	s7 =	sshll.u32 @p0 s4, $0x11  }
0xce: {  	s5 =	sor.u32 @p0 s7, s5  }
0xcf: {  	[sflag:s5] =	ssyncadd.remote.s32 @p0 $0x1;
	_ =	sdelay $0x1  }
0xd0: {  	s5 =	simm.s32 @p0 $0x1BF3  }
0xd1: {  	_ =	swait.eq @p0 [sflag:s5], $0x1  }
0xd2: {  	[sflag:s5] =	ssyncadd.s32 @p0 $0xFFFFFFFF;
	_ =	sdelay $0x1  }
0xd3: {  	s5 =	simm.s32 @!p0 $0x1BF3  }
0xd4: {  	s4 =	sshll.u32 @!p0 s4, $0x11;
	s7 =	sadd.s32 @!p0 $0x11BF3, s8;
	_ =	swait.eq @!p0 [sflag:s5], $0x1  }
0xd5: {  	s4 =	sor.u32 @!p0 s4, s7;
	[sflag:s5] =	ssyncadd.s32 @!p0 $0xFFFFFFFF  }
0xd6: {  	[sflag:s4] =	ssyncadd.remote.s32 @!p0 $0x1  }
0xd7: {  	_ =	strace $0x80000058;
	[dreg:$0x1] =	wrdreg $0xFFFFFFFF  }
0xd8: {  	[dreg:$0x0] =	wrdreg $0x2030  }
0xd9: {  	[dreg:$0x2] =	wrdreg s22  }
0xda: {  	[dreg:$0x3] =	wrdreg s1  }
0xdb: {  	[dreg:$0x4] =	wrdreg s3  }
0xdc: {  	[dreg:$0x5] =	wrdreg $0xC  }
0xdd: {  	_ =	task.clear_ibuf [dreg:s20], $0x6FFFF;
	_ =	strace $0x90000058  }
0xde: {  	s29 =	simm.s32 $0xC;
	_ =	strace $0x8000005A  }
0xdf: {  	_ =	swait.ge [sflag:s29], $0x1  }
0xe0: {  	[sflag:s29] =	ssyncadd.s32 $0xFFFFFFFF  }
0xe1: {  	_ =	strace $0x9000005A  }
0xe2: {  	_ =	sfence  }
0xe3: {  	s30 =	sld [smem:$0x0];
	_ =	sdelay $0x2  }
0xe4: {  	s31 =	sshll.u32 s1, $0xD;
	s1 =	sshrl.u32 s1, $0x2  }
0xe5: {  	s4 =	sand.u32 $0x4000, s31;
	s1 =	sadd.s32 s1, s30  }
0xe6: {  	s0 =	sor.u32 s4, s0;
	s1 =	sshll.u32 s1, $0x11  }
0xe7: {  	s0 =	sor.u32 s1, s0  }
0xe8: {  	s0 =	sadd.s32 $0x8F2B, s0  }
0xe9: {  	[sflag:s0] =	ssyncadd.remote.s32 $0x1  }
0xea: {  	_ =	sfence.sel $0xFFFF  }
0xeb: {  	[dreg:$0x0] =	wrdreg $0xFFFFFFFF;
	(pc) =	sbr.abs _section_cstart, $3  }
0xec: {  	[dreg:$0x1] =	wrdreg $0xFFFFFFFF  }
0xed: {  	_ =	task.clear_ibuf [dreg:s20], $0x2FFFF;
	_ =	strace $0x9FFFFFFF  }
0xee: {  	(tm) =	ssettm $0x7FFFFFFF  }
0xef: {  	_ =	shalt  }
tec
execute0_lowered:
.L_overlay_start_1:
0x0: {  	(tag) =	ssettag $0x1  }
0x1: {  	s3 =	rddreg [dreg:$0x0]  }
0x2: {  	s2 =	rddreg [dreg:$0x1]  }
0x3: {  	s4 =	rddreg [dreg:$0x2]  }
0x4: {  	s0 =	rddreg [dreg:$0x3]  }
0x5: {  	s5 =	stileid.u32;
	[bflag:$0x3] =	sbarrier.arrive $0xFFFF;
	s1 =	simm.s32 $_size_execute1_lowered  }
0x6: {  	s29 =	srdreg.scid;
	s31 =	simm.s32 $0x2;
	p0 =	sne.s32 s5, $0x0  }
0x7: {  	s1 =	sshll.u32 s1, $0x1;
	s6 =	simm.s32 @!p0 $0x1C3F;
	s7 =	simm.s32 @!p0 $0x4060  }
0x8: {  	[timem:s7], [sflag:s6] =	dma.local @!p0 [hbm:s3], s1  }
0x9: {  	s8 =	simm.s32 $0x0;
	s12 =	simm.s32 $0x0;
	s3 =	sshll.u32 s29, $0x7  }
.Ltmp0:
0xa: {  	s5 =	sshll.u32 s5, $0x8;
	s3 =	sand.u32 $0x80, s3;
	(pc) =	sbr.rel .LBB2_1-.Ltmp0, $4  }
0xb: {  	s10 =	simm.s32 $0x0;
	s11 =	simm.s32 $0x0;
	s3 =	sor.u32 s5, s3  }
0xc: {  	_ =	strace $0x80000056;
	s5 =	simm.s32 $0x1;
	s30 =	ssub.s32 $0x2700, s3  }
0xd: {  	s4 =	sadd.s32 $0x1DDBC00, s4;
	[sflag:s5] =	ssyncpa.u1 $0x0;
	s6 =	sshrl.u32 s30, $0xC  }
0xe: {  	s9 =	smov.u32 s3;
	[sflag:s31] =	ssyncpa.u1 $0x0;
	s7 =	sadd.s32 $0x2, s6  }
.LBB2_4:
0xf: {  	_ = 	snop  }
.LBB2_7:
0x10: {  	_ =	sdelay $0x3  }
0x11: {  	[tilespmem:v0+s16+$0x0 ss:$0x1] =	vst.idx.msk @p1 $0xffff, v2  }
0x12: {  	v56 =	vld.idx.msk [tilespmem:v1+s15+$0x0 ss:$0x1], $0xffff;
	s24 =	sor.u32 $0x70, s15;
	[tilespmem:v0+s17+$0x0 ss:$0x1] =	vst.idx.msk @p1 $0xffff, v4  }
0x13: {  	s25 =	sor.u32 $0x10, s15;
	[tilespmem:v0+s18+$0x0 ss:$0x1] =	vst.idx.msk @p1 $0xffff, v3;
	v57 =	vld.idx.msk [tilespmem:v1+s24+$0x0 ss:$0x1], $0xffff  }
0x14: {  	s26 =	sor.u32 $0x20, s15;
	[tilespmem:v0+s19+$0x0 ss:$0x1] =	vst.idx.msk @p1 $0xffff, v5;
	v58 =	vld.idx.msk [tilespmem:v1+s25+$0x0 ss:$0x1], $0xffff  }
0x15: {  	s28 =	sor.u32 $0x30, s15;
	[tilespmem:v0+s20+$0x0 ss:$0x1] =	vst.idx.msk @p1 $0xffff, v6;
	v59 =	vld.idx.msk [tilespmem:v1+s26+$0x0 ss:$0x1], $0xffff  }
0x16: {  	s29 =	sor.u32 $0x40, s15;
	[tilespmem:v0+s21+$0x0 ss:$0x1] =	vst.idx.msk @p1 $0xffff, v7;
	v60 =	vld.idx.msk [tilespmem:v1+s28+$0x0 ss:$0x1], $0xffff  }
0x17: {  	s30 =	sor.u32 $0x50, s15;
	v61 =	vld.idx.msk [tilespmem:v1+s29+$0x0 ss:$0x1], $0xffff;
	[tilespmem:v0+s15+$0x0 ss:$0x1] =	vst.idx.msk $0xffff, v56  }
0x18: {  	s31 =	sor.u32 $0x60, s15;
	v62 =	vld.idx.msk [tilespmem:v1+s30+$0x0 ss:$0x1], $0xffff;
	[tilespmem:v0+s24+$0x0 ss:$0x1] =	vst.idx.msk $0xffff, v57  }
0x19: {  	v63 =	vld.idx.msk [tilespmem:v1+s31+$0x0 ss:$0x1], $0xffff;
	[tilespmem:v0+s25+$0x0 ss:$0x1] =	vst.idx.msk $0xffff, v58  }
0x1a: {  	[tilespmem:v0+s26+$0x0 ss:$0x1] =	vst.idx.msk $0xffff, v59  }
0x1b: {  	[tilespmem:v0+s28+$0x0 ss:$0x1] =	vst.idx.msk $0xffff, v60  }
0x1c: {  	[tilespmem:v0+s29+$0x0 ss:$0x1] =	vst.idx.msk $0xffff, v61  }
0x1d: {  	[tilespmem:v0+s30+$0x0 ss:$0x1] =	vst.idx.msk $0xffff, v62  }
0x1e: {  	[tilespmem:v0+s31+$0x0 ss:$0x1] =	vst.idx.msk $0xffff, v63  }
.LBB2_8:
0x1f: {  	s15 =	sand.u32 $0x1FFFFFF, s10  }
0x20: {  	s16 =	smulhi.u32 $0x1A36E2F, s15;
	_ =	sdelay $0x1  }
0x21: {  	s16 =	sshrl.u32 s16, $0x6  }
0x22: {  	s16 =	smul.u32 $0x2710, s16;
	_ =	sdelay $0x1  }
0x23: {  	s15 =	ssub.s32 s15, s16  }
0x24: {  	s15 =	sshll.u32 s15, $0x4  }
0x25: {  	s15 =	sadd.s32 s4, s15  }
0x26: {  	[hbm4b:s15+s8] =	stream.linear.scatter [tilespmem:s14], [sflag:$0x2], s13, $0x38;
	[tilespmem:$0x10000] =	vst v63  }
.LBB2_9:
0x27: {  	p1 =	slt.u32 s11, $0x2  }
0x28: {  	p2 =	sgt.s32 @!p1 s12, $0x2690  }
0x29: {  	s13 =	smov.u32 s12;
	s14 =	sshra.s32 @!p1 s12, $0x1F;
	p2 =	por !p2, p1  }
0x2a: {  	s12 =	sand.u32 @!p1 s14, s12;
	s13 =	simm.s32 @p2 $0x2690  }
0x2b: {  	s12 =	ssub.s32 @!p1 s13, s12  }
0x2c: {  	s12 =	sadd.s32 @!p1 $0xFFFFD970, s12  }
0x2d: {  	s13 =	sshll.u32 @!p1 s12, $0x9  }
0x2e: {  	p2 =	sgt.s32 @!p1 s12, $0x7F;
	s12 =	ssub.s32 @!p1 $0x10000, s13  }
0x2f: {  	s14 =	sadd.s32 $0x1000, s9;
	p2 =	por !p2, p1;
	s12 =	sshrl.u32 @!p1 s12, $0x2  }
0x30: {  	s12 =	simm.s32 @!p2 $0x0;
	p2 =	sgt.s32 s14, $0x270F  }
0x31: {  	s14 =	smov.u32 @p2 s3;
	p2 =	sne.s32 s11, s7  }
.Ltmp1:
0x32: {  	_ = 	snop;
	(pc) =	sbr.rel @!p2 .LBB2_10-.Ltmp1, $4  }
0x33: {  	s13 =	simm.s32 @!p1 $0x2  }
0x34: {  	_ =	swait.ge @!p1 [sflag:s13], s12;
	s15 =	ssub.s32 @!p1 $0x0, s12  }
0x35: {  	s12 =	smov.u32 s10;
	s11 =	sadd.s32 $0x1, s11;
	[sflag:s13] =	ssyncset.done @!p1 $0x0  }
0x36: {  	s10 =	smov.u32 s9;
	s9 =	smov.u32 s14;
	[sflag:s13] =	ssyncadd.s32 @!p1 s15  }
.LBB2_1:
0x37: {  	p1 =	sgt.u32 s11, s6  }
0x38: {  	s13 =	sand.u32 @!p1 $0x1FFFFFF, s9  }
0x39: {  	p2 =	sgt.s32 @!p1 s9, $0x2690;
	s14 =	smulhi.u32 @!p1 $0x1A36E2F, s13  }
0x3a: {  	s15 =	smov.u32 s9;
	s16 =	sshra.s32 @!p1 s9, $0x1F;
	p2 =	por !p2, p1  }
0x3b: {  	s16 =	sand.u32 @!p1 s16, s9;
	s15 =	simm.s32 @p2 $0x2690;
	s14 =	sshrl.u32 @!p1 s14, $0x6  }
0x3c: {  	s15 =	ssub.s32 @!p1 s15, s16;
	s14 =	smul.u32 @!p1 $0x2710, s14  }
0x3d: {  	s16 =	sxor.u32 @!p1 $0xFFFFFFFF, s11;
	s15 =	sadd.s32 @!p1 $0xFFFFD970, s15  }
0x3e: {  	s16 =	sshll.u32 @!p1 s16, $0xE;
	s13 =	ssub.s32 @!p1 s13, s14;
	s14 =	sshll.u32 @!p1 s15, $0x9  }
0x3f: {  	s16 =	sand.u32 @!p1 $0x4000, s16;
	p2 =	sgt.s32 @!p1 s15, $0x7F;
	s14 =	ssub.s32 @!p1 $0x10000, s14  }
0x40: {  	p2 =	por !p2, p1;
	s13 =	sshll.u32 @!p1 s13, $0x4;
	s14 =	sshrl.u32 @!p1 s14, $0x2  }
0x41: {  	s15 =	simm.s32 @!p1 $0x0;
	s13 =	sadd.s32 @!p1 s2, s13;
	s14 =	simm.s32 @!p2 $0x0  }
0x42: {  	[tilespmem:s16], [sflag:$0x1] =	stream.linear.gather @!p1 [hbm4b:s13+s15], s14, $0x38;
	[tilespmem:$0x10000] =	vst v63  }
0x43: {  	p1 =	seq.s32 s11, $0x0  }
0x44: {  	p2 =	sge.u32 @!p1 s11, s7  }
0x45: {  	p1 =	por p1, p2  }
.Ltmp2:
0x46: {  	_ = 	snop;
	(pc) =	sbr.rel @p1 .LBB2_9-.Ltmp2, $1  }
0x47: {  	_ =	sdelay $0x3  }
0x48: {  	p1 =	sgt.s32 s10, $0x2690;
	s13 =	smov.u32 s10;
	s14 =	sshra.s32 s10, $0x1F  }
0x49: {  	s13 =	simm.s32 @!p1 $0x2690;
	s14 =	sand.u32 s14, s10  }
0x4a: {  	s13 =	ssub.s32 s13, s14  }
0x4b: {  	s13 =	sadd.s32 $0xFFFFD970, s13  }
0x4c: {  	s31 =	sshll.u32 s13, $0x9  }
0x4d: {  	s14 =	ssub.s32 $0x10000, s31  }
0x4e: {  	p1 =	sgt.s32 s13, $0x7F;
	s13 =	sshrl.u32 s14, $0x2;
	s14 =	sadd.s32 $0x80, s10  }
0x4f: {  	s13 =	simm.s32 @p1 $0x0;
	p1 =	slt.s32 s14, $0x2710  }
0x50: {  	s14 =	simm.s32 @!p1 $0x2710  }
0x51: {  	s16 =	ssub.s32 s14, s10  }
0x52: {  	p1 =	slt.s32 s16, $0x1  }
.Ltmp3:
0x53: {  	_ = 	snop;
	(pc) =	sbr.rel @p1 .LBB2_8-.Ltmp3, $4  }
0x54: {  	_ = 	snop  }
0x55: {  	s15 =	sshll.u32 s11, $0xE;
	_ =	swait.ge [sflag:s5], s13  }
0x56: {  	s15 =	sand.u32 $0x4000, s15;
	s17 =	ssub.s32 $0x0, s13;
	[sflag:s5] =	ssyncset.done $0x0  }
0x57: {  	s14 =	sor.u32 $0x8000, s15;
	[sflag:s5] =	ssyncadd.s32 s17  }
0x58: {  	p2 =	sne.s32 s16, $0x1  }
.Ltmp4:
0x59: {  	v1 =	vmov s15;
	v0 =	vmov s14;
	(pc) =	sbr.rel @!p2 .LBB2_4-.Ltmp4, $3  }
0x5a: {  	_ =	sdelay $0x1  }
0x5b: {  	s17 =	simm.s32 $0x0  }
0x5c: {  	s23 =	sadd.s32 $0xFFFFFFFF, s16;
	p1 =	por $0x0, $0x0;
	s15 =	sand.u32 $0x3F80, s17  }
0x5d: {  	_ =	sdelay $0x3  }
0x5e: {  	v6 =	vld.idx.msk [tilespmem:v1+s15+$0x0 ss:$0x1], $0xffff;
	s24 =	sor.u32 $0x70, s15  }
0x5f: {  	s16 =	sor.u32 $0x10, s15;
	v8 =	vld.idx.msk [tilespmem:v1+s24+$0x0 ss:$0x1], $0xffff  }
0x60: {  	s17 =	sor.u32 $0x20, s15;
	p2 =	sne.s32 s23, $0x1;
	v2 =	vld.idx.msk [tilespmem:v1+s16+$0x0 ss:$0x1], $0xffff  }
.Ltmp5:
0x61: {  	s18 =	sor.u32 $0x30, s15;
	v4 =	vld.idx.msk [tilespmem:v1+s17+$0x0 ss:$0x1], $0xffff;
	(pc) =	sbr.rel @!p2 .LBB2_7-.Ltmp5, $4  }
0x62: {  	s19 =	sor.u32 $0x40, s15;
	v3 =	vld.idx.msk [tilespmem:v1+s18+$0x0 ss:$0x1], $0xffff  }
0x63: {  	s21 =	sor.u32 $0x60, s15;
	v5 =	vld.idx.msk [tilespmem:v1+s19+$0x0 ss:$0x1], $0xffff  }
0x64: {  	s20 =	sor.u32 $0x50, s15;
	s22 =	simm.s32 $0x80;
	v7 =	vld.idx.msk [tilespmem:v1+s21+$0x0 ss:$0x1], $0xffff;
	[tilespmem:v0+s15+$0x0 ss:$0x1] =	vst.idx.msk $0xffff, v6  }
0x65: {  	s23 =	sadd.s32 $0xFFFFFFFF, s23;
	p1 =	por $0x1, $0x1;
	v6 =	vld.idx.msk [tilespmem:v1+s20+$0x0 ss:$0x1], $0xffff;
	s15 =	sand.u32 $0x3F80, s22;
	[tilespmem:v0+s24+$0x0 ss:$0x1] =	vst.idx.msk $0xffff, v8  }
.LBB2_6:
0x66: {  	p2 =	sne.s32 s23, $0x1;
	v8 =	vld.idx.msk [tilespmem:v1+s15+$0x0 ss:$0x1], $0xffff;
	s24 =	sor.u32 $0x70, s15;
	[tilespmem:v0+s16+$0x0 ss:$0x1] =	vst.idx.msk $0xffff, v2;
	s16 =	sor.u32 $0x10, s15  }
0x67: {  	s25 =	sor.u32 $0x30, s15;
	s26 =	sor.u32 $0x40, s15;
	v9 =	vld.idx.msk [tilespmem:v1+s24+$0x0 ss:$0x1], $0xffff;
	[tilespmem:v0+s17+$0x0 ss:$0x1] =	vst.idx.msk $0xffff, v4;
	s17 =	sor.u32 $0x20, s15  }
0x68: {  	s28 =	sor.u32 $0x50, s15;
	s29 =	sor.u32 $0x60, s15;
	v2 =	vld.idx.msk [tilespmem:v1+s16+$0x0 ss:$0x1], $0xffff;
	[tilespmem:v0+s18+$0x0 ss:$0x1] =	vst.idx.msk $0xffff, v3;
	s18 =	smov.u32 s25  }
.Ltmp6:
0x69: {  	v4 =	vld.idx.msk [tilespmem:v1+s17+$0x0 ss:$0x1], $0xffff;
	[tilespmem:v0+s19+$0x0 ss:$0x1] =	vst.idx.msk $0xffff, v5;
	s19 =	smov.u32 s26;
	(pc) =	sbr.rel @p2 .LBB2_6-.Ltmp6, $4  }
0x6a: {  	v3 =	vld.idx.msk [tilespmem:v1+s18+$0x0 ss:$0x1], $0xffff;
	[tilespmem:v0+s20+$0x0 ss:$0x1] =	vst.idx.msk $0xffff, v6;
	s20 =	smov.u32 s28  }
0x6b: {  	v5 =	vld.idx.msk [tilespmem:v1+s19+$0x0 ss:$0x1], $0xffff;
	[tilespmem:v0+s21+$0x0 ss:$0x1] =	vst.idx.msk $0xffff, v7;
	s21 =	smov.u32 s29  }
0x6c: {  	s22 =	sadd.s32 $0x80, s22;
	[tilespmem:v0+s15+$0x0 ss:$0x1] =	vst.idx.msk $0xffff, v8;
	v6 =	vld.idx.msk [tilespmem:v1+s20+$0x0 ss:$0x1], $0xffff  }
0x6d: {  	s23 =	sadd.s32 $0xFFFFFFFF, s23;
	s15 =	sand.u32 $0x3F80, s22;
	v7 =	vld.idx.msk [tilespmem:v1+s21+$0x0 ss:$0x1], $0xffff;
	[tilespmem:v0+s24+$0x0 ss:$0x1] =	vst.idx.msk $0xffff, v9  }
.Ltmp7:
0x6e: {  	_ = 	snop;
	(pc) =	sbr.rel .LBB2_7-.Ltmp7, $1  }
0x6f: {  	_ =	sdelay $0x3  }
.LBB2_10:
0x70: {  	_ =	sfence.sel $0x180000  }
0x71: {  	s2 =	simm.s32 $0x1;
	[bflag:$0x0] =	sbarrier.arrive $0xFFFF  }
0x72: {  	s31 =	simm.s32 $0x2;
	[sflag:s2] =	ssyncpa.u1 $0x1  }
0x73: {  	[sflag:s31] =	ssyncpa.u1 $0x1  }
0x74: {  	_ =	strace $0x90000056  }
0x75: {  	s0 =	sadd.s32 @!p0 $0x100000, s0;
	[bflag:$0x2] =	sbarrier.arrive $0xFFFF  }
0x76: {  	[sflag:s0] =	ssyncadd.tile.s32 @!p0 $0x1;
	s0 =	simm.s32 @!p0 $0x3F  }
0x77: {  	_ =	swait.ge @!p0 [sflag:s0], s1  }
0x78: {  	s1 =	ssub.s32 @!p0 $0x0, s1;
	[sflag:s0] =	ssyncset.done @!p0 $0x0  }
0x79: {  	[sflag:s0] =	ssyncadd.s32 @!p0 s1  }
0x7a: {  	[bflag:$0x3] =	sbarrier.arrive $0xFFFF  }
0x7b: {  	_ =	shalt  }
.Lfunc_end2:
execute1_lowered:
.L_overlay_start_2:
0x7c: {  	(tag) =	ssettag $0x2  }
0x7d: {  	s2 =	rddreg [dreg:$0x0]  }
0x7e: {  	s3 =	rddreg [dreg:$0x1];
	_ =	strace $0x80000059;
	s0 =	simm.s32 $0x1  }
0x7f: {  	v0 =	vimm.s32 $0x0;
	[sflag:s0] =	ssyncpa.u1 $0x0;
	s0 =	simm.s32 $0x108  }
0x80: {  	[tilespmem:s0+$0x70] =	vst v0  }
0x81: {  	[tilespmem:s0+$0x60] =	vst v0  }
0x82: {  	[tilespmem:s0+$0x50] =	vst v0  }
0x83: {  	[tilespmem:s0+$0x40] =	vst v0  }
0x84: {  	s1 =	sadd.s32 $0x1DDBC00, s2;
	[tilespmem:s0+$0x30] =	vst v0  }
0x85: {  	s15 =	sadd.s32 $0x4000, s2;
	s6 =	sadd.s32 $0xA0F200, s2;
	[tilespmem:s0+$0x20] =	vst v0  }
0x86: {  	s14 =	sadd.s32 $0x1DAAC00, s2;
	s5 =	sand.u32 $0x1, s3;
	s3 =	simm.s32 $0x40;
	[tilespmem:s0+$0x10] =	vst v0  }
.LBB3_1:
0x87: {  	s3 =	sadd.s32 $0x40, s3;
	[tilespmem:s0+$0x0] =	vst v0;
	s0 =	sadd.s32 $0x80, s0  }
0x88: {  	p0 =	slt.u32 s3, $0x3C40;
	[tilespmem:s0+$0x70] =	vst v0  }
0x89: {  	[tilespmem:s0+$0x60] =	vst v0  }
.Ltmp8:
0x8a: {  	[tilespmem:s0+$0x50] =	vst v0;
	(pc) =	sbr.rel @p0 .LBB3_1-.Ltmp8, $4  }
0x8b: {  	[tilespmem:s0+$0x40] =	vst v0  }
0x8c: {  	[tilespmem:s0+$0x30] =	vst v0  }
0x8d: {  	[tilespmem:s0+$0x20] =	vst v0  }
0x8e: {  	[tilespmem:s0+$0x10] =	vst v0  }
0x8f: {  	s9 =	stileid.u32  }
0x90: {  	s2 =	smul.u32 $0x29, s9  }
0x91: {  	s3 =	smin.u32 s9, $0xB  }
0x92: {  	s2 =	sadd.s32 s3, s2  }
0x93: {  	p0 =	slt.u32 s9, $0xB;
	s7 =	smul.u32 $0xF0, s2;
	s2 =	simm.s32 $0x2760  }
0x94: {  	s2 =	simm.s32 @!p0 $0x2670  }
0x95: {  	s2 =	sadd.s32 s2, s7  }
0x96: {  	s8 =	smin.u32 s2, $0x27100  }
0x97: {  	s2 =	ssub.s32 s8, s7  }
0x98: {  	p0 =	sgt.s32 s2, $0x0  }
0x99: {  	s29 =	simm.s32 $0x2;
	s10 =	simm.s32 $0x9;
	s2 =	simm.s32 @!p0 $0x0  }
0x9a: {  	s4 =	simm.s32 $0xA;
	s11 =	simm.s32 $0xB;
	s28 =	smulhi.u32 $0x88888889, s2  }
0x9b: {  	[dreg:$0x4] =	wrdreg s5;
	s31 =	smul.u32 $0x4E20, s5;
	s12 =	simm.s32 $0x1  }
0x9c: {  	s22 =	simm.s32 $0x0;
	s18 =	simm.s32 $0xC;
	s30 =	sshrl.u32 s28, $0x7  }
0x9d: {  	s20 =	simm.s32 $0x0;
	s21 =	simm.s32 $0x0;
	s3 =	smul.u32 $0xF0, s30  }
.Ltmp9:
0x9e: {  	[tilespmem:s0+$0x0] =	vst v0;
	v0 =	vimm.s32 $0xFFFFFFFF;
	[sflag:s29] =	ssyncpa.u1 $0x0;
	s16 =	sshll.u32 s9, $0x8;
	(pc) =	sbr.rel .LBB3_3-.Ltmp9, $4  }
0x9f: {  	[tilespmem:$0xF208] =	vst v0;
	[sflag:s10] =	ssyncpa.u1 $0x0;
	p0 =	sne.s32 s2, s3;
	s2 =	simm.s32 $0x1  }
0xa0: {  	s14 =	sadd.s32 s31, s14;
	[sflag:s4] =	ssyncpa.u1 $0x0;
	s2 =	simm.s32 @!p0 $0x0  }
0xa1: {  	s15 =	sadd.s32 s31, s15;
	[sflag:s11] =	ssyncpa.u1 $0x0;
	s13 =	sadd.s32 s2, s30  }
0xa2: {  	v0 =	vlaneseq.u32;
	s19 =	smov.u32 s7;
	p0 =	por $0x0, $0x0;
	s17 =	sadd.s32 $0x1, s13  }
.LBB3_18:
0xa3: {  	s0 =	sshrl.u32 s31, $0x2  }
.LBB3_20:
0xa4: {  	_ =	swait.ge [sflag:s18], s0  }
0xa5: {  	s31 =	ssub.s32 $0x0, s0;
	v1 =	vmov s24;
	vm0 =	veq.s32 v0, $0x0;
	[sflag:s18] =	ssyncset.done $0x0  }
0xa6: {  	vm15 =	veq.s32 v0, $0x2;
	v1 =	vsel vm0, s30, v1;
	[sflag:s18] =	ssyncadd.s32 s31  }
0xa7: {  	v1 =	vsel vm15, s22, v1;
	[sflag:s18] =	ssyncpa.u1 $0x1  }
0xa8: {  	[tilespmem:$0xF208] =	vst v1  }
.LBB3_21:
0xa9: {  	s0 =	sadd.s32 $0xF0, s19  }
0xaa: {  	s2 =	smov.u32 s7;
	p1 =	slt.s32 s0, s8  }
0xab: {  	s2 =	smov.u32 @p1 s0;
	p1 =	sne.s32 s21, s17  }
.Ltmp10:
0xac: {  	_ = 	snop;
	(pc) =	sbr.rel @!p1 .LBB3_22-.Ltmp10, $3  }
0xad: {  	_ =	sdelay $0x1  }
0xae: {  	s22 =	smov.u32 s20;
	s31 =	sadd.s32 $0x1, s21;
	s20 =	smov.u32 s19  }
0xaf: {  	p0 =	por !p0, !p0;
	s21 =	smov.u32 s31;
	s19 =	smov.u32 s2  }
.LBB3_3:
0xb0: {  	p1 =	sge.u32 s21, s13  }
0xb1: {  	s0 =	smulhi.u32 @!p1 $0xAAAAAAAB, s21  }
0xb2: {  	s2 =	smov.u32 s19;
	p2 =	sgt.s32 @!p1 s19, $0x27010  }
0xb3: {  	s3 =	sshra.s32 @!p1 s19, $0x1F;
	p2 =	por !p2, p1;
	s0 =	sshrl.u32 @!p1 s0, $0x1  }
0xb4: {  	s3 =	sand.u32 @!p1 s3, s19;
	s2 =	simm.s32 @p2 $0x27010;
	s0 =	smul.u32 @!p1 $0x3, s0  }
0xb5: {  	s2 =	ssub.s32 @!p1 s2, s3  }
0xb6: {  	s2 =	sadd.s32 @!p1 $0xFFFD8FF0, s2;
	s0 =	ssub.s32 @!p1 s21, s0  }
0xb7: {  	s3 =	sshll.u32 @!p1 s2, $0x2;
	p2 =	sgt.s32 @!p1 s2, $0xEF;
	s0 =	smul.u32 @!p1 $0x3C0, s0  }
0xb8: {  	s4 =	sand.u32 @!p1 $0x7, s19;
	s2 =	ssub.s32 @!p1 $0x3C0, s3;
	p2 =	por !p2, p1  }
0xb9: {  	s3 =	sshrl.u32 @!p1 s19, $0x3;
	s2 =	sshrl.u32 @!p1 s2, $0x2;
	s0 =	sshrl.u32 @!p1 s0, $0x2  }
0xba: {  	s3 =	sadd.s32 @!p1 s3, s14;
	s2 =	simm.s32 @!p2 $0x0;
	s0 =	sadd.s32 @!p1 $0x10248, s0  }
0xbb: {  	[tilespmem:s0], [sflag:$0xA] =	stream.linear.gather @!p1 [hbm4b:s3+s4], s2, $0x38;
	[tilespmem:$0x1F6F8] =	vst v63  }
0xbc: {  	s0 =	sadd.s32 $0xFFFFFFFF, s21  }
0xbd: {  	p1 =	sge.u32 s0, s13  }
0xbe: {  	p2 =	sgt.s32 @!p1 s20, $0x27010  }
0xbf: {  	s2 =	smov.u32 s20;
	s3 =	sshra.s32 @!p1 s20, $0x1F;
	p2 =	por !p2, p1  }
0xc0: {  	s3 =	sand.u32 @!p1 s3, s20;
	s2 =	simm.s32 @p2 $0x27010  }
0xc1: {  	s2 =	ssub.s32 @!p1 s2, s3  }
0xc2: {  	s2 =	sadd.s32 @!p1 $0xFFFD8FF0, s2  }
0xc3: {  	s4 =	sand.u32 @!p1 $0x1, s0;
	s3 =	sshll.u32 @!p1 s2, $0x2  }
0xc4: {  	p2 =	sgt.s32 @!p1 s2, $0xEF;
	s2 =	ssub.s32 @!p1 $0x3C0, s3;
	s3 =	smulhi.u32 @!p1 $0xAAAAAAAB, s0  }
0xc5: {  	s23 =	smul.u32 @!p1 $0x3C0, s4;
	p2 =	por !p2, p1;
	s2 =	sshrl.u32 @!p1 s2, $0x2  }
0xc6: {  	s5 =	simm.s32 @!p1 $0xA;
	s2 =	simm.s32 @!p2 $0x0;
	s3 =	sshrl.u32 @!p1 s3, $0x1  }
0xc7: {  	s23 =	sshrl.u32 @!p1 s23, $0x2;
	_ =	swait.ge @!p1 [sflag:s5], s2;
	s3 =	smul.u32 @!p1 $0x3, s3  }
0xc8: {  	s23 =	sadd.s32 @!p1 $0x10518, s23;
	s24 =	ssub.s32 @!p1 $0x0, s2;
	[sflag:s5] =	ssyncset.done @!p1 $0x0  }
0xc9: {  	[sflag:s5] =	ssyncadd.s32 @!p1 s24;
	s5 =	sshrl.u32 @!p1 s20, $0x3;
	s0 =	ssub.s32 @!p1 s0, s3  }
0xca: {  	s24 =	sand.u32 @!p1 $0x7, s20;
	s5 =	sadd.s32 @!p1 s5, s15;
	s0 =	smul.u32 @!p1 $0x3C0, s0  }
0xcb: {  	[tilespmem:s23], [sflag:$0xB] =	stream.linear.gather @!p1 [hbm4b:s5+s24], s2, $0x38;
	[tilespmem:$0x1F6F8] =	vst v63  }
0xcc: {  	s3 =	ssub.s32 @!p1 $0x27100, s20;
	s2 =	smul.u32 @!p1 $0x1E000, s4  }
0xcd: {  	p2 =	slt.s32 @!p1 s3, $0xF0  }
0xce: {  	p2 =	por !p2, p1;
	s0 =	sshrl.u32 @!p1 s0, $0x2;
	s2 =	sshrl.u32 @!p1 s2, $0x2  }
0xcf: {  	s3 =	simm.s32 @p2 $0xF0;
	s0 =	sadd.s32 @!p1 $0x10248, s0;
	s2 =	sor.u32 @!p1 $0x106F8, s2  }
0xd0: {  	[tilespmem:s2], [sflag:$0x9] =	stream.indirect.gather @!p1 [hbm4b:s6+s3], $0x80, s0, s3, $0xb8;
	[tilespmem:$0x1F6F8] =	vst v63  }
0xd1: {  	p1 =	slt.u32 s21, $0x2  }
.Ltmp11:
0xd2: {  	_ = 	snop;
	(pc) =	sbr.rel @p1 .LBB3_21-.Ltmp11, $1  }
0xd3: {  	_ =	sdelay $0x3  }
0xd4: {  	p1 =	sgt.s32 s22, $0x27010  }
0xd5: {  	s0 =	smov.u32 s22;
	s2 =	sshra.s32 s22, $0x1F;
	s3 =	ssub.s32 $0x27100, s22  }
0xd6: {  	s0 =	simm.s32 @!p1 $0x27010;
	s2 =	sand.u32 s2, s22;
	p1 =	slt.s32 s3, $0xF0  }
0xd7: {  	s0 =	ssub.s32 s0, s2;
	s3 =	simm.s32 @!p1 $0xF0  }
0xd8: {  	s0 =	sadd.s32 $0xFFFD8FF0, s0;
	s25 =	sshll.u32 s3, $0x7  }
0xd9: {  	s26 =	sshll.u32 s0, $0x2;
	s2 =	sand.u32 $0x3FFFFF80, s25  }
0xda: {  	p1 =	sgt.s32 s0, $0xEF;
	s29 =	ssub.s32 $0x3C0, s26;
	_ =	swait.ge [sflag:s10], s2  }
0xdb: {  	s2 =	ssub.s32 $0x0, s2;
	[sflag:s10] =	ssyncset.done $0x0;
	s0 =	sshrl.u32 s29, $0x2  }
0xdc: {  	[sflag:s10] =	ssyncadd.s32 s2;
	s0 =	simm.s32 @p1 $0x0  }
0xdd: {  	_ =	swait.ge [sflag:s11], s0  }
0xde: {  	s0 =	ssub.s32 $0x0, s0;
	[sflag:s11] =	ssyncset.done $0x0  }
0xdf: {  	[sflag:s11] =	ssyncadd.s32 s0  }
0xe0: {  	v1 =	vld [tilespmem:$0xF208];
	_ =	sdelay $0x4  }
0xe1: {  	(v2sf) =	vpush v1, $0x0  }
0xe2: {  	(v2sf) =	vpush v1, $0x1  }
0xe3: {  	(v2sf) =	vpush v1, $0x2;
	_ =	sdelay $0x3  }
0xe4: {  	s0 =	sadd.s32 $0xF0, s22  }
0xe5: {  	s2 =	ssub.s32 $0x4E200, s22;
	p1 =	slt.s32 s8, s0  }
0xe6: {  	s0 =	smov.u32 @p1 s8;
	p1 =	sgt.s32 s2, $0x0  }
0xe7: {  	s26 =	ssub.s32 s0, s22;
	s2 =	simm.s32 @!p1 $0x0  }
0xe8: {  	p1 =	slt.s32 s2, s26  }
0xe9: {  	s26 =	smov.u32 @p1 s2  }
0xea: {  	s25 =	simm.s32 $0x1;
	p1 =	slt.s32 s26, $0x1  }
.Ltmp12:
0xeb: {  	s25 =	simm.s32 @!p0 $0x0;
	(pc) =	sbr.rel @p1 .LBB3_8-.Ltmp12, $4  }
0xec: {  	s31 =	smul.u32 $0x3C0, s25  }
0xed: {  	s28 =	spop (v2sf)  }
0xee: {  	s0 =	sshrl.u32 s31, $0x2;
	s30 =	spop (v2sf)  }
0xef: {  	s23 =	sadd.s32 $0x10518, s0;
	s22 =	spop (v2sf)  }
0xf0: {  	s0 =	smin.u32 s26, $0x10  }
0xf1: {  	v1 =	vmov s0  }
0xf2: {  	p2 =	sgt.s32 s26, $0x10;
	vm1 =	vgt.u32 v1, v0  }
.Ltmp13:
0xf3: {  	_ = 	snop;
	(pc) =	sbr.rel @!p2 .LBB3_7-.Ltmp13, $2  }
0xf4: {  	_ =	sdelay $0x2  }
0xf5: {  	s4 =	simm.s32 $0x10;
	s24 =	sadd.s32 $0xFFFFFFF0, s26;
	s0 =	smov.u32 s23;
	vm0 =	vmmov vm1  }
.LBB3_6:
0xf6: {  	s2 =	smin.u32 s24, $0x10;
	s4 =	sadd.s32 $0x10, s4;
	v1 =	vld.msk [tilespmem:s0+$0x0 ss:$0x1], vm1  }
0xf7: {  	v2 =	vmov s2;
	p2 =	slt.s32 s4, s26  }
0xf8: {  	vm1 =	vgt.u32 v2, v0  }
.Ltmp14:
0xf9: {  	(pc) =	sbr.rel @p2 .LBB3_6-.Ltmp14, $3  }
0xfa: {  	_ =	sdelay $0x1  }
0xfb: {  	v1 =	vshll.u32 v1, $0x4  }
0xfc: {  	s24 =	sadd.s32 $0xFFFFFFF0, s24;
	[tilespmem:s0+$0x0] =	vst.msk vm0, v1;
	s0 =	sadd.s32 $0x10, s0;
	vm0 =	vmmov vm1  }
.LBB3_7:
0xfd: {  	_ =	sdelay $0x4  }
0xfe: {  	v1 =	vld.msk [tilespmem:s0+$0x0 ss:$0x1], vm1;
	_ =	sdelay $0x4  }
0xff: {  	v1 =	vshll.u32 v1, $0x4  }
0x100: {  	[tilespmem:s0+$0x0] =	vst.msk vm0, v1  }
.LBB3_8:
0x101: {  	s0 =	sand.u32 $0x1, s21  }
0x102: {  	s0 =	smul.u32 $0xF0, s0  }
0x103: {  	p2 =	sne.s32 s30, $0xFFFFFFFF  }
0x104: {  	v1 =	vld.msk @!p2 [tilespmem:s0+$0x10518], $0x1;
	_ =	sdelay $0x4  }
0x105: {  	(v2sf) =	vpush @!p2 v1, $0x0;
	_ =	sdelay $0xc  }
.Ltmp15:
0x106: {  	_ = 	snop;
	(pc) =	sbr.rel @p1 .LBB3_19-.Ltmp15, $4  }
0x107: {  	_ = 	snop  }
0x108: {  	s29 =	spop @!p2 (v2sf)  }
0x109: {  	s22 =	simm.s32 @!p2 $0x0;
	s24 =	smov.u32 s29  }
0x10a: {  	[sflag:s18] =	ssyncpa.u1 $0x0;
	s29 =	smov.u32 @p2 s28;
	s24 =	smov.u32 @p2 s30  }
0x10b: {  	v1 =	vld.msk [tilespmem:s23+$0x0], $0x1;
	_ =	sdelay $0x4  }
0x10c: {  	(v2sf) =	vpush v1, $0x0;
	_ =	sdelay $0xe  }
0x10d: {  	s2 =	smul.u32 $0x1E000, s25;
	s0 =	spop (v2sf)  }
0x10e: {  	s26 =	ssub.s32 $0x0, s26;
	p1 =	seq.s32 s29, s0  }
0x10f: {  	s30 =	sadd.s32 $0x1, s26;
	s2 =	sshrl.u32 s2, $0x2;
	p2 =	sgt.s32 @!p1 s29, $0x0  }
0x110: {  	s25 =	sor.u32 $0x10738, s2;
	s2 =	smov.u32 s29;
	p2 =	por !p2, p1  }
0x111: {  	s2 =	simm.s32 @p2 $0x0;
	p2 =	seq.s32 s30, $0x0  }
.Ltmp16:
0x112: {  	_ = 	snop;
	(pc) =	sbr.rel @p2 .LBB3_11-.Ltmp16, $4  }
0x113: {  	_ = 	snop  }
0x114: {  	s28 =	simm.s32 $0x0;
	s31 =	sadd.s32 $0x1, s23;
	s2 =	smin.u32 @!p1 s2, $0x270F0  }
0x115: {  	s4 =	simm.s32 @!p1 $0x1;
	s5 =	simm.s32 @!p1 $0x7988;
	s3 =	sand.u32 @!p1 $0x3FFF8, s2  }
0x116: {  	s4 =	smov.u32 @p1 s28;
	s2 =	sand.u32 @!p1 $0x7, s2;
	s3 =	sadd.s32 @!p1 s1, s3  }
.LBB3_10:
0x117: {  	s9 =	smov.u32 s4  }
0x118: {  	[tilespmem:s5], [sflag:$0x2] =	stream.linear.gather @!p1 [hbm4b:s3+s2], $0x80, $0x38;
	[tilespmem:$0x1F6F8] =	vst v63  }
0x119: {  	s30 =	sadd.s32 $0x1, s30;
	s2 =	smov.u32 s0;
	v1 =	vld.msk [tilespmem:s31+$0x0], $0x1  }
0x11a: {  	p2 =	seq.s32 s30, $0x0;
	_ =	sdelay $0x3  }
0x11b: {  	(v2sf) =	vpush v1, $0x0;
	_ =	sdelay $0xe  }
0x11c: {  	s0 =	spop (v2sf)  }
0x11d: {  	p1 =	seq.s32 s2, s0  }
0x11e: {  	p3 =	sgt.s32 @!p1 s2, $0x0;
	s3 =	sshll.u32 @!p1 s4, $0x9;
	s4 =	sadd.s32 @!p1 $0x1, s4  }
.Ltmp17:
0x11f: {  	p3 =	por !p3, p1;
	s3 =	sshra.s32 @!p1 s3, $0x2;
	(pc) =	sbr.rel @!p2 .LBB3_10-.Ltmp17, $4  }
0x120: {  	s4 =	smov.u32 @p1 s9;
	s2 =	simm.s32 @p3 $0x0;
	s5 =	sadd.s32 @!p1 $0x7988, s3  }
0x121: {  	s2 =	smin.u32 @!p1 s2, $0x270F0  }
0x122: {  	s3 =	sand.u32 @!p1 $0x3FFF8, s2;
	s2 =	sand.u32 @!p1 $0x7, s2  }
0x123: {  	s31 =	sadd.s32 $0x1, s31;
	s3 =	sadd.s32 @!p1 s1, s3  }
.LBB3_11:
0x124: {  	[tilespmem:s5], [sflag:$0x2] =	stream.linear.gather @!p1 [hbm4b:s3+s2], $0x80, $0x38;
	[tilespmem:$0x1F6F8] =	vst v63  }
.Ltmp18:
0x125: {  	s0 =	sshll.u32 s4, $0x7;
	(pc) =	sbr.rel .LBB3_12-.Ltmp18, $4  }
0x126: {  	s30 =	simm.s32 $0x2;
	s0 =	sand.u32 $0x3FFFFF80, s0  }
0x127: {  	_ =	swait.ge [sflag:s30], s0  }
0x128: {  	s0 =	ssub.s32 $0x0, s0;
	[sflag:s30] =	ssyncset.done $0x0  }
0x129: {  	s31 =	simm.s32 $0x0;
	[sflag:s30] =	ssyncadd.s32 s0  }
.LBB3_13:
0x12a: {  	v1 =	vld [tilespmem:s25+$0xFFFFFFC0];
	_ =	sdelay $0x3  }
0x12b: {  	s0 =	sshra.s32 s0, $0x2  }
0x12c: {  	[tilespmem:s0+$0x108] =	vst.add.f32.msk $0xffff, v1  }
0x12d: {  	v1 =	vld [tilespmem:s25+$0xFFFFFFD0];
	_ =	sdelay $0x4  }
0x12e: {  	[tilespmem:s0+$0x118] =	vst.add.f32.msk $0xffff, v1  }
0x12f: {  	v1 =	vld [tilespmem:s25+$0xFFFFFFE0];
	_ =	sdelay $0x4  }
0x130: {  	[tilespmem:s0+$0x128] =	vst.add.f32.msk $0xffff, v1  }
0x131: {  	v1 =	vld [tilespmem:s25+$0xFFFFFFF0];
	_ =	sdelay $0x4  }
0x132: {  	[tilespmem:s0+$0x138] =	vst.add.f32.msk $0xffff, v1  }
0x133: {  	v1 =	vld [tilespmem:s25+$0x0];
	_ =	sdelay $0x4  }
0x134: {  	[tilespmem:s0+$0x148] =	vst.add.f32.msk $0xffff, v1  }
0x135: {  	v1 =	vld [tilespmem:s25+$0x10];
	_ =	sdelay $0x4  }
0x136: {  	[tilespmem:s0+$0x158] =	vst.add.f32.msk $0xffff, v1  }
0x137: {  	v1 =	vld [tilespmem:s25+$0x20];
	_ =	sdelay $0x4  }
0x138: {  	[tilespmem:s0+$0x168] =	vst.add.f32.msk $0xffff, v1  }
0x139: {  	v1 =	vld [tilespmem:s25+$0x30];
	_ =	sdelay $0x4  }
0x13a: {  	[tilespmem:s0+$0x178] =	vst.add.f32.msk $0xffff, v1  }
.LBB3_17:
0x13b: {  	s26 =	sadd.s32 $0x1, s26  }
0x13c: {  	p1 =	seq.s32 s26, $0x0  }
.Ltmp19:
0x13d: {  	_ = 	snop;
	(pc) =	sbr.rel @p1 .LBB3_18-.Ltmp19, $2  }
0x13e: {  	_ =	sdelay $0x2  }
0x13f: {  	s23 =	sadd.s32 $0x1, s23;
	s25 =	sadd.s32 $0x80, s25;
	s29 =	smov.u32 s30  }
.LBB3_12:
0x140: {  	v1 =	vld.msk [tilespmem:s23+$0x0], $0x1;
	_ =	sdelay $0x4  }
0x141: {  	(v2sf) =	vpush v1, $0x0;
	_ =	sdelay $0xe  }
0x142: {  	s30 =	spop (v2sf)  }
0x143: {  	p1 =	sne.s32 s29, s30  }
.Ltmp20:
0x144: {  	_ = 	snop;
	(pc) =	sbr.rel @!p1 .LBB3_13-.Ltmp20, $2  }
0x145: {  	_ =	sdelay $0x2  }
0x146: {  	s0 =	sshll.u32 s22, $0x9  }
0x147: {  	p1 =	seq.s32 s29, s24  }
.Ltmp21:
0x148: {  	_ = 	snop;
	(pc) =	sbr.rel @!p1 .LBB3_15-.Ltmp21, $1  }
0x149: {  	_ =	sdelay $0x3  }
0x14a: {  	s0 =	sshra.s32 s0, $0x2  }
.Ltmp22:
0x14b: {  	s0 =	sadd.s32 $0x108, s0;
	(pc) =	sbr.rel .LBB3_16-.Ltmp22, $4  }
0x14c: {  	[spmem:s16] =	stream.linear.scatter [tilespmem:s0], [sflag:$0x1], $0x80, $0x38;
	[tilespmem:$0x1F6F8] =	vst v63  }
0x14d: {  	_ =	swait.ge [sflag:s12], $0x80  }
0x14e: {  	[sflag:s12] =	ssyncset.done $0x0  }
0x14f: {  	[sflag:s12] =	ssyncadd.s32 $0xFFFFFF80  }
.LBB3_15:
0x150: {  	s2 =	sshll.u32 s28, $0x9  }
0x151: {  	s2 =	sshra.s32 s2, $0x2  }
0x152: {  	v1 =	vld [tilespmem:s2+$0x7988];
	_ =	sdelay $0x3  }
0x153: {  	s0 =	sshra.s32 s0, $0x2  }
0x154: {  	[tilespmem:s0+$0x108] =	vst.add.f32.msk $0xffff, v1  }
0x155: {  	v1 =	vld [tilespmem:s2+$0x7998];
	_ =	sdelay $0x4  }
0x156: {  	[tilespmem:s0+$0x118] =	vst.add.f32.msk $0xffff, v1  }
0x157: {  	v1 =	vld [tilespmem:s2+$0x79A8];
	_ =	sdelay $0x4  }
0x158: {  	[tilespmem:s0+$0x128] =	vst.add.f32.msk $0xffff, v1  }
0x159: {  	v1 =	vld [tilespmem:s2+$0x79B8];
	_ =	sdelay $0x4  }
0x15a: {  	[tilespmem:s0+$0x138] =	vst.add.f32.msk $0xffff, v1  }
0x15b: {  	v1 =	vld [tilespmem:s2+$0x79C8];
	_ =	sdelay $0x4  }
0x15c: {  	[tilespmem:s0+$0x148] =	vst.add.f32.msk $0xffff, v1  }
0x15d: {  	v1 =	vld [tilespmem:s2+$0x79D8];
	_ =	sdelay $0x4  }
0x15e: {  	[tilespmem:s0+$0x158] =	vst.add.f32.msk $0xffff, v1  }
0x15f: {  	v1 =	vld [tilespmem:s2+$0x79E8];
	_ =	sdelay $0x4  }
0x160: {  	[tilespmem:s0+$0x168] =	vst.add.f32.msk $0xffff, v1  }
0x161: {  	v1 =	vld [tilespmem:s2+$0x79F8];
	_ =	sdelay $0x2  }
0x162: {  	p1 =	sgt.u32 s29, $0x270F0  }
0x163: {  	s2 =	sand.u32 @!p1 $0x3FFF8, s29  }
0x164: {  	s3 =	sadd.s32 $0x108, s0;
	[tilespmem:s0+$0x178] =	vst.add.f32.msk $0xffff, v1;
	s0 =	sadd.s32 @!p1 s1, s2;
	s2 =	sand.u32 @!p1 $0x7, s29  }
0x165: {  	[hbm4b:s0+s2] =	stream.linear.scatter @!p1 [tilespmem:s3], [sflag:$0xC], $0x80, $0x38;
	[tilespmem:$0x1F6F8] =	vst v63  }
0x166: {  	s0 =	simm.s32 $0x0  }
0x167: {  	s0 =	simm.s32 @!p1 $0x200  }
0x168: {  	s31 =	sadd.s32 s0, s31  }
.LBB3_16:
0x169: {  	s0 =	sadd.s32 $0x1, s22  }
0x16a: {  	s2 =	smulhi.u32 $0x88888889, s0;
	_ =	sdelay $0x1  }
0x16b: {  	v1 =	vld [tilespmem:s25+$0xFFFFFFC0];
	s2 =	sshrl.u32 s2, $0x7  }
0x16c: {  	s2 =	smul.u32 $0xF0, s2;
	_ =	sdelay $0x1  }
0x16d: {  	s22 =	ssub.s32 s0, s2  }
0x16e: {  	s0 =	sshll.u32 s22, $0x7  }
0x16f: {  	[tilespmem:s0+$0x108] =	vst v1  }
0x170: {  	v1 =	vld [tilespmem:s25+$0xFFFFFFD0];
	_ =	sdelay $0x4  }
0x171: {  	[tilespmem:s0+$0x118] =	vst v1  }
0x172: {  	v1 =	vld [tilespmem:s25+$0xFFFFFFE0];
	_ =	sdelay $0x4  }
0x173: {  	[tilespmem:s0+$0x128] =	vst v1  }
0x174: {  	v1 =	vld [tilespmem:s25+$0xFFFFFFF0];
	_ =	sdelay $0x4  }
0x175: {  	[tilespmem:s0+$0x138] =	vst v1  }
0x176: {  	v1 =	vld [tilespmem:s25+$0x0];
	_ =	sdelay $0x4  }
0x177: {  	[tilespmem:s0+$0x148] =	vst v1  }
0x178: {  	v1 =	vld [tilespmem:s25+$0x10];
	_ =	sdelay $0x4  }
0x179: {  	[tilespmem:s0+$0x158] =	vst v1  }
0x17a: {  	v1 =	vld [tilespmem:s25+$0x20];
	_ =	sdelay $0x4  }
0x17b: {  	[tilespmem:s0+$0x168] =	vst v1  }
0x17c: {  	v1 =	vld [tilespmem:s25+$0x30]  }
.Ltmp23:
0x17d: {  	_ = 	snop;
	(pc) =	sbr.rel .LBB3_17-.Ltmp23, $2  }
0x17e: {  	_ =	sdelay $0x2  }
0x17f: {  	s28 =	sadd.s32 $0x1, s28;
	[tilespmem:s0+$0x178] =	vst v1  }
.LBB3_19:
.Ltmp24:
0x180: {  	(pc) =	sbr.rel .LBB3_20-.Ltmp24, $4  }
0x181: {  	_ = 	snop  }
0x182: {  	s0 =	simm.s32 $0x2  }
0x183: {  	_ =	swait.ge [sflag:s0], $0x0  }
0x184: {  	s30 =	smov.u32 s29;
	[sflag:s0] =	ssyncset.done $0x0;
	s0 =	simm.s32 $0x0  }
.LBB3_22:
0x185: {  	_ =	sfence.sel $0x180000  }
0x186: {  	s0 =	simm.s32 $0x9;
	[bflag:$0x0] =	sbarrier.arrive $0xFFFF  }
0x187: {  	s24 =	simm.s32 $0xA;
	[sflag:s0] =	ssyncpa.u1 $0x1  }
0x188: {  	s25 =	simm.s32 $0xB;
	[sflag:s24] =	ssyncpa.u1 $0x1  }
0x189: {  	s26 =	simm.s32 $0x2;
	[sflag:s25] =	ssyncpa.u1 $0x1  }
0x18a: {  	[sflag:s26] =	ssyncpa.u1 $0x1  }
0x18b: {  	v0 =	vld [tilespmem:$0xF208];
	_ =	sdelay $0x4  }
0x18c: {  	(v2sf) =	vpush v0, $0x0  }
0x18d: {  	(v2sf) =	vpush v0, $0x1;
	_ =	sdelay $0x1  }
0x18e: {  	(v2sf) =	vpush v0, $0x2;
	_ =	sdelay $0xb  }
0x18f: {  	s0 =	spop (v2sf)  }
0x190: {  	s2 =	spop (v2sf)  }
0x191: {  	s3 =	smov.u32 s0;
	p0 =	sne.s32 s0, s2  }
0x192: {  	s4 =	spop (v2sf);
	s3 =	simm.s32 @!p0 $0xFFFFFFFF  }
0x193: {  	v2 =	vimm.s32 $0x1;
	v3 =	vlaneseq.u32;
	p0 =	seq.s32 s4, $0xFFFFFFFF;
	v1 =	vmov s3  }
0x194: {  	s16 =	stileid.u32;
	v0 =	vperm.xlane v0, v2;
	p1 =	sne.s32 @!p0 s0, s2;
	v1 =	vperm.xlane v1, v3  }
0x195: {  	vm0 =	vcmask $0x3F04;
	s6 =	simm.s32 $0xF208;
	s0 =	simm.s32 @!p0 $0x1;
	p1 =	por !p1, p0  }
0x196: {  	s3 =	sshll.u32 s16, $0x1;
	s2 =	sshll.u32 @!p0 s4, $0x9;
	s0 =	simm.s32 @p1 $0x0;
	v0 =	vsel vm0, v1, v0  }
0x197: {  	s5 =	sor.u32 $0x1000, s3;
	s2 =	sshra.s32 @!p0 s2, $0x2;
	s0 =	sor.u32 @!p0 s0, s3;
	[tilespmem:$0xF208] =	vst v0  }
0x198: {  	[spmem:s5] =	stream.linear.scatter [tilespmem:s6], [sflag:$0x1], $0x2, $0x38;
	[tilespmem:$0x1F6F8] =	vst v63  }
0x199: {  	s2 =	sadd.s32 @!p0 $0x108, s2;
	s0 =	sshll.u32 @!p0 s0, $0x7  }
0x19a: {  	[spmem:s0] =	stream.linear.scatter @!p0 [tilespmem:s2], [sflag:$0x1], $0x80, $0x38;
	[tilespmem:$0x1F6F8] =	vst v63  }
0x19b: {  	s0 =	simm.s32 @!p0 $0x82  }
0x19c: {  	s28 =	simm.s32 $0x1;
	s0 =	simm.s32 @p0 $0x2  }
0x19d: {  	_ =	swait.ge [sflag:s28], s0  }
0x19e: {  	s0 =	ssub.s32 $0x0, s0;
	[sflag:s28] =	ssyncset.done $0x0  }
0x19f: {  	p0 =	sne.s32 s16, $0x0;
	[sflag:s28] =	ssyncadd.s32 s0  }
.Ltmp25:
0x1a0: {  	_ =	sfence.stream.spmem;
	(pc) =	sbr.rel @p0 .LBB3_39-.Ltmp25, $4  }
0x1a1: {  	s29 =	simm.s32 $0x3;
	[bflag:$0x0] =	sbarrier.arrive $0xFFFF  }
0x1a2: {  	s30 =	simm.s32 $0x4;
	[sflag:s29] =	ssyncpa.u1 $0x1  }
0x1a3: {  	s31 =	simm.s32 $0x3C;
	[sflag:s30] =	ssyncpa.u1 $0x1  }
0x1a4: {  	s15 =	rddreg [dreg:$0x4];
	[sflag:s31] =	ssyncpa.u1 $0x1  }
0x1a5: {  	_ =	sfence.stream.spmem;
	s0 =	simm.s32 $0x5  }
0x1a6: {  	s2 =	simm.s32 $0x1000;
	s3 =	simm.s32 $0xF218;
	[sflag:s0] =	ssyncpa.u1 $0x0  }
0x1a7: {  	[tilespmem:s3], [sflag:$0x5] =	stream.linear.gather [spmem:s2], $0x20, $0x38;
	[tilespmem:$0x1F6F8] =	vst v63  }
0x1a8: {  	s26 =	simm.s32 $0x0;
	s28 =	simm.s32 $0xF238  }
0x1a9: {  	[tilespmem:s28], [sflag:$0x5] =	stream.linear.gather [spmem:s26], $0x1000, $0x38;
	[tilespmem:$0x1F6F8] =	vst v63  }
0x1aa: {  	_ =	swait.ge [sflag:s0], $0x1020  }
0x1ab: {  	[sflag:s0] =	ssyncset.done $0x0  }
0x1ac: {  	s29 =	simm.s32 $0x0;
	[sflag:s0] =	ssyncadd.s32 $0xFFFFEFE0  }
0x1ad: {  	v0 =	vld.msk [tilespmem:s29+$0xF218], $0x1;
	_ =	sdelay $0x1  }
0x1ae: {  	s30 =	simm.s32 $0x1  }
0x1af: {  	v1 =	vld.msk [tilespmem:s30+$0xF218], $0x1;
	_ =	sdelay $0x1  }
0x1b0: {  	(v2sf) =	vpush v0, $0x0;
	_ =	sdelay $0x2  }
0x1b1: {  	(v2sf) =	vpush v1, $0x0;
	_ =	sdelay $0x2  }
0x1b2: {  	s31 =	simm.s32 $0x2  }
0x1b3: {  	v0 =	vld.msk [tilespmem:s31+$0xF218], $0x1;
	_ =	sdelay $0x2  }
0x1b4: {  	s4 =	simm.s32 $0xFFFFFFFF;
	s5 =	simm.s32 $0xFFFFFFFF;
	s0 =	simm.s32 $0xC  }
.LBB3_24:
0x1b5: {  	s2 =	smov.u32 s5;
	s3 =	smov.u32 s4  }
0x1b6: {  	s4 =	sshra.s32 s0, $0x2;
	p1 =	sne.s32 s0, $0x7C;
	s0 =	sadd.s32 $0x4, s0;
	(v2sf) =	vpush v0, $0x0  }
0x1b7: {  	v0 =	vld.msk [tilespmem:s4+$0xF218], $0x1  }
.Ltmp26:
0x1b8: {  	(pc) =	sbr.rel @p1 .LBB3_24-.Ltmp26, $4  }
0x1b9: {  	s5 =	spop (v2sf)  }
0x1ba: {  	p2 =	sne.s32 s3, $0xFFFFFFFF;
	s4 =	smov.u32 s5  }
0x1bb: {  	p3 =	seq.s32 s5, $0xFFFFFFFF;
	s4 =	smov.u32 @p2 s3  }
0x1bc: {  	s5 =	smov.u32 @p3 s2;
	s4 =	smov.u32 @p3 s3  }
0x1bd: {  	(v2sf) =	vpush v0, $0x0;
	_ =	sdelay $0x8  }
0x1be: {  	s0 =	spop (v2sf)  }
0x1bf: {  	p1 =	sne.s32 s4, $0xFFFFFFFF;
	s2 =	smov.u32 s0  }
0x1c0: {  	s9 =	simm.s32 $0x6;
	p2 =	seq.s32 s0, $0xFFFFFFFF;
	s2 =	smov.u32 @p1 s4  }
0x1c1: {  	s6 =	simm.s32 $0x0;
	s2 =	smov.u32 @p2 s4;
	s3 =	spop (v2sf)  }
0x1c2: {  	s0 =	smov.u32 @p2 s5;
	p1 =	sne.s32 s2, $0xFFFFFFFF;
	s4 =	smov.u32 s3  }
.Ltmp27:
0x1c3: {  	p2 =	seq.s32 s3, $0xFFFFFFFF;
	s4 =	smov.u32 @p1 s2;
	(pc) =	sbr.rel .LBB3_26-.Ltmp27, $4  }
0x1c4: {  	s10 =	simm.s32 $0xF188;
	s4 =	smov.u32 @p2 s2;
	s7 =	spop (v2sf)  }
0x1c5: {  	s11 =	simm.s32 $0x0;
	p1 =	sne.s32 s4, $0xFFFFFFFF;
	s8 =	smov.u32 s7  }
0x1c6: {  	s3 =	smov.u32 @p2 s0;
	p2 =	seq.s32 s7, $0xFFFFFFFF;
	s8 =	smov.u32 @p1 s4  }
0x1c7: {  	[sflag:s9] =	ssyncpa.u1 $0x0;
	s7 =	smov.u32 @p2 s3;
	s8 =	smov.u32 @p2 s4  }
.LBB3_32:
0x1c8: {  	p1 =	sgt.u32 s12, $0x270F0  }
0x1c9: {  	p2 =	seq.s32 @!p1 s12, s8  }
0x1ca: {  	p1 =	por p1, p2  }
0x1cb: {  	p2 =	sne.s32 @!p1 s12, s7  }
0x1cc: {  	p1 =	por p1, !p2  }
0x1cd: {  	s0 =	sshll.u32 @p1 s11, $0x9  }
0x1ce: {  	s0 =	sand.u32 @!p1 $0x3FFF8, s12  }
0x1cf: {  	s2 =	sand.u32 @!p1 $0x7, s12;
	s0 =	sadd.s32 @!p1 s1, s0  }
0x1d0: {  	[tilespmem:s10], [sflag:$0x6] =	stream.linear.gather @!p1 [hbm4b:s0+s2], $0x80, $0x38;
	[tilespmem:$0x1F6F8] =	vst v63  }
0x1d1: {  	_ =	swait.ge @!p1 [sflag:s9], $0x80  }
0x1d2: {  	[sflag:s9] =	ssyncset.done @!p1 $0x0  }
0x1d3: {  	[sflag:s9] =	ssyncadd.s32 @!p1 $0xFFFFFF80  }
0x1d4: {  	v1 =	vld @!p1 [tilespmem:$0xF188];
	_ =	sdelay $0x2  }
0x1d5: {  	s0 =	sshll.u32 @!p1 s11, $0x9  }
0x1d6: {  	s2 =	sshrl.u32 @!p1 s0, $0x2  }
0x1d7: {  	[tilespmem:s2+$0xF238] =	vst.add.f32.msk @!p1 $0xffff, v1  }
0x1d8: {  	v1 =	vld @!p1 [tilespmem:$0xF198];
	_ =	sdelay $0x4  }
0x1d9: {  	[tilespmem:s2+$0xF248] =	vst.add.f32.msk @!p1 $0xffff, v1  }
0x1da: {  	v1 =	vld @!p1 [tilespmem:$0xF1A8];
	_ =	sdelay $0x4  }
0x1db: {  	[tilespmem:s2+$0xF258] =	vst.add.f32.msk @!p1 $0xffff, v1  }
0x1dc: {  	v1 =	vld @!p1 [tilespmem:$0xF1B8];
	_ =	sdelay $0x4  }
0x1dd: {  	[tilespmem:s2+$0xF268] =	vst.add.f32.msk @!p1 $0xffff, v1  }
0x1de: {  	v1 =	vld @!p1 [tilespmem:$0xF1C8];
	_ =	sdelay $0x4  }
0x1df: {  	[tilespmem:s2+$0xF278] =	vst.add.f32.msk @!p1 $0xffff, v1  }
0x1e0: {  	v1 =	vld @!p1 [tilespmem:$0xF1D8];
	_ =	sdelay $0x4  }
0x1e1: {  	[tilespmem:s2+$0xF288] =	vst.add.f32.msk @!p1 $0xffff, v1  }
0x1e2: {  	v1 =	vld @!p1 [tilespmem:$0xF1E8];
	_ =	sdelay $0x4  }
0x1e3: {  	[tilespmem:s2+$0xF298] =	vst.add.f32.msk @!p1 $0xffff, v1  }
0x1e4: {  	v1 =	vld @!p1 [tilespmem:$0xF1F8];
	_ =	sdelay $0x4  }
0x1e5: {  	[tilespmem:s2+$0xF2A8] =	vst.add.f32.msk @!p1 $0xffff, v1  }
0x1e6: {  	s0 =	sshrl.u32 s0, $0x2;
	[tilespmem:s6+$0xF218] =	vst.msk $0x1, v0  }
0x1e7: {  	v0 =	vld [tilespmem:s0+$0xF238];
	_ =	sdelay $0x2  }
0x1e8: {  	s31 =	sshll.u32 s6, $0x9  }
0x1e9: {  	s2 =	sshra.s32 s31, $0x2  }
0x1ea: {  	[tilespmem:s2+$0xF238] =	vst v0  }
0x1eb: {  	v0 =	vld [tilespmem:s0+$0xF248];
	_ =	sdelay $0x4  }
0x1ec: {  	[tilespmem:s2+$0xF248] =	vst v0  }
0x1ed: {  	v0 =	vld [tilespmem:s0+$0xF258];
	_ =	sdelay $0x4  }
0x1ee: {  	[tilespmem:s2+$0xF258] =	vst v0  }
0x1ef: {  	v0 =	vld [tilespmem:s0+$0xF268];
	_ =	sdelay $0x4  }
0x1f0: {  	[tilespmem:s2+$0xF268] =	vst v0  }
0x1f1: {  	v0 =	vld [tilespmem:s0+$0xF278];
	_ =	sdelay $0x4  }
0x1f2: {  	[tilespmem:s2+$0xF278] =	vst v0  }
0x1f3: {  	v0 =	vld [tilespmem:s0+$0xF288];
	_ =	sdelay $0x4  }
0x1f4: {  	[tilespmem:s2+$0xF288] =	vst v0  }
0x1f5: {  	v0 =	vld [tilespmem:s0+$0xF298];
	_ =	sdelay $0x4  }
0x1f6: {  	[tilespmem:s2+$0xF298] =	vst v0  }
0x1f7: {  	v0 =	vld [tilespmem:s0+$0xF2A8];
	_ =	sdelay $0x4  }
0x1f8: {  	s6 =	sadd.s32 $0x1, s6;
	[tilespmem:s2+$0xF2A8] =	vst v0  }
.LBB3_33:
0x1f9: {  	s11 =	sadd.s32 $0x1, s11  }
0x1fa: {  	p1 =	sne.s32 s11, $0x20  }
.Ltmp28:
0x1fb: {  	_ = 	snop;
	(pc) =	sbr.rel @!p1 .LBB3_34-.Ltmp28, $1  }
0x1fc: {  	_ =	sdelay $0x3  }
.LBB3_26:
0x1fd: {  	v0 =	vld.msk [tilespmem:s11+$0xF218], $0x1;
	_ =	sdelay $0x4  }
0x1fe: {  	(v2sf) =	vpush v0, $0x0;
	_ =	sdelay $0xe  }
0x1ff: {  	s12 =	spop (v2sf)  }
0x200: {  	p1 =	seq.s32 s12, $0xFFFFFFFF  }
.Ltmp29:
0x201: {  	_ = 	snop;
	(pc) =	sbr.rel @p1 .LBB3_33-.Ltmp29, $1  }
0x202: {  	_ =	sdelay $0x3  }
0x203: {  	p1 =	slt.s32 s6, $0x1  }
.Ltmp30:
0x204: {  	_ = 	snop;
	(pc) =	sbr.rel @p1 .LBB3_32-.Ltmp30, $1  }
0x205: {  	_ =	sdelay $0x3  }
0x206: {  	s13 =	simm.s32 $0xF218;
	p1 =	por $0x0, $0x0  }
0x207: {  	v1 =	vld.msk @!p1 [tilespmem:s13+$0x0], $0x1;
	_ =	sdelay $0x4  }
0x208: {  	(v2sf) =	vpush @!p1 v1, $0x0;
	_ =	sdelay $0xd  }
0x209: {  	p3 =	sne.s32 s6, $0x1  }
.Ltmp31:
0x20a: {  	s0 =	spop @!p1 (v2sf);
	(pc) =	sbr.rel @!p3 .LBB3_30-.Ltmp31, $4  }
0x20b: {  	p2 =	seq.s32 @!p1 s12, s0  }
0x20c: {  	s14 =	simm.s32 $0x0;
	p2 =	por !p2, p1  }
0x20d: {  	s2 =	simm.s32 $0xFFFFFFFF;
	s14 =	simm.s32 @p2 $0xFFFFFFFF  }
0x20e: {  	s0 =	simm.s32 $0x1;
	s14 =	smov.u32 @p1 s2  }
.LBB3_29:
0x20f: {  	s2 =	smov.u32 s14;
	p1 =	sne.s32 s14, $0xFFFFFFFF  }
0x210: {  	s13 =	sadd.s32 $0x1, s13;
	s14 =	smov.u32 s0;
	s0 =	sadd.s32 $0x1, s0  }
0x211: {  	p2 =	sne.s32 s6, s0;
	v1 =	vld.msk @!p1 [tilespmem:s13+$0x0], $0x1;
	_ =	sdelay $0x4  }
0x212: {  	(v2sf) =	vpush @!p1 v1, $0x0;
	_ =	sdelay $0xe  }
.Ltmp32:
0x213: {  	s3 =	spop @!p1 (v2sf);
	(pc) =	sbr.rel @p2 .LBB3_29-.Ltmp32, $4  }
0x214: {  	p3 =	seq.s32 @!p1 s12, s3  }
0x215: {  	p3 =	por !p3, p1  }
0x216: {  	s14 =	simm.s32 @p3 $0xFFFFFFFF  }
0x217: {  	s14 =	smov.u32 @p1 s2  }
.LBB3_30:
0x218: {  	p1 =	seq.s32 s14, $0xFFFFFFFF  }
.Ltmp33:
0x219: {  	_ = 	snop;
	(pc) =	sbr.rel @p1 .LBB3_32-.Ltmp33, $1  }
0x21a: {  	_ =	sdelay $0x3  }
0x21b: {  	s0 =	sshll.u32 s11, $0x7  }
0x21c: {  	s0 =	sand.u32 $0x3FFFFF80, s0  }
0x21d: {  	v0 =	vld [tilespmem:s0+$0xF238];
	_ =	sdelay $0x2  }
0x21e: {  	s2 =	sshll.u32 s14, $0x9  }
0x21f: {  	s2 =	sshra.s32 s2, $0x2  }
0x220: {  	[tilespmem:s2+$0xF238] =	vst.add.f32.msk $0xffff, v0  }
0x221: {  	v0 =	vld [tilespmem:s0+$0xF248];
	_ =	sdelay $0x4  }
0x222: {  	[tilespmem:s2+$0xF248] =	vst.add.f32.msk $0xffff, v0  }
0x223: {  	v0 =	vld [tilespmem:s0+$0xF258];
	_ =	sdelay $0x4  }
0x224: {  	[tilespmem:s2+$0xF258] =	vst.add.f32.msk $0xffff, v0  }
0x225: {  	v0 =	vld [tilespmem:s0+$0xF268];
	_ =	sdelay $0x4  }
0x226: {  	[tilespmem:s2+$0xF268] =	vst.add.f32.msk $0xffff, v0  }
0x227: {  	v0 =	vld [tilespmem:s0+$0xF278];
	_ =	sdelay $0x4  }
0x228: {  	[tilespmem:s2+$0xF278] =	vst.add.f32.msk $0xffff, v0  }
0x229: {  	v0 =	vld [tilespmem:s0+$0xF288];
	_ =	sdelay $0x4  }
0x22a: {  	[tilespmem:s2+$0xF288] =	vst.add.f32.msk $0xffff, v0  }
0x22b: {  	v0 =	vld [tilespmem:s0+$0xF298];
	_ =	sdelay $0x4  }
0x22c: {  	[tilespmem:s2+$0xF298] =	vst.add.f32.msk $0xffff, v0  }
0x22d: {  	v0 =	vld [tilespmem:s0+$0xF2A8]  }
.Ltmp34:
0x22e: {  	_ = 	snop;
	(pc) =	sbr.rel .LBB3_33-.Ltmp34, $2  }
0x22f: {  	_ =	sdelay $0x2  }
0x230: {  	[tilespmem:s2+$0xF2A8] =	vst.add.f32.msk $0xffff, v0  }
.LBB3_34:
0x231: {  	s0 =	simm.s32 $0x6;
	p1 =	seq.s32 s6, $0x0  }
0x232: {  	[sflag:s0] =	ssyncpa.u1 $0x1;
	v0 =	vimm.s32 @p1 $0xFFFFFFFF  }
0x233: {  	s9 =	sadd.s32 $0xFFFFFFFF, s6;
	[tilespmem:$0x10238] =	vst @p1 v0  }
0x234: {  	v0 =	vld.msk @!p1 [tilespmem:s9+$0xF218], $0x1;
	_ =	sdelay $0x1  }
0x235: {  	v1 =	vld.msk @!p1 [tilespmem:$0xF218], $0x1;
	_ =	sdelay $0x2  }
0x236: {  	p2 =	seq.s32 @!p1 s9, $0x0;
	v0 =	vbroadcast @!p1 v0, $0x0  }
0x237: {  	vm0 =	vmmov @!p1 $0x1;
	p2 =	por !p2, p1  }
0x238: {  	v1 =	vnsel @!p1 vm0, $0xFFFFFFFF, v1;
	vm0 =	vcmask @!p1 $0x308;
	v0 =	vpsel !p2, $0xFFFFFFFF, v0  }
0x239: {  	p2 =	sne.s32 @!p1 s8, s7;
	v0 =	vsel @!p1 vm0, v1, v0  }
0x23a: {  	s0 =	simm.s32 @!p1 $0xF238;
	s2 =	simm.s32 @!p1 $0x0;
	p3 =	por !p2, p1;
	[tilespmem:$0x10238] =	vst @!p1 v0  }
0x23b: {  	[spmem:s2] =	stream.linear.scatter @!p1 [tilespmem:s0], [sflag:$0x1], $0x80, $0x38;
	[tilespmem:$0x1F6F8] =	vst v63  }
0x23c: {  	s0 =	sshll.u32 @!p3 s9, $0x9  }
0x23d: {  	s0 =	sshra.s32 @!p3 s0, $0x2  }
0x23e: {  	s2 =	simm.s32 @!p3 $0x80;
	s0 =	sadd.s32 @!p3 $0xF238, s0  }
0x23f: {  	[spmem:s2] =	stream.linear.scatter @!p3 [tilespmem:s0], [sflag:$0x1], $0x80, $0x38;
	[tilespmem:$0x1F6F8] =	vst v63  }
0x240: {  	s0 =	simm.s32 @!p3 $0x1  }
0x241: {  	_ =	swait.ge @!p3 [sflag:s0], $0x100  }
0x242: {  	p1 =	por p2, p1;
	[sflag:s0] =	ssyncset.done @!p3 $0x0  }
0x243: {  	[sflag:s0] =	ssyncadd.s32 @!p3 $0xFFFFFF00;
	s0 =	simm.s32 @!p1 $0x1  }
0x244: {  	_ =	swait.ge @!p1 [sflag:s0], $0x80  }
0x245: {  	s29 =	simm.s32 $0x10238;
	[sflag:s0] =	ssyncset.done @!p1 $0x0  }
0x246: {  	s30 =	simm.s32 $0x1000;
	s31 =	simm.s32 $0x1;
	[sflag:s0] =	ssyncadd.s32 @!p1 $0xFFFFFF80  }
0x247: {  	[spmem:s30] =	stream.linear.scatter [tilespmem:s29], [sflag:$0x1], $0x10, $0x38;
	[tilespmem:$0x1F6F8] =	vst v63  }
0x248: {  	_ =	swait.ge [sflag:s31], $0x10  }
0x249: {  	[sflag:s31] =	ssyncset.done $0x0  }
0x24a: {  	p1 =	seq.s32 s15, $0x0;
	s8 =	rddreg [dreg:$0x1];
	[sflag:s31] =	ssyncadd.s32 $0xFFFFFFF0  }
0x24b: {  	s2 =	sshll.u32 @p1 s8, $0xE;
	s7 =	rddreg [dreg:$0x2]  }
0x24c: {  	s0 =	sadd.s32 @p1 $0x15C3C, s2;
	s2 =	sshll.u32 @p1 s7, $0x11  }
0x24d: {  	_ =	sfence.stream.spmem;
	s0 =	sor.u32 @p1 s2, s0  }
0x24e: {  	[sflag:s0] =	ssyncadd.remote.s32 @p1 $0x1;
	s0 =	simm.s32 @p1 $0x4  }
0x24f: {  	s3 =	simm.s32 @!p1 $0x3C;
	s2 =	sand.u32 $0xFFFFFFFE, s8;
	_ =	swait.ge @p1 [sflag:s0], $0x22  }
0x250: {  	s4 =	simm.s32 @!p1 $0x0;
	s2 =	sadd.s32 @!p1 $0x4, s2;
	[sflag:s0] =	ssyncset.done @p1 $0x0  }
0x251: {  	s5 =	simm.s32 @!p1 $0x100;
	[sflag:s0] =	ssyncadd.s32 @p1 $0xFFFFFFDE;
	s0 =	sshll.u32 @!p1 s2, $0x1A  }
0x252: {  	s2 =	sshll.u32 @!p1 s2, $0xD;
	s0 =	sor.u32 @!p1 s0, s7;
	_ =	swait.eq @!p1 [sflag:s3], $0x1  }
0x253: {  	s2 =	sor.u32 @!p1 $0x1C04, s2;
	s3 =	simm.s32 @!p1 $0x1C03;
	s0 =	sor.u32 @!p1 $0x80004000, s0  }
0x254: {  	[spmem:s5], [sflag:s2] =	dma.general @!p1 [spmem:s4], [sflag:s3], length:$0x20, [dreg:$0x0], stride_count:$0x0, ici_dest:s0, dma_misc:DstOpCode:WRITE  }
0x255: {  	p2 =	slt.s32 s9, $0x2;
	s4 =	simm.s32 @!p1 $0x200;
	s5 =	simm.s32 @!p1 $0x202  }
0x256: {  	[spmem:s5], [sflag:s2] =	dma.general @!p1 [spmem:s4], [sflag:s3], length:$0x2, [dreg:$0x0], stride_count:$0x0, ici_dest:s0, dma_misc:DstOpCode:WRITE  }
.Ltmp35:
0x257: {  	s0 =	simm.s32 @!p1 $0x3;
	(pc) =	sbr.rel @p2 .LBB3_38-.Ltmp35, $4  }
0x258: {  	s2 =	sshll.u32 @!p1 s8, $0xE;
	_ =	swait.ge @!p1 [sflag:s0], $0x22  }
0x259: {  	s3 =	sshll.u32 @!p1 s7, $0x11;
	s2 =	sadd.s32 @!p1 $0x11C3C, s2;
	[sflag:s0] =	ssyncset.done @!p1 $0x0  }
0x25a: {  	[sflag:s0] =	ssyncadd.s32 @!p1 $0xFFFFFFDE;
	s0 =	sor.u32 @!p1 s3, s2  }
0x25b: {  	[sflag:s0] =	ssyncadd.remote.s32 @!p1 $0xFFFFFFFF;
	s0 =	simm.s32 $0x0  }
0x25c: {  	s0 =	simm.s32 $0xF219  }
0x25d: {  	v0 =	vld.msk [tilespmem:s0+$0x0], $0x1;
	_ =	sdelay $0x4  }
0x25e: {  	(v2sf) =	vpush v0, $0x0;
	_ =	sdelay $0xb  }
0x25f: {  	s31 =	sadd.s32 $0xFFFFFFFE, s6  }
0x260: {  	s0 =	sadd.s32 $0xFFFFFFFF, s31  }
0x261: {  	p2 =	sne.s32 s0, $0x0  }
.Ltmp36:
0x262: {  	s2 =	spop (v2sf);
	(pc) =	sbr.rel @!p2 .LBB3_37-.Ltmp36, $4  }
0x263: {  	s4 =	simm.s32 $0xF2B8;
	s7 =	simm.s32 $0x0;
	p1 =	sgt.u32 s2, $0x270F0  }
0x264: {  	s5 =	simm.s32 $0x0;
	s6 =	simm.s32 $0xF21A;
	s3 =	sand.u32 @!p1 $0x3FFF8, s2  }
0x265: {  	s2 =	sand.u32 @!p1 $0x7, s2;
	s7 =	simm.s32 @!p1 $0x200;
	s3 =	sadd.s32 @!p1 s1, s3  }
0x266: {  	[hbm4b:s3+s2] =	stream.linear.scatter @!p1 [tilespmem:s4], [sflag:$0x5], $0x80, $0x38;
	[tilespmem:$0x1F6F8] =	vst v63  }
.LBB3_36:
0x267: {  	v0 =	vld.msk [tilespmem:s6+$0x0], $0x1;
	s0 =	sadd.s32 $0xFFFFFFFF, s0;
	s5 =	sadd.s32 s5, s7  }
0x268: {  	p1 =	sne.s32 s0, $0x0;
	_ =	sdelay $0x3  }
0x269: {  	(v2sf) =	vpush v0, $0x0;
	_ =	sdelay $0xe  }
.Ltmp37:
0x26a: {  	s2 =	spop (v2sf);
	(pc) =	sbr.rel @p1 .LBB3_36-.Ltmp37, $4  }
0x26b: {  	s7 =	simm.s32 $0x0;
	p2 =	sgt.u32 s2, $0x270F0  }
0x26c: {  	s4 =	sadd.s32 $0x80, s4;
	s7 =	simm.s32 @!p2 $0x200;
	s3 =	sand.u32 @!p2 $0x3FFF8, s2  }
0x26d: {  	s6 =	sadd.s32 $0x1, s6;
	s2 =	sand.u32 @!p2 $0x7, s2;
	s3 =	sadd.s32 @!p2 s1, s3  }
0x26e: {  	[hbm4b:s3+s2] =	stream.linear.scatter @!p2 [tilespmem:s4], [sflag:$0x5], $0x80, $0x38;
	[tilespmem:$0x1F6F8] =	vst v63  }
.LBB3_37:
0x26f: {  	s0 =	sadd.s32 s5, s7  }
0x270: {  	s0 =	sshrl.u32 s0, $0x2  }
.LBB3_38:
0x271: {  	s2 =	simm.s32 $0x5  }
0x272: {  	_ =	swait.ge [sflag:s2], s0  }
0x273: {  	s31 =	ssub.s32 $0x0, s0;
	[sflag:s2] =	ssyncset.done $0x0  }
0x274: {  	[sflag:s2] =	ssyncadd.s32 s31  }
0x275: {  	[sflag:s2] =	ssyncpa.u1 $0x1  }
.LBB3_39:
0x276: {  	s0 =	sor.u32 s15, s16  }
0x277: {  	p1 =	sne.s32 s0, $0x0  }
.Ltmp38:
0x278: {  	_ = 	snop;
	(pc) =	sbr.rel @p1 .LBB3_54-.Ltmp38, $3  }
0x279: {  	_ =	sdelay $0x1  }
0x27a: {  	[bflag:$0x0] =	sbarrier.arrive $0xFFFF  }
0x27b: {  	_ =	sfence  }
0x27c: {  	s0 =	simm.s32 $0x7  }
0x27d: {  	s2 =	simm.s32 $0x1000;
	s3 =	simm.s32 $0xF218;
	[sflag:s0] =	ssyncpa.u1 $0x0  }
0x27e: {  	[tilespmem:s3], [sflag:$0x7] =	stream.linear.gather [spmem:s2], $0x20, $0x38;
	[tilespmem:$0x1F6F8] =	vst v63  }
0x27f: {  	s30 =	simm.s32 $0xF238;
	s2 =	simm.s32 $0x0  }
0x280: {  	[tilespmem:s30], [sflag:$0x7] =	stream.linear.gather [spmem:s2], $0x1000, $0x38;
	[tilespmem:$0x1F6F8] =	vst v63  }
.Ltmp39:
0x281: {  	_ = 	snop;
	(pc) =	sbr.rel .LBB3_41-.Ltmp39, $4  }
0x282: {  	_ =	swait.ge [sflag:s0], $0x1020  }
0x283: {  	[sflag:s0] =	ssyncset.done $0x0  }
0x284: {  	s31 =	simm.s32 $0x8;
	[sflag:s0] =	ssyncadd.s32 $0xFFFFEFE0  }
0x285: {  	s3 =	simm.s32 $0x0;
	[sflag:s31] =	ssyncpa.u1 $0x0  }
.LBB3_47:
0x286: {  	p1 =	slt.u32 s4, $0x270F1  }
0x287: {  	s0 =	sand.u32 @p1 $0x3FFF8, s4  }
0x288: {  	s4 =	sand.u32 @p1 $0x7, s4;
	s5 =	simm.s32 @p1 $0xF188;
	s0 =	sadd.s32 @p1 s1, s0  }
0x289: {  	[tilespmem:s5], [sflag:$0x8] =	stream.linear.gather @p1 [hbm4b:s0+s4], $0x80, $0x38;
	[tilespmem:$0x1F6F8] =	vst v63  }
0x28a: {  	s0 =	simm.s32 @p1 $0x8  }
0x28b: {  	_ =	swait.ge @p1 [sflag:s0], $0x80  }
0x28c: {  	[sflag:s0] =	ssyncset.done @p1 $0x0  }
0x28d: {  	[sflag:s0] =	ssyncadd.s32 @p1 $0xFFFFFF80  }
0x28e: {  	v1 =	vld @p1 [tilespmem:$0xF188];
	_ =	sdelay $0x2  }
0x28f: {  	s0 =	sshll.u32 @p1 s3, $0x9  }
0x290: {  	s4 =	sshrl.u32 @p1 s0, $0x2  }
0x291: {  	[tilespmem:s4+$0xF238] =	vst.add.f32.msk @p1 $0xffff, v1  }
0x292: {  	v1 =	vld @p1 [tilespmem:$0xF198];
	_ =	sdelay $0x4  }
0x293: {  	[tilespmem:s4+$0xF248] =	vst.add.f32.msk @p1 $0xffff, v1  }
0x294: {  	v1 =	vld @p1 [tilespmem:$0xF1A8];
	_ =	sdelay $0x4  }
0x295: {  	[tilespmem:s4+$0xF258] =	vst.add.f32.msk @p1 $0xffff, v1  }
0x296: {  	v1 =	vld @p1 [tilespmem:$0xF1B8];
	_ =	sdelay $0x4  }
0x297: {  	[tilespmem:s4+$0xF268] =	vst.add.f32.msk @p1 $0xffff, v1  }
0x298: {  	v1 =	vld @p1 [tilespmem:$0xF1C8];
	_ =	sdelay $0x4  }
0x299: {  	[tilespmem:s4+$0xF278] =	vst.add.f32.msk @p1 $0xffff, v1  }
0x29a: {  	v1 =	vld @p1 [tilespmem:$0xF1D8];
	_ =	sdelay $0x4  }
0x29b: {  	[tilespmem:s4+$0xF288] =	vst.add.f32.msk @p1 $0xffff, v1  }
0x29c: {  	v1 =	vld @p1 [tilespmem:$0xF1E8];
	_ =	sdelay $0x4  }
0x29d: {  	[tilespmem:s4+$0xF298] =	vst.add.f32.msk @p1 $0xffff, v1  }
0x29e: {  	v1 =	vld @p1 [tilespmem:$0xF1F8];
	_ =	sdelay $0x3  }
0x29f: {  	s5 =	sshll.u32 @!p1 s3, $0x9  }
0x2a0: {  	s5 =	smov.u32 @p1 s0;
	[tilespmem:s4+$0xF2A8] =	vst.add.f32.msk @p1 $0xffff, v1  }
0x2a1: {  	s0 =	sshrl.u32 s5, $0x2;
	[tilespmem:s2+$0xF218] =	vst.msk $0x1, v0  }
0x2a2: {  	v0 =	vld [tilespmem:s0+$0xF238];
	_ =	sdelay $0x2  }
0x2a3: {  	s31 =	sshll.u32 s2, $0x9  }
0x2a4: {  	s4 =	sshra.s32 s31, $0x2  }
0x2a5: {  	[tilespmem:s4+$0xF238] =	vst v0  }
0x2a6: {  	v0 =	vld [tilespmem:s0+$0xF248];
	_ =	sdelay $0x4  }
0x2a7: {  	[tilespmem:s4+$0xF248] =	vst v0  }
0x2a8: {  	v0 =	vld [tilespmem:s0+$0xF258];
	_ =	sdelay $0x4  }
0x2a9: {  	[tilespmem:s4+$0xF258] =	vst v0  }
0x2aa: {  	v0 =	vld [tilespmem:s0+$0xF268];
	_ =	sdelay $0x4  }
0x2ab: {  	[tilespmem:s4+$0xF268] =	vst v0  }
0x2ac: {  	v0 =	vld [tilespmem:s0+$0xF278];
	_ =	sdelay $0x4  }
0x2ad: {  	[tilespmem:s4+$0xF278] =	vst v0  }
0x2ae: {  	v0 =	vld [tilespmem:s0+$0xF288];
	_ =	sdelay $0x4  }
0x2af: {  	[tilespmem:s4+$0xF288] =	vst v0  }
0x2b0: {  	v0 =	vld [tilespmem:s0+$0xF298];
	_ =	sdelay $0x4  }
0x2b1: {  	[tilespmem:s4+$0xF298] =	vst v0  }
0x2b2: {  	v0 =	vld [tilespmem:s0+$0xF2A8];
	_ =	sdelay $0x4  }
0x2b3: {  	s2 =	sadd.s32 $0x1, s2;
	[tilespmem:s4+$0xF2A8] =	vst v0  }
.LBB3_48:
0x2b4: {  	s3 =	sadd.s32 $0x1, s3  }
0x2b5: {  	p1 =	sne.s32 s3, $0x20  }
.Ltmp40:
0x2b6: {  	_ = 	snop;
	(pc) =	sbr.rel @!p1 .LBB3_49-.Ltmp40, $1  }
0x2b7: {  	_ =	sdelay $0x3  }
.LBB3_41:
0x2b8: {  	v0 =	vld.msk [tilespmem:s3+$0xF218], $0x1;
	_ =	sdelay $0x4  }
0x2b9: {  	(v2sf) =	vpush v0, $0x0;
	_ =	sdelay $0xe  }
0x2ba: {  	s4 =	spop (v2sf)  }
0x2bb: {  	p1 =	seq.s32 s4, $0xFFFFFFFF  }
.Ltmp41:
0x2bc: {  	_ = 	snop;
	(pc) =	sbr.rel @p1 .LBB3_48-.Ltmp41, $1  }
0x2bd: {  	_ =	sdelay $0x3  }
0x2be: {  	p1 =	slt.s32 s2, $0x1  }
.Ltmp42:
0x2bf: {  	_ = 	snop;
	(pc) =	sbr.rel @p1 .LBB3_47-.Ltmp42, $1  }
0x2c0: {  	_ =	sdelay $0x3  }
0x2c1: {  	s5 =	simm.s32 $0xF218;
	p1 =	por $0x0, $0x0  }
0x2c2: {  	v1 =	vld.msk @!p1 [tilespmem:s5+$0x0], $0x1;
	_ =	sdelay $0x4  }
0x2c3: {  	(v2sf) =	vpush @!p1 v1, $0x0;
	_ =	sdelay $0xd  }
0x2c4: {  	p3 =	sne.s32 s2, $0x1  }
.Ltmp43:
0x2c5: {  	s0 =	spop @!p1 (v2sf);
	(pc) =	sbr.rel @!p3 .LBB3_45-.Ltmp43, $4  }
0x2c6: {  	p2 =	seq.s32 @!p1 s4, s0  }
0x2c7: {  	s6 =	simm.s32 $0x0;
	p2 =	por !p2, p1  }
0x2c8: {  	s7 =	simm.s32 $0xFFFFFFFF;
	s6 =	simm.s32 @p2 $0xFFFFFFFF  }
0x2c9: {  	s0 =	simm.s32 $0x1;
	s6 =	smov.u32 @p1 s7  }
.LBB3_44:
0x2ca: {  	s7 =	smov.u32 s6;
	p1 =	sne.s32 s6, $0xFFFFFFFF  }
0x2cb: {  	s5 =	sadd.s32 $0x1, s5;
	s6 =	smov.u32 s0;
	s0 =	sadd.s32 $0x1, s0  }
0x2cc: {  	p2 =	sne.s32 s2, s0;
	v1 =	vld.msk @!p1 [tilespmem:s5+$0x0], $0x1;
	_ =	sdelay $0x4  }
0x2cd: {  	(v2sf) =	vpush @!p1 v1, $0x0;
	_ =	sdelay $0xe  }
.Ltmp44:
0x2ce: {  	s8 =	spop @!p1 (v2sf);
	(pc) =	sbr.rel @p2 .LBB3_44-.Ltmp44, $4  }
0x2cf: {  	p3 =	seq.s32 @!p1 s4, s8  }
0x2d0: {  	p3 =	por !p3, p1  }
0x2d1: {  	s6 =	simm.s32 @p3 $0xFFFFFFFF  }
0x2d2: {  	s6 =	smov.u32 @p1 s7  }
.LBB3_45:
0x2d3: {  	p1 =	seq.s32 s6, $0xFFFFFFFF  }
.Ltmp45:
0x2d4: {  	_ = 	snop;
	(pc) =	sbr.rel @p1 .LBB3_47-.Ltmp45, $1  }
0x2d5: {  	_ =	sdelay $0x3  }
0x2d6: {  	s0 =	sshll.u32 s3, $0x7  }
0x2d7: {  	s0 =	sand.u32 $0x3FFFFF80, s0  }
0x2d8: {  	v0 =	vld [tilespmem:s0+$0xF238];
	_ =	sdelay $0x2  }
0x2d9: {  	s4 =	sshll.u32 s6, $0x9  }
0x2da: {  	s4 =	sshra.s32 s4, $0x2  }
0x2db: {  	[tilespmem:s4+$0xF238] =	vst.add.f32.msk $0xffff, v0  }
0x2dc: {  	v0 =	vld [tilespmem:s0+$0xF248];
	_ =	sdelay $0x4  }
0x2dd: {  	[tilespmem:s4+$0xF248] =	vst.add.f32.msk $0xffff, v0  }
0x2de: {  	v0 =	vld [tilespmem:s0+$0xF258];
	_ =	sdelay $0x4  }
0x2df: {  	[tilespmem:s4+$0xF258] =	vst.add.f32.msk $0xffff, v0  }
0x2e0: {  	v0 =	vld [tilespmem:s0+$0xF268];
	_ =	sdelay $0x4  }
0x2e1: {  	[tilespmem:s4+$0xF268] =	vst.add.f32.msk $0xffff, v0  }
0x2e2: {  	v0 =	vld [tilespmem:s0+$0xF278];
	_ =	sdelay $0x4  }
0x2e3: {  	[tilespmem:s4+$0xF278] =	vst.add.f32.msk $0xffff, v0  }
0x2e4: {  	v0 =	vld [tilespmem:s0+$0xF288];
	_ =	sdelay $0x4  }
0x2e5: {  	[tilespmem:s4+$0xF288] =	vst.add.f32.msk $0xffff, v0  }
0x2e6: {  	v0 =	vld [tilespmem:s0+$0xF298];
	_ =	sdelay $0x4  }
0x2e7: {  	[tilespmem:s4+$0xF298] =	vst.add.f32.msk $0xffff, v0  }
0x2e8: {  	v0 =	vld [tilespmem:s0+$0xF2A8]  }
.Ltmp46:
0x2e9: {  	_ = 	snop;
	(pc) =	sbr.rel .LBB3_48-.Ltmp46, $2  }
0x2ea: {  	_ =	sdelay $0x2  }
0x2eb: {  	[tilespmem:s4+$0xF2A8] =	vst.add.f32.msk $0xffff, v0  }
.LBB3_49:
0x2ec: {  	p1 =	slt.s32 s2, $0x1  }
.Ltmp47:
0x2ed: {  	_ = 	snop;
	(pc) =	sbr.rel @p1 .LBB3_53-.Ltmp47, $3  }
0x2ee: {  	_ =	sdelay $0x1  }
0x2ef: {  	s0 =	simm.s32 $0x8  }
0x2f0: {  	s3 =	simm.s32 $0x0;
	[sflag:s0] =	ssyncpa.u1 $0x1  }
0x2f1: {  	s0 =	simm.s32 $0xF218  }
0x2f2: {  	v0 =	vld.msk [tilespmem:s0+$0x0], $0x1;
	_ =	sdelay $0x4  }
0x2f3: {  	(v2sf) =	vpush v0, $0x0;
	_ =	sdelay $0xe  }
0x2f4: {  	s0 =	sadd.s32 $0xFFFFFFFF, s2;
	s5 =	spop (v2sf)  }
0x2f5: {  	p2 =	sne.s32 s0, $0x0;
	p1 =	sgt.u32 s5, $0x270F0  }
.Ltmp48:
0x2f6: {  	s6 =	sand.u32 @!p1 $0x3FFF8, s5;
	(pc) =	sbr.rel @!p2 .LBB3_52-.Ltmp48, $4  }
0x2f7: {  	s4 =	simm.s32 $0xF238;
	s5 =	sand.u32 @!p1 $0x7, s5;
	s2 =	sadd.s32 @!p1 s1, s6  }
0x2f8: {  	[hbm4b:s2+s5] =	stream.linear.scatter @!p1 [tilespmem:s4], [sflag:$0x7], $0x80, $0x38;
	[tilespmem:$0x1F6F8] =	vst v63  }
0x2f9: {  	s5 =	simm.s32 $0x0  }
0x2fa: {  	s2 =	simm.s32 $0xF219;
	s5 =	simm.s32 @!p1 $0x200  }
.LBB3_51:
0x2fb: {  	v0 =	vld.msk [tilespmem:s2+$0x0], $0x1;
	s0 =	sadd.s32 $0xFFFFFFFF, s0;
	s3 =	sadd.s32 s3, s5  }
0x2fc: {  	p1 =	sne.s32 s0, $0x0;
	_ =	sdelay $0x3  }
0x2fd: {  	(v2sf) =	vpush v0, $0x0;
	_ =	sdelay $0xe  }
.Ltmp49:
0x2fe: {  	s6 =	spop (v2sf);
	(pc) =	sbr.rel @p1 .LBB3_51-.Ltmp49, $4  }
0x2ff: {  	s5 =	simm.s32 $0x0;
	p2 =	sgt.u32 s6, $0x270F0  }
0x300: {  	s4 =	sadd.s32 $0x80, s4;
	s5 =	simm.s32 @!p2 $0x200;
	s7 =	sand.u32 @!p2 $0x3FFF8, s6  }
0x301: {  	s2 =	sadd.s32 $0x1, s2;
	s6 =	sand.u32 @!p2 $0x7, s6;
	s7 =	sadd.s32 @!p2 s1, s7  }
0x302: {  	[hbm4b:s7+s6] =	stream.linear.scatter @!p2 [tilespmem:s4], [sflag:$0x7], $0x80, $0x38;
	[tilespmem:$0x1F6F8] =	vst v63  }
.LBB3_52:
0x303: {  	s0 =	sadd.s32 s3, s5  }
0x304: {  	s3 =	sshrl.u32 s0, $0x2  }
.LBB3_53:
0x305: {  	s0 =	simm.s32 $0x7  }
0x306: {  	_ =	swait.ge [sflag:s0], s3  }
0x307: {  	s1 =	ssub.s32 $0x0, s3;
	[sflag:s0] =	ssyncset.done $0x0  }
0x308: {  	[sflag:s0] =	ssyncadd.s32 s1  }
0x309: {  	[sflag:s0] =	ssyncpa.u1 $0x1  }
.LBB3_54:
0x30a: {  	_ =	sfence;
	s0 =	simm.s32 $0x1  }
0x30b: {  	[sflag:s0] =	ssyncpa.u1 $0x1  }
0x30c: {  	_ =	strace $0x90000059  }
0x30d: {  	[bflag:$0x2] =	sbarrier.arrive $0xFFFF  }
0x30e: {  	s0 =	rddreg [dreg:$0x3]  }
0x30f: {  	s0 =	sadd.s32 @!p0 $0x100000, s0  }
0x310: {  	[sflag:s0] =	ssyncadd.tile.s32 @!p0 $0x1;
	_ =	shalt  }
.Lfunc_end3:
_tile_overlayer_lowered:
.L_overlay_start_3:
0x311: {  	(tag) =	ssettag $0x3  }
0x312: {  	s0 =	rddreg [dreg:$0x0];
	s2 =	stileid.u32  }
0x313: {  	s1 =	rddreg [dreg:$0x1];
	p0 =	sne.s32 s2, $0x0  }
0x314: {  	s3 =	rddreg [dreg:$0x2];
	[bflag:$0x3] =	sbarrier.arrive $0xFFFF;
	s2 =	simm.s32 @!p0 $0x1C01  }
0x315: {  	[timem:s3], [sflag:s2] =	dma.local @!p0 [hbm:s0], s1  }
0x316: {  	s0 =	simm.s32 @!p0 $0x1  }
0x317: {  	_ =	swait.ge @!p0 [sflag:s0], s1  }
0x318: {  	s1 =	ssub.s32 @!p0 $0x0, s1;
	[sflag:s0] =	ssyncset.done @!p0 $0x0  }
0x319: {  	[sflag:s0] =	ssyncadd.s32 @!p0 s1  }
0x31a: {  	[bflag:$0x3] =	sbarrier.arrive $0xFFFF  }
0x31b: {  	_ =	shalt  }

// kernel: scatter_offload_async_start.2
scs
__scs_entry_jumppad:
0x0: {  	(pc) =	sbr.rel $0x88, $3  }
0x1: {  	(tag) =	ssettag $0x0;
	lr =	simm.s32 $0x1  }
0x2: {  	[smem:$0x3F7E] =	sst lr;
	_ =	strace $0xD0000000  }
0x3: {  	_ = 	snop  }
0x4: {  	_ = 	snop  }
0x5: {  	_ = 	snop  }
0x6: {  	_ = 	snop  }
0x7: {  	_ = 	snop  }
__scs_overlays_trampoline_lowered:
0x8: {  	[smem:$0x3F8D] =	sst s0  }
0x9: {  	[smem:$0x3F8E] =	sst s1  }
0xa: {  	[smem:$0x3F8F] =	sst s2  }
0xb: {  	[smem:$0x3F90] =	sst s3  }
0xc: {  	[smem:$0x3F91] =	sst s4  }
0xd: {  	[smem:$0x3F92] =	sst s5  }
0xe: {  	[smem:$0x3F93] =	sst s6  }
0xf: {  	[smem:$0x3F94] =	sst s7  }
0x10: {  	[smem:$0x3F95] =	sst s8  }
0x11: {  	[smem:$0x3F96] =	sst s9;
	s0 =	simm.s32 @!p0 $0x0  }
0x12: {  	s1 =	sld [smem:$0x3F7C];
	s0 =	simm.s32 @p0 $0x1  }
0x13: {  	[smem:$0x3F97] =	sst s0;
	s0 =	simm.s32 @!p1 $0x0  }
0x14: {  	s2 =	sld [smem:$0x3F7B];
	s0 =	simm.s32 @p1 $0x1  }
0x15: {  	[smem:$0x3F98] =	sst s0;
	s0 =	simm.s32 @!p2 $0x0  }
0x16: {  	s3 =	sld [smem:$0x3FDB];
	s0 =	simm.s32 @p2 $0x1  }
0x17: {  	s4 =	simm.s32 $0x1BF5;
	[smem:$0x3F9A] =	sst s0  }
0x18: {  	s0 =	sld [smem:$0x3F7D];
	_ =	swait.ge [sflag:s4], $0x0  }
0x19: {  	s7 =	sld [smem:$0x3F7E]  }
0x1a: {  	s8 =	sadd.s32 $0xFFFFE003, lr  }
0x1b: {  	s9 =	sadd.s32 $0xFFFFFEF7, lr;
	s5 =	simm.s32 $0xFFFFFFFF;
	p2 =	slt.u32 s8, $0xFFFFF086  }
0x1c: {  	p1 =	slt.u32 s9, $0xF7A;
	s5 =	simm.s32 @!p2 $0x0  }
0x1d: {  	s5 =	simm.s32 @p1 $0x1;
	p0 =	seq.s32 s7, s2  }
0x1e: {  	s7 =	smul.u32 @!p0 $0xF7A, s2;
	p2 =	seq.s32 @!p0 s5, $0x0  }
0x1f: {  	s9 =	smul.u32 $0xF7A, s1;
	s8 =	simm.s32 @!p0 $0x1BF5;
	p2 =	por !p2, p0  }
0x20: {  	[sflag:s8] =	ssyncset.s32 @!p0 $0xFFFFF086;
	s6 =	sadd.s32 @!p0 s3, s7;
	s7 =	simm.s32 @!p0 $0x108  }
0x21: {  	s3 =	sadd.s32 s3, s9;
	s6 =	sadd.s32 @!p0 $0x88, s6;
	s7 =	simm.s32 @p2 $0x1082  }
0x22: {  	[simem:s7], [sflag:s8] =	dma.local @!p0 [hbm:s6], $0xF7A  }
0x23: {  	s9 =	sor.u32 $0xD0000000, s2;
	s6 =	simm.s32 $0x108;
	_ =	swait.ge @!p0 [sflag:s8], $0x0  }
0x24: {  	s3 =	sadd.s32 $0x88, s3;
	s6 =	simm.s32 @!p1 $0x1082;
	[sflag:s4] =	ssyncset.s32 $0xFFFFF086  }
0x25: {  	[simem:s6], [sflag:s4] =	dma.local [hbm:s3], $0xF7A  }
0x26: {  	[smem:$0x3F7E] =	sst s1;
	(tag) =	ssettag s2;
	_ =	strace s9  }
0x27: {  	s1 =	sld [smem:$0x3F8E]  }
0x28: {  	s2 =	sld [smem:$0x3F8F]  }
0x29: {  	s4 =	sld [smem:$0x3F91]  }
0x2a: {  	p0 =	seq.s32 s5, $0x0;
	s5 =	sld [smem:$0x3F92]  }
0x2b: {  	s6 =	sld [smem:$0x3F93]  }
0x2c: {  	s7 =	sld [smem:$0x3F94]  }
0x2d: {  	s3 =	simm.s32 $0x108;
	s8 =	sld [smem:$0x3F95]  }
0x2e: {  	s3 =	simm.s32 @!p0 $0x1082;
	s9 =	sld [smem:$0x3F96]  }
0x2f: {  	lr =	sadd.s32 s0, s3;
	s0 =	sld [smem:$0x3F8D]  }
0x30: {  	s3 =	sld [smem:$0x3F90]  }
0x31: {  	[smem:$0x3F99] =	sst s10  }
0x32: {  	s10 =	sld [smem:$0x3F97];
	_ =	sdelay $0x3  }
0x33: {  	p0 =	seq.s32 s10, $0x1;
	s10 =	sld [smem:$0x3F99];
	_ =	sdelay $0x3  }
0x34: {  	[smem:$0x3F99] =	sst s10  }
0x35: {  	s10 =	sld [smem:$0x3F98];
	_ =	sdelay $0x3  }
0x36: {  	p1 =	seq.s32 s10, $0x1;
	s10 =	sld [smem:$0x3F99];
	_ =	sdelay $0x3  }
0x37: {  	[smem:$0x3F99] =	sst s10  }
0x38: {  	s10 =	sld [smem:$0x3F9A]  }
0x39: {  	_ = 	snop;
	(pc) =	sbr.ind lr, $3  }
0x3a: {  	_ = 	snop  }
0x3b: {  	_ = 	snop  }
0x3c: {  	p2 =	seq.s32 s10, $0x1;
	s10 =	sld [smem:$0x3F99]  }
0x3d: {  	_ =	shalt  }
0x3e: {  	_ =	shalt  }
0x3f: {  	_ =	shalt  }
0x40: {  	_ =	shalt  }
0x41: {  	_ =	shalt  }
0x42: {  	_ =	shalt  }
0x43: {  	_ =	shalt  }
0x44: {  	_ =	shalt  }
0x45: {  	_ =	shalt  }
0x46: {  	_ =	shalt  }
0x47: {  	_ =	shalt  }
0x48: {  	_ =	shalt  }
0x49: {  	_ =	shalt  }
0x4a: {  	_ =	shalt  }
0x4b: {  	_ =	shalt  }
0x4c: {  	_ =	shalt  }
0x4d: {  	_ =	shalt  }
0x4e: {  	_ =	shalt  }
0x4f: {  	_ =	shalt  }
0x50: {  	_ =	shalt  }
0x51: {  	_ =	shalt  }
0x52: {  	_ =	shalt  }
0x53: {  	_ =	shalt  }
0x54: {  	_ =	shalt  }
0x55: {  	_ =	shalt  }
0x56: {  	_ =	shalt  }
0x57: {  	_ =	shalt  }
0x58: {  	_ =	shalt  }
0x59: {  	_ =	shalt  }
0x5a: {  	_ =	shalt  }
0x5b: {  	_ =	shalt  }
0x5c: {  	_ =	shalt  }
0x5d: {  	_ =	shalt  }
0x5e: {  	_ =	shalt  }
0x5f: {  	_ =	shalt  }
0x60: {  	_ =	shalt  }
0x61: {  	_ =	shalt  }
0x62: {  	_ =	shalt  }
0x63: {  	_ =	shalt  }
0x64: {  	_ =	shalt  }
0x65: {  	_ =	shalt  }
0x66: {  	_ =	shalt  }
0x67: {  	_ =	shalt  }
0x68: {  	_ =	shalt  }
0x69: {  	_ =	shalt  }
0x6a: {  	_ =	shalt  }
0x6b: {  	_ =	shalt  }
0x6c: {  	_ =	shalt  }
0x6d: {  	_ =	shalt  }
0x6e: {  	_ =	shalt  }
0x6f: {  	_ =	shalt  }
0x70: {  	_ =	shalt  }
0x71: {  	_ =	shalt  }
0x72: {  	_ =	shalt  }
0x73: {  	_ =	shalt  }
0x74: {  	_ =	shalt  }
0x75: {  	_ =	shalt  }
0x76: {  	_ =	shalt  }
0x77: {  	_ =	shalt  }
0x78: {  	_ =	shalt  }
0x79: {  	_ =	shalt  }
0x7a: {  	_ =	shalt  }
0x7b: {  	_ =	shalt  }
0x7c: {  	_ =	shalt  }
0x7d: {  	_ =	shalt  }
0x7e: {  	_ =	shalt  }
0x7f: {  	_ =	shalt  }
0x80: {  	_ =	shalt  }
0x81: {  	_ =	shalt  }
0x82: {  	_ =	shalt  }
0x83: {  	_ =	shalt  }
0x84: {  	_ =	shalt  }
0x85: {  	_ =	shalt  }
0x86: {  	_ =	shalt  }
0x87: {  	_ =	shalt  }
.Lfunc_end0:
.L_simem_size_0:
called_computation.2_lowered:
.L_overlay_start_0:
0x88: {  	s2 =	sld [smem:$0x3FD9]  }
0x89: {  	s3 =	sld [smem:$0x3FFE];
	_ =	sdelay $0x1  }
0x8a: {  	s1 =	srdreg.scid  }
0x8b: {  	s0 =	sand.u32 $0x1, s1  }
0x8c: {  	s10 =	sshll.u32 s0, $0xA;
	s2 =	sadd.s32 s3, s2  }
0x8d: {  	s2 =	sadd.s32 s2, s10  }
0x8e: {  	[smem:$0x3FA5] =	sst s2  }
0x8f: {  	_ = 	snop  }
0x90: {  	s2 =	sld [smem:$0x3FD0];
	_ =	sdelay $0x2  }
0x91: {  	s11 =	simm.s32 $0x11;
	s4 =	simm.s32 $0x10  }
0x92: {  	[smem:s4], [sflag:s11] =	dma.local [hbm:s2], $0x1  }
0x93: {  	_ =	swait.eq [sflag:s11], $0x1  }
0x94: {  	[sflag:s11] =	ssyncset.done $0x0  }
0x95: {  	[sflag:s11] =	ssyncadd.s32 $0xFFFFFFFF  }
0x96: {  	s12 =	sld [smem:$0x11];
	(tm) =	ssettm $0x1  }
0x97: {  	s13 =	sld [smem:$0x3FFB];
	_ =	sdelay $0x3  }
0x98: {  	_ =	strace s13  }
0x99: {  	s2 =	sld [smem:$0x3FFC];
	_ =	sdelay $0x3  }
0x9a: {  	_ =	strace s2  }
0x9b: {  	s2 =	sld [smem:$0x3FFD];
	_ =	sdelay $0x3  }
0x9c: {  	_ =	strace s2  }
0x9d: {  	_ =	strace $0x8FFFFFFF  }
0x9e: {  	s14 =	sld [smem:$0x3FDB];
	_ =	sdelay $0x1  }
0x9f: {  	s15 =	simm.s32 $_scs_section_size  }
0xa0: {  	s5 =	simm.s32 $_size__tile_overlayer_lowered;
	s6 =	simm.s32 $_tile_overlayer_lowered  }
0xa1: {  	s19 =	simm.s32 $0x1BFF;
	s17 =	sshll.u32 s6, $0x1;
	s7 =	sadd.s32 s15, s14  }
0xa2: {  	s20 =	simm.s32 $0x0;
	s16 =	sshll.u32 s5, $0x1;
	s18 =	sadd.s32 s17, s7  }
0xa3: {  	[timem:s20], [sflag:s19] =	dma.local [hbm:s18], s16  }
0xa4: {  	_ =	swait.ge [sflag:s19], s16  }
0xa5: {  	s3 =	ssub.s32 $0x0, s16;
	[sflag:s19] =	ssyncset.done $0x0  }
0xa6: {  	[sflag:s19] =	ssyncadd.s32 s3;
	_ =	sdelay $0x1  }
0xa7: {  	s21 =	simm.s32 $0x1B8B  }
0xa8: {  	_ =	swait.ge [sflag:s21], $0x1  }
0xa9: {  	[sflag:s21] =	ssyncset.done $0x0  }
0xaa: {  	[sflag:s21] =	ssyncadd.s32 $0xFFFFFFFF  }
0xab: {  	s3 =	sld [smem:$0x0]  }
0xac: {  	s5 =	sand.u32 $0xFFFFFFFE, s1  }
0xad: {  	p0 =	sne.s32 s1, s5  }
0xae: {  	s5 =	sshll.u32 @p0 s5, $0xE  }
0xaf: {  	s6 =	sadd.s32 @p0 $0x11B8D, s5;
	s8 =	sshll.u32 @p0 s3, $0x11  }
0xb0: {  	s6 =	sor.u32 @p0 s8, s6  }
0xb1: {  	[sflag:s6] =	ssyncadd.remote.s32 @p0 $0x1;
	_ =	sdelay $0x1  }
0xb2: {  	s6 =	simm.s32 @p0 $0x1B8D  }
0xb3: {  	_ =	swait.eq @p0 [sflag:s6], $0x1  }
0xb4: {  	[sflag:s6] =	ssyncadd.s32 @p0 $0xFFFFFFFF  }
0xb5: {  	s8 =	sshll.u32 @!p0 s1, $0xE  }
0xb6: {  	s8 =	sor.u32 @!p0 $0x4000, s8;
	s6 =	simm.s32 @!p0 $0x1B8D  }
0xb7: {  	s10 =	sshll.u32 @!p0 s3, $0x11;
	s9 =	sadd.s32 @!p0 $0x11B8D, s8;
	_ =	swait.eq @!p0 [sflag:s6], $0x1  }
0xb8: {  	[sflag:s6] =	ssyncadd.s32 @!p0 $0xFFFFFFFF;
	s6 =	sor.u32 @!p0 s10, s9  }
0xb9: {  	s23 =	simm.s32 $0x1B8E;
	s22 =	sld [smem:$0x3FFE];
	[sflag:s6] =	ssyncadd.remote.s32 @!p0 $0x1  }
0xba: {  	s24 =	simm.s32 $execute0_lowered;
	[smem:$0x3FD2] =	sst s23  }
0xbb: {  	s9 =	sshll.u32 s24, $0x1;
	_ =	strace $0x8000005B;
	[dreg:$0x1] =	wrdreg $0xFFFFFFFF  }
0xbc: {  	s25 =	simm.s32 $_size_execute0_lowered;
	s9 =	sadd.s32 s7, s9;
	[dreg:$0x0] =	wrdreg $0x0  }
0xbd: {  	s10 =	sshll.u32 s25, $0x1;
	[dreg:$0x2] =	wrdreg s9  }
0xbe: {  	[dreg:$0x3] =	wrdreg s10  }
0xbf: {  	[dreg:$0x4] =	wrdreg $0xC0  }
0xc0: {  	s26 =	simm.s32 $execute1_lowered;
	_ =	task [dreg:s20], $0x5FFFF  }
0xc1: {  	s9 =	sshll.u32 s26, $0x1;
	[dreg:$0x1] =	wrdreg $0xFFFFFFFF  }
0xc2: {  	s7 =	sadd.s32 s7, s9;
	[dreg:$0x0] =	wrdreg $0x60  }
0xc3: {  	[dreg:$0x2] =	wrdreg s7  }
0xc4: {  	[dreg:$0x3] =	wrdreg s12  }
0xc5: {  	[dreg:$0x4] =	wrdreg s22  }
0xc6: {  	[dreg:$0x5] =	wrdreg $0xD  }
0xc7: {  	_ =	task.clear_ibuf [dreg:s20], $0x6FFFF;
	_ =	strace $0x9000005B  }
0xc8: {  	s28 =	simm.s32 $0xD;
	_ =	strace $0x8000005D  }
0xc9: {  	_ =	swait.ge [sflag:s28], $0x1  }
0xca: {  	[sflag:s28] =	ssyncadd.s32 $0xFFFFFFFF  }
0xcb: {  	_ =	strace $0x9000005D  }
0xcc: {  	s4 =	sld [smem:$0x0];
	_ =	sdelay $0x3  }
0xcd: {  	s5 =	sadd.s32 @p0 $0x11BF3, s5;
	s7 =	sshll.u32 @p0 s4, $0x11  }
0xce: {  	s5 =	sor.u32 @p0 s7, s5  }
0xcf: {  	[sflag:s5] =	ssyncadd.remote.s32 @p0 $0x1;
	_ =	sdelay $0x1  }
0xd0: {  	s5 =	simm.s32 @p0 $0x1BF3  }
0xd1: {  	_ =	swait.eq @p0 [sflag:s5], $0x1  }
0xd2: {  	[sflag:s5] =	ssyncadd.s32 @p0 $0xFFFFFFFF;
	_ =	sdelay $0x1  }
0xd3: {  	s5 =	simm.s32 @!p0 $0x1BF3  }
0xd4: {  	s4 =	sshll.u32 @!p0 s4, $0x11;
	s7 =	sadd.s32 @!p0 $0x11BF3, s8;
	_ =	swait.eq @!p0 [sflag:s5], $0x1  }
0xd5: {  	s4 =	sor.u32 @!p0 s4, s7;
	[sflag:s5] =	ssyncadd.s32 @!p0 $0xFFFFFFFF  }
0xd6: {  	[sflag:s4] =	ssyncadd.remote.s32 @!p0 $0x1  }
0xd7: {  	_ =	strace $0x8000005E;
	[dreg:$0x1] =	wrdreg $0xFFFFFFFF  }
0xd8: {  	[dreg:$0x0] =	wrdreg $0x2030  }
0xd9: {  	[dreg:$0x2] =	wrdreg s22  }
0xda: {  	[dreg:$0x3] =	wrdreg s1  }
0xdb: {  	[dreg:$0x4] =	wrdreg s3  }
0xdc: {  	[dreg:$0x5] =	wrdreg $0xE  }
0xdd: {  	_ =	task.clear_ibuf [dreg:s20], $0x6FFFF;
	_ =	strace $0x9000005E  }
0xde: {  	s29 =	simm.s32 $0xE;
	_ =	strace $0x80000060  }
0xdf: {  	_ =	swait.ge [sflag:s29], $0x1  }
0xe0: {  	[sflag:s29] =	ssyncadd.s32 $0xFFFFFFFF  }
0xe1: {  	_ =	strace $0x90000060  }
0xe2: {  	_ =	sfence  }
0xe3: {  	s30 =	sld [smem:$0x0];
	_ =	sdelay $0x2  }
0xe4: {  	s31 =	sshll.u32 s1, $0xD;
	s1 =	sshrl.u32 s1, $0x2  }
0xe5: {  	s4 =	sand.u32 $0x4000, s31;
	s1 =	sadd.s32 s1, s30  }
0xe6: {  	s0 =	sor.u32 s4, s0;
	s1 =	sshll.u32 s1, $0x11  }
0xe7: {  	s0 =	sor.u32 s1, s0  }
0xe8: {  	s0 =	sadd.s32 $0x8F2B, s0  }
0xe9: {  	[sflag:s0] =	ssyncadd.remote.s32 $0x1  }
0xea: {  	_ =	sfence.sel $0xFFFF  }
0xeb: {  	[dreg:$0x0] =	wrdreg $0xFFFFFFFF;
	(pc) =	sbr.abs _section_cstart, $3  }
0xec: {  	[dreg:$0x1] =	wrdreg $0xFFFFFFFF  }
0xed: {  	_ =	task.clear_ibuf [dreg:s20], $0x2FFFF;
	_ =	strace $0x9FFFFFFF  }
0xee: {  	(tm) =	ssettm $0x7FFFFFFF  }
0xef: {  	_ =	shalt  }
tec
execute0_lowered:
.L_overlay_start_1:
0x0: {  	(tag) =	ssettag $0x1  }
0x1: {  	s3 =	rddreg [dreg:$0x0]  }
0x2: {  	s2 =	rddreg [dreg:$0x1]  }
0x3: {  	s4 =	rddreg [dreg:$0x2]  }
0x4: {  	s0 =	rddreg [dreg:$0x3];
	s5 =	stileid.u32;
	[bflag:$0x3] =	sbarrier.arrive $0xFFFF  }
0x5: {  	s1 =	simm.s32 $_size_execute1_lowered;
	s29 =	srdreg.scid;
	p0 =	sne.s32 s5, $0x0  }
0x6: {  	s1 =	sshll.u32 s1, $0x1;
	s6 =	simm.s32 @!p0 $0x1C3F;
	s7 =	simm.s32 @!p0 $0x4060  }
0x7: {  	[timem:s7], [sflag:s6] =	dma.local @!p0 [hbm:s3], s1  }
0x8: {  	s3 =	sshll.u32 s29, $0x7  }
0x9: {  	s5 =	sshll.u32 s5, $0x8;
	s3 =	sand.u32 $0x80, s3  }
0xa: {  	s8 =	simm.s32 $0x2;
	s9 =	simm.s32 $0x0;
	s3 =	sor.u32 s5, s3  }
0xb: {  	s12 =	simm.s32 $0x0;
	s11 =	simm.s32 $0x0;
	s30 =	ssub.s32 $0x4E200, s3  }
.Ltmp0:
0xc: {  	s4 =	sadd.s32 $0x4B200, s4;
	s31 =	sand.u32 $0xF80, s30;
	(pc) =	sbr.rel .LBB2_1-.Ltmp0, $4  }
0xd: {  	s7 =	simm.s32 $0x1;
	_ =	strace $0x8000005C;
	p1 =	sne.s32 s31, $0x0  }
0xe: {  	s5 =	simm.s32 $0x1;
	s6 =	sshrl.u32 s30, $0xC;
	s7 =	simm.s32 @!p1 $0x0  }
0xf: {  	[sflag:s5] =	ssyncpa.u1 $0x0;
	s10 =	smov.u32 s3;
	s6 =	sadd.s32 s7, s6  }
0x10: {  	[sflag:s8] =	ssyncpa.u1 $0x0;
	s8 =	simm.s32 $0x0;
	s7 =	sadd.s32 $0x1, s6  }
.LBB2_4:
0x11: {  	_ =	sdelay $0x3  }
0x12: {  	[tilespmem:v0+s14+$0xFFFFFFA0 ss:$0x1] =	vst.idx.msk $0xffff, v6  }
0x13: {  	v56 =	vld.idx.msk [tilespmem:v1+s15+$0x30 ss:$0x1], $0xffff;
	[tilespmem:v0+s14+$0xFFFFFFB0 ss:$0x1] =	vst.idx.msk $0xffff, v4  }
0x14: {  	v57 =	vld.idx.msk [tilespmem:v1+s15+$0xFFFFFFC0 ss:$0x1], $0xffff;
	[tilespmem:v0+s14+$0xFFFFFFC0 ss:$0x1] =	vst.idx.msk $0xffff, v2  }
0x15: {  	v58 =	vld.idx.msk [tilespmem:v1+s15+$0xFFFFFFD0 ss:$0x1], $0xffff;
	[tilespmem:v0+s14+$0xFFFFFFD0 ss:$0x1] =	vst.idx.msk $0xffff, v3  }
0x16: {  	v59 =	vld.idx.msk [tilespmem:v1+s15+$0xFFFFFFE0 ss:$0x1], $0xffff;
	[tilespmem:v0+s14+$0xFFFFFFE0 ss:$0x1] =	vst.idx.msk $0xffff, v5  }
0x17: {  	v60 =	vld.idx.msk [tilespmem:v1+s15+$0xFFFFFFF0 ss:$0x1], $0xffff;
	[tilespmem:v0+s14+$0xFFFFFFF0 ss:$0x1] =	vst.idx.msk $0xffff, v7;
	s12 =	sand.u32 $0x1FFFFFF, s12  }
0x18: {  	v61 =	vld.idx.msk [tilespmem:v1+s15+$0x0 ss:$0x1], $0xffff;
	s31 =	smulhi.u32 $0x1A36E2F, s12;
	[tilespmem:v0+s15+$0x0 ss:$0x1] =	vst.idx.msk $0xffff, v56  }
0x19: {  	v62 =	vld.idx.msk [tilespmem:v1+s15+$0x10 ss:$0x1], $0xffff;
	[tilespmem:v0+s15+$0xFFFFFF90 ss:$0x1] =	vst.idx.msk $0xffff, v57  }
0x1a: {  	v63 =	vld.idx.msk [tilespmem:v1+s15+$0x20 ss:$0x1], $0xffff;
	s14 =	sshrl.u32 s31, $0xB;
	[tilespmem:v0+s15+$0xFFFFFFA0 ss:$0x1] =	vst.idx.msk $0xffff, v58  }
0x1b: {  	s14 =	smul.u32 $0x4E200, s14;
	[tilespmem:v0+s15+$0xFFFFFFB0 ss:$0x1] =	vst.idx.msk $0xffff, v59  }
0x1c: {  	[tilespmem:v0+s15+$0xFFFFFFC0 ss:$0x1] =	vst.idx.msk $0xffff, v60  }
0x1d: {  	[tilespmem:v0+s15+$0xFFFFFFD0 ss:$0x1] =	vst.idx.msk $0xffff, v61;
	s12 =	ssub.s32 s12, s14  }
0x1e: {  	[tilespmem:v0+s15+$0xFFFFFFE0 ss:$0x1] =	vst.idx.msk $0xffff, v62;
	s12 =	sshll.u32 s12, $0x4  }
0x1f: {  	[tilespmem:v0+s15+$0xFFFFFFF0 ss:$0x1] =	vst.idx.msk $0xffff, v63;
	s12 =	sadd.s32 s4, s12  }
0x20: {  	[hbm4b:s12+s8] =	stream.linear.scatter [tilespmem:s13], [sflag:$0x2], $0x4000, $0x38;
	[tilespmem:$0x10000] =	vst v63  }
.LBB2_5:
0x21: {  	s14 =	sadd.s32 $0x1000, s10  }
0x22: {  	p2 =	sgt.s32 s14, $0x4E1FF  }
0x23: {  	s14 =	smov.u32 @p2 s3;
	p2 =	sne.s32 s11, s7  }
.Ltmp1:
0x24: {  	p1 =	slt.u32 s11, $0x2;
	(pc) =	sbr.rel @!p2 .LBB2_6-.Ltmp1, $4  }
0x25: {  	s13 =	simm.s32 @!p1 $0x2  }
0x26: {  	s15 =	sadd.s32 $0x1, s11;
	_ =	swait.ge @!p1 [sflag:s13], $0x4000  }
0x27: {  	s12 =	smov.u32 s10;
	s9 =	sadd.s32 $0x4000, s9;
	[sflag:s13] =	ssyncset.done @!p1 $0x0  }
0x28: {  	s11 =	smov.u32 s15;
	s10 =	smov.u32 s14;
	[sflag:s13] =	ssyncadd.s32 @!p1 $0xFFFFC000  }
.LBB2_1:
0x29: {  	p1 =	sge.u32 s11, s6  }
0x2a: {  	s13 =	sand.u32 @!p1 $0x1FFFFFF, s10  }
0x2b: {  	s14 =	smulhi.u32 @!p1 $0x1A36E2F, s13;
	_ =	sdelay $0x1  }
0x2c: {  	s14 =	sshrl.u32 @!p1 s14, $0xB  }
0x2d: {  	s14 =	smul.u32 @!p1 $0x4E200, s14;
	_ =	sdelay $0x1  }
0x2e: {  	s15 =	sxor.u32 @!p1 $0xFFFFFFFF, s11;
	s13 =	ssub.s32 @!p1 s13, s14  }
0x2f: {  	s31 =	sadd.s32 $0xFFFFFFFF, s11;
	s14 =	sshll.u32 @!p1 s15, $0xE;
	s13 =	sshll.u32 @!p1 s13, $0x4  }
0x30: {  	s15 =	simm.s32 @!p1 $0x0;
	s14 =	sand.u32 @!p1 $0x4000, s14;
	s13 =	sadd.s32 @!p1 s2, s13  }
0x31: {  	[tilespmem:s14], [sflag:$0x1] =	stream.linear.gather @!p1 [hbm4b:s13+s15], $0x4000, $0x38;
	[tilespmem:$0x10000] =	vst v63  }
0x32: {  	p1 =	sge.u32 s31, s6  }
.Ltmp2:
0x33: {  	_ = 	snop;
	(pc) =	sbr.rel @p1 .LBB2_5-.Ltmp2, $1  }
0x34: {  	_ =	sdelay $0x3  }
0x35: {  	s13 =	sand.u32 $0x4000, s9  }
0x36: {  	s14 =	sor.u32 $0x40, s13  }
0x37: {  	v1 =	vmov s14;
	_ =	sdelay $0x1  }
0x38: {  	_ =	swait.ge [sflag:s5], $0x4000  }
0x39: {  	[sflag:s5] =	ssyncset.done $0x0  }
0x3a: {  	[sflag:s5] =	ssyncadd.s32 $0xFFFFC000;
	s14 =	simm.s32 $0x0  }
0x3b: {  	s13 =	sor.u32 $0x8070, s13;
	v7 =	vld.idx.msk [tilespmem:v1+s14+$0x30 ss:$0x1], $0xffff  }
0x3c: {  	v0 =	vmov s13;
	v8 =	vld.idx.msk [tilespmem:v1+s14+$0xFFFFFFC0 ss:$0x1], $0xffff  }
0x3d: {  	v6 =	vld.idx.msk [tilespmem:v1+s14+$0xFFFFFFD0 ss:$0x1], $0xffff  }
0x3e: {  	v4 =	vld.idx.msk [tilespmem:v1+s14+$0xFFFFFFE0 ss:$0x1], $0xffff  }
0x3f: {  	v2 =	vld.idx.msk [tilespmem:v1+s14+$0xFFFFFFF0 ss:$0x1], $0xffff  }
0x40: {  	s31 =	sshll.u32 s11, $0xE;
	v3 =	vld.idx.msk [tilespmem:v1+s14+$0x0 ss:$0x1], $0xffff  }
0x41: {  	s13 =	sand.u32 $0x4000, s31;
	v5 =	vld.idx.msk [tilespmem:v1+s14+$0x10 ss:$0x1], $0xffff;
	[tilespmem:v0+s14+$0x0 ss:$0x1] =	vst.idx.msk $0xffff, v7  }
0x42: {  	s15 =	simm.s32 $0x80;
	s16 =	simm.s32 $0x400;
	s13 =	sor.u32 $0x8000, s13;
	[tilespmem:v0+s14+$0xFFFFFF90 ss:$0x1] =	vst.idx.msk $0xffff, v8;
	v7 =	vld.idx.msk [tilespmem:v1+s14+$0x20 ss:$0x1], $0xffff  }
.LBB2_3:
0x43: {  	p1 =	sne.s32 s16, $0xFE00;
	v8 =	vld.idx.msk [tilespmem:v1+s15+$0x30 ss:$0x1], $0xffff;
	[tilespmem:v0+s14+$0xFFFFFFA0 ss:$0x1] =	vst.idx.msk $0xffff, v6  }
0x44: {  	v9 =	vld.idx.msk [tilespmem:v1+s15+$0xFFFFFFC0 ss:$0x1], $0xffff;
	[tilespmem:v0+s14+$0xFFFFFFB0 ss:$0x1] =	vst.idx.msk $0xffff, v4  }
0x45: {  	v6 =	vld.idx.msk [tilespmem:v1+s15+$0xFFFFFFD0 ss:$0x1], $0xffff;
	[tilespmem:v0+s14+$0xFFFFFFC0 ss:$0x1] =	vst.idx.msk $0xffff, v2  }
.Ltmp3:
0x46: {  	v4 =	vld.idx.msk [tilespmem:v1+s15+$0xFFFFFFE0 ss:$0x1], $0xffff;
	[tilespmem:v0+s14+$0xFFFFFFD0 ss:$0x1] =	vst.idx.msk $0xffff, v3;
	(pc) =	sbr.rel @p1 .LBB2_3-.Ltmp3, $4  }
0x47: {  	v2 =	vld.idx.msk [tilespmem:v1+s15+$0xFFFFFFF0 ss:$0x1], $0xffff;
	[tilespmem:v0+s14+$0xFFFFFFE0 ss:$0x1] =	vst.idx.msk $0xffff, v5  }
0x48: {  	v3 =	vld.idx.msk [tilespmem:v1+s15+$0x0 ss:$0x1], $0xffff;
	[tilespmem:v0+s14+$0xFFFFFFF0 ss:$0x1] =	vst.idx.msk $0xffff, v7;
	s14 =	smov.u32 s15  }
0x49: {  	v5 =	vld.idx.msk [tilespmem:v1+s14+$0x10 ss:$0x1], $0xffff;
	[tilespmem:v0+s14+$0x0 ss:$0x1] =	vst.idx.msk $0xffff, v8  }
0x4a: {  	s15 =	sshra.s32 s16, $0x2;
	s16 =	sadd.s32 $0x200, s16;
	[tilespmem:v0+s14+$0xFFFFFF90 ss:$0x1] =	vst.idx.msk $0xffff, v9;
	v7 =	vld.idx.msk [tilespmem:v1+s14+$0x20 ss:$0x1], $0xffff  }
.Ltmp4:
0x4b: {  	_ = 	snop;
	(pc) =	sbr.rel .LBB2_4-.Ltmp4, $1  }
0x4c: {  	_ =	sdelay $0x3  }
.LBB2_6:
0x4d: {  	_ =	sfence.sel $0x180000  }
0x4e: {  	s2 =	simm.s32 $0x1;
	[bflag:$0x0] =	sbarrier.arrive $0xFFFF  }
0x4f: {  	s31 =	simm.s32 $0x2;
	[sflag:s2] =	ssyncpa.u1 $0x1  }
0x50: {  	[sflag:s31] =	ssyncpa.u1 $0x1  }
0x51: {  	_ =	strace $0x9000005C  }
0x52: {  	s0 =	sadd.s32 @!p0 $0x100000, s0;
	[bflag:$0x2] =	sbarrier.arrive $0xFFFF  }
0x53: {  	[sflag:s0] =	ssyncadd.tile.s32 @!p0 $0x1;
	s0 =	simm.s32 @!p0 $0x3F  }
0x54: {  	_ =	swait.ge @!p0 [sflag:s0], s1  }
0x55: {  	s1 =	ssub.s32 @!p0 $0x0, s1;
	[sflag:s0] =	ssyncset.done @!p0 $0x0  }
0x56: {  	[sflag:s0] =	ssyncadd.s32 @!p0 s1  }
0x57: {  	[bflag:$0x3] =	sbarrier.arrive $0xFFFF  }
0x58: {  	_ =	shalt  }
.Lfunc_end2:
execute1_lowered:
.L_overlay_start_2:
0x59: {  	(tag) =	ssettag $0x2  }
0x5a: {  	s2 =	rddreg [dreg:$0x0]  }
0x5b: {  	s3 =	rddreg [dreg:$0x1];
	_ =	strace $0x8000005F;
	s0 =	simm.s32 $0x1  }
0x5c: {  	v0 =	vimm.s32 $0x0;
	[sflag:s0] =	ssyncpa.u1 $0x0;
	s0 =	simm.s32 $0x108  }
0x5d: {  	[tilespmem:s0+$0x70] =	vst v0  }
0x5e: {  	[tilespmem:s0+$0x60] =	vst v0  }
0x5f: {  	[tilespmem:s0+$0x50] =	vst v0  }
0x60: {  	[tilespmem:s0+$0x40] =	vst v0  }
0x61: {  	s1 =	sadd.s32 $0x4B200, s2;
	[tilespmem:s0+$0x30] =	vst v0  }
0x62: {  	s15 =	sadd.s32 $0x1E02E00, s2;
	s6 =	sadd.s32 $0x3FC5200, s2;
	[tilespmem:s0+$0x20] =	vst v0  }
0x63: {  	s14 =	sadd.s32 $0x1E16800, s2;
	s5 =	sand.u32 $0x1, s3;
	s3 =	simm.s32 $0x40;
	[tilespmem:s0+$0x10] =	vst v0  }
.LBB3_1:
0x64: {  	s3 =	sadd.s32 $0x40, s3;
	[tilespmem:s0+$0x0] =	vst v0;
	s0 =	sadd.s32 $0x80, s0  }
0x65: {  	p0 =	slt.u32 s3, $0x3C40;
	[tilespmem:s0+$0x70] =	vst v0  }
0x66: {  	[tilespmem:s0+$0x60] =	vst v0  }
.Ltmp5:
0x67: {  	[tilespmem:s0+$0x50] =	vst v0;
	(pc) =	sbr.rel @p0 .LBB3_1-.Ltmp5, $4  }
0x68: {  	[tilespmem:s0+$0x40] =	vst v0  }
0x69: {  	[tilespmem:s0+$0x30] =	vst v0  }
0x6a: {  	[tilespmem:s0+$0x20] =	vst v0  }
0x6b: {  	[tilespmem:s0+$0x10] =	vst v0  }
0x6c: {  	s9 =	stileid.u32  }
0x6d: {  	s2 =	smul.u32 $0x53, s9  }
0x6e: {  	s3 =	smin.u32 s9, $0x6  }
0x6f: {  	s2 =	sadd.s32 s3, s2  }
0x70: {  	p0 =	slt.u32 s9, $0x6;
	s7 =	smul.u32 $0xF0, s2;
	s2 =	simm.s32 $0x4EC0  }
0x71: {  	s2 =	simm.s32 @!p0 $0x4DD0  }
0x72: {  	s2 =	sadd.s32 s2, s7  }
0x73: {  	s8 =	smin.u32 s2, $0x4E200  }
0x74: {  	s2 =	ssub.s32 s8, s7  }
0x75: {  	p0 =	sgt.s32 s2, $0x0  }
0x76: {  	s29 =	simm.s32 $0x2;
	s10 =	simm.s32 $0x9;
	s2 =	simm.s32 @!p0 $0x0  }
0x77: {  	s4 =	simm.s32 $0xA;
	s11 =	simm.s32 $0xB;
	s28 =	smulhi.u32 $0x88888889, s2  }
0x78: {  	[dreg:$0x4] =	wrdreg s5;
	s31 =	smul.u32 $0x9C40, s5;
	s12 =	simm.s32 $0x1  }
0x79: {  	s22 =	simm.s32 $0x0;
	s18 =	simm.s32 $0xC;
	s30 =	sshrl.u32 s28, $0x7  }
0x7a: {  	s20 =	simm.s32 $0x0;
	s21 =	simm.s32 $0x0;
	s3 =	smul.u32 $0xF0, s30  }
.Ltmp6:
0x7b: {  	[tilespmem:s0+$0x0] =	vst v0;
	v0 =	vimm.s32 $0xFFFFFFFF;
	[sflag:s29] =	ssyncpa.u1 $0x0;
	s16 =	sshll.u32 s9, $0x8;
	(pc) =	sbr.rel .LBB3_3-.Ltmp6, $4  }
0x7c: {  	[tilespmem:$0xF208] =	vst v0;
	[sflag:s10] =	ssyncpa.u1 $0x0;
	p0 =	sne.s32 s2, s3;
	s2 =	simm.s32 $0x1  }
0x7d: {  	s14 =	sadd.s32 s31, s14;
	[sflag:s4] =	ssyncpa.u1 $0x0;
	s2 =	simm.s32 @!p0 $0x0  }
0x7e: {  	s15 =	sadd.s32 s31, s15;
	[sflag:s11] =	ssyncpa.u1 $0x0;
	s13 =	sadd.s32 s2, s30  }
0x7f: {  	v0 =	vlaneseq.u32;
	s19 =	smov.u32 s7;
	p0 =	por $0x0, $0x0;
	s17 =	sadd.s32 $0x1, s13  }
.LBB3_18:
0x80: {  	s0 =	sshrl.u32 s31, $0x2  }
.LBB3_20:
0x81: {  	_ =	swait.ge [sflag:s18], s0  }
0x82: {  	s31 =	ssub.s32 $0x0, s0;
	v1 =	vmov s24;
	vm0 =	veq.s32 v0, $0x0;
	[sflag:s18] =	ssyncset.done $0x0  }
0x83: {  	vm15 =	veq.s32 v0, $0x2;
	v1 =	vsel vm0, s30, v1;
	[sflag:s18] =	ssyncadd.s32 s31  }
0x84: {  	v1 =	vsel vm15, s22, v1;
	[sflag:s18] =	ssyncpa.u1 $0x1  }
0x85: {  	[tilespmem:$0xF208] =	vst v1  }
.LBB3_21:
0x86: {  	s0 =	sadd.s32 $0xF0, s19  }
0x87: {  	s2 =	smov.u32 s7;
	p1 =	slt.s32 s0, s8  }
0x88: {  	s2 =	smov.u32 @p1 s0;
	p1 =	sne.s32 s21, s17  }
.Ltmp7:
0x89: {  	_ = 	snop;
	(pc) =	sbr.rel @!p1 .LBB3_22-.Ltmp7, $3  }
0x8a: {  	_ =	sdelay $0x1  }
0x8b: {  	s22 =	smov.u32 s20;
	s31 =	sadd.s32 $0x1, s21;
	s20 =	smov.u32 s19  }
0x8c: {  	p0 =	por !p0, !p0;
	s21 =	smov.u32 s31;
	s19 =	smov.u32 s2  }
.LBB3_3:
0x8d: {  	p1 =	sge.u32 s21, s13  }
0x8e: {  	s0 =	smulhi.u32 @!p1 $0xAAAAAAAB, s21  }
0x8f: {  	s2 =	smov.u32 s19;
	p2 =	sgt.s32 @!p1 s19, $0x4E110  }
0x90: {  	s3 =	sshra.s32 @!p1 s19, $0x1F;
	p2 =	por !p2, p1;
	s0 =	sshrl.u32 @!p1 s0, $0x1  }
0x91: {  	s3 =	sand.u32 @!p1 s3, s19;
	s2 =	simm.s32 @p2 $0x4E110;
	s0 =	smul.u32 @!p1 $0x3, s0  }
0x92: {  	s2 =	ssub.s32 @!p1 s2, s3  }
0x93: {  	s2 =	sadd.s32 @!p1 $0xFFFB1EF0, s2;
	s0 =	ssub.s32 @!p1 s21, s0  }
0x94: {  	s3 =	sshll.u32 @!p1 s2, $0x2;
	p2 =	sgt.s32 @!p1 s2, $0xEF;
	s0 =	smul.u32 @!p1 $0x3C0, s0  }
0x95: {  	s4 =	sand.u32 @!p1 $0x7, s19;
	s2 =	ssub.s32 @!p1 $0x3C0, s3;
	p2 =	por !p2, p1  }
0x96: {  	s3 =	sshrl.u32 @!p1 s19, $0x3;
	s2 =	sshrl.u32 @!p1 s2, $0x2;
	s0 =	sshrl.u32 @!p1 s0, $0x2  }
0x97: {  	s3 =	sadd.s32 @!p1 s3, s14;
	s2 =	simm.s32 @!p2 $0x0;
	s0 =	sadd.s32 @!p1 $0x10248, s0  }
0x98: {  	[tilespmem:s0], [sflag:$0xA] =	stream.linear.gather @!p1 [hbm4b:s3+s4], s2, $0x38;
	[tilespmem:$0x1F6F8] =	vst v63  }
0x99: {  	s0 =	sadd.s32 $0xFFFFFFFF, s21  }
0x9a: {  	p1 =	sge.u32 s0, s13  }
0x9b: {  	p2 =	sgt.s32 @!p1 s20, $0x4E110  }
0x9c: {  	s2 =	smov.u32 s20;
	s3 =	sshra.s32 @!p1 s20, $0x1F;
	p2 =	por !p2, p1  }
0x9d: {  	s3 =	sand.u32 @!p1 s3, s20;
	s2 =	simm.s32 @p2 $0x4E110  }
0x9e: {  	s2 =	ssub.s32 @!p1 s2, s3  }
0x9f: {  	s2 =	sadd.s32 @!p1 $0xFFFB1EF0, s2  }
0xa0: {  	s4 =	sand.u32 @!p1 $0x1, s0;
	s3 =	sshll.u32 @!p1 s2, $0x2  }
0xa1: {  	p2 =	sgt.s32 @!p1 s2, $0xEF;
	s2 =	ssub.s32 @!p1 $0x3C0, s3;
	s3 =	smulhi.u32 @!p1 $0xAAAAAAAB, s0  }
0xa2: {  	s23 =	smul.u32 @!p1 $0x3C0, s4;
	p2 =	por !p2, p1;
	s2 =	sshrl.u32 @!p1 s2, $0x2  }
0xa3: {  	s5 =	simm.s32 @!p1 $0xA;
	s2 =	simm.s32 @!p2 $0x0;
	s3 =	sshrl.u32 @!p1 s3, $0x1  }
0xa4: {  	s23 =	sshrl.u32 @!p1 s23, $0x2;
	_ =	swait.ge @!p1 [sflag:s5], s2;
	s3 =	smul.u32 @!p1 $0x3, s3  }
0xa5: {  	s23 =	sadd.s32 @!p1 $0x10518, s23;
	s24 =	ssub.s32 @!p1 $0x0, s2;
	[sflag:s5] =	ssyncset.done @!p1 $0x0  }
0xa6: {  	[sflag:s5] =	ssyncadd.s32 @!p1 s24;
	s5 =	sshrl.u32 @!p1 s20, $0x3;
	s0 =	ssub.s32 @!p1 s0, s3  }
0xa7: {  	s24 =	sand.u32 @!p1 $0x7, s20;
	s5 =	sadd.s32 @!p1 s5, s15;
	s0 =	smul.u32 @!p1 $0x3C0, s0  }
0xa8: {  	[tilespmem:s23], [sflag:$0xB] =	stream.linear.gather @!p1 [hbm4b:s5+s24], s2, $0x38;
	[tilespmem:$0x1F6F8] =	vst v63  }
0xa9: {  	s3 =	ssub.s32 @!p1 $0x4E200, s20;
	s2 =	smul.u32 @!p1 $0x1E000, s4  }
0xaa: {  	p2 =	slt.s32 @!p1 s3, $0xF0  }
0xab: {  	p2 =	por !p2, p1;
	s0 =	sshrl.u32 @!p1 s0, $0x2;
	s2 =	sshrl.u32 @!p1 s2, $0x2  }
0xac: {  	s3 =	simm.s32 @p2 $0xF0;
	s0 =	sadd.s32 @!p1 $0x10248, s0;
	s2 =	sor.u32 @!p1 $0x106F8, s2  }
0xad: {  	[tilespmem:s2], [sflag:$0x9] =	stream.indirect.gather @!p1 [hbm4b:s6+s3], $0x80, s0, s3, $0xb8;
	[tilespmem:$0x1F6F8] =	vst v63  }
0xae: {  	p1 =	slt.u32 s21, $0x2  }
.Ltmp8:
0xaf: {  	_ = 	snop;
	(pc) =	sbr.rel @p1 .LBB3_21-.Ltmp8, $1  }
0xb0: {  	_ =	sdelay $0x3  }
0xb1: {  	p1 =	sgt.s32 s22, $0x4E110  }
0xb2: {  	s0 =	smov.u32 s22;
	s2 =	sshra.s32 s22, $0x1F;
	s3 =	ssub.s32 $0x4E200, s22  }
0xb3: {  	s0 =	simm.s32 @!p1 $0x4E110;
	s2 =	sand.u32 s2, s22;
	p1 =	slt.s32 s3, $0xF0  }
0xb4: {  	s0 =	ssub.s32 s0, s2;
	s3 =	simm.s32 @!p1 $0xF0  }
0xb5: {  	s0 =	sadd.s32 $0xFFFB1EF0, s0;
	s25 =	sshll.u32 s3, $0x7  }
0xb6: {  	s26 =	sshll.u32 s0, $0x2;
	s2 =	sand.u32 $0x3FFFFF80, s25  }
0xb7: {  	p1 =	sgt.s32 s0, $0xEF;
	s29 =	ssub.s32 $0x3C0, s26;
	_ =	swait.ge [sflag:s10], s2  }
0xb8: {  	s2 =	ssub.s32 $0x0, s2;
	[sflag:s10] =	ssyncset.done $0x0;
	s0 =	sshrl.u32 s29, $0x2  }
0xb9: {  	[sflag:s10] =	ssyncadd.s32 s2;
	s0 =	simm.s32 @p1 $0x0  }
0xba: {  	_ =	swait.ge [sflag:s11], s0  }
0xbb: {  	s0 =	ssub.s32 $0x0, s0;
	[sflag:s11] =	ssyncset.done $0x0  }
0xbc: {  	[sflag:s11] =	ssyncadd.s32 s0  }
0xbd: {  	v1 =	vld [tilespmem:$0xF208];
	_ =	sdelay $0x4  }
0xbe: {  	(v2sf) =	vpush v1, $0x0  }
0xbf: {  	(v2sf) =	vpush v1, $0x1  }
0xc0: {  	(v2sf) =	vpush v1, $0x2;
	_ =	sdelay $0x3  }
0xc1: {  	s0 =	sadd.s32 $0xF0, s22  }
0xc2: {  	s2 =	ssub.s32 $0x9C400, s22;
	p1 =	slt.s32 s8, s0  }
0xc3: {  	s0 =	smov.u32 @p1 s8;
	p1 =	sgt.s32 s2, $0x0  }
0xc4: {  	s26 =	ssub.s32 s0, s22;
	s2 =	simm.s32 @!p1 $0x0  }
0xc5: {  	p1 =	slt.s32 s2, s26  }
0xc6: {  	s26 =	smov.u32 @p1 s2  }
0xc7: {  	s25 =	simm.s32 $0x1;
	p1 =	slt.s32 s26, $0x1  }
.Ltmp9:
0xc8: {  	s25 =	simm.s32 @!p0 $0x0;
	(pc) =	sbr.rel @p1 .LBB3_8-.Ltmp9, $4  }
0xc9: {  	s31 =	smul.u32 $0x3C0, s25  }
0xca: {  	s28 =	spop (v2sf)  }
0xcb: {  	s0 =	sshrl.u32 s31, $0x2;
	s30 =	spop (v2sf)  }
0xcc: {  	s23 =	sadd.s32 $0x10518, s0;
	s22 =	spop (v2sf)  }
0xcd: {  	s0 =	smin.u32 s26, $0x10  }
0xce: {  	v1 =	vmov s0  }
0xcf: {  	p2 =	sgt.s32 s26, $0x10;
	vm1 =	vgt.u32 v1, v0  }
.Ltmp10:
0xd0: {  	_ = 	snop;
	(pc) =	sbr.rel @!p2 .LBB3_7-.Ltmp10, $2  }
0xd1: {  	_ =	sdelay $0x2  }
0xd2: {  	s4 =	simm.s32 $0x10;
	s24 =	sadd.s32 $0xFFFFFFF0, s26;
	s0 =	smov.u32 s23;
	vm0 =	vmmov vm1  }
.LBB3_6:
0xd3: {  	s2 =	smin.u32 s24, $0x10;
	s4 =	sadd.s32 $0x10, s4;
	v1 =	vld.msk [tilespmem:s0+$0x0 ss:$0x1], vm1  }
0xd4: {  	v2 =	vmov s2;
	p2 =	slt.s32 s4, s26  }
0xd5: {  	vm1 =	vgt.u32 v2, v0  }
.Ltmp11:
0xd6: {  	(pc) =	sbr.rel @p2 .LBB3_6-.Ltmp11, $3  }
0xd7: {  	_ =	sdelay $0x1  }
0xd8: {  	v1 =	vshll.u32 v1, $0x4  }
0xd9: {  	s24 =	sadd.s32 $0xFFFFFFF0, s24;
	[tilespmem:s0+$0x0] =	vst.msk vm0, v1;
	s0 =	sadd.s32 $0x10, s0;
	vm0 =	vmmov vm1  }
.LBB3_7:
0xda: {  	_ =	sdelay $0x4  }
0xdb: {  	v1 =	vld.msk [tilespmem:s0+$0x0 ss:$0x1], vm1;
	_ =	sdelay $0x4  }
0xdc: {  	v1 =	vshll.u32 v1, $0x4  }
0xdd: {  	[tilespmem:s0+$0x0] =	vst.msk vm0, v1  }
.LBB3_8:
0xde: {  	s0 =	sand.u32 $0x1, s21  }
0xdf: {  	s0 =	smul.u32 $0xF0, s0  }
0xe0: {  	p2 =	sne.s32 s30, $0xFFFFFFFF  }
0xe1: {  	v1 =	vld.msk @!p2 [tilespmem:s0+$0x10518], $0x1;
	_ =	sdelay $0x4  }
0xe2: {  	(v2sf) =	vpush @!p2 v1, $0x0;
	_ =	sdelay $0xc  }
.Ltmp12:
0xe3: {  	_ = 	snop;
	(pc) =	sbr.rel @p1 .LBB3_19-.Ltmp12, $4  }
0xe4: {  	_ = 	snop  }
0xe5: {  	s29 =	spop @!p2 (v2sf)  }
0xe6: {  	s22 =	simm.s32 @!p2 $0x0;
	s24 =	smov.u32 s29  }
0xe7: {  	[sflag:s18] =	ssyncpa.u1 $0x0;
	s29 =	smov.u32 @p2 s28;
	s24 =	smov.u32 @p2 s30  }
0xe8: {  	v1 =	vld.msk [tilespmem:s23+$0x0], $0x1;
	_ =	sdelay $0x4  }
0xe9: {  	(v2sf) =	vpush v1, $0x0;
	_ =	sdelay $0xe  }
0xea: {  	s2 =	smul.u32 $0x1E000, s25;
	s0 =	spop (v2sf)  }
0xeb: {  	s26 =	ssub.s32 $0x0, s26;
	p1 =	seq.s32 s29, s0  }
0xec: {  	s30 =	sadd.s32 $0x1, s26;
	s2 =	sshrl.u32 s2, $0x2;
	p2 =	sgt.s32 @!p1 s29, $0x0  }
0xed: {  	s25 =	sor.u32 $0x10738, s2;
	s2 =	smov.u32 s29;
	p2 =	por !p2, p1  }
0xee: {  	s2 =	simm.s32 @p2 $0x0;
	p2 =	seq.s32 s30, $0x0  }
.Ltmp13:
0xef: {  	_ = 	snop;
	(pc) =	sbr.rel @p2 .LBB3_11-.Ltmp13, $4  }
0xf0: {  	_ = 	snop  }
0xf1: {  	s28 =	simm.s32 $0x0;
	s31 =	sadd.s32 $0x1, s23;
	s2 =	smin.u32 @!p1 s2, $0x4E1FF0  }
0xf2: {  	s4 =	simm.s32 @!p1 $0x1;
	s5 =	simm.s32 @!p1 $0x7988;
	s3 =	sand.u32 @!p1 $0x7FFFF8, s2  }
0xf3: {  	s4 =	smov.u32 @p1 s28;
	s2 =	sand.u32 @!p1 $0x7, s2;
	s3 =	sadd.s32 @!p1 s1, s3  }
.LBB3_10:
0xf4: {  	s9 =	smov.u32 s4  }
0xf5: {  	[tilespmem:s5], [sflag:$0x2] =	stream.linear.gather @!p1 [hbm4b:s3+s2], $0x80, $0x38;
	[tilespmem:$0x1F6F8] =	vst v63  }
0xf6: {  	s30 =	sadd.s32 $0x1, s30;
	s2 =	smov.u32 s0;
	v1 =	vld.msk [tilespmem:s31+$0x0], $0x1  }
0xf7: {  	p2 =	seq.s32 s30, $0x0;
	_ =	sdelay $0x3  }
0xf8: {  	(v2sf) =	vpush v1, $0x0;
	_ =	sdelay $0xe  }
0xf9: {  	s0 =	spop (v2sf)  }
0xfa: {  	p1 =	seq.s32 s2, s0  }
0xfb: {  	p3 =	sgt.s32 @!p1 s2, $0x0;
	s3 =	sshll.u32 @!p1 s4, $0x9;
	s4 =	sadd.s32 @!p1 $0x1, s4  }
.Ltmp14:
0xfc: {  	p3 =	por !p3, p1;
	s3 =	sshra.s32 @!p1 s3, $0x2;
	(pc) =	sbr.rel @!p2 .LBB3_10-.Ltmp14, $4  }
0xfd: {  	s4 =	smov.u32 @p1 s9;
	s2 =	simm.s32 @p3 $0x0;
	s5 =	sadd.s32 @!p1 $0x7988, s3  }
0xfe: {  	s2 =	smin.u32 @!p1 s2, $0x4E1FF0  }
0xff: {  	s3 =	sand.u32 @!p1 $0x7FFFF8, s2;
	s2 =	sand.u32 @!p1 $0x7, s2  }
0x100: {  	s31 =	sadd.s32 $0x1, s31;
	s3 =	sadd.s32 @!p1 s1, s3  }
.LBB3_11:
0x101: {  	[tilespmem:s5], [sflag:$0x2] =	stream.linear.gather @!p1 [hbm4b:s3+s2], $0x80, $0x38;
	[tilespmem:$0x1F6F8] =	vst v63  }
.Ltmp15:
0x102: {  	s0 =	sshll.u32 s4, $0x7;
	(pc) =	sbr.rel .LBB3_12-.Ltmp15, $4  }
0x103: {  	s30 =	simm.s32 $0x2;
	s0 =	sand.u32 $0x3FFFFF80, s0  }
0x104: {  	_ =	swait.ge [sflag:s30], s0  }
0x105: {  	s0 =	ssub.s32 $0x0, s0;
	[sflag:s30] =	ssyncset.done $0x0  }
0x106: {  	s31 =	simm.s32 $0x0;
	[sflag:s30] =	ssyncadd.s32 s0  }
.LBB3_13:
0x107: {  	v1 =	vld [tilespmem:s25+$0xFFFFFFC0];
	_ =	sdelay $0x3  }
0x108: {  	s0 =	sshra.s32 s0, $0x2  }
0x109: {  	[tilespmem:s0+$0x108] =	vst.add.f32.msk $0xffff, v1  }
0x10a: {  	v1 =	vld [tilespmem:s25+$0xFFFFFFD0];
	_ =	sdelay $0x4  }
0x10b: {  	[tilespmem:s0+$0x118] =	vst.add.f32.msk $0xffff, v1  }
0x10c: {  	v1 =	vld [tilespmem:s25+$0xFFFFFFE0];
	_ =	sdelay $0x4  }
0x10d: {  	[tilespmem:s0+$0x128] =	vst.add.f32.msk $0xffff, v1  }
0x10e: {  	v1 =	vld [tilespmem:s25+$0xFFFFFFF0];
	_ =	sdelay $0x4  }
0x10f: {  	[tilespmem:s0+$0x138] =	vst.add.f32.msk $0xffff, v1  }
0x110: {  	v1 =	vld [tilespmem:s25+$0x0];
	_ =	sdelay $0x4  }
0x111: {  	[tilespmem:s0+$0x148] =	vst.add.f32.msk $0xffff, v1  }
0x112: {  	v1 =	vld [tilespmem:s25+$0x10];
	_ =	sdelay $0x4  }
0x113: {  	[tilespmem:s0+$0x158] =	vst.add.f32.msk $0xffff, v1  }
0x114: {  	v1 =	vld [tilespmem:s25+$0x20];
	_ =	sdelay $0x4  }
0x115: {  	[tilespmem:s0+$0x168] =	vst.add.f32.msk $0xffff, v1  }
0x116: {  	v1 =	vld [tilespmem:s25+$0x30];
	_ =	sdelay $0x4  }
0x117: {  	[tilespmem:s0+$0x178] =	vst.add.f32.msk $0xffff, v1  }
.LBB3_17:
0x118: {  	s26 =	sadd.s32 $0x1, s26  }
0x119: {  	p1 =	seq.s32 s26, $0x0  }
.Ltmp16:
0x11a: {  	_ = 	snop;
	(pc) =	sbr.rel @p1 .LBB3_18-.Ltmp16, $2  }
0x11b: {  	_ =	sdelay $0x2  }
0x11c: {  	s23 =	sadd.s32 $0x1, s23;
	s25 =	sadd.s32 $0x80, s25;
	s29 =	smov.u32 s30  }
.LBB3_12:
0x11d: {  	v1 =	vld.msk [tilespmem:s23+$0x0], $0x1;
	_ =	sdelay $0x4  }
0x11e: {  	(v2sf) =	vpush v1, $0x0;
	_ =	sdelay $0xe  }
0x11f: {  	s30 =	spop (v2sf)  }
0x120: {  	p1 =	sne.s32 s29, s30  }
.Ltmp17:
0x121: {  	_ = 	snop;
	(pc) =	sbr.rel @!p1 .LBB3_13-.Ltmp17, $2  }
0x122: {  	_ =	sdelay $0x2  }
0x123: {  	s0 =	sshll.u32 s22, $0x9  }
0x124: {  	p1 =	seq.s32 s29, s24  }
.Ltmp18:
0x125: {  	_ = 	snop;
	(pc) =	sbr.rel @!p1 .LBB3_15-.Ltmp18, $1  }
0x126: {  	_ =	sdelay $0x3  }
0x127: {  	s0 =	sshra.s32 s0, $0x2  }
.Ltmp19:
0x128: {  	s0 =	sadd.s32 $0x108, s0;
	(pc) =	sbr.rel .LBB3_16-.Ltmp19, $4  }
0x129: {  	[spmem:s16] =	stream.linear.scatter [tilespmem:s0], [sflag:$0x1], $0x80, $0x38;
	[tilespmem:$0x1F6F8] =	vst v63  }
0x12a: {  	_ =	swait.ge [sflag:s12], $0x80  }
0x12b: {  	[sflag:s12] =	ssyncset.done $0x0  }
0x12c: {  	[sflag:s12] =	ssyncadd.s32 $0xFFFFFF80  }
.LBB3_15:
0x12d: {  	s2 =	sshll.u32 s28, $0x9  }
0x12e: {  	s2 =	sshra.s32 s2, $0x2  }
0x12f: {  	v1 =	vld [tilespmem:s2+$0x7988];
	_ =	sdelay $0x3  }
0x130: {  	s0 =	sshra.s32 s0, $0x2  }
0x131: {  	[tilespmem:s0+$0x108] =	vst.add.f32.msk $0xffff, v1  }
0x132: {  	v1 =	vld [tilespmem:s2+$0x7998];
	_ =	sdelay $0x4  }
0x133: {  	[tilespmem:s0+$0x118] =	vst.add.f32.msk $0xffff, v1  }
0x134: {  	v1 =	vld [tilespmem:s2+$0x79A8];
	_ =	sdelay $0x4  }
0x135: {  	[tilespmem:s0+$0x128] =	vst.add.f32.msk $0xffff, v1  }
0x136: {  	v1 =	vld [tilespmem:s2+$0x79B8];
	_ =	sdelay $0x4  }
0x137: {  	[tilespmem:s0+$0x138] =	vst.add.f32.msk $0xffff, v1  }
0x138: {  	v1 =	vld [tilespmem:s2+$0x79C8];
	_ =	sdelay $0x4  }
0x139: {  	[tilespmem:s0+$0x148] =	vst.add.f32.msk $0xffff, v1  }
0x13a: {  	v1 =	vld [tilespmem:s2+$0x79D8];
	_ =	sdelay $0x4  }
0x13b: {  	[tilespmem:s0+$0x158] =	vst.add.f32.msk $0xffff, v1  }
0x13c: {  	v1 =	vld [tilespmem:s2+$0x79E8];
	_ =	sdelay $0x4  }
0x13d: {  	[tilespmem:s0+$0x168] =	vst.add.f32.msk $0xffff, v1  }
0x13e: {  	v1 =	vld [tilespmem:s2+$0x79F8];
	_ =	sdelay $0x2  }
0x13f: {  	p1 =	sgt.u32 s29, $0x4E1FF0  }
0x140: {  	s2 =	sand.u32 @!p1 $0x7FFFF8, s29  }
0x141: {  	s3 =	sadd.s32 $0x108, s0;
	[tilespmem:s0+$0x178] =	vst.add.f32.msk $0xffff, v1;
	s0 =	sadd.s32 @!p1 s1, s2;
	s2 =	sand.u32 @!p1 $0x7, s29  }
0x142: {  	[hbm4b:s0+s2] =	stream.linear.scatter @!p1 [tilespmem:s3], [sflag:$0xC], $0x80, $0x38;
	[tilespmem:$0x1F6F8] =	vst v63  }
0x143: {  	s0 =	simm.s32 $0x0  }
0x144: {  	s0 =	simm.s32 @!p1 $0x200  }
0x145: {  	s31 =	sadd.s32 s0, s31  }
.LBB3_16:
0x146: {  	s0 =	sadd.s32 $0x1, s22  }
0x147: {  	s2 =	smulhi.u32 $0x88888889, s0;
	_ =	sdelay $0x1  }
0x148: {  	v1 =	vld [tilespmem:s25+$0xFFFFFFC0];
	s2 =	sshrl.u32 s2, $0x7  }
0x149: {  	s2 =	smul.u32 $0xF0, s2;
	_ =	sdelay $0x1  }
0x14a: {  	s22 =	ssub.s32 s0, s2  }
0x14b: {  	s0 =	sshll.u32 s22, $0x7  }
0x14c: {  	[tilespmem:s0+$0x108] =	vst v1  }
0x14d: {  	v1 =	vld [tilespmem:s25+$0xFFFFFFD0];
	_ =	sdelay $0x4  }
0x14e: {  	[tilespmem:s0+$0x118] =	vst v1  }
0x14f: {  	v1 =	vld [tilespmem:s25+$0xFFFFFFE0];
	_ =	sdelay $0x4  }
0x150: {  	[tilespmem:s0+$0x128] =	vst v1  }
0x151: {  	v1 =	vld [tilespmem:s25+$0xFFFFFFF0];
	_ =	sdelay $0x4  }
0x152: {  	[tilespmem:s0+$0x138] =	vst v1  }
0x153: {  	v1 =	vld [tilespmem:s25+$0x0];
	_ =	sdelay $0x4  }
0x154: {  	[tilespmem:s0+$0x148] =	vst v1  }
0x155: {  	v1 =	vld [tilespmem:s25+$0x10];
	_ =	sdelay $0x4  }
0x156: {  	[tilespmem:s0+$0x158] =	vst v1  }
0x157: {  	v1 =	vld [tilespmem:s25+$0x20];
	_ =	sdelay $0x4  }
0x158: {  	[tilespmem:s0+$0x168] =	vst v1  }
0x159: {  	v1 =	vld [tilespmem:s25+$0x30]  }
.Ltmp20:
0x15a: {  	_ = 	snop;
	(pc) =	sbr.rel .LBB3_17-.Ltmp20, $2  }
0x15b: {  	_ =	sdelay $0x2  }
0x15c: {  	s28 =	sadd.s32 $0x1, s28;
	[tilespmem:s0+$0x178] =	vst v1  }
.LBB3_19:
.Ltmp21:
0x15d: {  	(pc) =	sbr.rel .LBB3_20-.Ltmp21, $4  }
0x15e: {  	_ = 	snop  }
0x15f: {  	s0 =	simm.s32 $0x2  }
0x160: {  	_ =	swait.ge [sflag:s0], $0x0  }
0x161: {  	s30 =	smov.u32 s29;
	[sflag:s0] =	ssyncset.done $0x0;
	s0 =	simm.s32 $0x0  }
.LBB3_22:
0x162: {  	_ =	sfence.sel $0x180000  }
0x163: {  	s0 =	simm.s32 $0x9;
	[bflag:$0x0] =	sbarrier.arrive $0xFFFF  }
0x164: {  	s24 =	simm.s32 $0xA;
	[sflag:s0] =	ssyncpa.u1 $0x1  }
0x165: {  	s25 =	simm.s32 $0xB;
	[sflag:s24] =	ssyncpa.u1 $0x1  }
0x166: {  	s26 =	simm.s32 $0x2;
	[sflag:s25] =	ssyncpa.u1 $0x1  }
0x167: {  	[sflag:s26] =	ssyncpa.u1 $0x1  }
0x168: {  	v0 =	vld [tilespmem:$0xF208];
	_ =	sdelay $0x4  }
0x169: {  	(v2sf) =	vpush v0, $0x0  }
0x16a: {  	(v2sf) =	vpush v0, $0x1;
	_ =	sdelay $0x1  }
0x16b: {  	(v2sf) =	vpush v0, $0x2;
	_ =	sdelay $0xb  }
0x16c: {  	s0 =	spop (v2sf)  }
0x16d: {  	s2 =	spop (v2sf)  }
0x16e: {  	s3 =	smov.u32 s0;
	p0 =	sne.s32 s0, s2  }
0x16f: {  	s4 =	spop (v2sf);
	s3 =	simm.s32 @!p0 $0xFFFFFFFF  }
0x170: {  	v2 =	vimm.s32 $0x1;
	v3 =	vlaneseq.u32;
	p0 =	seq.s32 s4, $0xFFFFFFFF;
	v1 =	vmov s3  }
0x171: {  	s16 =	stileid.u32;
	v0 =	vperm.xlane v0, v2;
	p1 =	sne.s32 @!p0 s0, s2;
	v1 =	vperm.xlane v1, v3  }
0x172: {  	vm0 =	vcmask $0x3F04;
	s6 =	simm.s32 $0xF208;
	s0 =	simm.s32 @!p0 $0x1;
	p1 =	por !p1, p0  }
0x173: {  	s3 =	sshll.u32 s16, $0x1;
	s2 =	sshll.u32 @!p0 s4, $0x9;
	s0 =	simm.s32 @p1 $0x0;
	v0 =	vsel vm0, v1, v0  }
0x174: {  	s5 =	sor.u32 $0x1000, s3;
	s2 =	sshra.s32 @!p0 s2, $0x2;
	s0 =	sor.u32 @!p0 s0, s3;
	[tilespmem:$0xF208] =	vst v0  }
0x175: {  	[spmem:s5] =	stream.linear.scatter [tilespmem:s6], [sflag:$0x1], $0x2, $0x38;
	[tilespmem:$0x1F6F8] =	vst v63  }
0x176: {  	s2 =	sadd.s32 @!p0 $0x108, s2;
	s0 =	sshll.u32 @!p0 s0, $0x7  }
0x177: {  	[spmem:s0] =	stream.linear.scatter @!p0 [tilespmem:s2], [sflag:$0x1], $0x80, $0x38;
	[tilespmem:$0x1F6F8] =	vst v63  }
0x178: {  	s0 =	simm.s32 @!p0 $0x82  }
0x179: {  	s28 =	simm.s32 $0x1;
	s0 =	simm.s32 @p0 $0x2  }
0x17a: {  	_ =	swait.ge [sflag:s28], s0  }
0x17b: {  	s0 =	ssub.s32 $0x0, s0;
	[sflag:s28] =	ssyncset.done $0x0  }
0x17c: {  	p0 =	sne.s32 s16, $0x0;
	[sflag:s28] =	ssyncadd.s32 s0  }
.Ltmp22:
0x17d: {  	_ =	sfence.stream.spmem;
	(pc) =	sbr.rel @p0 .LBB3_39-.Ltmp22, $4  }
0x17e: {  	s29 =	simm.s32 $0x3;
	[bflag:$0x0] =	sbarrier.arrive $0xFFFF  }
0x17f: {  	s30 =	simm.s32 $0x4;
	[sflag:s29] =	ssyncpa.u1 $0x1  }
0x180: {  	s31 =	simm.s32 $0x3C;
	[sflag:s30] =	ssyncpa.u1 $0x1  }
0x181: {  	s15 =	rddreg [dreg:$0x4];
	[sflag:s31] =	ssyncpa.u1 $0x1  }
0x182: {  	_ =	sfence.stream.spmem;
	s0 =	simm.s32 $0x5  }
0x183: {  	s2 =	simm.s32 $0x1000;
	s3 =	simm.s32 $0xF218;
	[sflag:s0] =	ssyncpa.u1 $0x0  }
0x184: {  	[tilespmem:s3], [sflag:$0x5] =	stream.linear.gather [spmem:s2], $0x20, $0x38;
	[tilespmem:$0x1F6F8] =	vst v63  }
0x185: {  	s26 =	simm.s32 $0x0;
	s28 =	simm.s32 $0xF238  }
0x186: {  	[tilespmem:s28], [sflag:$0x5] =	stream.linear.gather [spmem:s26], $0x1000, $0x38;
	[tilespmem:$0x1F6F8] =	vst v63  }
0x187: {  	_ =	swait.ge [sflag:s0], $0x1020  }
0x188: {  	[sflag:s0] =	ssyncset.done $0x0  }
0x189: {  	s29 =	simm.s32 $0x0;
	[sflag:s0] =	ssyncadd.s32 $0xFFFFEFE0  }
0x18a: {  	v0 =	vld.msk [tilespmem:s29+$0xF218], $0x1;
	_ =	sdelay $0x1  }
0x18b: {  	s30 =	simm.s32 $0x1  }
0x18c: {  	v1 =	vld.msk [tilespmem:s30+$0xF218], $0x1;
	_ =	sdelay $0x1  }
0x18d: {  	(v2sf) =	vpush v0, $0x0;
	_ =	sdelay $0x2  }
0x18e: {  	(v2sf) =	vpush v1, $0x0;
	_ =	sdelay $0x2  }
0x18f: {  	s31 =	simm.s32 $0x2  }
0x190: {  	v0 =	vld.msk [tilespmem:s31+$0xF218], $0x1;
	_ =	sdelay $0x2  }
0x191: {  	s4 =	simm.s32 $0xFFFFFFFF;
	s5 =	simm.s32 $0xFFFFFFFF;
	s0 =	simm.s32 $0xC  }
.LBB3_24:
0x192: {  	s2 =	smov.u32 s5;
	s3 =	smov.u32 s4  }
0x193: {  	s4 =	sshra.s32 s0, $0x2;
	p1 =	sne.s32 s0, $0x7C;
	s0 =	sadd.s32 $0x4, s0;
	(v2sf) =	vpush v0, $0x0  }
0x194: {  	v0 =	vld.msk [tilespmem:s4+$0xF218], $0x1  }
.Ltmp23:
0x195: {  	(pc) =	sbr.rel @p1 .LBB3_24-.Ltmp23, $4  }
0x196: {  	s5 =	spop (v2sf)  }
0x197: {  	p2 =	sne.s32 s3, $0xFFFFFFFF;
	s4 =	smov.u32 s5  }
0x198: {  	p3 =	seq.s32 s5, $0xFFFFFFFF;
	s4 =	smov.u32 @p2 s3  }
0x199: {  	s5 =	smov.u32 @p3 s2;
	s4 =	smov.u32 @p3 s3  }
0x19a: {  	(v2sf) =	vpush v0, $0x0;
	_ =	sdelay $0x8  }
0x19b: {  	s0 =	spop (v2sf)  }
0x19c: {  	p1 =	sne.s32 s4, $0xFFFFFFFF;
	s2 =	smov.u32 s0  }
0x19d: {  	s9 =	simm.s32 $0x6;
	p2 =	seq.s32 s0, $0xFFFFFFFF;
	s2 =	smov.u32 @p1 s4  }
0x19e: {  	s6 =	simm.s32 $0x0;
	s2 =	smov.u32 @p2 s4;
	s3 =	spop (v2sf)  }
0x19f: {  	s0 =	smov.u32 @p2 s5;
	p1 =	sne.s32 s2, $0xFFFFFFFF;
	s4 =	smov.u32 s3  }
.Ltmp24:
0x1a0: {  	p2 =	seq.s32 s3, $0xFFFFFFFF;
	s4 =	smov.u32 @p1 s2;
	(pc) =	sbr.rel .LBB3_26-.Ltmp24, $4  }
0x1a1: {  	s10 =	simm.s32 $0xF188;
	s4 =	smov.u32 @p2 s2;
	s7 =	spop (v2sf)  }
0x1a2: {  	s11 =	simm.s32 $0x0;
	p1 =	sne.s32 s4, $0xFFFFFFFF;
	s8 =	smov.u32 s7  }
0x1a3: {  	s3 =	smov.u32 @p2 s0;
	p2 =	seq.s32 s7, $0xFFFFFFFF;
	s8 =	smov.u32 @p1 s4  }
0x1a4: {  	[sflag:s9] =	ssyncpa.u1 $0x0;
	s7 =	smov.u32 @p2 s3;
	s8 =	smov.u32 @p2 s4  }
.LBB3_32:
0x1a5: {  	p1 =	sgt.u32 s12, $0x4E1FF0  }
0x1a6: {  	p2 =	seq.s32 @!p1 s12, s8  }
0x1a7: {  	p1 =	por p1, p2  }
0x1a8: {  	p2 =	sne.s32 @!p1 s12, s7  }
0x1a9: {  	p1 =	por p1, !p2  }
0x1aa: {  	s0 =	sshll.u32 @p1 s11, $0x9  }
0x1ab: {  	s0 =	sand.u32 @!p1 $0x7FFFF8, s12  }
0x1ac: {  	s2 =	sand.u32 @!p1 $0x7, s12;
	s0 =	sadd.s32 @!p1 s1, s0  }
0x1ad: {  	[tilespmem:s10], [sflag:$0x6] =	stream.linear.gather @!p1 [hbm4b:s0+s2], $0x80, $0x38;
	[tilespmem:$0x1F6F8] =	vst v63  }
0x1ae: {  	_ =	swait.ge @!p1 [sflag:s9], $0x80  }
0x1af: {  	[sflag:s9] =	ssyncset.done @!p1 $0x0  }
0x1b0: {  	[sflag:s9] =	ssyncadd.s32 @!p1 $0xFFFFFF80  }
0x1b1: {  	v1 =	vld @!p1 [tilespmem:$0xF188];
	_ =	sdelay $0x2  }
0x1b2: {  	s0 =	sshll.u32 @!p1 s11, $0x9  }
0x1b3: {  	s2 =	sshrl.u32 @!p1 s0, $0x2  }
0x1b4: {  	[tilespmem:s2+$0xF238] =	vst.add.f32.msk @!p1 $0xffff, v1  }
0x1b5: {  	v1 =	vld @!p1 [tilespmem:$0xF198];
	_ =	sdelay $0x4  }
0x1b6: {  	[tilespmem:s2+$0xF248] =	vst.add.f32.msk @!p1 $0xffff, v1  }
0x1b7: {  	v1 =	vld @!p1 [tilespmem:$0xF1A8];
	_ =	sdelay $0x4  }
0x1b8: {  	[tilespmem:s2+$0xF258] =	vst.add.f32.msk @!p1 $0xffff, v1  }
0x1b9: {  	v1 =	vld @!p1 [tilespmem:$0xF1B8];
	_ =	sdelay $0x4  }
0x1ba: {  	[tilespmem:s2+$0xF268] =	vst.add.f32.msk @!p1 $0xffff, v1  }
0x1bb: {  	v1 =	vld @!p1 [tilespmem:$0xF1C8];
	_ =	sdelay $0x4  }
0x1bc: {  	[tilespmem:s2+$0xF278] =	vst.add.f32.msk @!p1 $0xffff, v1  }
0x1bd: {  	v1 =	vld @!p1 [tilespmem:$0xF1D8];
	_ =	sdelay $0x4  }
0x1be: {  	[tilespmem:s2+$0xF288] =	vst.add.f32.msk @!p1 $0xffff, v1  }
0x1bf: {  	v1 =	vld @!p1 [tilespmem:$0xF1E8];
	_ =	sdelay $0x4  }
0x1c0: {  	[tilespmem:s2+$0xF298] =	vst.add.f32.msk @!p1 $0xffff, v1  }
0x1c1: {  	v1 =	vld @!p1 [tilespmem:$0xF1F8];
	_ =	sdelay $0x4  }
0x1c2: {  	[tilespmem:s2+$0xF2A8] =	vst.add.f32.msk @!p1 $0xffff, v1  }
0x1c3: {  	s0 =	sshrl.u32 s0, $0x2;
	[tilespmem:s6+$0xF218] =	vst.msk $0x1, v0  }
0x1c4: {  	v0 =	vld [tilespmem:s0+$0xF238];
	_ =	sdelay $0x2  }
0x1c5: {  	s31 =	sshll.u32 s6, $0x9  }
0x1c6: {  	s2 =	sshra.s32 s31, $0x2  }
0x1c7: {  	[tilespmem:s2+$0xF238] =	vst v0  }
0x1c8: {  	v0 =	vld [tilespmem:s0+$0xF248];
	_ =	sdelay $0x4  }
0x1c9: {  	[tilespmem:s2+$0xF248] =	vst v0  }
0x1ca: {  	v0 =	vld [tilespmem:s0+$0xF258];
	_ =	sdelay $0x4  }
0x1cb: {  	[tilespmem:s2+$0xF258] =	vst v0  }
0x1cc: {  	v0 =	vld [tilespmem:s0+$0xF268];
	_ =	sdelay $0x4  }
0x1cd: {  	[tilespmem:s2+$0xF268] =	vst v0  }
0x1ce: {  	v0 =	vld [tilespmem:s0+$0xF278];
	_ =	sdelay $0x4  }
0x1cf: {  	[tilespmem:s2+$0xF278] =	vst v0  }
0x1d0: {  	v0 =	vld [tilespmem:s0+$0xF288];
	_ =	sdelay $0x4  }
0x1d1: {  	[tilespmem:s2+$0xF288] =	vst v0  }
0x1d2: {  	v0 =	vld [tilespmem:s0+$0xF298];
	_ =	sdelay $0x4  }
0x1d3: {  	[tilespmem:s2+$0xF298] =	vst v0  }
0x1d4: {  	v0 =	vld [tilespmem:s0+$0xF2A8];
	_ =	sdelay $0x4  }
0x1d5: {  	s6 =	sadd.s32 $0x1, s6;
	[tilespmem:s2+$0xF2A8] =	vst v0  }
.LBB3_33:
0x1d6: {  	s11 =	sadd.s32 $0x1, s11  }
0x1d7: {  	p1 =	sne.s32 s11, $0x20  }
.Ltmp25:
0x1d8: {  	_ = 	snop;
	(pc) =	sbr.rel @!p1 .LBB3_34-.Ltmp25, $1  }
0x1d9: {  	_ =	sdelay $0x3  }
.LBB3_26:
0x1da: {  	v0 =	vld.msk [tilespmem:s11+$0xF218], $0x1;
	_ =	sdelay $0x4  }
0x1db: {  	(v2sf) =	vpush v0, $0x0;
	_ =	sdelay $0xe  }
0x1dc: {  	s12 =	spop (v2sf)  }
0x1dd: {  	p1 =	seq.s32 s12, $0xFFFFFFFF  }
.Ltmp26:
0x1de: {  	_ = 	snop;
	(pc) =	sbr.rel @p1 .LBB3_33-.Ltmp26, $1  }
0x1df: {  	_ =	sdelay $0x3  }
0x1e0: {  	p1 =	slt.s32 s6, $0x1  }
.Ltmp27:
0x1e1: {  	_ = 	snop;
	(pc) =	sbr.rel @p1 .LBB3_32-.Ltmp27, $1  }
0x1e2: {  	_ =	sdelay $0x3  }
0x1e3: {  	s13 =	simm.s32 $0xF218;
	p1 =	por $0x0, $0x0  }
0x1e4: {  	v1 =	vld.msk @!p1 [tilespmem:s13+$0x0], $0x1;
	_ =	sdelay $0x4  }
0x1e5: {  	(v2sf) =	vpush @!p1 v1, $0x0;
	_ =	sdelay $0xd  }
0x1e6: {  	p3 =	sne.s32 s6, $0x1  }
.Ltmp28:
0x1e7: {  	s0 =	spop @!p1 (v2sf);
	(pc) =	sbr.rel @!p3 .LBB3_30-.Ltmp28, $4  }
0x1e8: {  	p2 =	seq.s32 @!p1 s12, s0  }
0x1e9: {  	s14 =	simm.s32 $0x0;
	p2 =	por !p2, p1  }
0x1ea: {  	s2 =	simm.s32 $0xFFFFFFFF;
	s14 =	simm.s32 @p2 $0xFFFFFFFF  }
0x1eb: {  	s0 =	simm.s32 $0x1;
	s14 =	smov.u32 @p1 s2  }
.LBB3_29:
0x1ec: {  	s2 =	smov.u32 s14;
	p1 =	sne.s32 s14, $0xFFFFFFFF  }
0x1ed: {  	s13 =	sadd.s32 $0x1, s13;
	s14 =	smov.u32 s0;
	s0 =	sadd.s32 $0x1, s0  }
0x1ee: {  	p2 =	sne.s32 s6, s0;
	v1 =	vld.msk @!p1 [tilespmem:s13+$0x0], $0x1;
	_ =	sdelay $0x4  }
0x1ef: {  	(v2sf) =	vpush @!p1 v1, $0x0;
	_ =	sdelay $0xe  }
.Ltmp29:
0x1f0: {  	s3 =	spop @!p1 (v2sf);
	(pc) =	sbr.rel @p2 .LBB3_29-.Ltmp29, $4  }
0x1f1: {  	p3 =	seq.s32 @!p1 s12, s3  }
0x1f2: {  	p3 =	por !p3, p1  }
0x1f3: {  	s14 =	simm.s32 @p3 $0xFFFFFFFF  }
0x1f4: {  	s14 =	smov.u32 @p1 s2  }
.LBB3_30:
0x1f5: {  	p1 =	seq.s32 s14, $0xFFFFFFFF  }
.Ltmp30:
0x1f6: {  	_ = 	snop;
	(pc) =	sbr.rel @p1 .LBB3_32-.Ltmp30, $1  }
0x1f7: {  	_ =	sdelay $0x3  }
0x1f8: {  	s0 =	sshll.u32 s11, $0x7  }
0x1f9: {  	s0 =	sand.u32 $0x3FFFFF80, s0  }
0x1fa: {  	v0 =	vld [tilespmem:s0+$0xF238];
	_ =	sdelay $0x2  }
0x1fb: {  	s2 =	sshll.u32 s14, $0x9  }
0x1fc: {  	s2 =	sshra.s32 s2, $0x2  }
0x1fd: {  	[tilespmem:s2+$0xF238] =	vst.add.f32.msk $0xffff, v0  }
0x1fe: {  	v0 =	vld [tilespmem:s0+$0xF248];
	_ =	sdelay $0x4  }
0x1ff: {  	[tilespmem:s2+$0xF248] =	vst.add.f32.msk $0xffff, v0  }
0x200: {  	v0 =	vld [tilespmem:s0+$0xF258];
	_ =	sdelay $0x4  }
0x201: {  	[tilespmem:s2+$0xF258] =	vst.add.f32.msk $0xffff, v0  }
0x202: {  	v0 =	vld [tilespmem:s0+$0xF268];
	_ =	sdelay $0x4  }
0x203: {  	[tilespmem:s2+$0xF268] =	vst.add.f32.msk $0xffff, v0  }
0x204: {  	v0 =	vld [tilespmem:s0+$0xF278];
	_ =	sdelay $0x4  }
0x205: {  	[tilespmem:s2+$0xF278] =	vst.add.f32.msk $0xffff, v0  }
0x206: {  	v0 =	vld [tilespmem:s0+$0xF288];
	_ =	sdelay $0x4  }
0x207: {  	[tilespmem:s2+$0xF288] =	vst.add.f32.msk $0xffff, v0  }
0x208: {  	v0 =	vld [tilespmem:s0+$0xF298];
	_ =	sdelay $0x4  }
0x209: {  	[tilespmem:s2+$0xF298] =	vst.add.f32.msk $0xffff, v0  }
0x20a: {  	v0 =	vld [tilespmem:s0+$0xF2A8]  }
.Ltmp31:
0x20b: {  	_ = 	snop;
	(pc) =	sbr.rel .LBB3_33-.Ltmp31, $2  }
0x20c: {  	_ =	sdelay $0x2  }
0x20d: {  	[tilespmem:s2+$0xF2A8] =	vst.add.f32.msk $0xffff, v0  }
.LBB3_34:
0x20e: {  	s0 =	simm.s32 $0x6;
	p1 =	seq.s32 s6, $0x0  }
0x20f: {  	[sflag:s0] =	ssyncpa.u1 $0x1;
	v0 =	vimm.s32 @p1 $0xFFFFFFFF  }
0x210: {  	s9 =	sadd.s32 $0xFFFFFFFF, s6;
	[tilespmem:$0x10238] =	vst @p1 v0  }
0x211: {  	v0 =	vld.msk @!p1 [tilespmem:s9+$0xF218], $0x1;
	_ =	sdelay $0x1  }
0x212: {  	v1 =	vld.msk @!p1 [tilespmem:$0xF218], $0x1;
	_ =	sdelay $0x2  }
0x213: {  	p2 =	seq.s32 @!p1 s9, $0x0;
	v0 =	vbroadcast @!p1 v0, $0x0  }
0x214: {  	vm0 =	vmmov @!p1 $0x1;
	p2 =	por !p2, p1  }
0x215: {  	v1 =	vnsel @!p1 vm0, $0xFFFFFFFF, v1;
	vm0 =	vcmask @!p1 $0x308;
	v0 =	vpsel !p2, $0xFFFFFFFF, v0  }
0x216: {  	p2 =	sne.s32 @!p1 s8, s7;
	v0 =	vsel @!p1 vm0, v1, v0  }
0x217: {  	s0 =	simm.s32 @!p1 $0xF238;
	s2 =	simm.s32 @!p1 $0x0;
	p3 =	por !p2, p1;
	[tilespmem:$0x10238] =	vst @!p1 v0  }
0x218: {  	[spmem:s2] =	stream.linear.scatter @!p1 [tilespmem:s0], [sflag:$0x1], $0x80, $0x38;
	[tilespmem:$0x1F6F8] =	vst v63  }
0x219: {  	s0 =	sshll.u32 @!p3 s9, $0x9  }
0x21a: {  	s0 =	sshra.s32 @!p3 s0, $0x2  }
0x21b: {  	s2 =	simm.s32 @!p3 $0x80;
	s0 =	sadd.s32 @!p3 $0xF238, s0  }
0x21c: {  	[spmem:s2] =	stream.linear.scatter @!p3 [tilespmem:s0], [sflag:$0x1], $0x80, $0x38;
	[tilespmem:$0x1F6F8] =	vst v63  }
0x21d: {  	s0 =	simm.s32 @!p3 $0x1  }
0x21e: {  	_ =	swait.ge @!p3 [sflag:s0], $0x100  }
0x21f: {  	p1 =	por p2, p1;
	[sflag:s0] =	ssyncset.done @!p3 $0x0  }
0x220: {  	[sflag:s0] =	ssyncadd.s32 @!p3 $0xFFFFFF00;
	s0 =	simm.s32 @!p1 $0x1  }
0x221: {  	_ =	swait.ge @!p1 [sflag:s0], $0x80  }
0x222: {  	s29 =	simm.s32 $0x10238;
	[sflag:s0] =	ssyncset.done @!p1 $0x0  }
0x223: {  	s30 =	simm.s32 $0x1000;
	s31 =	simm.s32 $0x1;
	[sflag:s0] =	ssyncadd.s32 @!p1 $0xFFFFFF80  }
0x224: {  	[spmem:s30] =	stream.linear.scatter [tilespmem:s29], [sflag:$0x1], $0x10, $0x38;
	[tilespmem:$0x1F6F8] =	vst v63  }
0x225: {  	_ =	swait.ge [sflag:s31], $0x10  }
0x226: {  	[sflag:s31] =	ssyncset.done $0x0  }
0x227: {  	p1 =	seq.s32 s15, $0x0;
	s8 =	rddreg [dreg:$0x1];
	[sflag:s31] =	ssyncadd.s32 $0xFFFFFFF0  }
0x228: {  	s2 =	sshll.u32 @p1 s8, $0xE;
	s7 =	rddreg [dreg:$0x2]  }
0x229: {  	s0 =	sadd.s32 @p1 $0x15C3C, s2;
	s2 =	sshll.u32 @p1 s7, $0x11  }
0x22a: {  	_ =	sfence.stream.spmem;
	s0 =	sor.u32 @p1 s2, s0  }
0x22b: {  	[sflag:s0] =	ssyncadd.remote.s32 @p1 $0x1;
	s0 =	simm.s32 @p1 $0x4  }
0x22c: {  	s3 =	simm.s32 @!p1 $0x3C;
	s2 =	sand.u32 $0xFFFFFFFE, s8;
	_ =	swait.ge @p1 [sflag:s0], $0x22  }
0x22d: {  	s4 =	simm.s32 @!p1 $0x0;
	s2 =	sadd.s32 @!p1 $0x4, s2;
	[sflag:s0] =	ssyncset.done @p1 $0x0  }
0x22e: {  	s5 =	simm.s32 @!p1 $0x100;
	[sflag:s0] =	ssyncadd.s32 @p1 $0xFFFFFFDE;
	s0 =	sshll.u32 @!p1 s2, $0x1A  }
0x22f: {  	s2 =	sshll.u32 @!p1 s2, $0xD;
	s0 =	sor.u32 @!p1 s0, s7;
	_ =	swait.eq @!p1 [sflag:s3], $0x1  }
0x230: {  	s2 =	sor.u32 @!p1 $0x1C04, s2;
	s3 =	simm.s32 @!p1 $0x1C03;
	s0 =	sor.u32 @!p1 $0x80004000, s0  }
0x231: {  	[spmem:s5], [sflag:s2] =	dma.general @!p1 [spmem:s4], [sflag:s3], length:$0x20, [dreg:$0x0], stride_count:$0x0, ici_dest:s0, dma_misc:DstOpCode:WRITE  }
0x232: {  	p2 =	slt.s32 s9, $0x2;
	s4 =	simm.s32 @!p1 $0x200;
	s5 =	simm.s32 @!p1 $0x202  }
0x233: {  	[spmem:s5], [sflag:s2] =	dma.general @!p1 [spmem:s4], [sflag:s3], length:$0x2, [dreg:$0x0], stride_count:$0x0, ici_dest:s0, dma_misc:DstOpCode:WRITE  }
.Ltmp32:
0x234: {  	s0 =	simm.s32 @!p1 $0x3;
	(pc) =	sbr.rel @p2 .LBB3_38-.Ltmp32, $4  }
0x235: {  	s2 =	sshll.u32 @!p1 s8, $0xE;
	_ =	swait.ge @!p1 [sflag:s0], $0x22  }
0x236: {  	s3 =	sshll.u32 @!p1 s7, $0x11;
	s2 =	sadd.s32 @!p1 $0x11C3C, s2;
	[sflag:s0] =	ssyncset.done @!p1 $0x0  }
0x237: {  	[sflag:s0] =	ssyncadd.s32 @!p1 $0xFFFFFFDE;
	s0 =	sor.u32 @!p1 s3, s2  }
0x238: {  	[sflag:s0] =	ssyncadd.remote.s32 @!p1 $0xFFFFFFFF;
	s0 =	simm.s32 $0x0  }
0x239: {  	s0 =	simm.s32 $0xF219  }
0x23a: {  	v0 =	vld.msk [tilespmem:s0+$0x0], $0x1;
	_ =	sdelay $0x4  }
0x23b: {  	(v2sf) =	vpush v0, $0x0;
	_ =	sdelay $0xb  }
0x23c: {  	s31 =	sadd.s32 $0xFFFFFFFE, s6  }
0x23d: {  	s0 =	sadd.s32 $0xFFFFFFFF, s31  }
0x23e: {  	p2 =	sne.s32 s0, $0x0  }
.Ltmp33:
0x23f: {  	s2 =	spop (v2sf);
	(pc) =	sbr.rel @!p2 .LBB3_37-.Ltmp33, $4  }
0x240: {  	s4 =	simm.s32 $0xF2B8;
	s7 =	simm.s32 $0x0;
	p1 =	sgt.u32 s2, $0x4E1FF0  }
0x241: {  	s5 =	simm.s32 $0x0;
	s6 =	simm.s32 $0xF21A;
	s3 =	sand.u32 @!p1 $0x7FFFF8, s2  }
0x242: {  	s2 =	sand.u32 @!p1 $0x7, s2;
	s7 =	simm.s32 @!p1 $0x200;
	s3 =	sadd.s32 @!p1 s1, s3  }
0x243: {  	[hbm4b:s3+s2] =	stream.linear.scatter @!p1 [tilespmem:s4], [sflag:$0x5], $0x80, $0x38;
	[tilespmem:$0x1F6F8] =	vst v63  }
.LBB3_36:
0x244: {  	v0 =	vld.msk [tilespmem:s6+$0x0], $0x1;
	s0 =	sadd.s32 $0xFFFFFFFF, s0;
	s5 =	sadd.s32 s5, s7  }
0x245: {  	p1 =	sne.s32 s0, $0x0;
	_ =	sdelay $0x3  }
0x246: {  	(v2sf) =	vpush v0, $0x0;
	_ =	sdelay $0xe  }
.Ltmp34:
0x247: {  	s2 =	spop (v2sf);
	(pc) =	sbr.rel @p1 .LBB3_36-.Ltmp34, $4  }
0x248: {  	s7 =	simm.s32 $0x0;
	p2 =	sgt.u32 s2, $0x4E1FF0  }
0x249: {  	s4 =	sadd.s32 $0x80, s4;
	s7 =	simm.s32 @!p2 $0x200;
	s3 =	sand.u32 @!p2 $0x7FFFF8, s2  }
0x24a: {  	s6 =	sadd.s32 $0x1, s6;
	s2 =	sand.u32 @!p2 $0x7, s2;
	s3 =	sadd.s32 @!p2 s1, s3  }
0x24b: {  	[hbm4b:s3+s2] =	stream.linear.scatter @!p2 [tilespmem:s4], [sflag:$0x5], $0x80, $0x38;
	[tilespmem:$0x1F6F8] =	vst v63  }
.LBB3_37:
0x24c: {  	s0 =	sadd.s32 s5, s7  }
0x24d: {  	s0 =	sshrl.u32 s0, $0x2  }
.LBB3_38:
0x24e: {  	s2 =	simm.s32 $0x5  }
0x24f: {  	_ =	swait.ge [sflag:s2], s0  }
0x250: {  	s31 =	ssub.s32 $0x0, s0;
	[sflag:s2] =	ssyncset.done $0x0  }
0x251: {  	[sflag:s2] =	ssyncadd.s32 s31  }
0x252: {  	[sflag:s2] =	ssyncpa.u1 $0x1  }
.LBB3_39:
0x253: {  	s0 =	sor.u32 s15, s16  }
0x254: {  	p1 =	sne.s32 s0, $0x0  }
.Ltmp35:
0x255: {  	_ = 	snop;
	(pc) =	sbr.rel @p1 .LBB3_54-.Ltmp35, $3  }
0x256: {  	_ =	sdelay $0x1  }
0x257: {  	[bflag:$0x0] =	sbarrier.arrive $0xFFFF  }
0x258: {  	_ =	sfence  }
0x259: {  	s0 =	simm.s32 $0x7  }
0x25a: {  	s2 =	simm.s32 $0x1000;
	s3 =	simm.s32 $0xF218;
	[sflag:s0] =	ssyncpa.u1 $0x0  }
0x25b: {  	[tilespmem:s3], [sflag:$0x7] =	stream.linear.gather [spmem:s2], $0x20, $0x38;
	[tilespmem:$0x1F6F8] =	vst v63  }
0x25c: {  	s30 =	simm.s32 $0xF238;
	s2 =	simm.s32 $0x0  }
0x25d: {  	[tilespmem:s30], [sflag:$0x7] =	stream.linear.gather [spmem:s2], $0x1000, $0x38;
	[tilespmem:$0x1F6F8] =	vst v63  }
.Ltmp36:
0x25e: {  	_ = 	snop;
	(pc) =	sbr.rel .LBB3_41-.Ltmp36, $4  }
0x25f: {  	_ =	swait.ge [sflag:s0], $0x1020  }
0x260: {  	[sflag:s0] =	ssyncset.done $0x0  }
0x261: {  	s31 =	simm.s32 $0x8;
	[sflag:s0] =	ssyncadd.s32 $0xFFFFEFE0  }
0x262: {  	s3 =	simm.s32 $0x0;
	[sflag:s31] =	ssyncpa.u1 $0x0  }
.LBB3_47:
0x263: {  	p1 =	slt.u32 s4, $0x4E1FF1  }
0x264: {  	s0 =	sand.u32 @p1 $0x7FFFF8, s4  }
0x265: {  	s4 =	sand.u32 @p1 $0x7, s4;
	s5 =	simm.s32 @p1 $0xF188;
	s0 =	sadd.s32 @p1 s1, s0  }
0x266: {  	[tilespmem:s5], [sflag:$0x8] =	stream.linear.gather @p1 [hbm4b:s0+s4], $0x80, $0x38;
	[tilespmem:$0x1F6F8] =	vst v63  }
0x267: {  	s0 =	simm.s32 @p1 $0x8  }
0x268: {  	_ =	swait.ge @p1 [sflag:s0], $0x80  }
0x269: {  	[sflag:s0] =	ssyncset.done @p1 $0x0  }
0x26a: {  	[sflag:s0] =	ssyncadd.s32 @p1 $0xFFFFFF80  }
0x26b: {  	v1 =	vld @p1 [tilespmem:$0xF188];
	_ =	sdelay $0x2  }
0x26c: {  	s0 =	sshll.u32 @p1 s3, $0x9  }
0x26d: {  	s4 =	sshrl.u32 @p1 s0, $0x2  }
0x26e: {  	[tilespmem:s4+$0xF238] =	vst.add.f32.msk @p1 $0xffff, v1  }
0x26f: {  	v1 =	vld @p1 [tilespmem:$0xF198];
	_ =	sdelay $0x4  }
0x270: {  	[tilespmem:s4+$0xF248] =	vst.add.f32.msk @p1 $0xffff, v1  }
0x271: {  	v1 =	vld @p1 [tilespmem:$0xF1A8];
	_ =	sdelay $0x4  }
0x272: {  	[tilespmem:s4+$0xF258] =	vst.add.f32.msk @p1 $0xffff, v1  }
0x273: {  	v1 =	vld @p1 [tilespmem:$0xF1B8];
	_ =	sdelay $0x4  }
0x274: {  	[tilespmem:s4+$0xF268] =	vst.add.f32.msk @p1 $0xffff, v1  }
0x275: {  	v1 =	vld @p1 [tilespmem:$0xF1C8];
	_ =	sdelay $0x4  }
0x276: {  	[tilespmem:s4+$0xF278] =	vst.add.f32.msk @p1 $0xffff, v1  }
0x277: {  	v1 =	vld @p1 [tilespmem:$0xF1D8];
	_ =	sdelay $0x4  }
0x278: {  	[tilespmem:s4+$0xF288] =	vst.add.f32.msk @p1 $0xffff, v1  }
0x279: {  	v1 =	vld @p1 [tilespmem:$0xF1E8];
	_ =	sdelay $0x4  }
0x27a: {  	[tilespmem:s4+$0xF298] =	vst.add.f32.msk @p1 $0xffff, v1  }
0x27b: {  	v1 =	vld @p1 [tilespmem:$0xF1F8];
	_ =	sdelay $0x3  }
0x27c: {  	s5 =	sshll.u32 @!p1 s3, $0x9  }
0x27d: {  	s5 =	smov.u32 @p1 s0;
	[tilespmem:s4+$0xF2A8] =	vst.add.f32.msk @p1 $0xffff, v1  }
0x27e: {  	s0 =	sshrl.u32 s5, $0x2;
	[tilespmem:s2+$0xF218] =	vst.msk $0x1, v0  }
0x27f: {  	v0 =	vld [tilespmem:s0+$0xF238];
	_ =	sdelay $0x2  }
0x280: {  	s31 =	sshll.u32 s2, $0x9  }
0x281: {  	s4 =	sshra.s32 s31, $0x2  }
0x282: {  	[tilespmem:s4+$0xF238] =	vst v0  }
0x283: {  	v0 =	vld [tilespmem:s0+$0xF248];
	_ =	sdelay $0x4  }
0x284: {  	[tilespmem:s4+$0xF248] =	vst v0  }
0x285: {  	v0 =	vld [tilespmem:s0+$0xF258];
	_ =	sdelay $0x4  }
0x286: {  	[tilespmem:s4+$0xF258] =	vst v0  }
0x287: {  	v0 =	vld [tilespmem:s0+$0xF268];
	_ =	sdelay $0x4  }
0x288: {  	[tilespmem:s4+$0xF268] =	vst v0  }
0x289: {  	v0 =	vld [tilespmem:s0+$0xF278];
	_ =	sdelay $0x4  }
0x28a: {  	[tilespmem:s4+$0xF278] =	vst v0  }
0x28b: {  	v0 =	vld [tilespmem:s0+$0xF288];
	_ =	sdelay $0x4  }
0x28c: {  	[tilespmem:s4+$0xF288] =	vst v0  }
0x28d: {  	v0 =	vld [tilespmem:s0+$0xF298];
	_ =	sdelay $0x4  }
0x28e: {  	[tilespmem:s4+$0xF298] =	vst v0  }
0x28f: {  	v0 =	vld [tilespmem:s0+$0xF2A8];
	_ =	sdelay $0x4  }
0x290: {  	s2 =	sadd.s32 $0x1, s2;
	[tilespmem:s4+$0xF2A8] =	vst v0  }
.LBB3_48:
0x291: {  	s3 =	sadd.s32 $0x1, s3  }
0x292: {  	p1 =	sne.s32 s3, $0x20  }
.Ltmp37:
0x293: {  	_ = 	snop;
	(pc) =	sbr.rel @!p1 .LBB3_49-.Ltmp37, $1  }
0x294: {  	_ =	sdelay $0x3  }
.LBB3_41:
0x295: {  	v0 =	vld.msk [tilespmem:s3+$0xF218], $0x1;
	_ =	sdelay $0x4  }
0x296: {  	(v2sf) =	vpush v0, $0x0;
	_ =	sdelay $0xe  }
0x297: {  	s4 =	spop (v2sf)  }
0x298: {  	p1 =	seq.s32 s4, $0xFFFFFFFF  }
.Ltmp38:
0x299: {  	_ = 	snop;
	(pc) =	sbr.rel @p1 .LBB3_48-.Ltmp38, $1  }
0x29a: {  	_ =	sdelay $0x3  }
0x29b: {  	p1 =	slt.s32 s2, $0x1  }
.Ltmp39:
0x29c: {  	_ = 	snop;
	(pc) =	sbr.rel @p1 .LBB3_47-.Ltmp39, $1  }
0x29d: {  	_ =	sdelay $0x3  }
0x29e: {  	s5 =	simm.s32 $0xF218;
	p1 =	por $0x0, $0x0  }
0x29f: {  	v1 =	vld.msk @!p1 [tilespmem:s5+$0x0], $0x1;
	_ =	sdelay $0x4  }
0x2a0: {  	(v2sf) =	vpush @!p1 v1, $0x0;
	_ =	sdelay $0xd  }
0x2a1: {  	p3 =	sne.s32 s2, $0x1  }
.Ltmp40:
0x2a2: {  	s0 =	spop @!p1 (v2sf);
	(pc) =	sbr.rel @!p3 .LBB3_45-.Ltmp40, $4  }
0x2a3: {  	p2 =	seq.s32 @!p1 s4, s0  }
0x2a4: {  	s6 =	simm.s32 $0x0;
	p2 =	por !p2, p1  }
0x2a5: {  	s7 =	simm.s32 $0xFFFFFFFF;
	s6 =	simm.s32 @p2 $0xFFFFFFFF  }
0x2a6: {  	s0 =	simm.s32 $0x1;
	s6 =	smov.u32 @p1 s7  }
.LBB3_44:
0x2a7: {  	s7 =	smov.u32 s6;
	p1 =	sne.s32 s6, $0xFFFFFFFF  }
0x2a8: {  	s5 =	sadd.s32 $0x1, s5;
	s6 =	smov.u32 s0;
	s0 =	sadd.s32 $0x1, s0  }
0x2a9: {  	p2 =	sne.s32 s2, s0;
	v1 =	vld.msk @!p1 [tilespmem:s5+$0x0], $0x1;
	_ =	sdelay $0x4  }
0x2aa: {  	(v2sf) =	vpush @!p1 v1, $0x0;
	_ =	sdelay $0xe  }
.Ltmp41:
0x2ab: {  	s8 =	spop @!p1 (v2sf);
	(pc) =	sbr.rel @p2 .LBB3_44-.Ltmp41, $4  }
0x2ac: {  	p3 =	seq.s32 @!p1 s4, s8  }
0x2ad: {  	p3 =	por !p3, p1  }
0x2ae: {  	s6 =	simm.s32 @p3 $0xFFFFFFFF  }
0x2af: {  	s6 =	smov.u32 @p1 s7  }
.LBB3_45:
0x2b0: {  	p1 =	seq.s32 s6, $0xFFFFFFFF  }
.Ltmp42:
0x2b1: {  	_ = 	snop;
	(pc) =	sbr.rel @p1 .LBB3_47-.Ltmp42, $1  }
0x2b2: {  	_ =	sdelay $0x3  }
0x2b3: {  	s0 =	sshll.u32 s3, $0x7  }
0x2b4: {  	s0 =	sand.u32 $0x3FFFFF80, s0  }
0x2b5: {  	v0 =	vld [tilespmem:s0+$0xF238];
	_ =	sdelay $0x2  }
0x2b6: {  	s4 =	sshll.u32 s6, $0x9  }
0x2b7: {  	s4 =	sshra.s32 s4, $0x2  }
0x2b8: {  	[tilespmem:s4+$0xF238] =	vst.add.f32.msk $0xffff, v0  }
0x2b9: {  	v0 =	vld [tilespmem:s0+$0xF248];
	_ =	sdelay $0x4  }
0x2ba: {  	[tilespmem:s4+$0xF248] =	vst.add.f32.msk $0xffff, v0  }
0x2bb: {  	v0 =	vld [tilespmem:s0+$0xF258];
	_ =	sdelay $0x4  }
0x2bc: {  	[tilespmem:s4+$0xF258] =	vst.add.f32.msk $0xffff, v0  }
0x2bd: {  	v0 =	vld [tilespmem:s0+$0xF268];
	_ =	sdelay $0x4  }
0x2be: {  	[tilespmem:s4+$0xF268] =	vst.add.f32.msk $0xffff, v0  }
0x2bf: {  	v0 =	vld [tilespmem:s0+$0xF278];
	_ =	sdelay $0x4  }
0x2c0: {  	[tilespmem:s4+$0xF278] =	vst.add.f32.msk $0xffff, v0  }
0x2c1: {  	v0 =	vld [tilespmem:s0+$0xF288];
	_ =	sdelay $0x4  }
0x2c2: {  	[tilespmem:s4+$0xF288] =	vst.add.f32.msk $0xffff, v0  }
0x2c3: {  	v0 =	vld [tilespmem:s0+$0xF298];
	_ =	sdelay $0x4  }
0x2c4: {  	[tilespmem:s4+$0xF298] =	vst.add.f32.msk $0xffff, v0  }
0x2c5: {  	v0 =	vld [tilespmem:s0+$0xF2A8]  }
.Ltmp43:
0x2c6: {  	_ = 	snop;
	(pc) =	sbr.rel .LBB3_48-.Ltmp43, $2  }
0x2c7: {  	_ =	sdelay $0x2  }
0x2c8: {  	[tilespmem:s4+$0xF2A8] =	vst.add.f32.msk $0xffff, v0  }
.LBB3_49:
0x2c9: {  	p1 =	slt.s32 s2, $0x1  }
.Ltmp44:
0x2ca: {  	_ = 	snop;
	(pc) =	sbr.rel @p1 .LBB3_53-.Ltmp44, $3  }
0x2cb: {  	_ =	sdelay $0x1  }
0x2cc: {  	s0 =	simm.s32 $0x8  }
0x2cd: {  	s3 =	simm.s32 $0x0;
	[sflag:s0] =	ssyncpa.u1 $0x1  }
0x2ce: {  	s0 =	simm.s32 $0xF218  }
0x2cf: {  	v0 =	vld.msk [tilespmem:s0+$0x0], $0x1;
	_ =	sdelay $0x4  }
0x2d0: {  	(v2sf) =	vpush v0, $0x0;
	_ =	sdelay $0xe  }
0x2d1: {  	s0 =	sadd.s32 $0xFFFFFFFF, s2;
	s5 =	spop (v2sf)  }
0x2d2: {  	p2 =	sne.s32 s0, $0x0;
	p1 =	sgt.u32 s5, $0x4E1FF0  }
.Ltmp45:
0x2d3: {  	s6 =	sand.u32 @!p1 $0x7FFFF8, s5;
	(pc) =	sbr.rel @!p2 .LBB3_52-.Ltmp45, $4  }
0x2d4: {  	s4 =	simm.s32 $0xF238;
	s5 =	sand.u32 @!p1 $0x7, s5;
	s2 =	sadd.s32 @!p1 s1, s6  }
0x2d5: {  	[hbm4b:s2+s5] =	stream.linear.scatter @!p1 [tilespmem:s4], [sflag:$0x7], $0x80, $0x38;
	[tilespmem:$0x1F6F8] =	vst v63  }
0x2d6: {  	s5 =	simm.s32 $0x0  }
0x2d7: {  	s2 =	simm.s32 $0xF219;
	s5 =	simm.s32 @!p1 $0x200  }
.LBB3_51:
0x2d8: {  	v0 =	vld.msk [tilespmem:s2+$0x0], $0x1;
	s0 =	sadd.s32 $0xFFFFFFFF, s0;
	s3 =	sadd.s32 s3, s5  }
0x2d9: {  	p1 =	sne.s32 s0, $0x0;
	_ =	sdelay $0x3  }
0x2da: {  	(v2sf) =	vpush v0, $0x0;
	_ =	sdelay $0xe  }
.Ltmp46:
0x2db: {  	s6 =	spop (v2sf);
	(pc) =	sbr.rel @p1 .LBB3_51-.Ltmp46, $4  }
0x2dc: {  	s5 =	simm.s32 $0x0;
	p2 =	sgt.u32 s6, $0x4E1FF0  }
0x2dd: {  	s4 =	sadd.s32 $0x80, s4;
	s5 =	simm.s32 @!p2 $0x200;
	s7 =	sand.u32 @!p2 $0x7FFFF8, s6  }
0x2de: {  	s2 =	sadd.s32 $0x1, s2;
	s6 =	sand.u32 @!p2 $0x7, s6;
	s7 =	sadd.s32 @!p2 s1, s7  }
0x2df: {  	[hbm4b:s7+s6] =	stream.linear.scatter @!p2 [tilespmem:s4], [sflag:$0x7], $0x80, $0x38;
	[tilespmem:$0x1F6F8] =	vst v63  }
.LBB3_52:
0x2e0: {  	s0 =	sadd.s32 s3, s5  }
0x2e1: {  	s3 =	sshrl.u32 s0, $0x2  }
.LBB3_53:
0x2e2: {  	s0 =	simm.s32 $0x7  }
0x2e3: {  	_ =	swait.ge [sflag:s0], s3  }
0x2e4: {  	s1 =	ssub.s32 $0x0, s3;
	[sflag:s0] =	ssyncset.done $0x0  }
0x2e5: {  	[sflag:s0] =	ssyncadd.s32 s1  }
0x2e6: {  	[sflag:s0] =	ssyncpa.u1 $0x1  }
.LBB3_54:
0x2e7: {  	_ =	sfence;
	s0 =	simm.s32 $0x1  }
0x2e8: {  	[sflag:s0] =	ssyncpa.u1 $0x1  }
0x2e9: {  	_ =	strace $0x9000005F  }
0x2ea: {  	[bflag:$0x2] =	sbarrier.arrive $0xFFFF  }
0x2eb: {  	s0 =	rddreg [dreg:$0x3]  }
0x2ec: {  	s0 =	sadd.s32 @!p0 $0x100000, s0  }
0x2ed: {  	[sflag:s0] =	ssyncadd.tile.s32 @!p0 $0x1;
	_ =	shalt  }
.Lfunc_end3:
_tile_overlayer_lowered:
.L_overlay_start_3:
0x2ee: {  	(tag) =	ssettag $0x3  }
0x2ef: {  	s0 =	rddreg [dreg:$0x0];
	s2 =	stileid.u32  }
0x2f0: {  	s1 =	rddreg [dreg:$0x1];
	p0 =	sne.s32 s2, $0x0  }
0x2f1: {  	s3 =	rddreg [dreg:$0x2];
	[bflag:$0x3] =	sbarrier.arrive $0xFFFF;
	s2 =	simm.s32 @!p0 $0x1C01  }
0x2f2: {  	[timem:s3], [sflag:s2] =	dma.local @!p0 [hbm:s0], s1  }
0x2f3: {  	s0 =	simm.s32 @!p0 $0x1  }
0x2f4: {  	_ =	swait.ge @!p0 [sflag:s0], s1  }
0x2f5: {  	s1 =	ssub.s32 @!p0 $0x0, s1;
	[sflag:s0] =	ssyncset.done @!p0 $0x0  }
0x2f6: {  	[sflag:s0] =	ssyncadd.s32 @!p0 s1  }
0x2f7: {  	[bflag:$0x3] =	sbarrier.arrive $0xFFFF  }
0x2f8: {  	_ =	shalt  }

// kernel: scatter_offload_async_start.3
scs
__scs_entry_jumppad:
0x0: {  	(pc) =	sbr.rel $0x88, $3  }
0x1: {  	(tag) =	ssettag $0x0;
	lr =	simm.s32 $0x1  }
0x2: {  	[smem:$0x3F7E] =	sst lr;
	_ =	strace $0xD0000000  }
0x3: {  	_ = 	snop  }
0x4: {  	_ = 	snop  }
0x5: {  	_ = 	snop  }
0x6: {  	_ = 	snop  }
0x7: {  	_ = 	snop  }
__scs_overlays_trampoline_lowered:
0x8: {  	[smem:$0x3F8D] =	sst s0  }
0x9: {  	[smem:$0x3F8E] =	sst s1  }
0xa: {  	[smem:$0x3F8F] =	sst s2  }
0xb: {  	[smem:$0x3F90] =	sst s3  }
0xc: {  	[smem:$0x3F91] =	sst s4  }
0xd: {  	[smem:$0x3F92] =	sst s5  }
0xe: {  	[smem:$0x3F93] =	sst s6  }
0xf: {  	[smem:$0x3F94] =	sst s7  }
0x10: {  	[smem:$0x3F95] =	sst s8  }
0x11: {  	[smem:$0x3F96] =	sst s9;
	s0 =	simm.s32 @!p0 $0x0  }
0x12: {  	s1 =	sld [smem:$0x3F7C];
	s0 =	simm.s32 @p0 $0x1  }
0x13: {  	[smem:$0x3F97] =	sst s0;
	s0 =	simm.s32 @!p1 $0x0  }
0x14: {  	s2 =	sld [smem:$0x3F7B];
	s0 =	simm.s32 @p1 $0x1  }
0x15: {  	[smem:$0x3F98] =	sst s0;
	s0 =	simm.s32 @!p2 $0x0  }
0x16: {  	s3 =	sld [smem:$0x3FDB];
	s0 =	simm.s32 @p2 $0x1  }
0x17: {  	s4 =	simm.s32 $0x1BF5;
	[smem:$0x3F9A] =	sst s0  }
0x18: {  	s0 =	sld [smem:$0x3F7D];
	_ =	swait.ge [sflag:s4], $0x0  }
0x19: {  	s7 =	sld [smem:$0x3F7E]  }
0x1a: {  	s8 =	sadd.s32 $0xFFFFE003, lr  }
0x1b: {  	s9 =	sadd.s32 $0xFFFFFEF7, lr;
	s5 =	simm.s32 $0xFFFFFFFF;
	p2 =	slt.u32 s8, $0xFFFFF086  }
0x1c: {  	p1 =	slt.u32 s9, $0xF7A;
	s5 =	simm.s32 @!p2 $0x0  }
0x1d: {  	s5 =	simm.s32 @p1 $0x1;
	p0 =	seq.s32 s7, s2  }
0x1e: {  	s7 =	smul.u32 @!p0 $0xF7A, s2;
	p2 =	seq.s32 @!p0 s5, $0x0  }
0x1f: {  	s9 =	smul.u32 $0xF7A, s1;
	s8 =	simm.s32 @!p0 $0x1BF5;
	p2 =	por !p2, p0  }
0x20: {  	[sflag:s8] =	ssyncset.s32 @!p0 $0xFFFFF086;
	s6 =	sadd.s32 @!p0 s3, s7;
	s7 =	simm.s32 @!p0 $0x108  }
0x21: {  	s3 =	sadd.s32 s3, s9;
	s6 =	sadd.s32 @!p0 $0x88, s6;
	s7 =	simm.s32 @p2 $0x1082  }
0x22: {  	[simem:s7], [sflag:s8] =	dma.local @!p0 [hbm:s6], $0xF7A  }
0x23: {  	s9 =	sor.u32 $0xD0000000, s2;
	s6 =	simm.s32 $0x108;
	_ =	swait.ge @!p0 [sflag:s8], $0x0  }
0x24: {  	s3 =	sadd.s32 $0x88, s3;
	s6 =	simm.s32 @!p1 $0x1082;
	[sflag:s4] =	ssyncset.s32 $0xFFFFF086  }
0x25: {  	[simem:s6], [sflag:s4] =	dma.local [hbm:s3], $0xF7A  }
0x26: {  	[smem:$0x3F7E] =	sst s1;
	(tag) =	ssettag s2;
	_ =	strace s9  }
0x27: {  	s1 =	sld [smem:$0x3F8E]  }
0x28: {  	s2 =	sld [smem:$0x3F8F]  }
0x29: {  	s4 =	sld [smem:$0x3F91]  }
0x2a: {  	p0 =	seq.s32 s5, $0x0;
	s5 =	sld [smem:$0x3F92]  }
0x2b: {  	s6 =	sld [smem:$0x3F93]  }
0x2c: {  	s7 =	sld [smem:$0x3F94]  }
0x2d: {  	s3 =	simm.s32 $0x108;
	s8 =	sld [smem:$0x3F95]  }
0x2e: {  	s3 =	simm.s32 @!p0 $0x1082;
	s9 =	sld [smem:$0x3F96]  }
0x2f: {  	lr =	sadd.s32 s0, s3;
	s0 =	sld [smem:$0x3F8D]  }
0x30: {  	s3 =	sld [smem:$0x3F90]  }
0x31: {  	[smem:$0x3F99] =	sst s10  }
0x32: {  	s10 =	sld [smem:$0x3F97];
	_ =	sdelay $0x3  }
0x33: {  	p0 =	seq.s32 s10, $0x1;
	s10 =	sld [smem:$0x3F99];
	_ =	sdelay $0x3  }
0x34: {  	[smem:$0x3F99] =	sst s10  }
0x35: {  	s10 =	sld [smem:$0x3F98];
	_ =	sdelay $0x3  }
0x36: {  	p1 =	seq.s32 s10, $0x1;
	s10 =	sld [smem:$0x3F99];
	_ =	sdelay $0x3  }
0x37: {  	[smem:$0x3F99] =	sst s10  }
0x38: {  	s10 =	sld [smem:$0x3F9A]  }
0x39: {  	_ = 	snop;
	(pc) =	sbr.ind lr, $3  }
0x3a: {  	_ = 	snop  }
0x3b: {  	_ = 	snop  }
0x3c: {  	p2 =	seq.s32 s10, $0x1;
	s10 =	sld [smem:$0x3F99]  }
0x3d: {  	_ =	shalt  }
0x3e: {  	_ =	shalt  }
0x3f: {  	_ =	shalt  }
0x40: {  	_ =	shalt  }
0x41: {  	_ =	shalt  }
0x42: {  	_ =	shalt  }
0x43: {  	_ =	shalt  }
0x44: {  	_ =	shalt  }
0x45: {  	_ =	shalt  }
0x46: {  	_ =	shalt  }
0x47: {  	_ =	shalt  }
0x48: {  	_ =	shalt  }
0x49: {  	_ =	shalt  }
0x4a: {  	_ =	shalt  }
0x4b: {  	_ =	shalt  }
0x4c: {  	_ =	shalt  }
0x4d: {  	_ =	shalt  }
0x4e: {  	_ =	shalt  }
0x4f: {  	_ =	shalt  }
0x50: {  	_ =	shalt  }
0x51: {  	_ =	shalt  }
0x52: {  	_ =	shalt  }
0x53: {  	_ =	shalt  }
0x54: {  	_ =	shalt  }
0x55: {  	_ =	shalt  }
0x56: {  	_ =	shalt  }
0x57: {  	_ =	shalt  }
0x58: {  	_ =	shalt  }
0x59: {  	_ =	shalt  }
0x5a: {  	_ =	shalt  }
0x5b: {  	_ =	shalt  }
0x5c: {  	_ =	shalt  }
0x5d: {  	_ =	shalt  }
0x5e: {  	_ =	shalt  }
0x5f: {  	_ =	shalt  }
0x60: {  	_ =	shalt  }
0x61: {  	_ =	shalt  }
0x62: {  	_ =	shalt  }
0x63: {  	_ =	shalt  }
0x64: {  	_ =	shalt  }
0x65: {  	_ =	shalt  }
0x66: {  	_ =	shalt  }
0x67: {  	_ =	shalt  }
0x68: {  	_ =	shalt  }
0x69: {  	_ =	shalt  }
0x6a: {  	_ =	shalt  }
0x6b: {  	_ =	shalt  }
0x6c: {  	_ =	shalt  }
0x6d: {  	_ =	shalt  }
0x6e: {  	_ =	shalt  }
0x6f: {  	_ =	shalt  }
0x70: {  	_ =	shalt  }
0x71: {  	_ =	shalt  }
0x72: {  	_ =	shalt  }
0x73: {  	_ =	shalt  }
0x74: {  	_ =	shalt  }
0x75: {  	_ =	shalt  }
0x76: {  	_ =	shalt  }
0x77: {  	_ =	shalt  }
0x78: {  	_ =	shalt  }
0x79: {  	_ =	shalt  }
0x7a: {  	_ =	shalt  }
0x7b: {  	_ =	shalt  }
0x7c: {  	_ =	shalt  }
0x7d: {  	_ =	shalt  }
0x7e: {  	_ =	shalt  }
0x7f: {  	_ =	shalt  }
0x80: {  	_ =	shalt  }
0x81: {  	_ =	shalt  }
0x82: {  	_ =	shalt  }
0x83: {  	_ =	shalt  }
0x84: {  	_ =	shalt  }
0x85: {  	_ =	shalt  }
0x86: {  	_ =	shalt  }
0x87: {  	_ =	shalt  }
.Lfunc_end0:
.L_simem_size_0:
called_computation.3_lowered:
.L_overlay_start_0:
0x88: {  	s2 =	sld [smem:$0x3FD9]  }
0x89: {  	s3 =	sld [smem:$0x3FFE];
	_ =	sdelay $0x1  }
0x8a: {  	s1 =	srdreg.scid  }
0x8b: {  	s0 =	sand.u32 $0x1, s1  }
0x8c: {  	s11 =	sshll.u32 s0, $0xA;
	s2 =	sadd.s32 s3, s2  }
0x8d: {  	s2 =	sadd.s32 s2, s11  }
0x8e: {  	[smem:$0x3FA5] =	sst s2  }
0x8f: {  	_ = 	snop  }
0x90: {  	s12 =	sld [smem:$0x3FD0];
	_ =	sdelay $0x2  }
0x91: {  	s4 =	simm.s32 $0x11;
	s13 =	simm.s32 $0x10  }
0x92: {  	[smem:s13], [sflag:s4] =	dma.local [hbm:s12], $0x1  }
0x93: {  	_ =	swait.eq [sflag:s4], $0x1  }
0x94: {  	[sflag:s4] =	ssyncset.done $0x0  }
0x95: {  	[sflag:s4] =	ssyncadd.s32 $0xFFFFFFFF  }
0x96: {  	s5 =	sld [smem:$0x11];
	(tm) =	ssettm $0x1  }
0x97: {  	s14 =	sld [smem:$0x3FFB];
	_ =	sdelay $0x3  }
0x98: {  	_ =	strace s14  }
0x99: {  	s3 =	sld [smem:$0x3FFC];
	_ =	sdelay $0x3  }
0x9a: {  	_ =	strace s3  }
0x9b: {  	s3 =	sld [smem:$0x3FFD];
	_ =	sdelay $0x3  }
0x9c: {  	_ =	strace s3  }
0x9d: {  	_ =	strace $0x8FFFFFFF  }
0x9e: {  	s15 =	sld [smem:$0x3FDB];
	_ =	sdelay $0x1  }
0x9f: {  	s16 =	simm.s32 $_scs_section_size  }
0xa0: {  	s6 =	simm.s32 $_size__tile_overlayer_lowered;
	s7 =	simm.s32 $_tile_overlayer_lowered  }
0xa1: {  	s20 =	simm.s32 $0x1BFF;
	s18 =	sshll.u32 s7, $0x1;
	s8 =	sadd.s32 s16, s15  }
0xa2: {  	s21 =	simm.s32 $0x0;
	s17 =	sshll.u32 s6, $0x1;
	s19 =	sadd.s32 s18, s8  }
0xa3: {  	[timem:s21], [sflag:s20] =	dma.local [hbm:s19], s17  }
0xa4: {  	_ =	swait.ge [sflag:s20], s17  }
0xa5: {  	s4 =	ssub.s32 $0x0, s17;
	[sflag:s20] =	ssyncset.done $0x0  }
0xa6: {  	[sflag:s20] =	ssyncadd.s32 s4;
	_ =	sdelay $0x1  }
0xa7: {  	s22 =	simm.s32 $0x1B8B  }
0xa8: {  	_ =	swait.ge [sflag:s22], $0x1  }
0xa9: {  	[sflag:s22] =	ssyncset.done $0x0  }
0xaa: {  	[sflag:s22] =	ssyncadd.s32 $0xFFFFFFFF  }
0xab: {  	s4 =	sld [smem:$0x0]  }
0xac: {  	s6 =	sand.u32 $0xFFFFFFFE, s1  }
0xad: {  	p0 =	sne.s32 s1, s6  }
0xae: {  	s6 =	sshll.u32 @p0 s6, $0xE  }
0xaf: {  	s7 =	sadd.s32 @p0 $0x11B8D, s6;
	s9 =	sshll.u32 @p0 s4, $0x11  }
0xb0: {  	s7 =	sor.u32 @p0 s9, s7  }
0xb1: {  	[sflag:s7] =	ssyncadd.remote.s32 @p0 $0x1;
	_ =	sdelay $0x1  }
0xb2: {  	s7 =	simm.s32 @p0 $0x1B8D  }
0xb3: {  	_ =	swait.eq @p0 [sflag:s7], $0x1  }
0xb4: {  	[sflag:s7] =	ssyncadd.s32 @p0 $0xFFFFFFFF  }
0xb5: {  	s9 =	sshll.u32 @!p0 s1, $0xE  }
0xb6: {  	s9 =	sor.u32 @!p0 $0x4000, s9;
	s7 =	simm.s32 @!p0 $0x1B8D  }
0xb7: {  	s11 =	sshll.u32 @!p0 s4, $0x11;
	s10 =	sadd.s32 @!p0 $0x11B8D, s9;
	_ =	swait.eq @!p0 [sflag:s7], $0x1  }
0xb8: {  	[sflag:s7] =	ssyncadd.s32 @!p0 $0xFFFFFFFF;
	s7 =	sor.u32 @!p0 s11, s10  }
0xb9: {  	s24 =	simm.s32 $0x1B8E;
	s23 =	sld [smem:$0x3FFE];
	[sflag:s7] =	ssyncadd.remote.s32 @!p0 $0x1  }
0xba: {  	s25 =	simm.s32 $execute0_lowered;
	[smem:$0x3FD2] =	sst s24  }
0xbb: {  	s10 =	sshll.u32 s25, $0x1;
	_ =	strace $0x80000061;
	[dreg:$0x1] =	wrdreg $0xFFFFFFFF  }
0xbc: {  	s26 =	simm.s32 $_size_execute0_lowered;
	s10 =	sadd.s32 s8, s10;
	[dreg:$0x0] =	wrdreg $0x0  }
0xbd: {  	s11 =	sshll.u32 s26, $0x1;
	[dreg:$0x2] =	wrdreg s10  }
0xbe: {  	[dreg:$0x3] =	wrdreg s11  }
0xbf: {  	[dreg:$0x4] =	wrdreg $0xC0  }
0xc0: {  	s28 =	simm.s32 $execute1_lowered;
	_ =	task [dreg:s21], $0x5FFFF  }
0xc1: {  	s10 =	sshll.u32 s28, $0x1;
	[dreg:$0x1] =	wrdreg $0xFFFFFFFF  }
0xc2: {  	s8 =	sadd.s32 s8, s10;
	[dreg:$0x0] =	wrdreg $0x60  }
0xc3: {  	[dreg:$0x2] =	wrdreg s8  }
0xc4: {  	[dreg:$0x3] =	wrdreg s5  }
0xc5: {  	[dreg:$0x4] =	wrdreg s23  }
0xc6: {  	[dreg:$0x5] =	wrdreg $0xF  }
0xc7: {  	_ =	task.clear_ibuf [dreg:s21], $0x6FFFF;
	_ =	strace $0x90000061  }
0xc8: {  	s29 =	simm.s32 $0xF;
	_ =	strace $0x80000063  }
0xc9: {  	_ =	swait.ge [sflag:s29], $0x1  }
0xca: {  	[sflag:s29] =	ssyncadd.s32 $0xFFFFFFFF  }
0xcb: {  	_ =	strace $0x90000063  }
0xcc: {  	s5 =	sld [smem:$0x0];
	_ =	sdelay $0x3  }
0xcd: {  	s6 =	sadd.s32 @p0 $0x11BF3, s6;
	s8 =	sshll.u32 @p0 s5, $0x11  }
0xce: {  	s6 =	sor.u32 @p0 s8, s6  }
0xcf: {  	[sflag:s6] =	ssyncadd.remote.s32 @p0 $0x1;
	_ =	sdelay $0x1  }
0xd0: {  	s6 =	simm.s32 @p0 $0x1BF3  }
0xd1: {  	_ =	swait.eq @p0 [sflag:s6], $0x1  }
0xd2: {  	[sflag:s6] =	ssyncadd.s32 @p0 $0xFFFFFFFF;
	_ =	sdelay $0x1  }
0xd3: {  	s6 =	simm.s32 @!p0 $0x1BF3  }
0xd4: {  	s5 =	sshll.u32 @!p0 s5, $0x11;
	s8 =	sadd.s32 @!p0 $0x11BF3, s9;
	_ =	swait.eq @!p0 [sflag:s6], $0x1  }
0xd5: {  	s5 =	sor.u32 @!p0 s5, s8;
	[sflag:s6] =	ssyncadd.s32 @!p0 $0xFFFFFFFF  }
0xd6: {  	[sflag:s5] =	ssyncadd.remote.s32 @!p0 $0x1  }
0xd7: {  	_ =	strace $0x80000064;
	[dreg:$0x1] =	wrdreg $0xFFFFFFFF  }
0xd8: {  	[dreg:$0x0] =	wrdreg $0x2030  }
0xd9: {  	[dreg:$0x2] =	wrdreg s23  }
0xda: {  	[dreg:$0x3] =	wrdreg s1  }
0xdb: {  	[dreg:$0x4] =	wrdreg s4  }
0xdc: {  	[dreg:$0x5] =	wrdreg $0x10  }
0xdd: {  	_ =	task.clear_ibuf [dreg:s21], $0x6FFFF;
	_ =	strace $0x90000064  }
0xde: {  	_ =	strace $0x80000066  }
0xdf: {  	_ =	swait.ge [sflag:s13], $0x1  }
0xe0: {  	[sflag:s13] =	ssyncadd.s32 $0xFFFFFFFF  }
0xe1: {  	_ =	strace $0x90000066  }
0xe2: {  	_ =	sfence  }
0xe3: {  	s30 =	sld [smem:$0x0];
	_ =	sdelay $0x2  }
0xe4: {  	s31 =	sshll.u32 s1, $0xD;
	s1 =	sshrl.u32 s1, $0x2  }
0xe5: {  	s4 =	sand.u32 $0x4000, s31;
	s1 =	sadd.s32 s1, s30  }
0xe6: {  	s0 =	sor.u32 s4, s0;
	s1 =	sshll.u32 s1, $0x11  }
0xe7: {  	s0 =	sor.u32 s1, s0  }
0xe8: {  	s0 =	sadd.s32 $0x8F2B, s0  }
0xe9: {  	[sflag:s0] =	ssyncadd.remote.s32 $0x1  }
0xea: {  	_ =	sfence.sel $0xFFFF  }
0xeb: {  	[dreg:$0x0] =	wrdreg $0xFFFFFFFF;
	(pc) =	sbr.abs _section_cstart, $3  }
0xec: {  	[dreg:$0x1] =	wrdreg $0xFFFFFFFF  }
0xed: {  	_ =	task.clear_ibuf [dreg:s21], $0x2FFFF;
	_ =	strace $0x9FFFFFFF  }
0xee: {  	(tm) =	ssettm $0x7FFFFFFF  }
0xef: {  	_ =	shalt  }
tec
execute0_lowered:
.L_overlay_start_1:
0x0: {  	(tag) =	ssettag $0x1  }
0x1: {  	s3 =	rddreg [dreg:$0x0]  }
0x2: {  	s2 =	rddreg [dreg:$0x1]  }
0x3: {  	s4 =	rddreg [dreg:$0x2]  }
0x4: {  	s0 =	rddreg [dreg:$0x3];
	s5 =	stileid.u32;
	[bflag:$0x3] =	sbarrier.arrive $0xFFFF  }
0x5: {  	s1 =	simm.s32 $_size_execute1_lowered;
	s29 =	srdreg.scid;
	p0 =	sne.s32 s5, $0x0  }
0x6: {  	s1 =	sshll.u32 s1, $0x1;
	s6 =	simm.s32 @!p0 $0x1C3F;
	s7 =	simm.s32 @!p0 $0x4060  }
0x7: {  	[timem:s7], [sflag:s6] =	dma.local @!p0 [hbm:s3], s1  }
0x8: {  	s3 =	sshll.u32 s29, $0x7  }
0x9: {  	s5 =	sshll.u32 s5, $0x8;
	s3 =	sand.u32 $0x80, s3  }
0xa: {  	s8 =	simm.s32 $0x2;
	s9 =	simm.s32 $0x0;
	s3 =	sor.u32 s5, s3  }
0xb: {  	s12 =	simm.s32 $0x0;
	s11 =	simm.s32 $0x0;
	s30 =	ssub.s32 $0x4E200, s3  }
.Ltmp0:
0xc: {  	s4 =	sadd.s32 $0x1E2A200, s4;
	s31 =	sand.u32 $0xF80, s30;
	(pc) =	sbr.rel .LBB2_1-.Ltmp0, $4  }
0xd: {  	s7 =	simm.s32 $0x1;
	_ =	strace $0x80000062;
	p1 =	sne.s32 s31, $0x0  }
0xe: {  	s5 =	simm.s32 $0x1;
	s6 =	sshrl.u32 s30, $0xC;
	s7 =	simm.s32 @!p1 $0x0  }
0xf: {  	[sflag:s5] =	ssyncpa.u1 $0x0;
	s10 =	smov.u32 s3;
	s6 =	sadd.s32 s7, s6  }
0x10: {  	[sflag:s8] =	ssyncpa.u1 $0x0;
	s8 =	simm.s32 $0x0;
	s7 =	sadd.s32 $0x1, s6  }
.LBB2_4:
0x11: {  	_ =	sdelay $0x3  }
0x12: {  	[tilespmem:v0+s14+$0xFFFFFFA0 ss:$0x1] =	vst.idx.msk $0xffff, v6  }
0x13: {  	v56 =	vld.idx.msk [tilespmem:v1+s15+$0x30 ss:$0x1], $0xffff;
	[tilespmem:v0+s14+$0xFFFFFFB0 ss:$0x1] =	vst.idx.msk $0xffff, v4  }
0x14: {  	v57 =	vld.idx.msk [tilespmem:v1+s15+$0xFFFFFFC0 ss:$0x1], $0xffff;
	[tilespmem:v0+s14+$0xFFFFFFC0 ss:$0x1] =	vst.idx.msk $0xffff, v2  }
0x15: {  	v58 =	vld.idx.msk [tilespmem:v1+s15+$0xFFFFFFD0 ss:$0x1], $0xffff;
	[tilespmem:v0+s14+$0xFFFFFFD0 ss:$0x1] =	vst.idx.msk $0xffff, v3  }
0x16: {  	v59 =	vld.idx.msk [tilespmem:v1+s15+$0xFFFFFFE0 ss:$0x1], $0xffff;
	[tilespmem:v0+s14+$0xFFFFFFE0 ss:$0x1] =	vst.idx.msk $0xffff, v5  }
0x17: {  	v60 =	vld.idx.msk [tilespmem:v1+s15+$0xFFFFFFF0 ss:$0x1], $0xffff;
	[tilespmem:v0+s14+$0xFFFFFFF0 ss:$0x1] =	vst.idx.msk $0xffff, v7;
	s12 =	sand.u32 $0x1FFFFFF, s12  }
0x18: {  	v61 =	vld.idx.msk [tilespmem:v1+s15+$0x0 ss:$0x1], $0xffff;
	s31 =	smulhi.u32 $0x1A36E2F, s12;
	[tilespmem:v0+s15+$0x0 ss:$0x1] =	vst.idx.msk $0xffff, v56  }
0x19: {  	v62 =	vld.idx.msk [tilespmem:v1+s15+$0x10 ss:$0x1], $0xffff;
	[tilespmem:v0+s15+$0xFFFFFF90 ss:$0x1] =	vst.idx.msk $0xffff, v57  }
0x1a: {  	v63 =	vld.idx.msk [tilespmem:v1+s15+$0x20 ss:$0x1], $0xffff;
	s14 =	sshrl.u32 s31, $0xB;
	[tilespmem:v0+s15+$0xFFFFFFA0 ss:$0x1] =	vst.idx.msk $0xffff, v58  }
0x1b: {  	s14 =	smul.u32 $0x4E200, s14;
	[tilespmem:v0+s15+$0xFFFFFFB0 ss:$0x1] =	vst.idx.msk $0xffff, v59  }
0x1c: {  	[tilespmem:v0+s15+$0xFFFFFFC0 ss:$0x1] =	vst.idx.msk $0xffff, v60  }
0x1d: {  	[tilespmem:v0+s15+$0xFFFFFFD0 ss:$0x1] =	vst.idx.msk $0xffff, v61;
	s12 =	ssub.s32 s12, s14  }
0x1e: {  	[tilespmem:v0+s15+$0xFFFFFFE0 ss:$0x1] =	vst.idx.msk $0xffff, v62;
	s12 =	sshll.u32 s12, $0x4  }
0x1f: {  	[tilespmem:v0+s15+$0xFFFFFFF0 ss:$0x1] =	vst.idx.msk $0xffff, v63;
	s12 =	sadd.s32 s4, s12  }
0x20: {  	[hbm4b:s12+s8] =	stream.linear.scatter [tilespmem:s13], [sflag:$0x2], $0x4000, $0x38;
	[tilespmem:$0x10000] =	vst v63  }
.LBB2_5:
0x21: {  	s14 =	sadd.s32 $0x1000, s10  }
0x22: {  	p2 =	sgt.s32 s14, $0x4E1FF  }
0x23: {  	s14 =	smov.u32 @p2 s3;
	p2 =	sne.s32 s11, s7  }
.Ltmp1:
0x24: {  	p1 =	slt.u32 s11, $0x2;
	(pc) =	sbr.rel @!p2 .LBB2_6-.Ltmp1, $4  }
0x25: {  	s13 =	simm.s32 @!p1 $0x2  }
0x26: {  	s15 =	sadd.s32 $0x1, s11;
	_ =	swait.ge @!p1 [sflag:s13], $0x4000  }
0x27: {  	s12 =	smov.u32 s10;
	s9 =	sadd.s32 $0x4000, s9;
	[sflag:s13] =	ssyncset.done @!p1 $0x0  }
0x28: {  	s11 =	smov.u32 s15;
	s10 =	smov.u32 s14;
	[sflag:s13] =	ssyncadd.s32 @!p1 $0xFFFFC000  }
.LBB2_1:
0x29: {  	p1 =	sge.u32 s11, s6  }
0x2a: {  	s13 =	sand.u32 @!p1 $0x1FFFFFF, s10  }
0x2b: {  	s14 =	smulhi.u32 @!p1 $0x1A36E2F, s13;
	_ =	sdelay $0x1  }
0x2c: {  	s14 =	sshrl.u32 @!p1 s14, $0xB  }
0x2d: {  	s14 =	smul.u32 @!p1 $0x4E200, s14;
	_ =	sdelay $0x1  }
0x2e: {  	s15 =	sxor.u32 @!p1 $0xFFFFFFFF, s11;
	s13 =	ssub.s32 @!p1 s13, s14  }
0x2f: {  	s31 =	sadd.s32 $0xFFFFFFFF, s11;
	s14 =	sshll.u32 @!p1 s15, $0xE;
	s13 =	sshll.u32 @!p1 s13, $0x4  }
0x30: {  	s15 =	simm.s32 @!p1 $0x0;
	s14 =	sand.u32 @!p1 $0x4000, s14;
	s13 =	sadd.s32 @!p1 s2, s13  }
0x31: {  	[tilespmem:s14], [sflag:$0x1] =	stream.linear.gather @!p1 [hbm4b:s13+s15], $0x4000, $0x38;
	[tilespmem:$0x10000] =	vst v63  }
0x32: {  	p1 =	sge.u32 s31, s6  }
.Ltmp2:
0x33: {  	_ = 	snop;
	(pc) =	sbr.rel @p1 .LBB2_5-.Ltmp2, $1  }
0x34: {  	_ =	sdelay $0x3  }
0x35: {  	s13 =	sand.u32 $0x4000, s9  }
0x36: {  	s14 =	sor.u32 $0x40, s13  }
0x37: {  	v1 =	vmov s14;
	_ =	sdelay $0x1  }
0x38: {  	_ =	swait.ge [sflag:s5], $0x4000  }
0x39: {  	[sflag:s5] =	ssyncset.done $0x0  }
0x3a: {  	[sflag:s5] =	ssyncadd.s32 $0xFFFFC000;
	s14 =	simm.s32 $0x0  }
0x3b: {  	s13 =	sor.u32 $0x8070, s13;
	v7 =	vld.idx.msk [tilespmem:v1+s14+$0x30 ss:$0x1], $0xffff  }
0x3c: {  	v0 =	vmov s13;
	v8 =	vld.idx.msk [tilespmem:v1+s14+$0xFFFFFFC0 ss:$0x1], $0xffff  }
0x3d: {  	v6 =	vld.idx.msk [tilespmem:v1+s14+$0xFFFFFFD0 ss:$0x1], $0xffff  }
0x3e: {  	v4 =	vld.idx.msk [tilespmem:v1+s14+$0xFFFFFFE0 ss:$0x1], $0xffff  }
0x3f: {  	v2 =	vld.idx.msk [tilespmem:v1+s14+$0xFFFFFFF0 ss:$0x1], $0xffff  }
0x40: {  	s31 =	sshll.u32 s11, $0xE;
	v3 =	vld.idx.msk [tilespmem:v1+s14+$0x0 ss:$0x1], $0xffff  }
0x41: {  	s13 =	sand.u32 $0x4000, s31;
	v5 =	vld.idx.msk [tilespmem:v1+s14+$0x10 ss:$0x1], $0xffff;
	[tilespmem:v0+s14+$0x0 ss:$0x1] =	vst.idx.msk $0xffff, v7  }
0x42: {  	s15 =	simm.s32 $0x80;
	s16 =	simm.s32 $0x400;
	s13 =	sor.u32 $0x8000, s13;
	[tilespmem:v0+s14+$0xFFFFFF90 ss:$0x1] =	vst.idx.msk $0xffff, v8;
	v7 =	vld.idx.msk [tilespmem:v1+s14+$0x20 ss:$0x1], $0xffff  }
.LBB2_3:
0x43: {  	p1 =	sne.s32 s16, $0xFE00;
	v8 =	vld.idx.msk [tilespmem:v1+s15+$0x30 ss:$0x1], $0xffff;
	[tilespmem:v0+s14+$0xFFFFFFA0 ss:$0x1] =	vst.idx.msk $0xffff, v6  }
0x44: {  	v9 =	vld.idx.msk [tilespmem:v1+s15+$0xFFFFFFC0 ss:$0x1], $0xffff;
	[tilespmem:v0+s14+$0xFFFFFFB0 ss:$0x1] =	vst.idx.msk $0xffff, v4  }
0x45: {  	v6 =	vld.idx.msk [tilespmem:v1+s15+$0xFFFFFFD0 ss:$0x1], $0xffff;
	[tilespmem:v0+s14+$0xFFFFFFC0 ss:$0x1] =	vst.idx.msk $0xffff, v2  }
.Ltmp3:
0x46: {  	v4 =	vld.idx.msk [tilespmem:v1+s15+$0xFFFFFFE0 ss:$0x1], $0xffff;
	[tilespmem:v0+s14+$0xFFFFFFD0 ss:$0x1] =	vst.idx.msk $0xffff, v3;
	(pc) =	sbr.rel @p1 .LBB2_3-.Ltmp3, $4  }
0x47: {  	v2 =	vld.idx.msk [tilespmem:v1+s15+$0xFFFFFFF0 ss:$0x1], $0xffff;
	[tilespmem:v0+s14+$0xFFFFFFE0 ss:$0x1] =	vst.idx.msk $0xffff, v5  }
0x48: {  	v3 =	vld.idx.msk [tilespmem:v1+s15+$0x0 ss:$0x1], $0xffff;
	[tilespmem:v0+s14+$0xFFFFFFF0 ss:$0x1] =	vst.idx.msk $0xffff, v7;
	s14 =	smov.u32 s15  }
0x49: {  	v5 =	vld.idx.msk [tilespmem:v1+s14+$0x10 ss:$0x1], $0xffff;
	[tilespmem:v0+s14+$0x0 ss:$0x1] =	vst.idx.msk $0xffff, v8  }
0x4a: {  	s15 =	sshra.s32 s16, $0x2;
	s16 =	sadd.s32 $0x200, s16;
	[tilespmem:v0+s14+$0xFFFFFF90 ss:$0x1] =	vst.idx.msk $0xffff, v9;
	v7 =	vld.idx.msk [tilespmem:v1+s14+$0x20 ss:$0x1], $0xffff  }
.Ltmp4:
0x4b: {  	_ = 	snop;
	(pc) =	sbr.rel .LBB2_4-.Ltmp4, $1  }
0x4c: {  	_ =	sdelay $0x3  }
.LBB2_6:
0x4d: {  	_ =	sfence.sel $0x180000  }
0x4e: {  	s2 =	simm.s32 $0x1;
	[bflag:$0x0] =	sbarrier.arrive $0xFFFF  }
0x4f: {  	s31 =	simm.s32 $0x2;
	[sflag:s2] =	ssyncpa.u1 $0x1  }
0x50: {  	[sflag:s31] =	ssyncpa.u1 $0x1  }
0x51: {  	_ =	strace $0x90000062  }
0x52: {  	s0 =	sadd.s32 @!p0 $0x100000, s0;
	[bflag:$0x2] =	sbarrier.arrive $0xFFFF  }
0x53: {  	[sflag:s0] =	ssyncadd.tile.s32 @!p0 $0x1;
	s0 =	simm.s32 @!p0 $0x3F  }
0x54: {  	_ =	swait.ge @!p0 [sflag:s0], s1  }
0x55: {  	s1 =	ssub.s32 @!p0 $0x0, s1;
	[sflag:s0] =	ssyncset.done @!p0 $0x0  }
0x56: {  	[sflag:s0] =	ssyncadd.s32 @!p0 s1  }
0x57: {  	[bflag:$0x3] =	sbarrier.arrive $0xFFFF  }
0x58: {  	_ =	shalt  }
.Lfunc_end2:
execute1_lowered:
.L_overlay_start_2:
0x59: {  	(tag) =	ssettag $0x2  }
0x5a: {  	s2 =	rddreg [dreg:$0x0]  }
0x5b: {  	s3 =	rddreg [dreg:$0x1];
	_ =	strace $0x80000065;
	s0 =	simm.s32 $0x1  }
0x5c: {  	v0 =	vimm.s32 $0x0;
	[sflag:s0] =	ssyncpa.u1 $0x0;
	s0 =	simm.s32 $0x108  }
0x5d: {  	[tilespmem:s0+$0x70] =	vst v0  }
0x5e: {  	[tilespmem:s0+$0x60] =	vst v0  }
0x5f: {  	[tilespmem:s0+$0x50] =	vst v0  }
0x60: {  	[tilespmem:s0+$0x40] =	vst v0  }
0x61: {  	s1 =	sadd.s32 $0x1E2A200, s2;
	[tilespmem:s0+$0x30] =	vst v0  }
0x62: {  	s15 =	sadd.s32 $0x1E02E00, s2;
	s6 =	sadd.s32 $0x4989200, s2;
	[tilespmem:s0+$0x20] =	vst v0  }
0x63: {  	s14 =	sadd.s32 $0x1E16800, s2;
	s5 =	sand.u32 $0x1, s3;
	s3 =	simm.s32 $0x40;
	[tilespmem:s0+$0x10] =	vst v0  }
.LBB3_1:
0x64: {  	s3 =	sadd.s32 $0x40, s3;
	[tilespmem:s0+$0x0] =	vst v0;
	s0 =	sadd.s32 $0x80, s0  }
0x65: {  	p0 =	slt.u32 s3, $0x3C40;
	[tilespmem:s0+$0x70] =	vst v0  }
0x66: {  	[tilespmem:s0+$0x60] =	vst v0  }
.Ltmp5:
0x67: {  	[tilespmem:s0+$0x50] =	vst v0;
	(pc) =	sbr.rel @p0 .LBB3_1-.Ltmp5, $4  }
0x68: {  	[tilespmem:s0+$0x40] =	vst v0  }
0x69: {  	[tilespmem:s0+$0x30] =	vst v0  }
0x6a: {  	[tilespmem:s0+$0x20] =	vst v0  }
0x6b: {  	[tilespmem:s0+$0x10] =	vst v0  }
0x6c: {  	s9 =	stileid.u32  }
0x6d: {  	s2 =	smul.u32 $0x53, s9  }
0x6e: {  	s3 =	smin.u32 s9, $0x6  }
0x6f: {  	s2 =	sadd.s32 s3, s2  }
0x70: {  	p0 =	slt.u32 s9, $0x6;
	s7 =	smul.u32 $0xF0, s2;
	s2 =	simm.s32 $0x4EC0  }
0x71: {  	s2 =	simm.s32 @!p0 $0x4DD0  }
0x72: {  	s2 =	sadd.s32 s2, s7  }
0x73: {  	s8 =	smin.u32 s2, $0x4E200  }
0x74: {  	s2 =	ssub.s32 s8, s7  }
0x75: {  	p0 =	sgt.s32 s2, $0x0  }
0x76: {  	s29 =	simm.s32 $0x2;
	s10 =	simm.s32 $0x9;
	s2 =	simm.s32 @!p0 $0x0  }
0x77: {  	s4 =	simm.s32 $0xA;
	s11 =	simm.s32 $0xB;
	s28 =	smulhi.u32 $0x88888889, s2  }
0x78: {  	[dreg:$0x4] =	wrdreg s5;
	s31 =	smul.u32 $0x9C40, s5;
	s12 =	simm.s32 $0x1  }
0x79: {  	s22 =	simm.s32 $0x0;
	s18 =	simm.s32 $0xC;
	s30 =	sshrl.u32 s28, $0x7  }
0x7a: {  	s20 =	simm.s32 $0x0;
	s21 =	simm.s32 $0x0;
	s3 =	smul.u32 $0xF0, s30  }
.Ltmp6:
0x7b: {  	[tilespmem:s0+$0x0] =	vst v0;
	v0 =	vimm.s32 $0xFFFFFFFF;
	[sflag:s29] =	ssyncpa.u1 $0x0;
	s16 =	sshll.u32 s9, $0x8;
	(pc) =	sbr.rel .LBB3_3-.Ltmp6, $4  }
0x7c: {  	[tilespmem:$0xF208] =	vst v0;
	[sflag:s10] =	ssyncpa.u1 $0x0;
	p0 =	sne.s32 s2, s3;
	s2 =	simm.s32 $0x1  }
0x7d: {  	s14 =	sadd.s32 s31, s14;
	[sflag:s4] =	ssyncpa.u1 $0x0;
	s2 =	simm.s32 @!p0 $0x0  }
0x7e: {  	s15 =	sadd.s32 s31, s15;
	[sflag:s11] =	ssyncpa.u1 $0x0;
	s13 =	sadd.s32 s2, s30  }
0x7f: {  	v0 =	vlaneseq.u32;
	s19 =	smov.u32 s7;
	p0 =	por $0x0, $0x0;
	s17 =	sadd.s32 $0x1, s13  }
.LBB3_18:
0x80: {  	s0 =	sshrl.u32 s31, $0x2  }
.LBB3_20:
0x81: {  	_ =	swait.ge [sflag:s18], s0  }
0x82: {  	s31 =	ssub.s32 $0x0, s0;
	v1 =	vmov s24;
	vm0 =	veq.s32 v0, $0x0;
	[sflag:s18] =	ssyncset.done $0x0  }
0x83: {  	vm15 =	veq.s32 v0, $0x2;
	v1 =	vsel vm0, s30, v1;
	[sflag:s18] =	ssyncadd.s32 s31  }
0x84: {  	v1 =	vsel vm15, s22, v1;
	[sflag:s18] =	ssyncpa.u1 $0x1  }
0x85: {  	[tilespmem:$0xF208] =	vst v1  }
.LBB3_21:
0x86: {  	s0 =	sadd.s32 $0xF0, s19  }
0x87: {  	s2 =	smov.u32 s7;
	p1 =	slt.s32 s0, s8  }
0x88: {  	s2 =	smov.u32 @p1 s0;
	p1 =	sne.s32 s21, s17  }
.Ltmp7:
0x89: {  	_ = 	snop;
	(pc) =	sbr.rel @!p1 .LBB3_22-.Ltmp7, $3  }
0x8a: {  	_ =	sdelay $0x1  }
0x8b: {  	s22 =	smov.u32 s20;
	s31 =	sadd.s32 $0x1, s21;
	s20 =	smov.u32 s19  }
0x8c: {  	p0 =	por !p0, !p0;
	s21 =	smov.u32 s31;
	s19 =	smov.u32 s2  }
.LBB3_3:
0x8d: {  	p1 =	sge.u32 s21, s13  }
0x8e: {  	s0 =	smulhi.u32 @!p1 $0xAAAAAAAB, s21  }
0x8f: {  	s2 =	smov.u32 s19;
	p2 =	sgt.s32 @!p1 s19, $0x4E110  }
0x90: {  	s3 =	sshra.s32 @!p1 s19, $0x1F;
	p2 =	por !p2, p1;
	s0 =	sshrl.u32 @!p1 s0, $0x1  }
0x91: {  	s3 =	sand.u32 @!p1 s3, s19;
	s2 =	simm.s32 @p2 $0x4E110;
	s0 =	smul.u32 @!p1 $0x3, s0  }
0x92: {  	s2 =	ssub.s32 @!p1 s2, s3  }
0x93: {  	s2 =	sadd.s32 @!p1 $0xFFFB1EF0, s2;
	s0 =	ssub.s32 @!p1 s21, s0  }
0x94: {  	s3 =	sshll.u32 @!p1 s2, $0x2;
	p2 =	sgt.s32 @!p1 s2, $0xEF;
	s0 =	smul.u32 @!p1 $0x3C0, s0  }
0x95: {  	s4 =	sand.u32 @!p1 $0x7, s19;
	s2 =	ssub.s32 @!p1 $0x3C0, s3;
	p2 =	por !p2, p1  }
0x96: {  	s3 =	sshrl.u32 @!p1 s19, $0x3;
	s2 =	sshrl.u32 @!p1 s2, $0x2;
	s0 =	sshrl.u32 @!p1 s0, $0x2  }
0x97: {  	s3 =	sadd.s32 @!p1 s3, s14;
	s2 =	simm.s32 @!p2 $0x0;
	s0 =	sadd.s32 @!p1 $0x10248, s0  }
0x98: {  	[tilespmem:s0], [sflag:$0xA] =	stream.linear.gather @!p1 [hbm4b:s3+s4], s2, $0x38;
	[tilespmem:$0x1F6F8] =	vst v63  }
0x99: {  	s0 =	sadd.s32 $0xFFFFFFFF, s21  }
0x9a: {  	p1 =	sge.u32 s0, s13  }
0x9b: {  	p2 =	sgt.s32 @!p1 s20, $0x4E110  }
0x9c: {  	s2 =	smov.u32 s20;
	s3 =	sshra.s32 @!p1 s20, $0x1F;
	p2 =	por !p2, p1  }
0x9d: {  	s3 =	sand.u32 @!p1 s3, s20;
	s2 =	simm.s32 @p2 $0x4E110  }
0x9e: {  	s2 =	ssub.s32 @!p1 s2, s3  }
0x9f: {  	s2 =	sadd.s32 @!p1 $0xFFFB1EF0, s2  }
0xa0: {  	s4 =	sand.u32 @!p1 $0x1, s0;
	s3 =	sshll.u32 @!p1 s2, $0x2  }
0xa1: {  	p2 =	sgt.s32 @!p1 s2, $0xEF;
	s2 =	ssub.s32 @!p1 $0x3C0, s3;
	s3 =	smulhi.u32 @!p1 $0xAAAAAAAB, s0  }
0xa2: {  	s23 =	smul.u32 @!p1 $0x3C0, s4;
	p2 =	por !p2, p1;
	s2 =	sshrl.u32 @!p1 s2, $0x2  }
0xa3: {  	s5 =	simm.s32 @!p1 $0xA;
	s2 =	simm.s32 @!p2 $0x0;
	s3 =	sshrl.u32 @!p1 s3, $0x1  }
0xa4: {  	s23 =	sshrl.u32 @!p1 s23, $0x2;
	_ =	swait.ge @!p1 [sflag:s5], s2;
	s3 =	smul.u32 @!p1 $0x3, s3  }
0xa5: {  	s23 =	sadd.s32 @!p1 $0x10518, s23;
	s24 =	ssub.s32 @!p1 $0x0, s2;
	[sflag:s5] =	ssyncset.done @!p1 $0x0  }
0xa6: {  	[sflag:s5] =	ssyncadd.s32 @!p1 s24;
	s5 =	sshrl.u32 @!p1 s20, $0x3;
	s0 =	ssub.s32 @!p1 s0, s3  }
0xa7: {  	s24 =	sand.u32 @!p1 $0x7, s20;
	s5 =	sadd.s32 @!p1 s5, s15;
	s0 =	smul.u32 @!p1 $0x3C0, s0  }
0xa8: {  	[tilespmem:s23], [sflag:$0xB] =	stream.linear.gather @!p1 [hbm4b:s5+s24], s2, $0x38;
	[tilespmem:$0x1F6F8] =	vst v63  }
0xa9: {  	s3 =	ssub.s32 @!p1 $0x4E200, s20;
	s2 =	smul.u32 @!p1 $0x1E000, s4  }
0xaa: {  	p2 =	slt.s32 @!p1 s3, $0xF0  }
0xab: {  	p2 =	por !p2, p1;
	s0 =	sshrl.u32 @!p1 s0, $0x2;
	s2 =	sshrl.u32 @!p1 s2, $0x2  }
0xac: {  	s3 =	simm.s32 @p2 $0xF0;
	s0 =	sadd.s32 @!p1 $0x10248, s0;
	s2 =	sor.u32 @!p1 $0x106F8, s2  }
0xad: {  	[tilespmem:s2], [sflag:$0x9] =	stream.indirect.gather @!p1 [hbm4b:s6+s3], $0x80, s0, s3, $0xb8;
	[tilespmem:$0x1F6F8] =	vst v63  }
0xae: {  	p1 =	slt.u32 s21, $0x2  }
.Ltmp8:
0xaf: {  	_ = 	snop;
	(pc) =	sbr.rel @p1 .LBB3_21-.Ltmp8, $1  }
0xb0: {  	_ =	sdelay $0x3  }
0xb1: {  	p1 =	sgt.s32 s22, $0x4E110  }
0xb2: {  	s0 =	smov.u32 s22;
	s2 =	sshra.s32 s22, $0x1F;
	s3 =	ssub.s32 $0x4E200, s22  }
0xb3: {  	s0 =	simm.s32 @!p1 $0x4E110;
	s2 =	sand.u32 s2, s22;
	p1 =	slt.s32 s3, $0xF0  }
0xb4: {  	s0 =	ssub.s32 s0, s2;
	s3 =	simm.s32 @!p1 $0xF0  }
0xb5: {  	s0 =	sadd.s32 $0xFFFB1EF0, s0;
	s25 =	sshll.u32 s3, $0x7  }
0xb6: {  	s26 =	sshll.u32 s0, $0x2;
	s2 =	sand.u32 $0x3FFFFF80, s25  }
0xb7: {  	p1 =	sgt.s32 s0, $0xEF;
	s29 =	ssub.s32 $0x3C0, s26;
	_ =	swait.ge [sflag:s10], s2  }
0xb8: {  	s2 =	ssub.s32 $0x0, s2;
	[sflag:s10] =	ssyncset.done $0x0;
	s0 =	sshrl.u32 s29, $0x2  }
0xb9: {  	[sflag:s10] =	ssyncadd.s32 s2;
	s0 =	simm.s32 @p1 $0x0  }
0xba: {  	_ =	swait.ge [sflag:s11], s0  }
0xbb: {  	s0 =	ssub.s32 $0x0, s0;
	[sflag:s11] =	ssyncset.done $0x0  }
0xbc: {  	[sflag:s11] =	ssyncadd.s32 s0  }
0xbd: {  	v1 =	vld [tilespmem:$0xF208];
	_ =	sdelay $0x4  }
0xbe: {  	(v2sf) =	vpush v1, $0x0  }
0xbf: {  	(v2sf) =	vpush v1, $0x1  }
0xc0: {  	(v2sf) =	vpush v1, $0x2;
	_ =	sdelay $0x3  }
0xc1: {  	s0 =	sadd.s32 $0xF0, s22  }
0xc2: {  	s2 =	ssub.s32 $0x9C400, s22;
	p1 =	slt.s32 s8, s0  }
0xc3: {  	s0 =	smov.u32 @p1 s8;
	p1 =	sgt.s32 s2, $0x0  }
0xc4: {  	s26 =	ssub.s32 s0, s22;
	s2 =	simm.s32 @!p1 $0x0  }
0xc5: {  	p1 =	slt.s32 s2, s26  }
0xc6: {  	s26 =	smov.u32 @p1 s2  }
0xc7: {  	s25 =	simm.s32 $0x1;
	p1 =	slt.s32 s26, $0x1  }
.Ltmp9:
0xc8: {  	s25 =	simm.s32 @!p0 $0x0;
	(pc) =	sbr.rel @p1 .LBB3_8-.Ltmp9, $4  }
0xc9: {  	s31 =	smul.u32 $0x3C0, s25  }
0xca: {  	s28 =	spop (v2sf)  }
0xcb: {  	s0 =	sshrl.u32 s31, $0x2;
	s30 =	spop (v2sf)  }
0xcc: {  	s23 =	sadd.s32 $0x10518, s0;
	s22 =	spop (v2sf)  }
0xcd: {  	s0 =	smin.u32 s26, $0x10  }
0xce: {  	v1 =	vmov s0  }
0xcf: {  	p2 =	sgt.s32 s26, $0x10;
	vm1 =	vgt.u32 v1, v0  }
.Ltmp10:
0xd0: {  	_ = 	snop;
	(pc) =	sbr.rel @!p2 .LBB3_7-.Ltmp10, $2  }
0xd1: {  	_ =	sdelay $0x2  }
0xd2: {  	s4 =	simm.s32 $0x10;
	s24 =	sadd.s32 $0xFFFFFFF0, s26;
	s0 =	smov.u32 s23;
	vm0 =	vmmov vm1  }
.LBB3_6:
0xd3: {  	s2 =	smin.u32 s24, $0x10;
	s4 =	sadd.s32 $0x10, s4;
	v1 =	vld.msk [tilespmem:s0+$0x0 ss:$0x1], vm1  }
0xd4: {  	v2 =	vmov s2;
	p2 =	slt.s32 s4, s26  }
0xd5: {  	vm1 =	vgt.u32 v2, v0  }
.Ltmp11:
0xd6: {  	(pc) =	sbr.rel @p2 .LBB3_6-.Ltmp11, $3  }
0xd7: {  	_ =	sdelay $0x1  }
0xd8: {  	v1 =	vshll.u32 v1, $0x4  }
0xd9: {  	s24 =	sadd.s32 $0xFFFFFFF0, s24;
	[tilespmem:s0+$0x0] =	vst.msk vm0, v1;
	s0 =	sadd.s32 $0x10, s0;
	vm0 =	vmmov vm1  }
.LBB3_7:
0xda: {  	_ =	sdelay $0x4  }
0xdb: {  	v1 =	vld.msk [tilespmem:s0+$0x0 ss:$0x1], vm1;
	_ =	sdelay $0x4  }
0xdc: {  	v1 =	vshll.u32 v1, $0x4  }
0xdd: {  	[tilespmem:s0+$0x0] =	vst.msk vm0, v1  }
.LBB3_8:
0xde: {  	s0 =	sand.u32 $0x1, s21  }
0xdf: {  	s0 =	smul.u32 $0xF0, s0  }
0xe0: {  	p2 =	sne.s32 s30, $0xFFFFFFFF  }
0xe1: {  	v1 =	vld.msk @!p2 [tilespmem:s0+$0x10518], $0x1;
	_ =	sdelay $0x4  }
0xe2: {  	(v2sf) =	vpush @!p2 v1, $0x0;
	_ =	sdelay $0xc  }
.Ltmp12:
0xe3: {  	_ = 	snop;
	(pc) =	sbr.rel @p1 .LBB3_19-.Ltmp12, $4  }
0xe4: {  	_ = 	snop  }
0xe5: {  	s29 =	spop @!p2 (v2sf)  }
0xe6: {  	s22 =	simm.s32 @!p2 $0x0;
	s24 =	smov.u32 s29  }
0xe7: {  	[sflag:s18] =	ssyncpa.u1 $0x0;
	s29 =	smov.u32 @p2 s28;
	s24 =	smov.u32 @p2 s30  }
0xe8: {  	v1 =	vld.msk [tilespmem:s23+$0x0], $0x1;
	_ =	sdelay $0x4  }
0xe9: {  	(v2sf) =	vpush v1, $0x0;
	_ =	sdelay $0xe  }
0xea: {  	s2 =	smul.u32 $0x1E000, s25;
	s0 =	spop (v2sf)  }
0xeb: {  	s26 =	ssub.s32 $0x0, s26;
	p1 =	seq.s32 s29, s0  }
0xec: {  	s30 =	sadd.s32 $0x1, s26;
	s2 =	sshrl.u32 s2, $0x2;
	p2 =	sgt.s32 @!p1 s29, $0x0  }
0xed: {  	s25 =	sor.u32 $0x10738, s2;
	s2 =	smov.u32 s29;
	p2 =	por !p2, p1  }
0xee: {  	s2 =	simm.s32 @p2 $0x0;
	p2 =	seq.s32 s30, $0x0  }
.Ltmp13:
0xef: {  	_ = 	snop;
	(pc) =	sbr.rel @p2 .LBB3_11-.Ltmp13, $4  }
0xf0: {  	_ = 	snop  }
0xf1: {  	s28 =	simm.s32 $0x0;
	s31 =	sadd.s32 $0x1, s23;
	s2 =	smin.u32 @!p1 s2, $0x4E1FF0  }
0xf2: {  	s4 =	simm.s32 @!p1 $0x1;
	s5 =	simm.s32 @!p1 $0x7988;
	s3 =	sand.u32 @!p1 $0x7FFFF8, s2  }
0xf3: {  	s4 =	smov.u32 @p1 s28;
	s2 =	sand.u32 @!p1 $0x7, s2;
	s3 =	sadd.s32 @!p1 s1, s3  }
.LBB3_10:
0xf4: {  	s9 =	smov.u32 s4  }
0xf5: {  	[tilespmem:s5], [sflag:$0x2] =	stream.linear.gather @!p1 [hbm4b:s3+s2], $0x80, $0x38;
	[tilespmem:$0x1F6F8] =	vst v63  }
0xf6: {  	s30 =	sadd.s32 $0x1, s30;
	s2 =	smov.u32 s0;
	v1 =	vld.msk [tilespmem:s31+$0x0], $0x1  }
0xf7: {  	p2 =	seq.s32 s30, $0x0;
	_ =	sdelay $0x3  }
0xf8: {  	(v2sf) =	vpush v1, $0x0;
	_ =	sdelay $0xe  }
0xf9: {  	s0 =	spop (v2sf)  }
0xfa: {  	p1 =	seq.s32 s2, s0  }
0xfb: {  	p3 =	sgt.s32 @!p1 s2, $0x0;
	s3 =	sshll.u32 @!p1 s4, $0x9;
	s4 =	sadd.s32 @!p1 $0x1, s4  }
.Ltmp14:
0xfc: {  	p3 =	por !p3, p1;
	s3 =	sshra.s32 @!p1 s3, $0x2;
	(pc) =	sbr.rel @!p2 .LBB3_10-.Ltmp14, $4  }
0xfd: {  	s4 =	smov.u32 @p1 s9;
	s2 =	simm.s32 @p3 $0x0;
	s5 =	sadd.s32 @!p1 $0x7988, s3  }
0xfe: {  	s2 =	smin.u32 @!p1 s2, $0x4E1FF0  }
0xff: {  	s3 =	sand.u32 @!p1 $0x7FFFF8, s2;
	s2 =	sand.u32 @!p1 $0x7, s2  }
0x100: {  	s31 =	sadd.s32 $0x1, s31;
	s3 =	sadd.s32 @!p1 s1, s3  }
.LBB3_11:
0x101: {  	[tilespmem:s5], [sflag:$0x2] =	stream.linear.gather @!p1 [hbm4b:s3+s2], $0x80, $0x38;
	[tilespmem:$0x1F6F8] =	vst v63  }
.Ltmp15:
0x102: {  	s0 =	sshll.u32 s4, $0x7;
	(pc) =	sbr.rel .LBB3_12-.Ltmp15, $4  }
0x103: {  	s30 =	simm.s32 $0x2;
	s0 =	sand.u32 $0x3FFFFF80, s0  }
0x104: {  	_ =	swait.ge [sflag:s30], s0  }
0x105: {  	s0 =	ssub.s32 $0x0, s0;
	[sflag:s30] =	ssyncset.done $0x0  }
0x106: {  	s31 =	simm.s32 $0x0;
	[sflag:s30] =	ssyncadd.s32 s0  }
.LBB3_13:
0x107: {  	v1 =	vld [tilespmem:s25+$0xFFFFFFC0];
	_ =	sdelay $0x3  }
0x108: {  	s0 =	sshra.s32 s0, $0x2  }
0x109: {  	[tilespmem:s0+$0x108] =	vst.add.f32.msk $0xffff, v1  }
0x10a: {  	v1 =	vld [tilespmem:s25+$0xFFFFFFD0];
	_ =	sdelay $0x4  }
0x10b: {  	[tilespmem:s0+$0x118] =	vst.add.f32.msk $0xffff, v1  }
0x10c: {  	v1 =	vld [tilespmem:s25+$0xFFFFFFE0];
	_ =	sdelay $0x4  }
0x10d: {  	[tilespmem:s0+$0x128] =	vst.add.f32.msk $0xffff, v1  }
0x10e: {  	v1 =	vld [tilespmem:s25+$0xFFFFFFF0];
	_ =	sdelay $0x4  }
0x10f: {  	[tilespmem:s0+$0x138] =	vst.add.f32.msk $0xffff, v1  }
0x110: {  	v1 =	vld [tilespmem:s25+$0x0];
	_ =	sdelay $0x4  }
0x111: {  	[tilespmem:s0+$0x148] =	vst.add.f32.msk $0xffff, v1  }
0x112: {  	v1 =	vld [tilespmem:s25+$0x10];
	_ =	sdelay $0x4  }
0x113: {  	[tilespmem:s0+$0x158] =	vst.add.f32.msk $0xffff, v1  }
0x114: {  	v1 =	vld [tilespmem:s25+$0x20];
	_ =	sdelay $0x4  }
0x115: {  	[tilespmem:s0+$0x168] =	vst.add.f32.msk $0xffff, v1  }
0x116: {  	v1 =	vld [tilespmem:s25+$0x30];
	_ =	sdelay $0x4  }
0x117: {  	[tilespmem:s0+$0x178] =	vst.add.f32.msk $0xffff, v1  }
.LBB3_17:
0x118: {  	s26 =	sadd.s32 $0x1, s26  }
0x119: {  	p1 =	seq.s32 s26, $0x0  }
.Ltmp16:
0x11a: {  	_ = 	snop;
	(pc) =	sbr.rel @p1 .LBB3_18-.Ltmp16, $2  }
0x11b: {  	_ =	sdelay $0x2  }
0x11c: {  	s23 =	sadd.s32 $0x1, s23;
	s25 =	sadd.s32 $0x80, s25;
	s29 =	smov.u32 s30  }
.LBB3_12:
0x11d: {  	v1 =	vld.msk [tilespmem:s23+$0x0], $0x1;
	_ =	sdelay $0x4  }
0x11e: {  	(v2sf) =	vpush v1, $0x0;
	_ =	sdelay $0xe  }
0x11f: {  	s30 =	spop (v2sf)  }
0x120: {  	p1 =	sne.s32 s29, s30  }
.Ltmp17:
0x121: {  	_ = 	snop;
	(pc) =	sbr.rel @!p1 .LBB3_13-.Ltmp17, $2  }
0x122: {  	_ =	sdelay $0x2  }
0x123: {  	s0 =	sshll.u32 s22, $0x9  }
0x124: {  	p1 =	seq.s32 s29, s24  }
.Ltmp18:
0x125: {  	_ = 	snop;
	(pc) =	sbr.rel @!p1 .LBB3_15-.Ltmp18, $1  }
0x126: {  	_ =	sdelay $0x3  }
0x127: {  	s0 =	sshra.s32 s0, $0x2  }
.Ltmp19:
0x128: {  	s0 =	sadd.s32 $0x108, s0;
	(pc) =	sbr.rel .LBB3_16-.Ltmp19, $4  }
0x129: {  	[spmem:s16] =	stream.linear.scatter [tilespmem:s0], [sflag:$0x1], $0x80, $0x38;
	[tilespmem:$0x1F6F8] =	vst v63  }
0x12a: {  	_ =	swait.ge [sflag:s12], $0x80  }
0x12b: {  	[sflag:s12] =	ssyncset.done $0x0  }
0x12c: {  	[sflag:s12] =	ssyncadd.s32 $0xFFFFFF80  }
.LBB3_15:
0x12d: {  	s2 =	sshll.u32 s28, $0x9  }
0x12e: {  	s2 =	sshra.s32 s2, $0x2  }
0x12f: {  	v1 =	vld [tilespmem:s2+$0x7988];
	_ =	sdelay $0x3  }
0x130: {  	s0 =	sshra.s32 s0, $0x2  }
0x131: {  	[tilespmem:s0+$0x108] =	vst.add.f32.msk $0xffff, v1  }
0x132: {  	v1 =	vld [tilespmem:s2+$0x7998];
	_ =	sdelay $0x4  }
0x133: {  	[tilespmem:s0+$0x118] =	vst.add.f32.msk $0xffff, v1  }
0x134: {  	v1 =	vld [tilespmem:s2+$0x79A8];
	_ =	sdelay $0x4  }
0x135: {  	[tilespmem:s0+$0x128] =	vst.add.f32.msk $0xffff, v1  }
0x136: {  	v1 =	vld [tilespmem:s2+$0x79B8];
	_ =	sdelay $0x4  }
0x137: {  	[tilespmem:s0+$0x138] =	vst.add.f32.msk $0xffff, v1  }
0x138: {  	v1 =	vld [tilespmem:s2+$0x79C8];
	_ =	sdelay $0x4  }
0x139: {  	[tilespmem:s0+$0x148] =	vst.add.f32.msk $0xffff, v1  }
0x13a: {  	v1 =	vld [tilespmem:s2+$0x79D8];
	_ =	sdelay $0x4  }
0x13b: {  	[tilespmem:s0+$0x158] =	vst.add.f32.msk $0xffff, v1  }
0x13c: {  	v1 =	vld [tilespmem:s2+$0x79E8];
	_ =	sdelay $0x4  }
0x13d: {  	[tilespmem:s0+$0x168] =	vst.add.f32.msk $0xffff, v1  }
0x13e: {  	v1 =	vld [tilespmem:s2+$0x79F8];
	_ =	sdelay $0x2  }
0x13f: {  	p1 =	sgt.u32 s29, $0x4E1FF0  }
0x140: {  	s2 =	sand.u32 @!p1 $0x7FFFF8, s29  }
0x141: {  	s3 =	sadd.s32 $0x108, s0;
	[tilespmem:s0+$0x178] =	vst.add.f32.msk $0xffff, v1;
	s0 =	sadd.s32 @!p1 s1, s2;
	s2 =	sand.u32 @!p1 $0x7, s29  }
0x142: {  	[hbm4b:s0+s2] =	stream.linear.scatter @!p1 [tilespmem:s3], [sflag:$0xC], $0x80, $0x38;
	[tilespmem:$0x1F6F8] =	vst v63  }
0x143: {  	s0 =	simm.s32 $0x0  }
0x144: {  	s0 =	simm.s32 @!p1 $0x200  }
0x145: {  	s31 =	sadd.s32 s0, s31  }
.LBB3_16:
0x146: {  	s0 =	sadd.s32 $0x1, s22  }
0x147: {  	s2 =	smulhi.u32 $0x88888889, s0;
	_ =	sdelay $0x1  }
0x148: {  	v1 =	vld [tilespmem:s25+$0xFFFFFFC0];
	s2 =	sshrl.u32 s2, $0x7  }
0x149: {  	s2 =	smul.u32 $0xF0, s2;
	_ =	sdelay $0x1  }
0x14a: {  	s22 =	ssub.s32 s0, s2  }
0x14b: {  	s0 =	sshll.u32 s22, $0x7  }
0x14c: {  	[tilespmem:s0+$0x108] =	vst v1  }
0x14d: {  	v1 =	vld [tilespmem:s25+$0xFFFFFFD0];
	_ =	sdelay $0x4  }
0x14e: {  	[tilespmem:s0+$0x118] =	vst v1  }
0x14f: {  	v1 =	vld [tilespmem:s25+$0xFFFFFFE0];
	_ =	sdelay $0x4  }
0x150: {  	[tilespmem:s0+$0x128] =	vst v1  }
0x151: {  	v1 =	vld [tilespmem:s25+$0xFFFFFFF0];
	_ =	sdelay $0x4  }
0x152: {  	[tilespmem:s0+$0x138] =	vst v1  }
0x153: {  	v1 =	vld [tilespmem:s25+$0x0];
	_ =	sdelay $0x4  }
0x154: {  	[tilespmem:s0+$0x148] =	vst v1  }
0x155: {  	v1 =	vld [tilespmem:s25+$0x10];
	_ =	sdelay $0x4  }
0x156: {  	[tilespmem:s0+$0x158] =	vst v1  }
0x157: {  	v1 =	vld [tilespmem:s25+$0x20];
	_ =	sdelay $0x4  }
0x158: {  	[tilespmem:s0+$0x168] =	vst v1  }
0x159: {  	v1 =	vld [tilespmem:s25+$0x30]  }
.Ltmp20:
0x15a: {  	_ = 	snop;
	(pc) =	sbr.rel .LBB3_17-.Ltmp20, $2  }
0x15b: {  	_ =	sdelay $0x2  }
0x15c: {  	s28 =	sadd.s32 $0x1, s28;
	[tilespmem:s0+$0x178] =	vst v1  }
.LBB3_19:
.Ltmp21:
0x15d: {  	(pc) =	sbr.rel .LBB3_20-.Ltmp21, $4  }
0x15e: {  	_ = 	snop  }
0x15f: {  	s0 =	simm.s32 $0x2  }
0x160: {  	_ =	swait.ge [sflag:s0], $0x0  }
0x161: {  	s30 =	smov.u32 s29;
	[sflag:s0] =	ssyncset.done $0x0;
	s0 =	simm.s32 $0x0  }
.LBB3_22:
0x162: {  	_ =	sfence.sel $0x180000  }
0x163: {  	s0 =	simm.s32 $0x9;
	[bflag:$0x0] =	sbarrier.arrive $0xFFFF  }
0x164: {  	s24 =	simm.s32 $0xA;
	[sflag:s0] =	ssyncpa.u1 $0x1  }
0x165: {  	s25 =	simm.s32 $0xB;
	[sflag:s24] =	ssyncpa.u1 $0x1  }
0x166: {  	s26 =	simm.s32 $0x2;
	[sflag:s25] =	ssyncpa.u1 $0x1  }
0x167: {  	[sflag:s26] =	ssyncpa.u1 $0x1  }
0x168: {  	v0 =	vld [tilespmem:$0xF208];
	_ =	sdelay $0x4  }
0x169: {  	(v2sf) =	vpush v0, $0x0  }
0x16a: {  	(v2sf) =	vpush v0, $0x1;
	_ =	sdelay $0x1  }
0x16b: {  	(v2sf) =	vpush v0, $0x2;
	_ =	sdelay $0xb  }
0x16c: {  	s0 =	spop (v2sf)  }
0x16d: {  	s2 =	spop (v2sf)  }
0x16e: {  	s3 =	smov.u32 s0;
	p0 =	sne.s32 s0, s2  }
0x16f: {  	s4 =	spop (v2sf);
	s3 =	simm.s32 @!p0 $0xFFFFFFFF  }
0x170: {  	v2 =	vimm.s32 $0x1;
	v3 =	vlaneseq.u32;
	p0 =	seq.s32 s4, $0xFFFFFFFF;
	v1 =	vmov s3  }
0x171: {  	s16 =	stileid.u32;
	v0 =	vperm.xlane v0, v2;
	p1 =	sne.s32 @!p0 s0, s2;
	v1 =	vperm.xlane v1, v3  }
0x172: {  	vm0 =	vcmask $0x3F04;
	s6 =	simm.s32 $0xF208;
	s0 =	simm.s32 @!p0 $0x1;
	p1 =	por !p1, p0  }
0x173: {  	s3 =	sshll.u32 s16, $0x1;
	s2 =	sshll.u32 @!p0 s4, $0x9;
	s0 =	simm.s32 @p1 $0x0;
	v0 =	vsel vm0, v1, v0  }
0x174: {  	s5 =	sor.u32 $0x1000, s3;
	s2 =	sshra.s32 @!p0 s2, $0x2;
	s0 =	sor.u32 @!p0 s0, s3;
	[tilespmem:$0xF208] =	vst v0  }
0x175: {  	[spmem:s5] =	stream.linear.scatter [tilespmem:s6], [sflag:$0x1], $0x2, $0x38;
	[tilespmem:$0x1F6F8] =	vst v63  }
0x176: {  	s2 =	sadd.s32 @!p0 $0x108, s2;
	s0 =	sshll.u32 @!p0 s0, $0x7  }
0x177: {  	[spmem:s0] =	stream.linear.scatter @!p0 [tilespmem:s2], [sflag:$0x1], $0x80, $0x38;
	[tilespmem:$0x1F6F8] =	vst v63  }
0x178: {  	s0 =	simm.s32 @!p0 $0x82  }
0x179: {  	s28 =	simm.s32 $0x1;
	s0 =	simm.s32 @p0 $0x2  }
0x17a: {  	_ =	swait.ge [sflag:s28], s0  }
0x17b: {  	s0 =	ssub.s32 $0x0, s0;
	[sflag:s28] =	ssyncset.done $0x0  }
0x17c: {  	p0 =	sne.s32 s16, $0x0;
	[sflag:s28] =	ssyncadd.s32 s0  }
.Ltmp22:
0x17d: {  	_ =	sfence.stream.spmem;
	(pc) =	sbr.rel @p0 .LBB3_39-.Ltmp22, $4  }
0x17e: {  	s29 =	simm.s32 $0x3;
	[bflag:$0x0] =	sbarrier.arrive $0xFFFF  }
0x17f: {  	s30 =	simm.s32 $0x4;
	[sflag:s29] =	ssyncpa.u1 $0x1  }
0x180: {  	s31 =	simm.s32 $0x3C;
	[sflag:s30] =	ssyncpa.u1 $0x1  }
0x181: {  	s15 =	rddreg [dreg:$0x4];
	[sflag:s31] =	ssyncpa.u1 $0x1  }
0x182: {  	_ =	sfence.stream.spmem;
	s0 =	simm.s32 $0x5  }
0x183: {  	s2 =	simm.s32 $0x1000;
	s3 =	simm.s32 $0xF218;
	[sflag:s0] =	ssyncpa.u1 $0x0  }
0x184: {  	[tilespmem:s3], [sflag:$0x5] =	stream.linear.gather [spmem:s2], $0x20, $0x38;
	[tilespmem:$0x1F6F8] =	vst v63  }
0x185: {  	s26 =	simm.s32 $0x0;
	s28 =	simm.s32 $0xF238  }
0x186: {  	[tilespmem:s28], [sflag:$0x5] =	stream.linear.gather [spmem:s26], $0x1000, $0x38;
	[tilespmem:$0x1F6F8] =	vst v63  }
0x187: {  	_ =	swait.ge [sflag:s0], $0x1020  }
0x188: {  	[sflag:s0] =	ssyncset.done $0x0  }
0x189: {  	s29 =	simm.s32 $0x0;
	[sflag:s0] =	ssyncadd.s32 $0xFFFFEFE0  }
0x18a: {  	v0 =	vld.msk [tilespmem:s29+$0xF218], $0x1;
	_ =	sdelay $0x1  }
0x18b: {  	s30 =	simm.s32 $0x1  }
0x18c: {  	v1 =	vld.msk [tilespmem:s30+$0xF218], $0x1;
	_ =	sdelay $0x1  }
0x18d: {  	(v2sf) =	vpush v0, $0x0;
	_ =	sdelay $0x2  }
0x18e: {  	(v2sf) =	vpush v1, $0x0;
	_ =	sdelay $0x2  }
0x18f: {  	s31 =	simm.s32 $0x2  }
0x190: {  	v0 =	vld.msk [tilespmem:s31+$0xF218], $0x1;
	_ =	sdelay $0x2  }
0x191: {  	s4 =	simm.s32 $0xFFFFFFFF;
	s5 =	simm.s32 $0xFFFFFFFF;
	s0 =	simm.s32 $0xC  }
.LBB3_24:
0x192: {  	s2 =	smov.u32 s5;
	s3 =	smov.u32 s4  }
0x193: {  	s4 =	sshra.s32 s0, $0x2;
	p1 =	sne.s32 s0, $0x7C;
	s0 =	sadd.s32 $0x4, s0;
	(v2sf) =	vpush v0, $0x0  }
0x194: {  	v0 =	vld.msk [tilespmem:s4+$0xF218], $0x1  }
.Ltmp23:
0x195: {  	(pc) =	sbr.rel @p1 .LBB3_24-.Ltmp23, $4  }
0x196: {  	s5 =	spop (v2sf)  }
0x197: {  	p2 =	sne.s32 s3, $0xFFFFFFFF;
	s4 =	smov.u32 s5  }
0x198: {  	p3 =	seq.s32 s5, $0xFFFFFFFF;
	s4 =	smov.u32 @p2 s3  }
0x199: {  	s5 =	smov.u32 @p3 s2;
	s4 =	smov.u32 @p3 s3  }
0x19a: {  	(v2sf) =	vpush v0, $0x0;
	_ =	sdelay $0x8  }
0x19b: {  	s0 =	spop (v2sf)  }
0x19c: {  	p1 =	sne.s32 s4, $0xFFFFFFFF;
	s2 =	smov.u32 s0  }
0x19d: {  	s9 =	simm.s32 $0x6;
	p2 =	seq.s32 s0, $0xFFFFFFFF;
	s2 =	smov.u32 @p1 s4  }
0x19e: {  	s6 =	simm.s32 $0x0;
	s2 =	smov.u32 @p2 s4;
	s3 =	spop (v2sf)  }
0x19f: {  	s0 =	smov.u32 @p2 s5;
	p1 =	sne.s32 s2, $0xFFFFFFFF;
	s4 =	smov.u32 s3  }
.Ltmp24:
0x1a0: {  	p2 =	seq.s32 s3, $0xFFFFFFFF;
	s4 =	smov.u32 @p1 s2;
	(pc) =	sbr.rel .LBB3_26-.Ltmp24, $4  }
0x1a1: {  	s10 =	simm.s32 $0xF188;
	s4 =	smov.u32 @p2 s2;
	s7 =	spop (v2sf)  }
0x1a2: {  	s11 =	simm.s32 $0x0;
	p1 =	sne.s32 s4, $0xFFFFFFFF;
	s8 =	smov.u32 s7  }
0x1a3: {  	s3 =	smov.u32 @p2 s0;
	p2 =	seq.s32 s7, $0xFFFFFFFF;
	s8 =	smov.u32 @p1 s4  }
0x1a4: {  	[sflag:s9] =	ssyncpa.u1 $0x0;
	s7 =	smov.u32 @p2 s3;
	s8 =	smov.u32 @p2 s4  }
.LBB3_32:
0x1a5: {  	p1 =	sgt.u32 s12, $0x4E1FF0  }
0x1a6: {  	p2 =	seq.s32 @!p1 s12, s8  }
0x1a7: {  	p1 =	por p1, p2  }
0x1a8: {  	p2 =	sne.s32 @!p1 s12, s7  }
0x1a9: {  	p1 =	por p1, !p2  }
0x1aa: {  	s0 =	sshll.u32 @p1 s11, $0x9  }
0x1ab: {  	s0 =	sand.u32 @!p1 $0x7FFFF8, s12  }
0x1ac: {  	s2 =	sand.u32 @!p1 $0x7, s12;
	s0 =	sadd.s32 @!p1 s1, s0  }
0x1ad: {  	[tilespmem:s10], [sflag:$0x6] =	stream.linear.gather @!p1 [hbm4b:s0+s2], $0x80, $0x38;
	[tilespmem:$0x1F6F8] =	vst v63  }
0x1ae: {  	_ =	swait.ge @!p1 [sflag:s9], $0x80  }
0x1af: {  	[sflag:s9] =	ssyncset.done @!p1 $0x0  }
0x1b0: {  	[sflag:s9] =	ssyncadd.s32 @!p1 $0xFFFFFF80  }
0x1b1: {  	v1 =	vld @!p1 [tilespmem:$0xF188];
	_ =	sdelay $0x2  }
0x1b2: {  	s0 =	sshll.u32 @!p1 s11, $0x9  }
0x1b3: {  	s2 =	sshrl.u32 @!p1 s0, $0x2  }
0x1b4: {  	[tilespmem:s2+$0xF238] =	vst.add.f32.msk @!p1 $0xffff, v1  }
0x1b5: {  	v1 =	vld @!p1 [tilespmem:$0xF198];
	_ =	sdelay $0x4  }
0x1b6: {  	[tilespmem:s2+$0xF248] =	vst.add.f32.msk @!p1 $0xffff, v1  }
0x1b7: {  	v1 =	vld @!p1 [tilespmem:$0xF1A8];
	_ =	sdelay $0x4  }
0x1b8: {  	[tilespmem:s2+$0xF258] =	vst.add.f32.msk @!p1 $0xffff, v1  }
0x1b9: {  	v1 =	vld @!p1 [tilespmem:$0xF1B8];
	_ =	sdelay $0x4  }
0x1ba: {  	[tilespmem:s2+$0xF268] =	vst.add.f32.msk @!p1 $0xffff, v1  }
0x1bb: {  	v1 =	vld @!p1 [tilespmem:$0xF1C8];
	_ =	sdelay $0x4  }
0x1bc: {  	[tilespmem:s2+$0xF278] =	vst.add.f32.msk @!p1 $0xffff, v1  }
0x1bd: {  	v1 =	vld @!p1 [tilespmem:$0xF1D8];
	_ =	sdelay $0x4  }
0x1be: {  	[tilespmem:s2+$0xF288] =	vst.add.f32.msk @!p1 $0xffff, v1  }
0x1bf: {  	v1 =	vld @!p1 [tilespmem:$0xF1E8];
	_ =	sdelay $0x4  }
0x1c0: {  	[tilespmem:s2+$0xF298] =	vst.add.f32.msk @!p1 $0xffff, v1  }
0x1c1: {  	v1 =	vld @!p1 [tilespmem:$0xF1F8];
	_ =	sdelay $0x4  }
0x1c2: {  	[tilespmem:s2+$0xF2A8] =	vst.add.f32.msk @!p1 $0xffff, v1  }
0x1c3: {  	s0 =	sshrl.u32 s0, $0x2;
	[tilespmem:s6+$0xF218] =	vst.msk $0x1, v0  }
0x1c4: {  	v0 =	vld [tilespmem:s0+$0xF238];
	_ =	sdelay $0x2  }
0x1c5: {  	s31 =	sshll.u32 s6, $0x9  }
0x1c6: {  	s2 =	sshra.s32 s31, $0x2  }
0x1c7: {  	[tilespmem:s2+$0xF238] =	vst v0  }
0x1c8: {  	v0 =	vld [tilespmem:s0+$0xF248];
	_ =	sdelay $0x4  }
0x1c9: {  	[tilespmem:s2+$0xF248] =	vst v0  }
0x1ca: {  	v0 =	vld [tilespmem:s0+$0xF258];
	_ =	sdelay $0x4  }
0x1cb: {  	[tilespmem:s2+$0xF258] =	vst v0  }
0x1cc: {  	v0 =	vld [tilespmem:s0+$0xF268];
	_ =	sdelay $0x4  }
0x1cd: {  	[tilespmem:s2+$0xF268] =	vst v0  }
0x1ce: {  	v0 =	vld [tilespmem:s0+$0xF278];
	_ =	sdelay $0x4  }
0x1cf: {  	[tilespmem:s2+$0xF278] =	vst v0  }
0x1d0: {  	v0 =	vld [tilespmem:s0+$0xF288];
	_ =	sdelay $0x4  }
0x1d1: {  	[tilespmem:s2+$0xF288] =	vst v0  }
0x1d2: {  	v0 =	vld [tilespmem:s0+$0xF298];
	_ =	sdelay $0x4  }
0x1d3: {  	[tilespmem:s2+$0xF298] =	vst v0  }
0x1d4: {  	v0 =	vld [tilespmem:s0+$0xF2A8];
	_ =	sdelay $0x4  }
0x1d5: {  	s6 =	sadd.s32 $0x1, s6;
	[tilespmem:s2+$0xF2A8] =	vst v0  }
.LBB3_33:
0x1d6: {  	s11 =	sadd.s32 $0x1, s11  }
0x1d7: {  	p1 =	sne.s32 s11, $0x20  }
.Ltmp25:
0x1d8: {  	_ = 	snop;
	(pc) =	sbr.rel @!p1 .LBB3_34-.Ltmp25, $1  }
0x1d9: {  	_ =	sdelay $0x3  }
.LBB3_26:
0x1da: {  	v0 =	vld.msk [tilespmem:s11+$0xF218], $0x1;
	_ =	sdelay $0x4  }
0x1db: {  	(v2sf) =	vpush v0, $0x0;
	_ =	sdelay $0xe  }
0x1dc: {  	s12 =	spop (v2sf)  }
0x1dd: {  	p1 =	seq.s32 s12, $0xFFFFFFFF  }
.Ltmp26:
0x1de: {  	_ = 	snop;
	(pc) =	sbr.rel @p1 .LBB3_33-.Ltmp26, $1  }
0x1df: {  	_ =	sdelay $0x3  }
0x1e0: {  	p1 =	slt.s32 s6, $0x1  }
.Ltmp27:
0x1e1: {  	_ = 	snop;
	(pc) =	sbr.rel @p1 .LBB3_32-.Ltmp27, $1  }
0x1e2: {  	_ =	sdelay $0x3  }
0x1e3: {  	s13 =	simm.s32 $0xF218;
	p1 =	por $0x0, $0x0  }
0x1e4: {  	v1 =	vld.msk @!p1 [tilespmem:s13+$0x0], $0x1;
	_ =	sdelay $0x4  }
0x1e5: {  	(v2sf) =	vpush @!p1 v1, $0x0;
	_ =	sdelay $0xd  }
0x1e6: {  	p3 =	sne.s32 s6, $0x1  }
.Ltmp28:
0x1e7: {  	s0 =	spop @!p1 (v2sf);
	(pc) =	sbr.rel @!p3 .LBB3_30-.Ltmp28, $4  }
0x1e8: {  	p2 =	seq.s32 @!p1 s12, s0  }
0x1e9: {  	s14 =	simm.s32 $0x0;
	p2 =	por !p2, p1  }
0x1ea: {  	s2 =	simm.s32 $0xFFFFFFFF;
	s14 =	simm.s32 @p2 $0xFFFFFFFF  }
0x1eb: {  	s0 =	simm.s32 $0x1;
	s14 =	smov.u32 @p1 s2  }
.LBB3_29:
0x1ec: {  	s2 =	smov.u32 s14;
	p1 =	sne.s32 s14, $0xFFFFFFFF  }
0x1ed: {  	s13 =	sadd.s32 $0x1, s13;
	s14 =	smov.u32 s0;
	s0 =	sadd.s32 $0x1, s0  }
0x1ee: {  	p2 =	sne.s32 s6, s0;
	v1 =	vld.msk @!p1 [tilespmem:s13+$0x0], $0x1;
	_ =	sdelay $0x4  }
0x1ef: {  	(v2sf) =	vpush @!p1 v1, $0x0;
	_ =	sdelay $0xe  }
.Ltmp29:
0x1f0: {  	s3 =	spop @!p1 (v2sf);
	(pc) =	sbr.rel @p2 .LBB3_29-.Ltmp29, $4  }
0x1f1: {  	p3 =	seq.s32 @!p1 s12, s3  }
0x1f2: {  	p3 =	por !p3, p1  }
0x1f3: {  	s14 =	simm.s32 @p3 $0xFFFFFFFF  }
0x1f4: {  	s14 =	smov.u32 @p1 s2  }
.LBB3_30:
0x1f5: {  	p1 =	seq.s32 s14, $0xFFFFFFFF  }
.Ltmp30:
0x1f6: {  	_ = 	snop;
	(pc) =	sbr.rel @p1 .LBB3_32-.Ltmp30, $1  }
0x1f7: {  	_ =	sdelay $0x3  }
0x1f8: {  	s0 =	sshll.u32 s11, $0x7  }
0x1f9: {  	s0 =	sand.u32 $0x3FFFFF80, s0  }
0x1fa: {  	v0 =	vld [tilespmem:s0+$0xF238];
	_ =	sdelay $0x2  }
0x1fb: {  	s2 =	sshll.u32 s14, $0x9  }
0x1fc: {  	s2 =	sshra.s32 s2, $0x2  }
0x1fd: {  	[tilespmem:s2+$0xF238] =	vst.add.f32.msk $0xffff, v0  }
0x1fe: {  	v0 =	vld [tilespmem:s0+$0xF248];
	_ =	sdelay $0x4  }
0x1ff: {  	[tilespmem:s2+$0xF248] =	vst.add.f32.msk $0xffff, v0  }
0x200: {  	v0 =	vld [tilespmem:s0+$0xF258];
	_ =	sdelay $0x4  }
0x201: {  	[tilespmem:s2+$0xF258] =	vst.add.f32.msk $0xffff, v0  }
0x202: {  	v0 =	vld [tilespmem:s0+$0xF268];
	_ =	sdelay $0x4  }
0x203: {  	[tilespmem:s2+$0xF268] =	vst.add.f32.msk $0xffff, v0  }
0x204: {  	v0 =	vld [tilespmem:s0+$0xF278];
	_ =	sdelay $0x4  }
0x205: {  	[tilespmem:s2+$0xF278] =	vst.add.f32.msk $0xffff, v0  }
0x206: {  	v0 =	vld [tilespmem:s0+$0xF288];
	_ =	sdelay $0x4  }
0x207: {  	[tilespmem:s2+$0xF288] =	vst.add.f32.msk $0xffff, v0  }
0x208: {  	v0 =	vld [tilespmem:s0+$0xF298];
	_ =	sdelay $0x4  }
0x209: {  	[tilespmem:s2+$0xF298] =	vst.add.f32.msk $0xffff, v0  }
0x20a: {  	v0 =	vld [tilespmem:s0+$0xF2A8]  }
.Ltmp31:
0x20b: {  	_ = 	snop;
	(pc) =	sbr.rel .LBB3_33-.Ltmp31, $2  }
0x20c: {  	_ =	sdelay $0x2  }
0x20d: {  	[tilespmem:s2+$0xF2A8] =	vst.add.f32.msk $0xffff, v0  }
.LBB3_34:
0x20e: {  	s0 =	simm.s32 $0x6;
	p1 =	seq.s32 s6, $0x0  }
0x20f: {  	[sflag:s0] =	ssyncpa.u1 $0x1;
	v0 =	vimm.s32 @p1 $0xFFFFFFFF  }
0x210: {  	s9 =	sadd.s32 $0xFFFFFFFF, s6;
	[tilespmem:$0x10238] =	vst @p1 v0  }
0x211: {  	v0 =	vld.msk @!p1 [tilespmem:s9+$0xF218], $0x1;
	_ =	sdelay $0x1  }
0x212: {  	v1 =	vld.msk @!p1 [tilespmem:$0xF218], $0x1;
	_ =	sdelay $0x2  }
0x213: {  	p2 =	seq.s32 @!p1 s9, $0x0;
	v0 =	vbroadcast @!p1 v0, $0x0  }
0x214: {  	vm0 =	vmmov @!p1 $0x1;
	p2 =	por !p2, p1  }
0x215: {  	v1 =	vnsel @!p1 vm0, $0xFFFFFFFF, v1;
	vm0 =	vcmask @!p1 $0x308;
	v0 =	vpsel !p2, $0xFFFFFFFF, v0  }
0x216: {  	p2 =	sne.s32 @!p1 s8, s7;
	v0 =	vsel @!p1 vm0, v1, v0  }
0x217: {  	s0 =	simm.s32 @!p1 $0xF238;
	s2 =	simm.s32 @!p1 $0x0;
	p3 =	por !p2, p1;
	[tilespmem:$0x10238] =	vst @!p1 v0  }
0x218: {  	[spmem:s2] =	stream.linear.scatter @!p1 [tilespmem:s0], [sflag:$0x1], $0x80, $0x38;
	[tilespmem:$0x1F6F8] =	vst v63  }
0x219: {  	s0 =	sshll.u32 @!p3 s9, $0x9  }
0x21a: {  	s0 =	sshra.s32 @!p3 s0, $0x2  }
0x21b: {  	s2 =	simm.s32 @!p3 $0x80;
	s0 =	sadd.s32 @!p3 $0xF238, s0  }
0x21c: {  	[spmem:s2] =	stream.linear.scatter @!p3 [tilespmem:s0], [sflag:$0x1], $0x80, $0x38;
	[tilespmem:$0x1F6F8] =	vst v63  }
0x21d: {  	s0 =	simm.s32 @!p3 $0x1  }
0x21e: {  	_ =	swait.ge @!p3 [sflag:s0], $0x100  }
0x21f: {  	p1 =	por p2, p1;
	[sflag:s0] =	ssyncset.done @!p3 $0x0  }
0x220: {  	[sflag:s0] =	ssyncadd.s32 @!p3 $0xFFFFFF00;
	s0 =	simm.s32 @!p1 $0x1  }
0x221: {  	_ =	swait.ge @!p1 [sflag:s0], $0x80  }
0x222: {  	s29 =	simm.s32 $0x10238;
	[sflag:s0] =	ssyncset.done @!p1 $0x0  }
0x223: {  	s30 =	simm.s32 $0x1000;
	s31 =	simm.s32 $0x1;
	[sflag:s0] =	ssyncadd.s32 @!p1 $0xFFFFFF80  }
0x224: {  	[spmem:s30] =	stream.linear.scatter [tilespmem:s29], [sflag:$0x1], $0x10, $0x38;
	[tilespmem:$0x1F6F8] =	vst v63  }
0x225: {  	_ =	swait.ge [sflag:s31], $0x10  }
0x226: {  	[sflag:s31] =	ssyncset.done $0x0  }
0x227: {  	p1 =	seq.s32 s15, $0x0;
	s8 =	rddreg [dreg:$0x1];
	[sflag:s31] =	ssyncadd.s32 $0xFFFFFFF0  }
0x228: {  	s2 =	sshll.u32 @p1 s8, $0xE;
	s7 =	rddreg [dreg:$0x2]  }
0x229: {  	s0 =	sadd.s32 @p1 $0x15C3C, s2;
	s2 =	sshll.u32 @p1 s7, $0x11  }
0x22a: {  	_ =	sfence.stream.spmem;
	s0 =	sor.u32 @p1 s2, s0  }
0x22b: {  	[sflag:s0] =	ssyncadd.remote.s32 @p1 $0x1;
	s0 =	simm.s32 @p1 $0x4  }
0x22c: {  	s3 =	simm.s32 @!p1 $0x3C;
	s2 =	sand.u32 $0xFFFFFFFE, s8;
	_ =	swait.ge @p1 [sflag:s0], $0x22  }
0x22d: {  	s4 =	simm.s32 @!p1 $0x0;
	s2 =	sadd.s32 @!p1 $0x4, s2;
	[sflag:s0] =	ssyncset.done @p1 $0x0  }
0x22e: {  	s5 =	simm.s32 @!p1 $0x100;
	[sflag:s0] =	ssyncadd.s32 @p1 $0xFFFFFFDE;
	s0 =	sshll.u32 @!p1 s2, $0x1A  }
0x22f: {  	s2 =	sshll.u32 @!p1 s2, $0xD;
	s0 =	sor.u32 @!p1 s0, s7;
	_ =	swait.eq @!p1 [sflag:s3], $0x1  }
0x230: {  	s2 =	sor.u32 @!p1 $0x1C04, s2;
	s3 =	simm.s32 @!p1 $0x1C03;
	s0 =	sor.u32 @!p1 $0x80004000, s0  }
0x231: {  	[spmem:s5], [sflag:s2] =	dma.general @!p1 [spmem:s4], [sflag:s3], length:$0x20, [dreg:$0x0], stride_count:$0x0, ici_dest:s0, dma_misc:DstOpCode:WRITE  }
0x232: {  	p2 =	slt.s32 s9, $0x2;
	s4 =	simm.s32 @!p1 $0x200;
	s5 =	simm.s32 @!p1 $0x202  }
0x233: {  	[spmem:s5], [sflag:s2] =	dma.general @!p1 [spmem:s4], [sflag:s3], length:$0x2, [dreg:$0x0], stride_count:$0x0, ici_dest:s0, dma_misc:DstOpCode:WRITE  }
.Ltmp32:
0x234: {  	s0 =	simm.s32 @!p1 $0x3;
	(pc) =	sbr.rel @p2 .LBB3_38-.Ltmp32, $4  }
0x235: {  	s2 =	sshll.u32 @!p1 s8, $0xE;
	_ =	swait.ge @!p1 [sflag:s0], $0x22  }
0x236: {  	s3 =	sshll.u32 @!p1 s7, $0x11;
	s2 =	sadd.s32 @!p1 $0x11C3C, s2;
	[sflag:s0] =	ssyncset.done @!p1 $0x0  }
0x237: {  	[sflag:s0] =	ssyncadd.s32 @!p1 $0xFFFFFFDE;
	s0 =	sor.u32 @!p1 s3, s2  }
0x238: {  	[sflag:s0] =	ssyncadd.remote.s32 @!p1 $0xFFFFFFFF;
	s0 =	simm.s32 $0x0  }
0x239: {  	s0 =	simm.s32 $0xF219  }
0x23a: {  	v0 =	vld.msk [tilespmem:s0+$0x0], $0x1;
	_ =	sdelay $0x4  }
0x23b: {  	(v2sf) =	vpush v0, $0x0;
	_ =	sdelay $0xb  }
0x23c: {  	s31 =	sadd.s32 $0xFFFFFFFE, s6  }
0x23d: {  	s0 =	sadd.s32 $0xFFFFFFFF, s31  }
0x23e: {  	p2 =	sne.s32 s0, $0x0  }
.Ltmp33:
0x23f: {  	s2 =	spop (v2sf);
	(pc) =	sbr.rel @!p2 .LBB3_37-.Ltmp33, $4  }
0x240: {  	s4 =	simm.s32 $0xF2B8;
	s7 =	simm.s32 $0x0;
	p1 =	sgt.u32 s2, $0x4E1FF0  }
0x241: {  	s5 =	simm.s32 $0x0;
	s6 =	simm.s32 $0xF21A;
	s3 =	sand.u32 @!p1 $0x7FFFF8, s2  }
0x242: {  	s2 =	sand.u32 @!p1 $0x7, s2;
	s7 =	simm.s32 @!p1 $0x200;
	s3 =	sadd.s32 @!p1 s1, s3  }
0x243: {  	[hbm4b:s3+s2] =	stream.linear.scatter @!p1 [tilespmem:s4], [sflag:$0x5], $0x80, $0x38;
	[tilespmem:$0x1F6F8] =	vst v63  }
.LBB3_36:
0x244: {  	v0 =	vld.msk [tilespmem:s6+$0x0], $0x1;
	s0 =	sadd.s32 $0xFFFFFFFF, s0;
	s5 =	sadd.s32 s5, s7  }
0x245: {  	p1 =	sne.s32 s0, $0x0;
	_ =	sdelay $0x3  }
0x246: {  	(v2sf) =	vpush v0, $0x0;
	_ =	sdelay $0xe  }
.Ltmp34:
0x247: {  	s2 =	spop (v2sf);
	(pc) =	sbr.rel @p1 .LBB3_36-.Ltmp34, $4  }
0x248: {  	s7 =	simm.s32 $0x0;
	p2 =	sgt.u32 s2, $0x4E1FF0  }
0x249: {  	s4 =	sadd.s32 $0x80, s4;
	s7 =	simm.s32 @!p2 $0x200;
	s3 =	sand.u32 @!p2 $0x7FFFF8, s2  }
0x24a: {  	s6 =	sadd.s32 $0x1, s6;
	s2 =	sand.u32 @!p2 $0x7, s2;
	s3 =	sadd.s32 @!p2 s1, s3  }
0x24b: {  	[hbm4b:s3+s2] =	stream.linear.scatter @!p2 [tilespmem:s4], [sflag:$0x5], $0x80, $0x38;
	[tilespmem:$0x1F6F8] =	vst v63  }
.LBB3_37:
0x24c: {  	s0 =	sadd.s32 s5, s7  }
0x24d: {  	s0 =	sshrl.u32 s0, $0x2  }
.LBB3_38:
0x24e: {  	s2 =	simm.s32 $0x5  }
0x24f: {  	_ =	swait.ge [sflag:s2], s0  }
0x250: {  	s31 =	ssub.s32 $0x0, s0;
	[sflag:s2] =	ssyncset.done $0x0  }
0x251: {  	[sflag:s2] =	ssyncadd.s32 s31  }
0x252: {  	[sflag:s2] =	ssyncpa.u1 $0x1  }
.LBB3_39:
0x253: {  	s0 =	sor.u32 s15, s16  }
0x254: {  	p1 =	sne.s32 s0, $0x0  }
.Ltmp35:
0x255: {  	_ = 	snop;
	(pc) =	sbr.rel @p1 .LBB3_54-.Ltmp35, $3  }
0x256: {  	_ =	sdelay $0x1  }
0x257: {  	[bflag:$0x0] =	sbarrier.arrive $0xFFFF  }
0x258: {  	_ =	sfence  }
0x259: {  	s0 =	simm.s32 $0x7  }
0x25a: {  	s2 =	simm.s32 $0x1000;
	s3 =	simm.s32 $0xF218;
	[sflag:s0] =	ssyncpa.u1 $0x0  }
0x25b: {  	[tilespmem:s3], [sflag:$0x7] =	stream.linear.gather [spmem:s2], $0x20, $0x38;
	[tilespmem:$0x1F6F8] =	vst v63  }
0x25c: {  	s30 =	simm.s32 $0xF238;
	s2 =	simm.s32 $0x0  }
0x25d: {  	[tilespmem:s30], [sflag:$0x7] =	stream.linear.gather [spmem:s2], $0x1000, $0x38;
	[tilespmem:$0x1F6F8] =	vst v63  }
.Ltmp36:
0x25e: {  	_ = 	snop;
	(pc) =	sbr.rel .LBB3_41-.Ltmp36, $4  }
0x25f: {  	_ =	swait.ge [sflag:s0], $0x1020  }
0x260: {  	[sflag:s0] =	ssyncset.done $0x0  }
0x261: {  	s31 =	simm.s32 $0x8;
	[sflag:s0] =	ssyncadd.s32 $0xFFFFEFE0  }
0x262: {  	s3 =	simm.s32 $0x0;
	[sflag:s31] =	ssyncpa.u1 $0x0  }
.LBB3_47:
0x263: {  	p1 =	slt.u32 s4, $0x4E1FF1  }
0x264: {  	s0 =	sand.u32 @p1 $0x7FFFF8, s4  }
0x265: {  	s4 =	sand.u32 @p1 $0x7, s4;
	s5 =	simm.s32 @p1 $0xF188;
	s0 =	sadd.s32 @p1 s1, s0  }
0x266: {  	[tilespmem:s5], [sflag:$0x8] =	stream.linear.gather @p1 [hbm4b:s0+s4], $0x80, $0x38;
	[tilespmem:$0x1F6F8] =	vst v63  }
0x267: {  	s0 =	simm.s32 @p1 $0x8  }
0x268: {  	_ =	swait.ge @p1 [sflag:s0], $0x80  }
0x269: {  	[sflag:s0] =	ssyncset.done @p1 $0x0  }
0x26a: {  	[sflag:s0] =	ssyncadd.s32 @p1 $0xFFFFFF80  }
0x26b: {  	v1 =	vld @p1 [tilespmem:$0xF188];
	_ =	sdelay $0x2  }
0x26c: {  	s0 =	sshll.u32 @p1 s3, $0x9  }
0x26d: {  	s4 =	sshrl.u32 @p1 s0, $0x2  }
0x26e: {  	[tilespmem:s4+$0xF238] =	vst.add.f32.msk @p1 $0xffff, v1  }
0x26f: {  	v1 =	vld @p1 [tilespmem:$0xF198];
	_ =	sdelay $0x4  }
0x270: {  	[tilespmem:s4+$0xF248] =	vst.add.f32.msk @p1 $0xffff, v1  }
0x271: {  	v1 =	vld @p1 [tilespmem:$0xF1A8];
	_ =	sdelay $0x4  }
0x272: {  	[tilespmem:s4+$0xF258] =	vst.add.f32.msk @p1 $0xffff, v1  }
0x273: {  	v1 =	vld @p1 [tilespmem:$0xF1B8];
	_ =	sdelay $0x4  }
0x274: {  	[tilespmem:s4+$0xF268] =	vst.add.f32.msk @p1 $0xffff, v1  }
0x275: {  	v1 =	vld @p1 [tilespmem:$0xF1C8];
	_ =	sdelay $0x4  }
0x276: {  	[tilespmem:s4+$0xF278] =	vst.add.f32.msk @p1 $0xffff, v1  }
0x277: {  	v1 =	vld @p1 [tilespmem:$0xF1D8];
	_ =	sdelay $0x4  }
0x278: {  	[tilespmem:s4+$0xF288] =	vst.add.f32.msk @p1 $0xffff, v1  }
0x279: {  	v1 =	vld @p1 [tilespmem:$0xF1E8];
	_ =	sdelay $0x4  }
0x27a: {  	[tilespmem:s4+$0xF298] =	vst.add.f32.msk @p1 $0xffff, v1  }
0x27b: {  	v1 =	vld @p1 [tilespmem:$0xF1F8];
	_ =	sdelay $0x3  }
0x27c: {  	s5 =	sshll.u32 @!p1 s3, $0x9  }
0x27d: {  	s5 =	smov.u32 @p1 s0;
	[tilespmem:s4+$0xF2A8] =	vst.add.f32.msk @p1 $0xffff, v1  }
0x27e: {  	s0 =	sshrl.u32 s5, $0x2;
	[tilespmem:s2+$0xF218] =	vst.msk $0x1, v0  }
0x27f: {  	v0 =	vld [tilespmem:s0+$0xF238];
	_ =	sdelay $0x2  }
0x280: {  	s31 =	sshll.u32 s2, $0x9  }
0x281: {  	s4 =	sshra.s32 s31, $0x2  }
0x282: {  	[tilespmem:s4+$0xF238] =	vst v0  }
0x283: {  	v0 =	vld [tilespmem:s0+$0xF248];
	_ =	sdelay $0x4  }
0x284: {  	[tilespmem:s4+$0xF248] =	vst v0  }
0x285: {  	v0 =	vld [tilespmem:s0+$0xF258];
	_ =	sdelay $0x4  }
0x286: {  	[tilespmem:s4+$0xF258] =	vst v0  }
0x287: {  	v0 =	vld [tilespmem:s0+$0xF268];
	_ =	sdelay $0x4  }
0x288: {  	[tilespmem:s4+$0xF268] =	vst v0  }
0x289: {  	v0 =	vld [tilespmem:s0+$0xF278];
	_ =	sdelay $0x4  }
0x28a: {  	[tilespmem:s4+$0xF278] =	vst v0  }
0x28b: {  	v0 =	vld [tilespmem:s0+$0xF288];
	_ =	sdelay $0x4  }
0x28c: {  	[tilespmem:s4+$0xF288] =	vst v0  }
0x28d: {  	v0 =	vld [tilespmem:s0+$0xF298];
	_ =	sdelay $0x4  }
0x28e: {  	[tilespmem:s4+$0xF298] =	vst v0  }
0x28f: {  	v0 =	vld [tilespmem:s0+$0xF2A8];
	_ =	sdelay $0x4  }
0x290: {  	s2 =	sadd.s32 $0x1, s2;
	[tilespmem:s4+$0xF2A8] =	vst v0  }
.LBB3_48:
0x291: {  	s3 =	sadd.s32 $0x1, s3  }
0x292: {  	p1 =	sne.s32 s3, $0x20  }
.Ltmp37:
0x293: {  	_ = 	snop;
	(pc) =	sbr.rel @!p1 .LBB3_49-.Ltmp37, $1  }
0x294: {  	_ =	sdelay $0x3  }
.LBB3_41:
0x295: {  	v0 =	vld.msk [tilespmem:s3+$0xF218], $0x1;
	_ =	sdelay $0x4  }
0x296: {  	(v2sf) =	vpush v0, $0x0;
	_ =	sdelay $0xe  }
0x297: {  	s4 =	spop (v2sf)  }
0x298: {  	p1 =	seq.s32 s4, $0xFFFFFFFF  }
.Ltmp38:
0x299: {  	_ = 	snop;
	(pc) =	sbr.rel @p1 .LBB3_48-.Ltmp38, $1  }
0x29a: {  	_ =	sdelay $0x3  }
0x29b: {  	p1 =	slt.s32 s2, $0x1  }
.Ltmp39:
0x29c: {  	_ = 	snop;
	(pc) =	sbr.rel @p1 .LBB3_47-.Ltmp39, $1  }
0x29d: {  	_ =	sdelay $0x3  }
0x29e: {  	s5 =	simm.s32 $0xF218;
	p1 =	por $0x0, $0x0  }
0x29f: {  	v1 =	vld.msk @!p1 [tilespmem:s5+$0x0], $0x1;
	_ =	sdelay $0x4  }
0x2a0: {  	(v2sf) =	vpush @!p1 v1, $0x0;
	_ =	sdelay $0xd  }
0x2a1: {  	p3 =	sne.s32 s2, $0x1  }
.Ltmp40:
0x2a2: {  	s0 =	spop @!p1 (v2sf);
	(pc) =	sbr.rel @!p3 .LBB3_45-.Ltmp40, $4  }
0x2a3: {  	p2 =	seq.s32 @!p1 s4, s0  }
0x2a4: {  	s6 =	simm.s32 $0x0;
	p2 =	por !p2, p1  }
0x2a5: {  	s7 =	simm.s32 $0xFFFFFFFF;
	s6 =	simm.s32 @p2 $0xFFFFFFFF  }
0x2a6: {  	s0 =	simm.s32 $0x1;
	s6 =	smov.u32 @p1 s7  }
.LBB3_44:
0x2a7: {  	s7 =	smov.u32 s6;
	p1 =	sne.s32 s6, $0xFFFFFFFF  }
0x2a8: {  	s5 =	sadd.s32 $0x1, s5;
	s6 =	smov.u32 s0;
	s0 =	sadd.s32 $0x1, s0  }
0x2a9: {  	p2 =	sne.s32 s2, s0;
	v1 =	vld.msk @!p1 [tilespmem:s5+$0x0], $0x1;
	_ =	sdelay $0x4  }
0x2aa: {  	(v2sf) =	vpush @!p1 v1, $0x0;
	_ =	sdelay $0xe  }
.Ltmp41:
0x2ab: {  	s8 =	spop @!p1 (v2sf);
	(pc) =	sbr.rel @p2 .LBB3_44-.Ltmp41, $4  }
0x2ac: {  	p3 =	seq.s32 @!p1 s4, s8  }
0x2ad: {  	p3 =	por !p3, p1  }
0x2ae: {  	s6 =	simm.s32 @p3 $0xFFFFFFFF  }
0x2af: {  	s6 =	smov.u32 @p1 s7  }
.LBB3_45:
0x2b0: {  	p1 =	seq.s32 s6, $0xFFFFFFFF  }
.Ltmp42:
0x2b1: {  	_ = 	snop;
	(pc) =	sbr.rel @p1 .LBB3_47-.Ltmp42, $1  }
0x2b2: {  	_ =	sdelay $0x3  }
0x2b3: {  	s0 =	sshll.u32 s3, $0x7  }
0x2b4: {  	s0 =	sand.u32 $0x3FFFFF80, s0  }
0x2b5: {  	v0 =	vld [tilespmem:s0+$0xF238];
	_ =	sdelay $0x2  }
0x2b6: {  	s4 =	sshll.u32 s6, $0x9  }
0x2b7: {  	s4 =	sshra.s32 s4, $0x2  }
0x2b8: {  	[tilespmem:s4+$0xF238] =	vst.add.f32.msk $0xffff, v0  }
0x2b9: {  	v0 =	vld [tilespmem:s0+$0xF248];
	_ =	sdelay $0x4  }
0x2ba: {  	[tilespmem:s4+$0xF248] =	vst.add.f32.msk $0xffff, v0  }
0x2bb: {  	v0 =	vld [tilespmem:s0+$0xF258];
	_ =	sdelay $0x4  }
0x2bc: {  	[tilespmem:s4+$0xF258] =	vst.add.f32.msk $0xffff, v0  }
0x2bd: {  	v0 =	vld [tilespmem:s0+$0xF268];
	_ =	sdelay $0x4  }
0x2be: {  	[tilespmem:s4+$0xF268] =	vst.add.f32.msk $0xffff, v0  }
0x2bf: {  	v0 =	vld [tilespmem:s0+$0xF278];
	_ =	sdelay $0x4  }
0x2c0: {  	[tilespmem:s4+$0xF278] =	vst.add.f32.msk $0xffff, v0  }
0x2c1: {  	v0 =	vld [tilespmem:s0+$0xF288];
	_ =	sdelay $0x4  }
0x2c2: {  	[tilespmem:s4+$0xF288] =	vst.add.f32.msk $0xffff, v0  }
0x2c3: {  	v0 =	vld [tilespmem:s0+$0xF298];
	_ =	sdelay $0x4  }
0x2c4: {  	[tilespmem:s4+$0xF298] =	vst.add.f32.msk $0xffff, v0  }
0x2c5: {  	v0 =	vld [tilespmem:s0+$0xF2A8]  }
.Ltmp43:
0x2c6: {  	_ = 	snop;
	(pc) =	sbr.rel .LBB3_48-.Ltmp43, $2  }
0x2c7: {  	_ =	sdelay $0x2  }
0x2c8: {  	[tilespmem:s4+$0xF2A8] =	vst.add.f32.msk $0xffff, v0  }
.LBB3_49:
0x2c9: {  	p1 =	slt.s32 s2, $0x1  }
.Ltmp44:
0x2ca: {  	_ = 	snop;
	(pc) =	sbr.rel @p1 .LBB3_53-.Ltmp44, $3  }
0x2cb: {  	_ =	sdelay $0x1  }
0x2cc: {  	s0 =	simm.s32 $0x8  }
0x2cd: {  	s3 =	simm.s32 $0x0;
	[sflag:s0] =	ssyncpa.u1 $0x1  }
0x2ce: {  	s0 =	simm.s32 $0xF218  }
0x2cf: {  	v0 =	vld.msk [tilespmem:s0+$0x0], $0x1;
	_ =	sdelay $0x4  }
0x2d0: {  	(v2sf) =	vpush v0, $0x0;
	_ =	sdelay $0xe  }
0x2d1: {  	s0 =	sadd.s32 $0xFFFFFFFF, s2;
	s5 =	spop (v2sf)  }
0x2d2: {  	p2 =	sne.s32 s0, $0x0;
	p1 =	sgt.u32 s5, $0x4E1FF0  }
.Ltmp45:
0x2d3: {  	s6 =	sand.u32 @!p1 $0x7FFFF8, s5;
	(pc) =	sbr.rel @!p2 .LBB3_52-.Ltmp45, $4  }
0x2d4: {  	s4 =	simm.s32 $0xF238;
	s5 =	sand.u32 @!p1 $0x7, s5;
	s2 =	sadd.s32 @!p1 s1, s6  }
0x2d5: {  	[hbm4b:s2+s5] =	stream.linear.scatter @!p1 [tilespmem:s4], [sflag:$0x7], $0x80, $0x38;
	[tilespmem:$0x1F6F8] =	vst v63  }
0x2d6: {  	s5 =	simm.s32 $0x0  }
0x2d7: {  	s2 =	simm.s32 $0xF219;
	s5 =	simm.s32 @!p1 $0x200  }
.LBB3_51:
0x2d8: {  	v0 =	vld.msk [tilespmem:s2+$0x0], $0x1;
	s0 =	sadd.s32 $0xFFFFFFFF, s0;
	s3 =	sadd.s32 s3, s5  }
0x2d9: {  	p1 =	sne.s32 s0, $0x0;
	_ =	sdelay $0x3  }
0x2da: {  	(v2sf) =	vpush v0, $0x0;
	_ =	sdelay $0xe  }
.Ltmp46:
0x2db: {  	s6 =	spop (v2sf);
	(pc) =	sbr.rel @p1 .LBB3_51-.Ltmp46, $4  }
0x2dc: {  	s5 =	simm.s32 $0x0;
	p2 =	sgt.u32 s6, $0x4E1FF0  }
0x2dd: {  	s4 =	sadd.s32 $0x80, s4;
	s5 =	simm.s32 @!p2 $0x200;
	s7 =	sand.u32 @!p2 $0x7FFFF8, s6  }
0x2de: {  	s2 =	sadd.s32 $0x1, s2;
	s6 =	sand.u32 @!p2 $0x7, s6;
	s7 =	sadd.s32 @!p2 s1, s7  }
0x2df: {  	[hbm4b:s7+s6] =	stream.linear.scatter @!p2 [tilespmem:s4], [sflag:$0x7], $0x80, $0x38;
	[tilespmem:$0x1F6F8] =	vst v63  }
.LBB3_52:
0x2e0: {  	s0 =	sadd.s32 s3, s5  }
0x2e1: {  	s3 =	sshrl.u32 s0, $0x2  }
.LBB3_53:
0x2e2: {  	s0 =	simm.s32 $0x7  }
0x2e3: {  	_ =	swait.ge [sflag:s0], s3  }
0x2e4: {  	s1 =	ssub.s32 $0x0, s3;
	[sflag:s0] =	ssyncset.done $0x0  }
0x2e5: {  	[sflag:s0] =	ssyncadd.s32 s1  }
0x2e6: {  	[sflag:s0] =	ssyncpa.u1 $0x1  }
.LBB3_54:
0x2e7: {  	_ =	sfence;
	s0 =	simm.s32 $0x1  }
0x2e8: {  	[sflag:s0] =	ssyncpa.u1 $0x1  }
0x2e9: {  	_ =	strace $0x90000065  }
0x2ea: {  	[bflag:$0x2] =	sbarrier.arrive $0xFFFF  }
0x2eb: {  	s0 =	rddreg [dreg:$0x3]  }
0x2ec: {  	s0 =	sadd.s32 @!p0 $0x100000, s0  }
0x2ed: {  	[sflag:s0] =	ssyncadd.tile.s32 @!p0 $0x1;
	_ =	shalt  }
.Lfunc_end3:
_tile_overlayer_lowered:
.L_overlay_start_3:
0x2ee: {  	(tag) =	ssettag $0x3  }
0x2ef: {  	s0 =	rddreg [dreg:$0x0];
	s2 =	stileid.u32  }
0x2f0: {  	s1 =	rddreg [dreg:$0x1];
	p0 =	sne.s32 s2, $0x0  }
0x2f1: {  	s3 =	rddreg [dreg:$0x2];
	[bflag:$0x3] =	sbarrier.arrive $0xFFFF;
	s2 =	simm.s32 @!p0 $0x1C01  }
0x2f2: {  	[timem:s3], [sflag:s2] =	dma.local @!p0 [hbm:s0], s1  }
0x2f3: {  	s0 =	simm.s32 @!p0 $0x1  }
0x2f4: {  	_ =	swait.ge @!p0 [sflag:s0], s1  }
0x2f5: {  	s1 =	ssub.s32 @!p0 $0x0, s1;
	[sflag:s0] =	ssyncset.done @!p0 $0x0  }
0x2f6: {  	[sflag:s0] =	ssyncadd.s32 @!p0 s1  }
0x2f7: {  	[bflag:$0x3] =	sbarrier.arrive $0xFFFF  }
0x2f8: {  	_ =	shalt  }

// kernel: scatter_offload_async_start
scs
__scs_entry_jumppad:
0x0: {  	(pc) =	sbr.rel $0x88, $3  }
0x1: {  	(tag) =	ssettag $0x0;
	lr =	simm.s32 $0x1  }
0x2: {  	[smem:$0x3F7E] =	sst lr;
	_ =	strace $0xD0000000  }
0x3: {  	_ = 	snop  }
0x4: {  	_ = 	snop  }
0x5: {  	_ = 	snop  }
0x6: {  	_ = 	snop  }
0x7: {  	_ = 	snop  }
__scs_overlays_trampoline_lowered:
0x8: {  	[smem:$0x3F8D] =	sst s0  }
0x9: {  	[smem:$0x3F8E] =	sst s1  }
0xa: {  	[smem:$0x3F8F] =	sst s2  }
0xb: {  	[smem:$0x3F90] =	sst s3  }
0xc: {  	[smem:$0x3F91] =	sst s4  }
0xd: {  	[smem:$0x3F92] =	sst s5  }
0xe: {  	[smem:$0x3F93] =	sst s6  }
0xf: {  	[smem:$0x3F94] =	sst s7  }
0x10: {  	[smem:$0x3F95] =	sst s8  }
0x11: {  	[smem:$0x3F96] =	sst s9;
	s0 =	simm.s32 @!p0 $0x0  }
0x12: {  	s1 =	sld [smem:$0x3F7C];
	s0 =	simm.s32 @p0 $0x1  }
0x13: {  	[smem:$0x3F97] =	sst s0;
	s0 =	simm.s32 @!p1 $0x0  }
0x14: {  	s2 =	sld [smem:$0x3F7B];
	s0 =	simm.s32 @p1 $0x1  }
0x15: {  	[smem:$0x3F98] =	sst s0;
	s0 =	simm.s32 @!p2 $0x0  }
0x16: {  	s3 =	sld [smem:$0x3FDB];
	s0 =	simm.s32 @p2 $0x1  }
0x17: {  	s4 =	simm.s32 $0x1BF5;
	[smem:$0x3F9A] =	sst s0  }
0x18: {  	s0 =	sld [smem:$0x3F7D];
	_ =	swait.ge [sflag:s4], $0x0  }
0x19: {  	s7 =	sld [smem:$0x3F7E]  }
0x1a: {  	s8 =	sadd.s32 $0xFFFFE003, lr  }
0x1b: {  	s9 =	sadd.s32 $0xFFFFFEF7, lr;
	s5 =	simm.s32 $0xFFFFFFFF;
	p2 =	slt.u32 s8, $0xFFFFF086  }
0x1c: {  	p1 =	slt.u32 s9, $0xF7A;
	s5 =	simm.s32 @!p2 $0x0  }
0x1d: {  	s5 =	simm.s32 @p1 $0x1;
	p0 =	seq.s32 s7, s2  }
0x1e: {  	s7 =	smul.u32 @!p0 $0xF7A, s2;
	p2 =	seq.s32 @!p0 s5, $0x0  }
0x1f: {  	s9 =	smul.u32 $0xF7A, s1;
	s8 =	simm.s32 @!p0 $0x1BF5;
	p2 =	por !p2, p0  }
0x20: {  	[sflag:s8] =	ssyncset.s32 @!p0 $0xFFFFF086;
	s6 =	sadd.s32 @!p0 s3, s7;
	s7 =	simm.s32 @!p0 $0x108  }
0x21: {  	s3 =	sadd.s32 s3, s9;
	s6 =	sadd.s32 @!p0 $0x88, s6;
	s7 =	simm.s32 @p2 $0x1082  }
0x22: {  	[simem:s7], [sflag:s8] =	dma.local @!p0 [hbm:s6], $0xF7A  }
0x23: {  	s9 =	sor.u32 $0xD0000000, s2;
	s6 =	simm.s32 $0x108;
	_ =	swait.ge @!p0 [sflag:s8], $0x0  }
0x24: {  	s3 =	sadd.s32 $0x88, s3;
	s6 =	simm.s32 @!p1 $0x1082;
	[sflag:s4] =	ssyncset.s32 $0xFFFFF086  }
0x25: {  	[simem:s6], [sflag:s4] =	dma.local [hbm:s3], $0xF7A  }
0x26: {  	[smem:$0x3F7E] =	sst s1;
	(tag) =	ssettag s2;
	_ =	strace s9  }
0x27: {  	s1 =	sld [smem:$0x3F8E]  }
0x28: {  	s2 =	sld [smem:$0x3F8F]  }
0x29: {  	s4 =	sld [smem:$0x3F91]  }
0x2a: {  	p0 =	seq.s32 s5, $0x0;
	s5 =	sld [smem:$0x3F92]  }
0x2b: {  	s6 =	sld [smem:$0x3F93]  }
0x2c: {  	s7 =	sld [smem:$0x3F94]  }
0x2d: {  	s3 =	simm.s32 $0x108;
	s8 =	sld [smem:$0x3F95]  }
0x2e: {  	s3 =	simm.s32 @!p0 $0x1082;
	s9 =	sld [smem:$0x3F96]  }
0x2f: {  	lr =	sadd.s32 s0, s3;
	s0 =	sld [smem:$0x3F8D]  }
0x30: {  	s3 =	sld [smem:$0x3F90]  }
0x31: {  	[smem:$0x3F99] =	sst s10  }
0x32: {  	s10 =	sld [smem:$0x3F97];
	_ =	sdelay $0x3  }
0x33: {  	p0 =	seq.s32 s10, $0x1;
	s10 =	sld [smem:$0x3F99];
	_ =	sdelay $0x3  }
0x34: {  	[smem:$0x3F99] =	sst s10  }
0x35: {  	s10 =	sld [smem:$0x3F98];
	_ =	sdelay $0x3  }
0x36: {  	p1 =	seq.s32 s10, $0x1;
	s10 =	sld [smem:$0x3F99];
	_ =	sdelay $0x3  }
0x37: {  	[smem:$0x3F99] =	sst s10  }
0x38: {  	s10 =	sld [smem:$0x3F9A]  }
0x39: {  	_ = 	snop;
	(pc) =	sbr.ind lr, $3  }
0x3a: {  	_ = 	snop  }
0x3b: {  	_ = 	snop  }
0x3c: {  	p2 =	seq.s32 s10, $0x1;
	s10 =	sld [smem:$0x3F99]  }
0x3d: {  	_ =	shalt  }
0x3e: {  	_ =	shalt  }
0x3f: {  	_ =	shalt  }
0x40: {  	_ =	shalt  }
0x41: {  	_ =	shalt  }
0x42: {  	_ =	shalt  }
0x43: {  	_ =	shalt  }
0x44: {  	_ =	shalt  }
0x45: {  	_ =	shalt  }
0x46: {  	_ =	shalt  }
0x47: {  	_ =	shalt  }
0x48: {  	_ =	shalt  }
0x49: {  	_ =	shalt  }
0x4a: {  	_ =	shalt  }
0x4b: {  	_ =	shalt  }
0x4c: {  	_ =	shalt  }
0x4d: {  	_ =	shalt  }
0x4e: {  	_ =	shalt  }
0x4f: {  	_ =	shalt  }
0x50: {  	_ =	shalt  }
0x51: {  	_ =	shalt  }
0x52: {  	_ =	shalt  }
0x53: {  	_ =	shalt  }
0x54: {  	_ =	shalt  }
0x55: {  	_ =	shalt  }
0x56: {  	_ =	shalt  }
0x57: {  	_ =	shalt  }
0x58: {  	_ =	shalt  }
0x59: {  	_ =	shalt  }
0x5a: {  	_ =	shalt  }
0x5b: {  	_ =	shalt  }
0x5c: {  	_ =	shalt  }
0x5d: {  	_ =	shalt  }
0x5e: {  	_ =	shalt  }
0x5f: {  	_ =	shalt  }
0x60: {  	_ =	shalt  }
0x61: {  	_ =	shalt  }
0x62: {  	_ =	shalt  }
0x63: {  	_ =	shalt  }
0x64: {  	_ =	shalt  }
0x65: {  	_ =	shalt  }
0x66: {  	_ =	shalt  }
0x67: {  	_ =	shalt  }
0x68: {  	_ =	shalt  }
0x69: {  	_ =	shalt  }
0x6a: {  	_ =	shalt  }
0x6b: {  	_ =	shalt  }
0x6c: {  	_ =	shalt  }
0x6d: {  	_ =	shalt  }
0x6e: {  	_ =	shalt  }
0x6f: {  	_ =	shalt  }
0x70: {  	_ =	shalt  }
0x71: {  	_ =	shalt  }
0x72: {  	_ =	shalt  }
0x73: {  	_ =	shalt  }
0x74: {  	_ =	shalt  }
0x75: {  	_ =	shalt  }
0x76: {  	_ =	shalt  }
0x77: {  	_ =	shalt  }
0x78: {  	_ =	shalt  }
0x79: {  	_ =	shalt  }
0x7a: {  	_ =	shalt  }
0x7b: {  	_ =	shalt  }
0x7c: {  	_ =	shalt  }
0x7d: {  	_ =	shalt  }
0x7e: {  	_ =	shalt  }
0x7f: {  	_ =	shalt  }
0x80: {  	_ =	shalt  }
0x81: {  	_ =	shalt  }
0x82: {  	_ =	shalt  }
0x83: {  	_ =	shalt  }
0x84: {  	_ =	shalt  }
0x85: {  	_ =	shalt  }
0x86: {  	_ =	shalt  }
0x87: {  	_ =	shalt  }
.Lfunc_end0:
.L_simem_size_0:
called_computation_lowered:
.L_overlay_start_0:
0x88: {  	s2 =	sld [smem:$0x3FD9]  }
0x89: {  	s3 =	sld [smem:$0x3FFE];
	_ =	sdelay $0x1  }
0x8a: {  	s1 =	srdreg.scid  }
0x8b: {  	s0 =	sand.u32 $0x1, s1  }
0x8c: {  	s10 =	sshll.u32 s0, $0xA;
	s2 =	sadd.s32 s3, s2  }
0x8d: {  	s2 =	sadd.s32 s2, s10  }
0x8e: {  	[smem:$0x3FA5] =	sst s2  }
0x8f: {  	_ = 	snop  }
0x90: {  	s2 =	sld [smem:$0x3FD0];
	_ =	sdelay $0x2  }
0x91: {  	s11 =	simm.s32 $0x11;
	s4 =	simm.s32 $0x10  }
0x92: {  	[smem:s4], [sflag:s11] =	dma.local [hbm:s2], $0x1  }
0x93: {  	_ =	swait.eq [sflag:s11], $0x1  }
0x94: {  	[sflag:s11] =	ssyncset.done $0x0  }
0x95: {  	[sflag:s11] =	ssyncadd.s32 $0xFFFFFFFF  }
0x96: {  	s12 =	sld [smem:$0x10];
	(tm) =	ssettm $0x1  }
0x97: {  	s13 =	sld [smem:$0x3FFB];
	_ =	sdelay $0x3  }
0x98: {  	_ =	strace s13  }
0x99: {  	s2 =	sld [smem:$0x3FFC];
	_ =	sdelay $0x3  }
0x9a: {  	_ =	strace s2  }
0x9b: {  	s2 =	sld [smem:$0x3FFD];
	_ =	sdelay $0x3  }
0x9c: {  	_ =	strace s2  }
0x9d: {  	_ =	strace $0x8FFFFFFF  }
0x9e: {  	s14 =	sld [smem:$0x3FDB];
	_ =	sdelay $0x1  }
0x9f: {  	s15 =	simm.s32 $_scs_section_size  }
0xa0: {  	s5 =	simm.s32 $_size__tile_overlayer_lowered;
	s6 =	simm.s32 $_tile_overlayer_lowered  }
0xa1: {  	s19 =	simm.s32 $0x1BFF;
	s17 =	sshll.u32 s6, $0x1;
	s7 =	sadd.s32 s15, s14  }
0xa2: {  	s20 =	simm.s32 $0x0;
	s16 =	sshll.u32 s5, $0x1;
	s18 =	sadd.s32 s17, s7  }
0xa3: {  	[timem:s20], [sflag:s19] =	dma.local [hbm:s18], s16  }
0xa4: {  	_ =	swait.ge [sflag:s19], s16  }
0xa5: {  	s3 =	ssub.s32 $0x0, s16;
	[sflag:s19] =	ssyncset.done $0x0  }
0xa6: {  	[sflag:s19] =	ssyncadd.s32 s3;
	_ =	sdelay $0x1  }
0xa7: {  	s21 =	simm.s32 $0x1B8B  }
0xa8: {  	_ =	swait.ge [sflag:s21], $0x1  }
0xa9: {  	[sflag:s21] =	ssyncset.done $0x0  }
0xaa: {  	[sflag:s21] =	ssyncadd.s32 $0xFFFFFFFF  }
0xab: {  	s3 =	sld [smem:$0x0]  }
0xac: {  	s5 =	sand.u32 $0xFFFFFFFE, s1  }
0xad: {  	p0 =	sne.s32 s1, s5  }
0xae: {  	s5 =	sshll.u32 @p0 s5, $0xE  }
0xaf: {  	s6 =	sadd.s32 @p0 $0x11B8D, s5;
	s8 =	sshll.u32 @p0 s3, $0x11  }
0xb0: {  	s6 =	sor.u32 @p0 s8, s6  }
0xb1: {  	[sflag:s6] =	ssyncadd.remote.s32 @p0 $0x1;
	_ =	sdelay $0x1  }
0xb2: {  	s6 =	simm.s32 @p0 $0x1B8D  }
0xb3: {  	_ =	swait.eq @p0 [sflag:s6], $0x1  }
0xb4: {  	[sflag:s6] =	ssyncadd.s32 @p0 $0xFFFFFFFF  }
0xb5: {  	s8 =	sshll.u32 @!p0 s1, $0xE  }
0xb6: {  	s8 =	sor.u32 @!p0 $0x4000, s8;
	s6 =	simm.s32 @!p0 $0x1B8D  }
0xb7: {  	s10 =	sshll.u32 @!p0 s3, $0x11;
	s9 =	sadd.s32 @!p0 $0x11B8D, s8;
	_ =	swait.eq @!p0 [sflag:s6], $0x1  }
0xb8: {  	[sflag:s6] =	ssyncadd.s32 @!p0 $0xFFFFFFFF;
	s6 =	sor.u32 @!p0 s10, s9  }
0xb9: {  	s23 =	simm.s32 $0x1B8E;
	s22 =	sld [smem:$0x3FFE];
	[sflag:s6] =	ssyncadd.remote.s32 @!p0 $0x1  }
0xba: {  	s24 =	simm.s32 $execute0_lowered;
	[smem:$0x3FD2] =	sst s23  }
0xbb: {  	s9 =	sshll.u32 s24, $0x1;
	_ =	strace $0x8000004F;
	[dreg:$0x1] =	wrdreg $0xFFFFFFFF  }
0xbc: {  	s25 =	simm.s32 $_size_execute0_lowered;
	s9 =	sadd.s32 s7, s9;
	[dreg:$0x0] =	wrdreg $0x0  }
0xbd: {  	s10 =	sshll.u32 s25, $0x1;
	[dreg:$0x2] =	wrdreg s9  }
0xbe: {  	[dreg:$0x3] =	wrdreg s10  }
0xbf: {  	[dreg:$0x4] =	wrdreg $0xC0  }
0xc0: {  	s26 =	simm.s32 $execute1_lowered;
	_ =	task [dreg:s20], $0x5FFFF  }
0xc1: {  	s9 =	sshll.u32 s26, $0x1;
	[dreg:$0x1] =	wrdreg $0xFFFFFFFF  }
0xc2: {  	s7 =	sadd.s32 s7, s9;
	[dreg:$0x0] =	wrdreg $0x60  }
0xc3: {  	[dreg:$0x2] =	wrdreg s7  }
0xc4: {  	[dreg:$0x3] =	wrdreg s12  }
0xc5: {  	[dreg:$0x4] =	wrdreg s22  }
0xc6: {  	[dreg:$0x5] =	wrdreg $0x9  }
0xc7: {  	_ =	task.clear_ibuf [dreg:s20], $0x6FFFF;
	_ =	strace $0x9000004F  }
0xc8: {  	s28 =	simm.s32 $0x9;
	_ =	strace $0x80000051  }
0xc9: {  	_ =	swait.ge [sflag:s28], $0x1  }
0xca: {  	[sflag:s28] =	ssyncadd.s32 $0xFFFFFFFF  }
0xcb: {  	_ =	strace $0x90000051  }
0xcc: {  	s4 =	sld [smem:$0x0];
	_ =	sdelay $0x3  }
0xcd: {  	s5 =	sadd.s32 @p0 $0x11BF3, s5;
	s7 =	sshll.u32 @p0 s4, $0x11  }
0xce: {  	s5 =	sor.u32 @p0 s7, s5  }
0xcf: {  	[sflag:s5] =	ssyncadd.remote.s32 @p0 $0x1;
	_ =	sdelay $0x1  }
0xd0: {  	s5 =	simm.s32 @p0 $0x1BF3  }
0xd1: {  	_ =	swait.eq @p0 [sflag:s5], $0x1  }
0xd2: {  	[sflag:s5] =	ssyncadd.s32 @p0 $0xFFFFFFFF;
	_ =	sdelay $0x1  }
0xd3: {  	s5 =	simm.s32 @!p0 $0x1BF3  }
0xd4: {  	s4 =	sshll.u32 @!p0 s4, $0x11;
	s7 =	sadd.s32 @!p0 $0x11BF3, s8;
	_ =	swait.eq @!p0 [sflag:s5], $0x1  }
0xd5: {  	s4 =	sor.u32 @!p0 s4, s7;
	[sflag:s5] =	ssyncadd.s32 @!p0 $0xFFFFFFFF  }
0xd6: {  	[sflag:s4] =	ssyncadd.remote.s32 @!p0 $0x1  }
0xd7: {  	_ =	strace $0x80000052;
	[dreg:$0x1] =	wrdreg $0xFFFFFFFF  }
0xd8: {  	[dreg:$0x0] =	wrdreg $0x2030  }
0xd9: {  	[dreg:$0x2] =	wrdreg s22  }
0xda: {  	[dreg:$0x3] =	wrdreg s1  }
0xdb: {  	[dreg:$0x4] =	wrdreg s3  }
0xdc: {  	[dreg:$0x5] =	wrdreg $0xA  }
0xdd: {  	_ =	task.clear_ibuf [dreg:s20], $0x6FFFF;
	_ =	strace $0x90000052  }
0xde: {  	s29 =	simm.s32 $0xA;
	_ =	strace $0x80000054  }
0xdf: {  	_ =	swait.ge [sflag:s29], $0x1  }
0xe0: {  	[sflag:s29] =	ssyncadd.s32 $0xFFFFFFFF  }
0xe1: {  	_ =	strace $0x90000054  }
0xe2: {  	_ =	sfence  }
0xe3: {  	s30 =	sld [smem:$0x0];
	_ =	sdelay $0x2  }
0xe4: {  	s31 =	sshll.u32 s1, $0xD;
	s1 =	sshrl.u32 s1, $0x2  }
0xe5: {  	s4 =	sand.u32 $0x4000, s31;
	s1 =	sadd.s32 s1, s30  }
0xe6: {  	s0 =	sor.u32 s4, s0;
	s1 =	sshll.u32 s1, $0x11  }
0xe7: {  	s0 =	sor.u32 s1, s0  }
0xe8: {  	s0 =	sadd.s32 $0x8F2B, s0  }
0xe9: {  	[sflag:s0] =	ssyncadd.remote.s32 $0x1  }
0xea: {  	_ =	sfence.sel $0xFFFF  }
0xeb: {  	[dreg:$0x0] =	wrdreg $0xFFFFFFFF;
	(pc) =	sbr.abs _section_cstart, $3  }
0xec: {  	[dreg:$0x1] =	wrdreg $0xFFFFFFFF  }
0xed: {  	_ =	task.clear_ibuf [dreg:s20], $0x2FFFF;
	_ =	strace $0x9FFFFFFF  }
0xee: {  	(tm) =	ssettm $0x7FFFFFFF  }
0xef: {  	_ =	shalt  }
tec
execute0_lowered:
.L_overlay_start_1:
0x0: {  	(tag) =	ssettag $0x1  }
0x1: {  	s3 =	rddreg [dreg:$0x0]  }
0x2: {  	s2 =	rddreg [dreg:$0x1]  }
0x3: {  	s4 =	rddreg [dreg:$0x2]  }
0x4: {  	s0 =	rddreg [dreg:$0x3]  }
0x5: {  	s5 =	stileid.u32;
	[bflag:$0x3] =	sbarrier.arrive $0xFFFF;
	s1 =	simm.s32 $_size_execute1_lowered  }
0x6: {  	s29 =	srdreg.scid;
	s31 =	simm.s32 $0x2;
	p0 =	sne.s32 s5, $0x0  }
0x7: {  	s1 =	sshll.u32 s1, $0x1;
	s6 =	simm.s32 @!p0 $0x1C3F;
	s7 =	simm.s32 @!p0 $0x4060  }
0x8: {  	[timem:s7], [sflag:s6] =	dma.local @!p0 [hbm:s3], s1  }
0x9: {  	s8 =	simm.s32 $0x0;
	s12 =	simm.s32 $0x0;
	s3 =	sshll.u32 s29, $0x7  }
.Ltmp0:
0xa: {  	s5 =	sshll.u32 s5, $0x8;
	s3 =	sand.u32 $0x80, s3;
	(pc) =	sbr.rel .LBB2_1-.Ltmp0, $4  }
0xb: {  	s10 =	simm.s32 $0x0;
	s11 =	simm.s32 $0x0;
	s3 =	sor.u32 s5, s3  }
0xc: {  	_ =	strace $0x80000050;
	s5 =	simm.s32 $0x1;
	s30 =	ssub.s32 $0x2700, s3  }
0xd: {  	s4 =	sadd.s32 $0x1DB4A00, s4;
	[sflag:s5] =	ssyncpa.u1 $0x0;
	s6 =	sshrl.u32 s30, $0xC  }
0xe: {  	s9 =	smov.u32 s3;
	[sflag:s31] =	ssyncpa.u1 $0x0;
	s7 =	sadd.s32 $0x2, s6  }
.LBB2_4:
0xf: {  	_ = 	snop  }
.LBB2_7:
0x10: {  	_ =	sdelay $0x3  }
0x11: {  	[tilespmem:v0+s16+$0x0 ss:$0x1] =	vst.idx.msk @p1 $0xffff, v2  }
0x12: {  	v56 =	vld.idx.msk [tilespmem:v1+s15+$0x0 ss:$0x1], $0xffff;
	s24 =	sor.u32 $0x70, s15;
	[tilespmem:v0+s17+$0x0 ss:$0x1] =	vst.idx.msk @p1 $0xffff, v4  }
0x13: {  	s25 =	sor.u32 $0x10, s15;
	[tilespmem:v0+s18+$0x0 ss:$0x1] =	vst.idx.msk @p1 $0xffff, v3;
	v57 =	vld.idx.msk [tilespmem:v1+s24+$0x0 ss:$0x1], $0xffff  }
0x14: {  	s26 =	sor.u32 $0x20, s15;
	[tilespmem:v0+s19+$0x0 ss:$0x1] =	vst.idx.msk @p1 $0xffff, v5;
	v58 =	vld.idx.msk [tilespmem:v1+s25+$0x0 ss:$0x1], $0xffff  }
0x15: {  	s28 =	sor.u32 $0x30, s15;
	[tilespmem:v0+s20+$0x0 ss:$0x1] =	vst.idx.msk @p1 $0xffff, v6;
	v59 =	vld.idx.msk [tilespmem:v1+s26+$0x0 ss:$0x1], $0xffff  }
0x16: {  	s29 =	sor.u32 $0x40, s15;
	[tilespmem:v0+s21+$0x0 ss:$0x1] =	vst.idx.msk @p1 $0xffff, v7;
	v60 =	vld.idx.msk [tilespmem:v1+s28+$0x0 ss:$0x1], $0xffff  }
0x17: {  	s30 =	sor.u32 $0x50, s15;
	v61 =	vld.idx.msk [tilespmem:v1+s29+$0x0 ss:$0x1], $0xffff;
	[tilespmem:v0+s15+$0x0 ss:$0x1] =	vst.idx.msk $0xffff, v56  }
0x18: {  	s31 =	sor.u32 $0x60, s15;
	v62 =	vld.idx.msk [tilespmem:v1+s30+$0x0 ss:$0x1], $0xffff;
	[tilespmem:v0+s24+$0x0 ss:$0x1] =	vst.idx.msk $0xffff, v57  }
0x19: {  	v63 =	vld.idx.msk [tilespmem:v1+s31+$0x0 ss:$0x1], $0xffff;
	[tilespmem:v0+s25+$0x0 ss:$0x1] =	vst.idx.msk $0xffff, v58  }
0x1a: {  	[tilespmem:v0+s26+$0x0 ss:$0x1] =	vst.idx.msk $0xffff, v59  }
0x1b: {  	[tilespmem:v0+s28+$0x0 ss:$0x1] =	vst.idx.msk $0xffff, v60  }
0x1c: {  	[tilespmem:v0+s29+$0x0 ss:$0x1] =	vst.idx.msk $0xffff, v61  }
0x1d: {  	[tilespmem:v0+s30+$0x0 ss:$0x1] =	vst.idx.msk $0xffff, v62  }
0x1e: {  	[tilespmem:v0+s31+$0x0 ss:$0x1] =	vst.idx.msk $0xffff, v63  }
.LBB2_8:
0x1f: {  	s15 =	sand.u32 $0x1FFFFFF, s10  }
0x20: {  	s16 =	smulhi.u32 $0x1A36E2F, s15;
	_ =	sdelay $0x1  }
0x21: {  	s16 =	sshrl.u32 s16, $0x6  }
0x22: {  	s16 =	smul.u32 $0x2710, s16;
	_ =	sdelay $0x1  }
0x23: {  	s15 =	ssub.s32 s15, s16  }
0x24: {  	s15 =	sshll.u32 s15, $0x4  }
0x25: {  	s15 =	sadd.s32 s4, s15  }
0x26: {  	[hbm4b:s15+s8] =	stream.linear.scatter [tilespmem:s14], [sflag:$0x2], s13, $0x38;
	[tilespmem:$0x10000] =	vst v63  }
.LBB2_9:
0x27: {  	p1 =	slt.u32 s11, $0x2  }
0x28: {  	p2 =	sgt.s32 @!p1 s12, $0x2690  }
0x29: {  	s13 =	smov.u32 s12;
	s14 =	sshra.s32 @!p1 s12, $0x1F;
	p2 =	por !p2, p1  }
0x2a: {  	s12 =	sand.u32 @!p1 s14, s12;
	s13 =	simm.s32 @p2 $0x2690  }
0x2b: {  	s12 =	ssub.s32 @!p1 s13, s12  }
0x2c: {  	s12 =	sadd.s32 @!p1 $0xFFFFD970, s12  }
0x2d: {  	s13 =	sshll.u32 @!p1 s12, $0x9  }
0x2e: {  	p2 =	sgt.s32 @!p1 s12, $0x7F;
	s12 =	ssub.s32 @!p1 $0x10000, s13  }
0x2f: {  	s14 =	sadd.s32 $0x1000, s9;
	p2 =	por !p2, p1;
	s12 =	sshrl.u32 @!p1 s12, $0x2  }
0x30: {  	s12 =	simm.s32 @!p2 $0x0;
	p2 =	sgt.s32 s14, $0x270F  }
0x31: {  	s14 =	smov.u32 @p2 s3;
	p2 =	sne.s32 s11, s7  }
.Ltmp1:
0x32: {  	_ = 	snop;
	(pc) =	sbr.rel @!p2 .LBB2_10-.Ltmp1, $4  }
0x33: {  	s13 =	simm.s32 @!p1 $0x2  }
0x34: {  	_ =	swait.ge @!p1 [sflag:s13], s12;
	s15 =	ssub.s32 @!p1 $0x0, s12  }
0x35: {  	s12 =	smov.u32 s10;
	s11 =	sadd.s32 $0x1, s11;
	[sflag:s13] =	ssyncset.done @!p1 $0x0  }
0x36: {  	s10 =	smov.u32 s9;
	s9 =	smov.u32 s14;
	[sflag:s13] =	ssyncadd.s32 @!p1 s15  }
.LBB2_1:
0x37: {  	p1 =	sgt.u32 s11, s6  }
0x38: {  	s13 =	sand.u32 @!p1 $0x1FFFFFF, s9  }
0x39: {  	p2 =	sgt.s32 @!p1 s9, $0x2690;
	s14 =	smulhi.u32 @!p1 $0x1A36E2F, s13  }
0x3a: {  	s15 =	smov.u32 s9;
	s16 =	sshra.s32 @!p1 s9, $0x1F;
	p2 =	por !p2, p1  }
0x3b: {  	s16 =	sand.u32 @!p1 s16, s9;
	s15 =	simm.s32 @p2 $0x2690;
	s14 =	sshrl.u32 @!p1 s14, $0x6  }
0x3c: {  	s15 =	ssub.s32 @!p1 s15, s16;
	s14 =	smul.u32 @!p1 $0x2710, s14  }
0x3d: {  	s16 =	sxor.u32 @!p1 $0xFFFFFFFF, s11;
	s15 =	sadd.s32 @!p1 $0xFFFFD970, s15  }
0x3e: {  	s16 =	sshll.u32 @!p1 s16, $0xE;
	s13 =	ssub.s32 @!p1 s13, s14;
	s14 =	sshll.u32 @!p1 s15, $0x9  }
0x3f: {  	s16 =	sand.u32 @!p1 $0x4000, s16;
	p2 =	sgt.s32 @!p1 s15, $0x7F;
	s14 =	ssub.s32 @!p1 $0x10000, s14  }
0x40: {  	p2 =	por !p2, p1;
	s13 =	sshll.u32 @!p1 s13, $0x4;
	s14 =	sshrl.u32 @!p1 s14, $0x2  }
0x41: {  	s15 =	simm.s32 @!p1 $0x0;
	s13 =	sadd.s32 @!p1 s2, s13;
	s14 =	simm.s32 @!p2 $0x0  }
0x42: {  	[tilespmem:s16], [sflag:$0x1] =	stream.linear.gather @!p1 [hbm4b:s13+s15], s14, $0x38;
	[tilespmem:$0x10000] =	vst v63  }
0x43: {  	p1 =	seq.s32 s11, $0x0  }
0x44: {  	p2 =	sge.u32 @!p1 s11, s7  }
0x45: {  	p1 =	por p1, p2  }
.Ltmp2:
0x46: {  	_ = 	snop;
	(pc) =	sbr.rel @p1 .LBB2_9-.Ltmp2, $1  }
0x47: {  	_ =	sdelay $0x3  }
0x48: {  	p1 =	sgt.s32 s10, $0x2690;
	s13 =	smov.u32 s10;
	s14 =	sshra.s32 s10, $0x1F  }
0x49: {  	s13 =	simm.s32 @!p1 $0x2690;
	s14 =	sand.u32 s14, s10  }
0x4a: {  	s13 =	ssub.s32 s13, s14  }
0x4b: {  	s13 =	sadd.s32 $0xFFFFD970, s13  }
0x4c: {  	s31 =	sshll.u32 s13, $0x9  }
0x4d: {  	s14 =	ssub.s32 $0x10000, s31  }
0x4e: {  	p1 =	sgt.s32 s13, $0x7F;
	s13 =	sshrl.u32 s14, $0x2;
	s14 =	sadd.s32 $0x80, s10  }
0x4f: {  	s13 =	simm.s32 @p1 $0x0;
	p1 =	slt.s32 s14, $0x2710  }
0x50: {  	s14 =	simm.s32 @!p1 $0x2710  }
0x51: {  	s16 =	ssub.s32 s14, s10  }
0x52: {  	p1 =	slt.s32 s16, $0x1  }
.Ltmp3:
0x53: {  	_ = 	snop;
	(pc) =	sbr.rel @p1 .LBB2_8-.Ltmp3, $4  }
0x54: {  	_ = 	snop  }
0x55: {  	s15 =	sshll.u32 s11, $0xE;
	_ =	swait.ge [sflag:s5], s13  }
0x56: {  	s15 =	sand.u32 $0x4000, s15;
	s17 =	ssub.s32 $0x0, s13;
	[sflag:s5] =	ssyncset.done $0x0  }
0x57: {  	s14 =	sor.u32 $0x8000, s15;
	[sflag:s5] =	ssyncadd.s32 s17  }
0x58: {  	p2 =	sne.s32 s16, $0x1  }
.Ltmp4:
0x59: {  	v1 =	vmov s15;
	v0 =	vmov s14;
	(pc) =	sbr.rel @!p2 .LBB2_4-.Ltmp4, $3  }
0x5a: {  	_ =	sdelay $0x1  }
0x5b: {  	s17 =	simm.s32 $0x0  }
0x5c: {  	s23 =	sadd.s32 $0xFFFFFFFF, s16;
	p1 =	por $0x0, $0x0;
	s15 =	sand.u32 $0x3F80, s17  }
0x5d: {  	_ =	sdelay $0x3  }
0x5e: {  	v6 =	vld.idx.msk [tilespmem:v1+s15+$0x0 ss:$0x1], $0xffff;
	s24 =	sor.u32 $0x70, s15  }
0x5f: {  	s16 =	sor.u32 $0x10, s15;
	v8 =	vld.idx.msk [tilespmem:v1+s24+$0x0 ss:$0x1], $0xffff  }
0x60: {  	s17 =	sor.u32 $0x20, s15;
	p2 =	sne.s32 s23, $0x1;
	v2 =	vld.idx.msk [tilespmem:v1+s16+$0x0 ss:$0x1], $0xffff  }
.Ltmp5:
0x61: {  	s18 =	sor.u32 $0x30, s15;
	v4 =	vld.idx.msk [tilespmem:v1+s17+$0x0 ss:$0x1], $0xffff;
	(pc) =	sbr.rel @!p2 .LBB2_7-.Ltmp5, $4  }
0x62: {  	s19 =	sor.u32 $0x40, s15;
	v3 =	vld.idx.msk [tilespmem:v1+s18+$0x0 ss:$0x1], $0xffff  }
0x63: {  	s21 =	sor.u32 $0x60, s15;
	v5 =	vld.idx.msk [tilespmem:v1+s19+$0x0 ss:$0x1], $0xffff  }
0x64: {  	s20 =	sor.u32 $0x50, s15;
	s22 =	simm.s32 $0x80;
	v7 =	vld.idx.msk [tilespmem:v1+s21+$0x0 ss:$0x1], $0xffff;
	[tilespmem:v0+s15+$0x0 ss:$0x1] =	vst.idx.msk $0xffff, v6  }
0x65: {  	s23 =	sadd.s32 $0xFFFFFFFF, s23;
	p1 =	por $0x1, $0x1;
	v6 =	vld.idx.msk [tilespmem:v1+s20+$0x0 ss:$0x1], $0xffff;
	s15 =	sand.u32 $0x3F80, s22;
	[tilespmem:v0+s24+$0x0 ss:$0x1] =	vst.idx.msk $0xffff, v8  }
.LBB2_6:
0x66: {  	p2 =	sne.s32 s23, $0x1;
	v8 =	vld.idx.msk [tilespmem:v1+s15+$0x0 ss:$0x1], $0xffff;
	s24 =	sor.u32 $0x70, s15;
	[tilespmem:v0+s16+$0x0 ss:$0x1] =	vst.idx.msk $0xffff, v2;
	s16 =	sor.u32 $0x10, s15  }
0x67: {  	s25 =	sor.u32 $0x30, s15;
	s26 =	sor.u32 $0x40, s15;
	v9 =	vld.idx.msk [tilespmem:v1+s24+$0x0 ss:$0x1], $0xffff;
	[tilespmem:v0+s17+$0x0 ss:$0x1] =	vst.idx.msk $0xffff, v4;
	s17 =	sor.u32 $0x20, s15  }
0x68: {  	s28 =	sor.u32 $0x50, s15;
	s29 =	sor.u32 $0x60, s15;
	v2 =	vld.idx.msk [tilespmem:v1+s16+$0x0 ss:$0x1], $0xffff;
	[tilespmem:v0+s18+$0x0 ss:$0x1] =	vst.idx.msk $0xffff, v3;
	s18 =	smov.u32 s25  }
.Ltmp6:
0x69: {  	v4 =	vld.idx.msk [tilespmem:v1+s17+$0x0 ss:$0x1], $0xffff;
	[tilespmem:v0+s19+$0x0 ss:$0x1] =	vst.idx.msk $0xffff, v5;
	s19 =	smov.u32 s26;
	(pc) =	sbr.rel @p2 .LBB2_6-.Ltmp6, $4  }
0x6a: {  	v3 =	vld.idx.msk [tilespmem:v1+s18+$0x0 ss:$0x1], $0xffff;
	[tilespmem:v0+s20+$0x0 ss:$0x1] =	vst.idx.msk $0xffff, v6;
	s20 =	smov.u32 s28  }
0x6b: {  	v5 =	vld.idx.msk [tilespmem:v1+s19+$0x0 ss:$0x1], $0xffff;
	[tilespmem:v0+s21+$0x0 ss:$0x1] =	vst.idx.msk $0xffff, v7;
	s21 =	smov.u32 s29  }
0x6c: {  	s22 =	sadd.s32 $0x80, s22;
	[tilespmem:v0+s15+$0x0 ss:$0x1] =	vst.idx.msk $0xffff, v8;
	v6 =	vld.idx.msk [tilespmem:v1+s20+$0x0 ss:$0x1], $0xffff  }
0x6d: {  	s23 =	sadd.s32 $0xFFFFFFFF, s23;
	s15 =	sand.u32 $0x3F80, s22;
	v7 =	vld.idx.msk [tilespmem:v1+s21+$0x0 ss:$0x1], $0xffff;
	[tilespmem:v0+s24+$0x0 ss:$0x1] =	vst.idx.msk $0xffff, v9  }
.Ltmp7:
0x6e: {  	_ = 	snop;
	(pc) =	sbr.rel .LBB2_7-.Ltmp7, $1  }
0x6f: {  	_ =	sdelay $0x3  }
.LBB2_10:
0x70: {  	_ =	sfence.sel $0x180000  }
0x71: {  	s2 =	simm.s32 $0x1;
	[bflag:$0x0] =	sbarrier.arrive $0xFFFF  }
0x72: {  	s31 =	simm.s32 $0x2;
	[sflag:s2] =	ssyncpa.u1 $0x1  }
0x73: {  	[sflag:s31] =	ssyncpa.u1 $0x1  }
0x74: {  	_ =	strace $0x90000050  }
0x75: {  	s0 =	sadd.s32 @!p0 $0x100000, s0;
	[bflag:$0x2] =	sbarrier.arrive $0xFFFF  }
0x76: {  	[sflag:s0] =	ssyncadd.tile.s32 @!p0 $0x1;
	s0 =	simm.s32 @!p0 $0x3F  }
0x77: {  	_ =	swait.ge @!p0 [sflag:s0], s1  }
0x78: {  	s1 =	ssub.s32 @!p0 $0x0, s1;
	[sflag:s0] =	ssyncset.done @!p0 $0x0  }
0x79: {  	[sflag:s0] =	ssyncadd.s32 @!p0 s1  }
0x7a: {  	[bflag:$0x3] =	sbarrier.arrive $0xFFFF  }
0x7b: {  	_ =	shalt  }
.Lfunc_end2:
execute1_lowered:
.L_overlay_start_2:
0x7c: {  	(tag) =	ssettag $0x2  }
0x7d: {  	s2 =	rddreg [dreg:$0x0]  }
0x7e: {  	s3 =	rddreg [dreg:$0x1];
	_ =	strace $0x80000053;
	s0 =	simm.s32 $0x1  }
0x7f: {  	v0 =	vimm.s32 $0x0;
	[sflag:s0] =	ssyncpa.u1 $0x0;
	s0 =	simm.s32 $0x108  }
0x80: {  	[tilespmem:s0+$0x70] =	vst v0  }
0x81: {  	[tilespmem:s0+$0x60] =	vst v0  }
0x82: {  	[tilespmem:s0+$0x50] =	vst v0  }
0x83: {  	[tilespmem:s0+$0x40] =	vst v0  }
0x84: {  	s1 =	sadd.s32 $0x1DB4A00, s2;
	[tilespmem:s0+$0x30] =	vst v0  }
0x85: {  	s15 =	sadd.s32 $0x4000, s2;
	s6 =	sadd.s32 $0x52D200, s2;
	[tilespmem:s0+$0x20] =	vst v0  }
0x86: {  	s14 =	sadd.s32 $0x1DAAC00, s2;
	s5 =	sand.u32 $0x1, s3;
	s3 =	simm.s32 $0x40;
	[tilespmem:s0+$0x10] =	vst v0  }
.LBB3_1:
0x87: {  	s3 =	sadd.s32 $0x40, s3;
	[tilespmem:s0+$0x0] =	vst v0;
	s0 =	sadd.s32 $0x80, s0  }
0x88: {  	p0 =	slt.u32 s3, $0x3C40;
	[tilespmem:s0+$0x70] =	vst v0  }
0x89: {  	[tilespmem:s0+$0x60] =	vst v0  }
.Ltmp8:
0x8a: {  	[tilespmem:s0+$0x50] =	vst v0;
	(pc) =	sbr.rel @p0 .LBB3_1-.Ltmp8, $4  }
0x8b: {  	[tilespmem:s0+$0x40] =	vst v0  }
0x8c: {  	[tilespmem:s0+$0x30] =	vst v0  }
0x8d: {  	[tilespmem:s0+$0x20] =	vst v0  }
0x8e: {  	[tilespmem:s0+$0x10] =	vst v0  }
0x8f: {  	s9 =	stileid.u32  }
0x90: {  	s2 =	smul.u32 $0x29, s9  }
0x91: {  	s3 =	smin.u32 s9, $0xB  }
0x92: {  	s2 =	sadd.s32 s3, s2  }
0x93: {  	p0 =	slt.u32 s9, $0xB;
	s7 =	smul.u32 $0xF0, s2;
	s2 =	simm.s32 $0x2760  }
0x94: {  	s2 =	simm.s32 @!p0 $0x2670  }
0x95: {  	s2 =	sadd.s32 s2, s7  }
0x96: {  	s8 =	smin.u32 s2, $0x27100  }
0x97: {  	s2 =	ssub.s32 s8, s7  }
0x98: {  	p0 =	sgt.s32 s2, $0x0  }
0x99: {  	s29 =	simm.s32 $0x2;
	s10 =	simm.s32 $0x9;
	s2 =	simm.s32 @!p0 $0x0  }
0x9a: {  	s4 =	simm.s32 $0xA;
	s11 =	simm.s32 $0xB;
	s28 =	smulhi.u32 $0x88888889, s2  }
0x9b: {  	[dreg:$0x4] =	wrdreg s5;
	s31 =	smul.u32 $0x4E20, s5;
	s12 =	simm.s32 $0x1  }
0x9c: {  	s22 =	simm.s32 $0x0;
	s18 =	simm.s32 $0xC;
	s30 =	sshrl.u32 s28, $0x7  }
0x9d: {  	s20 =	simm.s32 $0x0;
	s21 =	simm.s32 $0x0;
	s3 =	smul.u32 $0xF0, s30  }
.Ltmp9:
0x9e: {  	[tilespmem:s0+$0x0] =	vst v0;
	v0 =	vimm.s32 $0xFFFFFFFF;
	[sflag:s29] =	ssyncpa.u1 $0x0;
	s16 =	sshll.u32 s9, $0x8;
	(pc) =	sbr.rel .LBB3_3-.Ltmp9, $4  }
0x9f: {  	[tilespmem:$0xF208] =	vst v0;
	[sflag:s10] =	ssyncpa.u1 $0x0;
	p0 =	sne.s32 s2, s3;
	s2 =	simm.s32 $0x1  }
0xa0: {  	s14 =	sadd.s32 s31, s14;
	[sflag:s4] =	ssyncpa.u1 $0x0;
	s2 =	simm.s32 @!p0 $0x0  }
0xa1: {  	s15 =	sadd.s32 s31, s15;
	[sflag:s11] =	ssyncpa.u1 $0x0;
	s13 =	sadd.s32 s2, s30  }
0xa2: {  	v0 =	vlaneseq.u32;
	s19 =	smov.u32 s7;
	p0 =	por $0x0, $0x0;
	s17 =	sadd.s32 $0x1, s13  }
.LBB3_18:
0xa3: {  	s0 =	sshrl.u32 s31, $0x2  }
.LBB3_20:
0xa4: {  	_ =	swait.ge [sflag:s18], s0  }
0xa5: {  	s31 =	ssub.s32 $0x0, s0;
	v1 =	vmov s24;
	vm0 =	veq.s32 v0, $0x0;
	[sflag:s18] =	ssyncset.done $0x0  }
0xa6: {  	vm15 =	veq.s32 v0, $0x2;
	v1 =	vsel vm0, s30, v1;
	[sflag:s18] =	ssyncadd.s32 s31  }
0xa7: {  	v1 =	vsel vm15, s22, v1;
	[sflag:s18] =	ssyncpa.u1 $0x1  }
0xa8: {  	[tilespmem:$0xF208] =	vst v1  }
.LBB3_21:
0xa9: {  	s0 =	sadd.s32 $0xF0, s19  }
0xaa: {  	s2 =	smov.u32 s7;
	p1 =	slt.s32 s0, s8  }
0xab: {  	s2 =	smov.u32 @p1 s0;
	p1 =	sne.s32 s21, s17  }
.Ltmp10:
0xac: {  	_ = 	snop;
	(pc) =	sbr.rel @!p1 .LBB3_22-.Ltmp10, $3  }
0xad: {  	_ =	sdelay $0x1  }
0xae: {  	s22 =	smov.u32 s20;
	s31 =	sadd.s32 $0x1, s21;
	s20 =	smov.u32 s19  }
0xaf: {  	p0 =	por !p0, !p0;
	s21 =	smov.u32 s31;
	s19 =	smov.u32 s2  }
.LBB3_3:
0xb0: {  	p1 =	sge.u32 s21, s13  }
0xb1: {  	s0 =	smulhi.u32 @!p1 $0xAAAAAAAB, s21  }
0xb2: {  	s2 =	smov.u32 s19;
	p2 =	sgt.s32 @!p1 s19, $0x27010  }
0xb3: {  	s3 =	sshra.s32 @!p1 s19, $0x1F;
	p2 =	por !p2, p1;
	s0 =	sshrl.u32 @!p1 s0, $0x1  }
0xb4: {  	s3 =	sand.u32 @!p1 s3, s19;
	s2 =	simm.s32 @p2 $0x27010;
	s0 =	smul.u32 @!p1 $0x3, s0  }
0xb5: {  	s2 =	ssub.s32 @!p1 s2, s3  }
0xb6: {  	s2 =	sadd.s32 @!p1 $0xFFFD8FF0, s2;
	s0 =	ssub.s32 @!p1 s21, s0  }
0xb7: {  	s3 =	sshll.u32 @!p1 s2, $0x2;
	p2 =	sgt.s32 @!p1 s2, $0xEF;
	s0 =	smul.u32 @!p1 $0x3C0, s0  }
0xb8: {  	s4 =	sand.u32 @!p1 $0x7, s19;
	s2 =	ssub.s32 @!p1 $0x3C0, s3;
	p2 =	por !p2, p1  }
0xb9: {  	s3 =	sshrl.u32 @!p1 s19, $0x3;
	s2 =	sshrl.u32 @!p1 s2, $0x2;
	s0 =	sshrl.u32 @!p1 s0, $0x2  }
0xba: {  	s3 =	sadd.s32 @!p1 s3, s14;
	s2 =	simm.s32 @!p2 $0x0;
	s0 =	sadd.s32 @!p1 $0x10248, s0  }
0xbb: {  	[tilespmem:s0], [sflag:$0xA] =	stream.linear.gather @!p1 [hbm4b:s3+s4], s2, $0x38;
	[tilespmem:$0x1F6F8] =	vst v63  }
0xbc: {  	s0 =	sadd.s32 $0xFFFFFFFF, s21  }
0xbd: {  	p1 =	sge.u32 s0, s13  }
0xbe: {  	p2 =	sgt.s32 @!p1 s20, $0x27010  }
0xbf: {  	s2 =	smov.u32 s20;
	s3 =	sshra.s32 @!p1 s20, $0x1F;
	p2 =	por !p2, p1  }
0xc0: {  	s3 =	sand.u32 @!p1 s3, s20;
	s2 =	simm.s32 @p2 $0x27010  }
0xc1: {  	s2 =	ssub.s32 @!p1 s2, s3  }
0xc2: {  	s2 =	sadd.s32 @!p1 $0xFFFD8FF0, s2  }
0xc3: {  	s4 =	sand.u32 @!p1 $0x1, s0;
	s3 =	sshll.u32 @!p1 s2, $0x2  }
0xc4: {  	p2 =	sgt.s32 @!p1 s2, $0xEF;
	s2 =	ssub.s32 @!p1 $0x3C0, s3;
	s3 =	smulhi.u32 @!p1 $0xAAAAAAAB, s0  }
0xc5: {  	s23 =	smul.u32 @!p1 $0x3C0, s4;
	p2 =	por !p2, p1;
	s2 =	sshrl.u32 @!p1 s2, $0x2  }
0xc6: {  	s5 =	simm.s32 @!p1 $0xA;
	s2 =	simm.s32 @!p2 $0x0;
	s3 =	sshrl.u32 @!p1 s3, $0x1  }
0xc7: {  	s23 =	sshrl.u32 @!p1 s23, $0x2;
	_ =	swait.ge @!p1 [sflag:s5], s2;
	s3 =	smul.u32 @!p1 $0x3, s3  }
0xc8: {  	s23 =	sadd.s32 @!p1 $0x10518, s23;
	s24 =	ssub.s32 @!p1 $0x0, s2;
	[sflag:s5] =	ssyncset.done @!p1 $0x0  }
0xc9: {  	[sflag:s5] =	ssyncadd.s32 @!p1 s24;
	s5 =	sshrl.u32 @!p1 s20, $0x3;
	s0 =	ssub.s32 @!p1 s0, s3  }
0xca: {  	s24 =	sand.u32 @!p1 $0x7, s20;
	s5 =	sadd.s32 @!p1 s5, s15;
	s0 =	smul.u32 @!p1 $0x3C0, s0  }
0xcb: {  	[tilespmem:s23], [sflag:$0xB] =	stream.linear.gather @!p1 [hbm4b:s5+s24], s2, $0x38;
	[tilespmem:$0x1F6F8] =	vst v63  }
0xcc: {  	s3 =	ssub.s32 @!p1 $0x27100, s20;
	s2 =	smul.u32 @!p1 $0x1E000, s4  }
0xcd: {  	p2 =	slt.s32 @!p1 s3, $0xF0  }
0xce: {  	p2 =	por !p2, p1;
	s0 =	sshrl.u32 @!p1 s0, $0x2;
	s2 =	sshrl.u32 @!p1 s2, $0x2  }
0xcf: {  	s3 =	simm.s32 @p2 $0xF0;
	s0 =	sadd.s32 @!p1 $0x10248, s0;
	s2 =	sor.u32 @!p1 $0x106F8, s2  }
0xd0: {  	[tilespmem:s2], [sflag:$0x9] =	stream.indirect.gather @!p1 [hbm4b:s6+s3], $0x80, s0, s3, $0xb8;
	[tilespmem:$0x1F6F8] =	vst v63  }
0xd1: {  	p1 =	slt.u32 s21, $0x2  }
.Ltmp11:
0xd2: {  	_ = 	snop;
	(pc) =	sbr.rel @p1 .LBB3_21-.Ltmp11, $1  }
0xd3: {  	_ =	sdelay $0x3  }
0xd4: {  	p1 =	sgt.s32 s22, $0x27010  }
0xd5: {  	s0 =	smov.u32 s22;
	s2 =	sshra.s32 s22, $0x1F;
	s3 =	ssub.s32 $0x27100, s22  }
0xd6: {  	s0 =	simm.s32 @!p1 $0x27010;
	s2 =	sand.u32 s2, s22;
	p1 =	slt.s32 s3, $0xF0  }
0xd7: {  	s0 =	ssub.s32 s0, s2;
	s3 =	simm.s32 @!p1 $0xF0  }
0xd8: {  	s0 =	sadd.s32 $0xFFFD8FF0, s0;
	s25 =	sshll.u32 s3, $0x7  }
0xd9: {  	s26 =	sshll.u32 s0, $0x2;
	s2 =	sand.u32 $0x3FFFFF80, s25  }
0xda: {  	p1 =	sgt.s32 s0, $0xEF;
	s29 =	ssub.s32 $0x3C0, s26;
	_ =	swait.ge [sflag:s10], s2  }
0xdb: {  	s2 =	ssub.s32 $0x0, s2;
	[sflag:s10] =	ssyncset.done $0x0;
	s0 =	sshrl.u32 s29, $0x2  }
0xdc: {  	[sflag:s10] =	ssyncadd.s32 s2;
	s0 =	simm.s32 @p1 $0x0  }
0xdd: {  	_ =	swait.ge [sflag:s11], s0  }
0xde: {  	s0 =	ssub.s32 $0x0, s0;
	[sflag:s11] =	ssyncset.done $0x0  }
0xdf: {  	[sflag:s11] =	ssyncadd.s32 s0  }
0xe0: {  	v1 =	vld [tilespmem:$0xF208];
	_ =	sdelay $0x4  }
0xe1: {  	(v2sf) =	vpush v1, $0x0  }
0xe2: {  	(v2sf) =	vpush v1, $0x1  }
0xe3: {  	(v2sf) =	vpush v1, $0x2;
	_ =	sdelay $0x3  }
0xe4: {  	s0 =	sadd.s32 $0xF0, s22  }
0xe5: {  	s2 =	ssub.s32 $0x4E200, s22;
	p1 =	slt.s32 s8, s0  }
0xe6: {  	s0 =	smov.u32 @p1 s8;
	p1 =	sgt.s32 s2, $0x0  }
0xe7: {  	s26 =	ssub.s32 s0, s22;
	s2 =	simm.s32 @!p1 $0x0  }
0xe8: {  	p1 =	slt.s32 s2, s26  }
0xe9: {  	s26 =	smov.u32 @p1 s2  }
0xea: {  	s25 =	simm.s32 $0x1;
	p1 =	slt.s32 s26, $0x1  }
.Ltmp12:
0xeb: {  	s25 =	simm.s32 @!p0 $0x0;
	(pc) =	sbr.rel @p1 .LBB3_8-.Ltmp12, $4  }
0xec: {  	s31 =	smul.u32 $0x3C0, s25  }
0xed: {  	s28 =	spop (v2sf)  }
0xee: {  	s0 =	sshrl.u32 s31, $0x2;
	s30 =	spop (v2sf)  }
0xef: {  	s23 =	sadd.s32 $0x10518, s0;
	s22 =	spop (v2sf)  }
0xf0: {  	s0 =	smin.u32 s26, $0x10  }
0xf1: {  	v1 =	vmov s0  }
0xf2: {  	p2 =	sgt.s32 s26, $0x10;
	vm1 =	vgt.u32 v1, v0  }
.Ltmp13:
0xf3: {  	_ = 	snop;
	(pc) =	sbr.rel @!p2 .LBB3_7-.Ltmp13, $2  }
0xf4: {  	_ =	sdelay $0x2  }
0xf5: {  	s4 =	simm.s32 $0x10;
	s24 =	sadd.s32 $0xFFFFFFF0, s26;
	s0 =	smov.u32 s23;
	vm0 =	vmmov vm1  }
.LBB3_6:
0xf6: {  	s2 =	smin.u32 s24, $0x10;
	s4 =	sadd.s32 $0x10, s4;
	v1 =	vld.msk [tilespmem:s0+$0x0 ss:$0x1], vm1  }
0xf7: {  	v2 =	vmov s2;
	p2 =	slt.s32 s4, s26  }
0xf8: {  	vm1 =	vgt.u32 v2, v0  }
.Ltmp14:
0xf9: {  	(pc) =	sbr.rel @p2 .LBB3_6-.Ltmp14, $3  }
0xfa: {  	_ =	sdelay $0x1  }
0xfb: {  	v1 =	vshll.u32 v1, $0x4  }
0xfc: {  	s24 =	sadd.s32 $0xFFFFFFF0, s24;
	[tilespmem:s0+$0x0] =	vst.msk vm0, v1;
	s0 =	sadd.s32 $0x10, s0;
	vm0 =	vmmov vm1  }
.LBB3_7:
0xfd: {  	_ =	sdelay $0x4  }
0xfe: {  	v1 =	vld.msk [tilespmem:s0+$0x0 ss:$0x1], vm1;
	_ =	sdelay $0x4  }
0xff: {  	v1 =	vshll.u32 v1, $0x4  }
0x100: {  	[tilespmem:s0+$0x0] =	vst.msk vm0, v1  }
.LBB3_8:
0x101: {  	s0 =	sand.u32 $0x1, s21  }
0x102: {  	s0 =	smul.u32 $0xF0, s0  }
0x103: {  	p2 =	sne.s32 s30, $0xFFFFFFFF  }
0x104: {  	v1 =	vld.msk @!p2 [tilespmem:s0+$0x10518], $0x1;
	_ =	sdelay $0x4  }
0x105: {  	(v2sf) =	vpush @!p2 v1, $0x0;
	_ =	sdelay $0xc  }
.Ltmp15:
0x106: {  	_ = 	snop;
	(pc) =	sbr.rel @p1 .LBB3_19-.Ltmp15, $4  }
0x107: {  	_ = 	snop  }
0x108: {  	s29 =	spop @!p2 (v2sf)  }
0x109: {  	s22 =	simm.s32 @!p2 $0x0;
	s24 =	smov.u32 s29  }
0x10a: {  	[sflag:s18] =	ssyncpa.u1 $0x0;
	s29 =	smov.u32 @p2 s28;
	s24 =	smov.u32 @p2 s30  }
0x10b: {  	v1 =	vld.msk [tilespmem:s23+$0x0], $0x1;
	_ =	sdelay $0x4  }
0x10c: {  	(v2sf) =	vpush v1, $0x0;
	_ =	sdelay $0xe  }
0x10d: {  	s2 =	smul.u32 $0x1E000, s25;
	s0 =	spop (v2sf)  }
0x10e: {  	s26 =	ssub.s32 $0x0, s26;
	p1 =	seq.s32 s29, s0  }
0x10f: {  	s30 =	sadd.s32 $0x1, s26;
	s2 =	sshrl.u32 s2, $0x2;
	p2 =	sgt.s32 @!p1 s29, $0x0  }
0x110: {  	s25 =	sor.u32 $0x10738, s2;
	s2 =	smov.u32 s29;
	p2 =	por !p2, p1  }
0x111: {  	s2 =	simm.s32 @p2 $0x0;
	p2 =	seq.s32 s30, $0x0  }
.Ltmp16:
0x112: {  	_ = 	snop;
	(pc) =	sbr.rel @p2 .LBB3_11-.Ltmp16, $4  }
0x113: {  	_ = 	snop  }
0x114: {  	s28 =	simm.s32 $0x0;
	s31 =	sadd.s32 $0x1, s23;
	s2 =	smin.u32 @!p1 s2, $0x270F0  }
0x115: {  	s4 =	simm.s32 @!p1 $0x1;
	s5 =	simm.s32 @!p1 $0x7988;
	s3 =	sand.u32 @!p1 $0x3FFF8, s2  }
0x116: {  	s4 =	smov.u32 @p1 s28;
	s2 =	sand.u32 @!p1 $0x7, s2;
	s3 =	sadd.s32 @!p1 s1, s3  }
.LBB3_10:
0x117: {  	s9 =	smov.u32 s4  }
0x118: {  	[tilespmem:s5], [sflag:$0x2] =	stream.linear.gather @!p1 [hbm4b:s3+s2], $0x80, $0x38;
	[tilespmem:$0x1F6F8] =	vst v63  }
0x119: {  	s30 =	sadd.s32 $0x1, s30;
	s2 =	smov.u32 s0;
	v1 =	vld.msk [tilespmem:s31+$0x0], $0x1  }
0x11a: {  	p2 =	seq.s32 s30, $0x0;
	_ =	sdelay $0x3  }
0x11b: {  	(v2sf) =	vpush v1, $0x0;
	_ =	sdelay $0xe  }
0x11c: {  	s0 =	spop (v2sf)  }
0x11d: {  	p1 =	seq.s32 s2, s0  }
0x11e: {  	p3 =	sgt.s32 @!p1 s2, $0x0;
	s3 =	sshll.u32 @!p1 s4, $0x9;
	s4 =	sadd.s32 @!p1 $0x1, s4  }
.Ltmp17:
0x11f: {  	p3 =	por !p3, p1;
	s3 =	sshra.s32 @!p1 s3, $0x2;
	(pc) =	sbr.rel @!p2 .LBB3_10-.Ltmp17, $4  }
0x120: {  	s4 =	smov.u32 @p1 s9;
	s2 =	simm.s32 @p3 $0x0;
	s5 =	sadd.s32 @!p1 $0x7988, s3  }
0x121: {  	s2 =	smin.u32 @!p1 s2, $0x270F0  }
0x122: {  	s3 =	sand.u32 @!p1 $0x3FFF8, s2;
	s2 =	sand.u32 @!p1 $0x7, s2  }
0x123: {  	s31 =	sadd.s32 $0x1, s31;
	s3 =	sadd.s32 @!p1 s1, s3  }
.LBB3_11:
0x124: {  	[tilespmem:s5], [sflag:$0x2] =	stream.linear.gather @!p1 [hbm4b:s3+s2], $0x80, $0x38;
	[tilespmem:$0x1F6F8] =	vst v63  }
.Ltmp18:
0x125: {  	s0 =	sshll.u32 s4, $0x7;
	(pc) =	sbr.rel .LBB3_12-.Ltmp18, $4  }
0x126: {  	s30 =	simm.s32 $0x2;
	s0 =	sand.u32 $0x3FFFFF80, s0  }
0x127: {  	_ =	swait.ge [sflag:s30], s0  }
0x128: {  	s0 =	ssub.s32 $0x0, s0;
	[sflag:s30] =	ssyncset.done $0x0  }
0x129: {  	s31 =	simm.s32 $0x0;
	[sflag:s30] =	ssyncadd.s32 s0  }
.LBB3_13:
0x12a: {  	v1 =	vld [tilespmem:s25+$0xFFFFFFC0];
	_ =	sdelay $0x3  }
0x12b: {  	s0 =	sshra.s32 s0, $0x2  }
0x12c: {  	[tilespmem:s0+$0x108] =	vst.add.f32.msk $0xffff, v1  }
0x12d: {  	v1 =	vld [tilespmem:s25+$0xFFFFFFD0];
	_ =	sdelay $0x4  }
0x12e: {  	[tilespmem:s0+$0x118] =	vst.add.f32.msk $0xffff, v1  }
0x12f: {  	v1 =	vld [tilespmem:s25+$0xFFFFFFE0];
	_ =	sdelay $0x4  }
0x130: {  	[tilespmem:s0+$0x128] =	vst.add.f32.msk $0xffff, v1  }
0x131: {  	v1 =	vld [tilespmem:s25+$0xFFFFFFF0];
	_ =	sdelay $0x4  }
0x132: {  	[tilespmem:s0+$0x138] =	vst.add.f32.msk $0xffff, v1  }
0x133: {  	v1 =	vld [tilespmem:s25+$0x0];
	_ =	sdelay $0x4  }
0x134: {  	[tilespmem:s0+$0x148] =	vst.add.f32.msk $0xffff, v1  }
0x135: {  	v1 =	vld [tilespmem:s25+$0x10];
	_ =	sdelay $0x4  }
0x136: {  	[tilespmem:s0+$0x158] =	vst.add.f32.msk $0xffff, v1  }
0x137: {  	v1 =	vld [tilespmem:s25+$0x20];
	_ =	sdelay $0x4  }
0x138: {  	[tilespmem:s0+$0x168] =	vst.add.f32.msk $0xffff, v1  }
0x139: {  	v1 =	vld [tilespmem:s25+$0x30];
	_ =	sdelay $0x4  }
0x13a: {  	[tilespmem:s0+$0x178] =	vst.add.f32.msk $0xffff, v1  }
.LBB3_17:
0x13b: {  	s26 =	sadd.s32 $0x1, s26  }
0x13c: {  	p1 =	seq.s32 s26, $0x0  }
.Ltmp19:
0x13d: {  	_ = 	snop;
	(pc) =	sbr.rel @p1 .LBB3_18-.Ltmp19, $2  }
0x13e: {  	_ =	sdelay $0x2  }
0x13f: {  	s23 =	sadd.s32 $0x1, s23;
	s25 =	sadd.s32 $0x80, s25;
	s29 =	smov.u32 s30  }
.LBB3_12:
0x140: {  	v1 =	vld.msk [tilespmem:s23+$0x0], $0x1;
	_ =	sdelay $0x4  }
0x141: {  	(v2sf) =	vpush v1, $0x0;
	_ =	sdelay $0xe  }
0x142: {  	s30 =	spop (v2sf)  }
0x143: {  	p1 =	sne.s32 s29, s30  }
.Ltmp20:
0x144: {  	_ = 	snop;
	(pc) =	sbr.rel @!p1 .LBB3_13-.Ltmp20, $2  }
0x145: {  	_ =	sdelay $0x2  }
0x146: {  	s0 =	sshll.u32 s22, $0x9  }
0x147: {  	p1 =	seq.s32 s29, s24  }
.Ltmp21:
0x148: {  	_ = 	snop;
	(pc) =	sbr.rel @!p1 .LBB3_15-.Ltmp21, $1  }
0x149: {  	_ =	sdelay $0x3  }
0x14a: {  	s0 =	sshra.s32 s0, $0x2  }
.Ltmp22:
0x14b: {  	s0 =	sadd.s32 $0x108, s0;
	(pc) =	sbr.rel .LBB3_16-.Ltmp22, $4  }
0x14c: {  	[spmem:s16] =	stream.linear.scatter [tilespmem:s0], [sflag:$0x1], $0x80, $0x38;
	[tilespmem:$0x1F6F8] =	vst v63  }
0x14d: {  	_ =	swait.ge [sflag:s12], $0x80  }
0x14e: {  	[sflag:s12] =	ssyncset.done $0x0  }
0x14f: {  	[sflag:s12] =	ssyncadd.s32 $0xFFFFFF80  }
.LBB3_15:
0x150: {  	s2 =	sshll.u32 s28, $0x9  }
0x151: {  	s2 =	sshra.s32 s2, $0x2  }
0x152: {  	v1 =	vld [tilespmem:s2+$0x7988];
	_ =	sdelay $0x3  }
0x153: {  	s0 =	sshra.s32 s0, $0x2  }
0x154: {  	[tilespmem:s0+$0x108] =	vst.add.f32.msk $0xffff, v1  }
0x155: {  	v1 =	vld [tilespmem:s2+$0x7998];
	_ =	sdelay $0x4  }
0x156: {  	[tilespmem:s0+$0x118] =	vst.add.f32.msk $0xffff, v1  }
0x157: {  	v1 =	vld [tilespmem:s2+$0x79A8];
	_ =	sdelay $0x4  }
0x158: {  	[tilespmem:s0+$0x128] =	vst.add.f32.msk $0xffff, v1  }
0x159: {  	v1 =	vld [tilespmem:s2+$0x79B8];
	_ =	sdelay $0x4  }
0x15a: {  	[tilespmem:s0+$0x138] =	vst.add.f32.msk $0xffff, v1  }
0x15b: {  	v1 =	vld [tilespmem:s2+$0x79C8];
	_ =	sdelay $0x4  }
0x15c: {  	[tilespmem:s0+$0x148] =	vst.add.f32.msk $0xffff, v1  }
0x15d: {  	v1 =	vld [tilespmem:s2+$0x79D8];
	_ =	sdelay $0x4  }
0x15e: {  	[tilespmem:s0+$0x158] =	vst.add.f32.msk $0xffff, v1  }
0x15f: {  	v1 =	vld [tilespmem:s2+$0x79E8];
	_ =	sdelay $0x4  }
0x160: {  	[tilespmem:s0+$0x168] =	vst.add.f32.msk $0xffff, v1  }
0x161: {  	v1 =	vld [tilespmem:s2+$0x79F8];
	_ =	sdelay $0x2  }
0x162: {  	p1 =	sgt.u32 s29, $0x270F0  }
0x163: {  	s2 =	sand.u32 @!p1 $0x3FFF8, s29  }
0x164: {  	s3 =	sadd.s32 $0x108, s0;
	[tilespmem:s0+$0x178] =	vst.add.f32.msk $0xffff, v1;
	s0 =	sadd.s32 @!p1 s1, s2;
	s2 =	sand.u32 @!p1 $0x7, s29  }
0x165: {  	[hbm4b:s0+s2] =	stream.linear.scatter @!p1 [tilespmem:s3], [sflag:$0xC], $0x80, $0x38;
	[tilespmem:$0x1F6F8] =	vst v63  }
0x166: {  	s0 =	simm.s32 $0x0  }
0x167: {  	s0 =	simm.s32 @!p1 $0x200  }
0x168: {  	s31 =	sadd.s32 s0, s31  }
.LBB3_16:
0x169: {  	s0 =	sadd.s32 $0x1, s22  }
0x16a: {  	s2 =	smulhi.u32 $0x88888889, s0;
	_ =	sdelay $0x1  }
0x16b: {  	v1 =	vld [tilespmem:s25+$0xFFFFFFC0];
	s2 =	sshrl.u32 s2, $0x7  }
0x16c: {  	s2 =	smul.u32 $0xF0, s2;
	_ =	sdelay $0x1  }
0x16d: {  	s22 =	ssub.s32 s0, s2  }
0x16e: {  	s0 =	sshll.u32 s22, $0x7  }
0x16f: {  	[tilespmem:s0+$0x108] =	vst v1  }
0x170: {  	v1 =	vld [tilespmem:s25+$0xFFFFFFD0];
	_ =	sdelay $0x4  }
0x171: {  	[tilespmem:s0+$0x118] =	vst v1  }
0x172: {  	v1 =	vld [tilespmem:s25+$0xFFFFFFE0];
	_ =	sdelay $0x4  }
0x173: {  	[tilespmem:s0+$0x128] =	vst v1  }
0x174: {  	v1 =	vld [tilespmem:s25+$0xFFFFFFF0];
	_ =	sdelay $0x4  }
0x175: {  	[tilespmem:s0+$0x138] =	vst v1  }
0x176: {  	v1 =	vld [tilespmem:s25+$0x0];
	_ =	sdelay $0x4  }
0x177: {  	[tilespmem:s0+$0x148] =	vst v1  }
0x178: {  	v1 =	vld [tilespmem:s25+$0x10];
	_ =	sdelay $0x4  }
0x179: {  	[tilespmem:s0+$0x158] =	vst v1  }
0x17a: {  	v1 =	vld [tilespmem:s25+$0x20];
	_ =	sdelay $0x4  }
0x17b: {  	[tilespmem:s0+$0x168] =	vst v1  }
0x17c: {  	v1 =	vld [tilespmem:s25+$0x30]  }
.Ltmp23:
0x17d: {  	_ = 	snop;
	(pc) =	sbr.rel .LBB3_17-.Ltmp23, $2  }
0x17e: {  	_ =	sdelay $0x2  }
0x17f: {  	s28 =	sadd.s32 $0x1, s28;
	[tilespmem:s0+$0x178] =	vst v1  }
.LBB3_19:
.Ltmp24:
0x180: {  	(pc) =	sbr.rel .LBB3_20-.Ltmp24, $4  }
0x181: {  	_ = 	snop  }
0x182: {  	s0 =	simm.s32 $0x2  }
0x183: {  	_ =	swait.ge [sflag:s0], $0x0  }
0x184: {  	s30 =	smov.u32 s29;
	[sflag:s0] =	ssyncset.done $0x0;
	s0 =	simm.s32 $0x0  }
.LBB3_22:
0x185: {  	_ =	sfence.sel $0x180000  }
0x186: {  	s0 =	simm.s32 $0x9;
	[bflag:$0x0] =	sbarrier.arrive $0xFFFF  }
0x187: {  	s24 =	simm.s32 $0xA;
	[sflag:s0] =	ssyncpa.u1 $0x1  }
0x188: {  	s25 =	simm.s32 $0xB;
	[sflag:s24] =	ssyncpa.u1 $0x1  }
0x189: {  	s26 =	simm.s32 $0x2;
	[sflag:s25] =	ssyncpa.u1 $0x1  }
0x18a: {  	[sflag:s26] =	ssyncpa.u1 $0x1  }
0x18b: {  	v0 =	vld [tilespmem:$0xF208];
	_ =	sdelay $0x4  }
0x18c: {  	(v2sf) =	vpush v0, $0x0  }
0x18d: {  	(v2sf) =	vpush v0, $0x1;
	_ =	sdelay $0x1  }
0x18e: {  	(v2sf) =	vpush v0, $0x2;
	_ =	sdelay $0xb  }
0x18f: {  	s0 =	spop (v2sf)  }
0x190: {  	s2 =	spop (v2sf)  }
0x191: {  	s3 =	smov.u32 s0;
	p0 =	sne.s32 s0, s2  }
0x192: {  	s4 =	spop (v2sf);
	s3 =	simm.s32 @!p0 $0xFFFFFFFF  }
0x193: {  	v2 =	vimm.s32 $0x1;
	v3 =	vlaneseq.u32;
	p0 =	seq.s32 s4, $0xFFFFFFFF;
	v1 =	vmov s3  }
0x194: {  	s16 =	stileid.u32;
	v0 =	vperm.xlane v0, v2;
	p1 =	sne.s32 @!p0 s0, s2;
	v1 =	vperm.xlane v1, v3  }
0x195: {  	vm0 =	vcmask $0x3F04;
	s6 =	simm.s32 $0xF208;
	s0 =	simm.s32 @!p0 $0x1;
	p1 =	por !p1, p0  }
0x196: {  	s3 =	sshll.u32 s16, $0x1;
	s2 =	sshll.u32 @!p0 s4, $0x9;
	s0 =	simm.s32 @p1 $0x0;
	v0 =	vsel vm0, v1, v0  }
0x197: {  	s5 =	sor.u32 $0x1000, s3;
	s2 =	sshra.s32 @!p0 s2, $0x2;
	s0 =	sor.u32 @!p0 s0, s3;
	[tilespmem:$0xF208] =	vst v0  }
0x198: {  	[spmem:s5] =	stream.linear.scatter [tilespmem:s6], [sflag:$0x1], $0x2, $0x38;
	[tilespmem:$0x1F6F8] =	vst v63  }
0x199: {  	s2 =	sadd.s32 @!p0 $0x108, s2;
	s0 =	sshll.u32 @!p0 s0, $0x7  }
0x19a: {  	[spmem:s0] =	stream.linear.scatter @!p0 [tilespmem:s2], [sflag:$0x1], $0x80, $0x38;
	[tilespmem:$0x1F6F8] =	vst v63  }
0x19b: {  	s0 =	simm.s32 @!p0 $0x82  }
0x19c: {  	s28 =	simm.s32 $0x1;
	s0 =	simm.s32 @p0 $0x2  }
0x19d: {  	_ =	swait.ge [sflag:s28], s0  }
0x19e: {  	s0 =	ssub.s32 $0x0, s0;
	[sflag:s28] =	ssyncset.done $0x0  }
0x19f: {  	p0 =	sne.s32 s16, $0x0;
	[sflag:s28] =	ssyncadd.s32 s0  }
.Ltmp25:
0x1a0: {  	_ =	sfence.stream.spmem;
	(pc) =	sbr.rel @p0 .LBB3_39-.Ltmp25, $4  }
0x1a1: {  	s29 =	simm.s32 $0x3;
	[bflag:$0x0] =	sbarrier.arrive $0xFFFF  }
0x1a2: {  	s30 =	simm.s32 $0x4;
	[sflag:s29] =	ssyncpa.u1 $0x1  }
0x1a3: {  	s31 =	simm.s32 $0x3C;
	[sflag:s30] =	ssyncpa.u1 $0x1  }
0x1a4: {  	s15 =	rddreg [dreg:$0x4];
	[sflag:s31] =	ssyncpa.u1 $0x1  }
0x1a5: {  	_ =	sfence.stream.spmem;
	s0 =	simm.s32 $0x5  }
0x1a6: {  	s2 =	simm.s32 $0x1000;
	s3 =	simm.s32 $0xF218;
	[sflag:s0] =	ssyncpa.u1 $0x0  }
0x1a7: {  	[tilespmem:s3], [sflag:$0x5] =	stream.linear.gather [spmem:s2], $0x20, $0x38;
	[tilespmem:$0x1F6F8] =	vst v63  }
0x1a8: {  	s26 =	simm.s32 $0x0;
	s28 =	simm.s32 $0xF238  }
0x1a9: {  	[tilespmem:s28], [sflag:$0x5] =	stream.linear.gather [spmem:s26], $0x1000, $0x38;
	[tilespmem:$0x1F6F8] =	vst v63  }
0x1aa: {  	_ =	swait.ge [sflag:s0], $0x1020  }
0x1ab: {  	[sflag:s0] =	ssyncset.done $0x0  }
0x1ac: {  	s29 =	simm.s32 $0x0;
	[sflag:s0] =	ssyncadd.s32 $0xFFFFEFE0  }
0x1ad: {  	v0 =	vld.msk [tilespmem:s29+$0xF218], $0x1;
	_ =	sdelay $0x1  }
0x1ae: {  	s30 =	simm.s32 $0x1  }
0x1af: {  	v1 =	vld.msk [tilespmem:s30+$0xF218], $0x1;
	_ =	sdelay $0x1  }
0x1b0: {  	(v2sf) =	vpush v0, $0x0;
	_ =	sdelay $0x2  }
0x1b1: {  	(v2sf) =	vpush v1, $0x0;
	_ =	sdelay $0x2  }
0x1b2: {  	s31 =	simm.s32 $0x2  }
0x1b3: {  	v0 =	vld.msk [tilespmem:s31+$0xF218], $0x1;
	_ =	sdelay $0x2  }
0x1b4: {  	s4 =	simm.s32 $0xFFFFFFFF;
	s5 =	simm.s32 $0xFFFFFFFF;
	s0 =	simm.s32 $0xC  }
.LBB3_24:
0x1b5: {  	s2 =	smov.u32 s5;
	s3 =	smov.u32 s4  }
0x1b6: {  	s4 =	sshra.s32 s0, $0x2;
	p1 =	sne.s32 s0, $0x7C;
	s0 =	sadd.s32 $0x4, s0;
	(v2sf) =	vpush v0, $0x0  }
0x1b7: {  	v0 =	vld.msk [tilespmem:s4+$0xF218], $0x1  }
.Ltmp26:
0x1b8: {  	(pc) =	sbr.rel @p1 .LBB3_24-.Ltmp26, $4  }
0x1b9: {  	s5 =	spop (v2sf)  }
0x1ba: {  	p2 =	sne.s32 s3, $0xFFFFFFFF;
	s4 =	smov.u32 s5  }
0x1bb: {  	p3 =	seq.s32 s5, $0xFFFFFFFF;
	s4 =	smov.u32 @p2 s3  }
0x1bc: {  	s5 =	smov.u32 @p3 s2;
	s4 =	smov.u32 @p3 s3  }
0x1bd: {  	(v2sf) =	vpush v0, $0x0;
	_ =	sdelay $0x8  }
0x1be: {  	s0 =	spop (v2sf)  }
0x1bf: {  	p1 =	sne.s32 s4, $0xFFFFFFFF;
	s2 =	smov.u32 s0  }
0x1c0: {  	s9 =	simm.s32 $0x6;
	p2 =	seq.s32 s0, $0xFFFFFFFF;
	s2 =	smov.u32 @p1 s4  }
0x1c1: {  	s6 =	simm.s32 $0x0;
	s2 =	smov.u32 @p2 s4;
	s3 =	spop (v2sf)  }
0x1c2: {  	s0 =	smov.u32 @p2 s5;
	p1 =	sne.s32 s2, $0xFFFFFFFF;
	s4 =	smov.u32 s3  }
.Ltmp27:
0x1c3: {  	p2 =	seq.s32 s3, $0xFFFFFFFF;
	s4 =	smov.u32 @p1 s2;
	(pc) =	sbr.rel .LBB3_26-.Ltmp27, $4  }
0x1c4: {  	s10 =	simm.s32 $0xF188;
	s4 =	smov.u32 @p2 s2;
	s7 =	spop (v2sf)  }
0x1c5: {  	s11 =	simm.s32 $0x0;
	p1 =	sne.s32 s4, $0xFFFFFFFF;
	s8 =	smov.u32 s7  }
0x1c6: {  	s3 =	smov.u32 @p2 s0;
	p2 =	seq.s32 s7, $0xFFFFFFFF;
	s8 =	smov.u32 @p1 s4  }
0x1c7: {  	[sflag:s9] =	ssyncpa.u1 $0x0;
	s7 =	smov.u32 @p2 s3;
	s8 =	smov.u32 @p2 s4  }
.LBB3_32:
0x1c8: {  	p1 =	sgt.u32 s12, $0x270F0  }
0x1c9: {  	p2 =	seq.s32 @!p1 s12, s8  }
0x1ca: {  	p1 =	por p1, p2  }
0x1cb: {  	p2 =	sne.s32 @!p1 s12, s7  }
0x1cc: {  	p1 =	por p1, !p2  }
0x1cd: {  	s0 =	sshll.u32 @p1 s11, $0x9  }
0x1ce: {  	s0 =	sand.u32 @!p1 $0x3FFF8, s12  }
0x1cf: {  	s2 =	sand.u32 @!p1 $0x7, s12;
	s0 =	sadd.s32 @!p1 s1, s0  }
0x1d0: {  	[tilespmem:s10], [sflag:$0x6] =	stream.linear.gather @!p1 [hbm4b:s0+s2], $0x80, $0x38;
	[tilespmem:$0x1F6F8] =	vst v63  }
0x1d1: {  	_ =	swait.ge @!p1 [sflag:s9], $0x80  }
0x1d2: {  	[sflag:s9] =	ssyncset.done @!p1 $0x0  }
0x1d3: {  	[sflag:s9] =	ssyncadd.s32 @!p1 $0xFFFFFF80  }
0x1d4: {  	v1 =	vld @!p1 [tilespmem:$0xF188];
	_ =	sdelay $0x2  }
0x1d5: {  	s0 =	sshll.u32 @!p1 s11, $0x9  }
0x1d6: {  	s2 =	sshrl.u32 @!p1 s0, $0x2  }
0x1d7: {  	[tilespmem:s2+$0xF238] =	vst.add.f32.msk @!p1 $0xffff, v1  }
0x1d8: {  	v1 =	vld @!p1 [tilespmem:$0xF198];
	_ =	sdelay $0x4  }
0x1d9: {  	[tilespmem:s2+$0xF248] =	vst.add.f32.msk @!p1 $0xffff, v1  }
0x1da: {  	v1 =	vld @!p1 [tilespmem:$0xF1A8];
	_ =	sdelay $0x4  }
0x1db: {  	[tilespmem:s2+$0xF258] =	vst.add.f32.msk @!p1 $0xffff, v1  }
0x1dc: {  	v1 =	vld @!p1 [tilespmem:$0xF1B8];
	_ =	sdelay $0x4  }
0x1dd: {  	[tilespmem:s2+$0xF268] =	vst.add.f32.msk @!p1 $0xffff, v1  }
0x1de: {  	v1 =	vld @!p1 [tilespmem:$0xF1C8];
	_ =	sdelay $0x4  }
0x1df: {  	[tilespmem:s2+$0xF278] =	vst.add.f32.msk @!p1 $0xffff, v1  }
0x1e0: {  	v1 =	vld @!p1 [tilespmem:$0xF1D8];
	_ =	sdelay $0x4  }
0x1e1: {  	[tilespmem:s2+$0xF288] =	vst.add.f32.msk @!p1 $0xffff, v1  }
0x1e2: {  	v1 =	vld @!p1 [tilespmem:$0xF1E8];
	_ =	sdelay $0x4  }
0x1e3: {  	[tilespmem:s2+$0xF298] =	vst.add.f32.msk @!p1 $0xffff, v1  }
0x1e4: {  	v1 =	vld @!p1 [tilespmem:$0xF1F8];
	_ =	sdelay $0x4  }
0x1e5: {  	[tilespmem:s2+$0xF2A8] =	vst.add.f32.msk @!p1 $0xffff, v1  }
0x1e6: {  	s0 =	sshrl.u32 s0, $0x2;
	[tilespmem:s6+$0xF218] =	vst.msk $0x1, v0  }
0x1e7: {  	v0 =	vld [tilespmem:s0+$0xF238];
	_ =	sdelay $0x2  }
0x1e8: {  	s31 =	sshll.u32 s6, $0x9  }
0x1e9: {  	s2 =	sshra.s32 s31, $0x2  }
0x1ea: {  	[tilespmem:s2+$0xF238] =	vst v0  }
0x1eb: {  	v0 =	vld [tilespmem:s0+$0xF248];
	_ =	sdelay $0x4  }
0x1ec: {  	[tilespmem:s2+$0xF248] =	vst v0  }
0x1ed: {  	v0 =	vld [tilespmem:s0+$0xF258];
	_ =	sdelay $0x4  }
0x1ee: {  	[tilespmem:s2+$0xF258] =	vst v0  }
0x1ef: {  	v0 =	vld [tilespmem:s0+$0xF268];
	_ =	sdelay $0x4  }
0x1f0: {  	[tilespmem:s2+$0xF268] =	vst v0  }
0x1f1: {  	v0 =	vld [tilespmem:s0+$0xF278];
	_ =	sdelay $0x4  }
0x1f2: {  	[tilespmem:s2+$0xF278] =	vst v0  }
0x1f3: {  	v0 =	vld [tilespmem:s0+$0xF288];
	_ =	sdelay $0x4  }
0x1f4: {  	[tilespmem:s2+$0xF288] =	vst v0  }
0x1f5: {  	v0 =	vld [tilespmem:s0+$0xF298];
	_ =	sdelay $0x4  }
0x1f6: {  	[tilespmem:s2+$0xF298] =	vst v0  }
0x1f7: {  	v0 =	vld [tilespmem:s0+$0xF2A8];
	_ =	sdelay $0x4  }
0x1f8: {  	s6 =	sadd.s32 $0x1, s6;
	[tilespmem:s2+$0xF2A8] =	vst v0  }
.LBB3_33:
0x1f9: {  	s11 =	sadd.s32 $0x1, s11  }
0x1fa: {  	p1 =	sne.s32 s11, $0x20  }
.Ltmp28:
0x1fb: {  	_ = 	snop;
	(pc) =	sbr.rel @!p1 .LBB3_34-.Ltmp28, $1  }
0x1fc: {  	_ =	sdelay $0x3  }
.LBB3_26:
0x1fd: {  	v0 =	vld.msk [tilespmem:s11+$0xF218], $0x1;
	_ =	sdelay $0x4  }
0x1fe: {  	(v2sf) =	vpush v0, $0x0;
	_ =	sdelay $0xe  }
0x1ff: {  	s12 =	spop (v2sf)  }
0x200: {  	p1 =	seq.s32 s12, $0xFFFFFFFF  }
.Ltmp29:
0x201: {  	_ = 	snop;
	(pc) =	sbr.rel @p1 .LBB3_33-.Ltmp29, $1  }
0x202: {  	_ =	sdelay $0x3  }
0x203: {  	p1 =	slt.s32 s6, $0x1  }
.Ltmp30:
0x204: {  	_ = 	snop;
	(pc) =	sbr.rel @p1 .LBB3_32-.Ltmp30, $1  }
0x205: {  	_ =	sdelay $0x3  }
0x206: {  	s13 =	simm.s32 $0xF218;
	p1 =	por $0x0, $0x0  }
0x207: {  	v1 =	vld.msk @!p1 [tilespmem:s13+$0x0], $0x1;
	_ =	sdelay $0x4  }
0x208: {  	(v2sf) =	vpush @!p1 v1, $0x0;
	_ =	sdelay $0xd  }
0x209: {  	p3 =	sne.s32 s6, $0x1  }
.Ltmp31:
0x20a: {  	s0 =	spop @!p1 (v2sf);
	(pc) =	sbr.rel @!p3 .LBB3_30-.Ltmp31, $4  }
0x20b: {  	p2 =	seq.s32 @!p1 s12, s0  }
0x20c: {  	s14 =	simm.s32 $0x0;
	p2 =	por !p2, p1  }
0x20d: {  	s2 =	simm.s32 $0xFFFFFFFF;
	s14 =	simm.s32 @p2 $0xFFFFFFFF  }
0x20e: {  	s0 =	simm.s32 $0x1;
	s14 =	smov.u32 @p1 s2  }
.LBB3_29:
0x20f: {  	s2 =	smov.u32 s14;
	p1 =	sne.s32 s14, $0xFFFFFFFF  }
0x210: {  	s13 =	sadd.s32 $0x1, s13;
	s14 =	smov.u32 s0;
	s0 =	sadd.s32 $0x1, s0  }
0x211: {  	p2 =	sne.s32 s6, s0;
	v1 =	vld.msk @!p1 [tilespmem:s13+$0x0], $0x1;
	_ =	sdelay $0x4  }
0x212: {  	(v2sf) =	vpush @!p1 v1, $0x0;
	_ =	sdelay $0xe  }
.Ltmp32:
0x213: {  	s3 =	spop @!p1 (v2sf);
	(pc) =	sbr.rel @p2 .LBB3_29-.Ltmp32, $4  }
0x214: {  	p3 =	seq.s32 @!p1 s12, s3  }
0x215: {  	p3 =	por !p3, p1  }
0x216: {  	s14 =	simm.s32 @p3 $0xFFFFFFFF  }
0x217: {  	s14 =	smov.u32 @p1 s2  }
.LBB3_30:
0x218: {  	p1 =	seq.s32 s14, $0xFFFFFFFF  }
.Ltmp33:
0x219: {  	_ = 	snop;
	(pc) =	sbr.rel @p1 .LBB3_32-.Ltmp33, $1  }
0x21a: {  	_ =	sdelay $0x3  }
0x21b: {  	s0 =	sshll.u32 s11, $0x7  }
0x21c: {  	s0 =	sand.u32 $0x3FFFFF80, s0  }
0x21d: {  	v0 =	vld [tilespmem:s0+$0xF238];
	_ =	sdelay $0x2  }
0x21e: {  	s2 =	sshll.u32 s14, $0x9  }
0x21f: {  	s2 =	sshra.s32 s2, $0x2  }
0x220: {  	[tilespmem:s2+$0xF238] =	vst.add.f32.msk $0xffff, v0  }
0x221: {  	v0 =	vld [tilespmem:s0+$0xF248];
	_ =	sdelay $0x4  }
0x222: {  	[tilespmem:s2+$0xF248] =	vst.add.f32.msk $0xffff, v0  }
0x223: {  	v0 =	vld [tilespmem:s0+$0xF258];
	_ =	sdelay $0x4  }
0x224: {  	[tilespmem:s2+$0xF258] =	vst.add.f32.msk $0xffff, v0  }
0x225: {  	v0 =	vld [tilespmem:s0+$0xF268];
	_ =	sdelay $0x4  }
0x226: {  	[tilespmem:s2+$0xF268] =	vst.add.f32.msk $0xffff, v0  }
0x227: {  	v0 =	vld [tilespmem:s0+$0xF278];
	_ =	sdelay $0x4  }
0x228: {  	[tilespmem:s2+$0xF278] =	vst.add.f32.msk $0xffff, v0  }
0x229: {  	v0 =	vld [tilespmem:s0+$0xF288];
	_ =	sdelay $0x4  }
0x22a: {  	[tilespmem:s2+$0xF288] =	vst.add.f32.msk $0xffff, v0  }
0x22b: {  	v0 =	vld [tilespmem:s0+$0xF298];
	_ =	sdelay $0x4  }
0x22c: {  	[tilespmem:s2+$0xF298] =	vst.add.f32.msk $0xffff, v0  }
0x22d: {  	v0 =	vld [tilespmem:s0+$0xF2A8]  }
.Ltmp34:
0x22e: {  	_ = 	snop;
	(pc) =	sbr.rel .LBB3_33-.Ltmp34, $2  }
0x22f: {  	_ =	sdelay $0x2  }
0x230: {  	[tilespmem:s2+$0xF2A8] =	vst.add.f32.msk $0xffff, v0  }
.LBB3_34:
0x231: {  	s0 =	simm.s32 $0x6;
	p1 =	seq.s32 s6, $0x0  }
0x232: {  	[sflag:s0] =	ssyncpa.u1 $0x1;
	v0 =	vimm.s32 @p1 $0xFFFFFFFF  }
0x233: {  	s9 =	sadd.s32 $0xFFFFFFFF, s6;
	[tilespmem:$0x10238] =	vst @p1 v0  }
0x234: {  	v0 =	vld.msk @!p1 [tilespmem:s9+$0xF218], $0x1;
	_ =	sdelay $0x1  }
0x235: {  	v1 =	vld.msk @!p1 [tilespmem:$0xF218], $0x1;
	_ =	sdelay $0x2  }
0x236: {  	p2 =	seq.s32 @!p1 s9, $0x0;
	v0 =	vbroadcast @!p1 v0, $0x0  }
0x237: {  	vm0 =	vmmov @!p1 $0x1;
	p2 =	por !p2, p1  }
0x238: {  	v1 =	vnsel @!p1 vm0, $0xFFFFFFFF, v1;
	vm0 =	vcmask @!p1 $0x308;
	v0 =	vpsel !p2, $0xFFFFFFFF, v0  }
0x239: {  	p2 =	sne.s32 @!p1 s8, s7;
	v0 =	vsel @!p1 vm0, v1, v0  }
0x23a: {  	s0 =	simm.s32 @!p1 $0xF238;
	s2 =	simm.s32 @!p1 $0x0;
	p3 =	por !p2, p1;
	[tilespmem:$0x10238] =	vst @!p1 v0  }
0x23b: {  	[spmem:s2] =	stream.linear.scatter @!p1 [tilespmem:s0], [sflag:$0x1], $0x80, $0x38;
	[tilespmem:$0x1F6F8] =	vst v63  }
0x23c: {  	s0 =	sshll.u32 @!p3 s9, $0x9  }
0x23d: {  	s0 =	sshra.s32 @!p3 s0, $0x2  }
0x23e: {  	s2 =	simm.s32 @!p3 $0x80;
	s0 =	sadd.s32 @!p3 $0xF238, s0  }
0x23f: {  	[spmem:s2] =	stream.linear.scatter @!p3 [tilespmem:s0], [sflag:$0x1], $0x80, $0x38;
	[tilespmem:$0x1F6F8] =	vst v63  }
0x240: {  	s0 =	simm.s32 @!p3 $0x1  }
0x241: {  	_ =	swait.ge @!p3 [sflag:s0], $0x100  }
0x242: {  	p1 =	por p2, p1;
	[sflag:s0] =	ssyncset.done @!p3 $0x0  }
0x243: {  	[sflag:s0] =	ssyncadd.s32 @!p3 $0xFFFFFF00;
	s0 =	simm.s32 @!p1 $0x1  }
0x244: {  	_ =	swait.ge @!p1 [sflag:s0], $0x80  }
0x245: {  	s29 =	simm.s32 $0x10238;
	[sflag:s0] =	ssyncset.done @!p1 $0x0  }
0x246: {  	s30 =	simm.s32 $0x1000;
	s31 =	simm.s32 $0x1;
	[sflag:s0] =	ssyncadd.s32 @!p1 $0xFFFFFF80  }
0x247: {  	[spmem:s30] =	stream.linear.scatter [tilespmem:s29], [sflag:$0x1], $0x10, $0x38;
	[tilespmem:$0x1F6F8] =	vst v63  }
0x248: {  	_ =	swait.ge [sflag:s31], $0x10  }
0x249: {  	[sflag:s31] =	ssyncset.done $0x0  }
0x24a: {  	p1 =	seq.s32 s15, $0x0;
	s8 =	rddreg [dreg:$0x1];
	[sflag:s31] =	ssyncadd.s32 $0xFFFFFFF0  }
0x24b: {  	s2 =	sshll.u32 @p1 s8, $0xE;
	s7 =	rddreg [dreg:$0x2]  }
0x24c: {  	s0 =	sadd.s32 @p1 $0x15C3C, s2;
	s2 =	sshll.u32 @p1 s7, $0x11  }
0x24d: {  	_ =	sfence.stream.spmem;
	s0 =	sor.u32 @p1 s2, s0  }
0x24e: {  	[sflag:s0] =	ssyncadd.remote.s32 @p1 $0x1;
	s0 =	simm.s32 @p1 $0x4  }
0x24f: {  	s3 =	simm.s32 @!p1 $0x3C;
	s2 =	sand.u32 $0xFFFFFFFE, s8;
	_ =	swait.ge @p1 [sflag:s0], $0x22  }
0x250: {  	s4 =	simm.s32 @!p1 $0x0;
	s2 =	sadd.s32 @!p1 $0x4, s2;
	[sflag:s0] =	ssyncset.done @p1 $0x0  }
0x251: {  	s5 =	simm.s32 @!p1 $0x100;
	[sflag:s0] =	ssyncadd.s32 @p1 $0xFFFFFFDE;
	s0 =	sshll.u32 @!p1 s2, $0x1A  }
0x252: {  	s2 =	sshll.u32 @!p1 s2, $0xD;
	s0 =	sor.u32 @!p1 s0, s7;
	_ =	swait.eq @!p1 [sflag:s3], $0x1  }
0x253: {  	s2 =	sor.u32 @!p1 $0x1C04, s2;
	s3 =	simm.s32 @!p1 $0x1C03;
	s0 =	sor.u32 @!p1 $0x80004000, s0  }
0x254: {  	[spmem:s5], [sflag:s2] =	dma.general @!p1 [spmem:s4], [sflag:s3], length:$0x20, [dreg:$0x0], stride_count:$0x0, ici_dest:s0, dma_misc:DstOpCode:WRITE  }
0x255: {  	p2 =	slt.s32 s9, $0x2;
	s4 =	simm.s32 @!p1 $0x200;
	s5 =	simm.s32 @!p1 $0x202  }
0x256: {  	[spmem:s5], [sflag:s2] =	dma.general @!p1 [spmem:s4], [sflag:s3], length:$0x2, [dreg:$0x0], stride_count:$0x0, ici_dest:s0, dma_misc:DstOpCode:WRITE  }
.Ltmp35:
0x257: {  	s0 =	simm.s32 @!p1 $0x3;
	(pc) =	sbr.rel @p2 .LBB3_38-.Ltmp35, $4  }
0x258: {  	s2 =	sshll.u32 @!p1 s8, $0xE;
	_ =	swait.ge @!p1 [sflag:s0], $0x22  }
0x259: {  	s3 =	sshll.u32 @!p1 s7, $0x11;
	s2 =	sadd.s32 @!p1 $0x11C3C, s2;
	[sflag:s0] =	ssyncset.done @!p1 $0x0  }
0x25a: {  	[sflag:s0] =	ssyncadd.s32 @!p1 $0xFFFFFFDE;
	s0 =	sor.u32 @!p1 s3, s2  }
0x25b: {  	[sflag:s0] =	ssyncadd.remote.s32 @!p1 $0xFFFFFFFF;
	s0 =	simm.s32 $0x0  }
0x25c: {  	s0 =	simm.s32 $0xF219  }
0x25d: {  	v0 =	vld.msk [tilespmem:s0+$0x0], $0x1;
	_ =	sdelay $0x4  }
0x25e: {  	(v2sf) =	vpush v0, $0x0;
	_ =	sdelay $0xb  }
0x25f: {  	s31 =	sadd.s32 $0xFFFFFFFE, s6  }
0x260: {  	s0 =	sadd.s32 $0xFFFFFFFF, s31  }
0x261: {  	p2 =	sne.s32 s0, $0x0  }
.Ltmp36:
0x262: {  	s2 =	spop (v2sf);
	(pc) =	sbr.rel @!p2 .LBB3_37-.Ltmp36, $4  }
0x263: {  	s4 =	simm.s32 $0xF2B8;
	s7 =	simm.s32 $0x0;
	p1 =	sgt.u32 s2, $0x270F0  }
0x264: {  	s5 =	simm.s32 $0x0;
	s6 =	simm.s32 $0xF21A;
	s3 =	sand.u32 @!p1 $0x3FFF8, s2  }
0x265: {  	s2 =	sand.u32 @!p1 $0x7, s2;
	s7 =	simm.s32 @!p1 $0x200;
	s3 =	sadd.s32 @!p1 s1, s3  }
0x266: {  	[hbm4b:s3+s2] =	stream.linear.scatter @!p1 [tilespmem:s4], [sflag:$0x5], $0x80, $0x38;
	[tilespmem:$0x1F6F8] =	vst v63  }
.LBB3_36:
0x267: {  	v0 =	vld.msk [tilespmem:s6+$0x0], $0x1;
	s0 =	sadd.s32 $0xFFFFFFFF, s0;
	s5 =	sadd.s32 s5, s7  }
0x268: {  	p1 =	sne.s32 s0, $0x0;
	_ =	sdelay $0x3  }
0x269: {  	(v2sf) =	vpush v0, $0x0;
	_ =	sdelay $0xe  }
.Ltmp37:
0x26a: {  	s2 =	spop (v2sf);
	(pc) =	sbr.rel @p1 .LBB3_36-.Ltmp37, $4  }
0x26b: {  	s7 =	simm.s32 $0x0;
	p2 =	sgt.u32 s2, $0x270F0  }
0x26c: {  	s4 =	sadd.s32 $0x80, s4;
	s7 =	simm.s32 @!p2 $0x200;
	s3 =	sand.u32 @!p2 $0x3FFF8, s2  }
0x26d: {  	s6 =	sadd.s32 $0x1, s6;
	s2 =	sand.u32 @!p2 $0x7, s2;
	s3 =	sadd.s32 @!p2 s1, s3  }
0x26e: {  	[hbm4b:s3+s2] =	stream.linear.scatter @!p2 [tilespmem:s4], [sflag:$0x5], $0x80, $0x38;
	[tilespmem:$0x1F6F8] =	vst v63  }
.LBB3_37:
0x26f: {  	s0 =	sadd.s32 s5, s7  }
0x270: {  	s0 =	sshrl.u32 s0, $0x2  }
.LBB3_38:
0x271: {  	s2 =	simm.s32 $0x5  }
0x272: {  	_ =	swait.ge [sflag:s2], s0  }
0x273: {  	s31 =	ssub.s32 $0x0, s0;
	[sflag:s2] =	ssyncset.done $0x0  }
0x274: {  	[sflag:s2] =	ssyncadd.s32 s31  }
0x275: {  	[sflag:s2] =	ssyncpa.u1 $0x1  }
.LBB3_39:
0x276: {  	s0 =	sor.u32 s15, s16  }
0x277: {  	p1 =	sne.s32 s0, $0x0  }
.Ltmp38:
0x278: {  	_ = 	snop;
	(pc) =	sbr.rel @p1 .LBB3_54-.Ltmp38, $3  }
0x279: {  	_ =	sdelay $0x1  }
0x27a: {  	[bflag:$0x0] =	sbarrier.arrive $0xFFFF  }
0x27b: {  	_ =	sfence  }
0x27c: {  	s0 =	simm.s32 $0x7  }
0x27d: {  	s2 =	simm.s32 $0x1000;
	s3 =	simm.s32 $0xF218;
	[sflag:s0] =	ssyncpa.u1 $0x0  }
0x27e: {  	[tilespmem:s3], [sflag:$0x7] =	stream.linear.gather [spmem:s2], $0x20, $0x38;
	[tilespmem:$0x1F6F8] =	vst v63  }
0x27f: {  	s30 =	simm.s32 $0xF238;
	s2 =	simm.s32 $0x0  }
0x280: {  	[tilespmem:s30], [sflag:$0x7] =	stream.linear.gather [spmem:s2], $0x1000, $0x38;
	[tilespmem:$0x1F6F8] =	vst v63  }
.Ltmp39:
0x281: {  	_ = 	snop;
	(pc) =	sbr.rel .LBB3_41-.Ltmp39, $4  }
0x282: {  	_ =	swait.ge [sflag:s0], $0x1020  }
0x283: {  	[sflag:s0] =	ssyncset.done $0x0  }
0x284: {  	s31 =	simm.s32 $0x8;
	[sflag:s0] =	ssyncadd.s32 $0xFFFFEFE0  }
0x285: {  	s3 =	simm.s32 $0x0;
	[sflag:s31] =	ssyncpa.u1 $0x0  }
.LBB3_47:
0x286: {  	p1 =	slt.u32 s4, $0x270F1  }
0x287: {  	s0 =	sand.u32 @p1 $0x3FFF8, s4  }
0x288: {  	s4 =	sand.u32 @p1 $0x7, s4;
	s5 =	simm.s32 @p1 $0xF188;
	s0 =	sadd.s32 @p1 s1, s0  }
0x289: {  	[tilespmem:s5], [sflag:$0x8] =	stream.linear.gather @p1 [hbm4b:s0+s4], $0x80, $0x38;
	[tilespmem:$0x1F6F8] =	vst v63  }
0x28a: {  	s0 =	simm.s32 @p1 $0x8  }
0x28b: {  	_ =	swait.ge @p1 [sflag:s0], $0x80  }
0x28c: {  	[sflag:s0] =	ssyncset.done @p1 $0x0  }
0x28d: {  	[sflag:s0] =	ssyncadd.s32 @p1 $0xFFFFFF80  }
0x28e: {  	v1 =	vld @p1 [tilespmem:$0xF188];
	_ =	sdelay $0x2  }
0x28f: {  	s0 =	sshll.u32 @p1 s3, $0x9  }
0x290: {  	s4 =	sshrl.u32 @p1 s0, $0x2  }
0x291: {  	[tilespmem:s4+$0xF238] =	vst.add.f32.msk @p1 $0xffff, v1  }
0x292: {  	v1 =	vld @p1 [tilespmem:$0xF198];
	_ =	sdelay $0x4  }
0x293: {  	[tilespmem:s4+$0xF248] =	vst.add.f32.msk @p1 $0xffff, v1  }
0x294: {  	v1 =	vld @p1 [tilespmem:$0xF1A8];
	_ =	sdelay $0x4  }
0x295: {  	[tilespmem:s4+$0xF258] =	vst.add.f32.msk @p1 $0xffff, v1  }
0x296: {  	v1 =	vld @p1 [tilespmem:$0xF1B8];
	_ =	sdelay $0x4  }
0x297: {  	[tilespmem:s4+$0xF268] =	vst.add.f32.msk @p1 $0xffff, v1  }
0x298: {  	v1 =	vld @p1 [tilespmem:$0xF1C8];
	_ =	sdelay $0x4  }
0x299: {  	[tilespmem:s4+$0xF278] =	vst.add.f32.msk @p1 $0xffff, v1  }
0x29a: {  	v1 =	vld @p1 [tilespmem:$0xF1D8];
	_ =	sdelay $0x4  }
0x29b: {  	[tilespmem:s4+$0xF288] =	vst.add.f32.msk @p1 $0xffff, v1  }
0x29c: {  	v1 =	vld @p1 [tilespmem:$0xF1E8];
	_ =	sdelay $0x4  }
0x29d: {  	[tilespmem:s4+$0xF298] =	vst.add.f32.msk @p1 $0xffff, v1  }
0x29e: {  	v1 =	vld @p1 [tilespmem:$0xF1F8];
	_ =	sdelay $0x3  }
0x29f: {  	s5 =	sshll.u32 @!p1 s3, $0x9  }
0x2a0: {  	s5 =	smov.u32 @p1 s0;
	[tilespmem:s4+$0xF2A8] =	vst.add.f32.msk @p1 $0xffff, v1  }
0x2a1: {  	s0 =	sshrl.u32 s5, $0x2;
	[tilespmem:s2+$0xF218] =	vst.msk $0x1, v0  }
0x2a2: {  	v0 =	vld [tilespmem:s0+$0xF238];
	_ =	sdelay $0x2  }
0x2a3: {  	s31 =	sshll.u32 s2, $0x9  }
0x2a4: {  	s4 =	sshra.s32 s31, $0x2  }
0x2a5: {  	[tilespmem:s4+$0xF238] =	vst v0  }
0x2a6: {  	v0 =	vld [tilespmem:s0+$0xF248];
	_ =	sdelay $0x4  }
0x2a7: {  	[tilespmem:s4+$0xF248] =	vst v0  }
0x2a8: {  	v0 =	vld [tilespmem:s0+$0xF258];
	_ =	sdelay $0x4  }
0x2a9: {  	[tilespmem:s4+$0xF258] =	vst v0  }
0x2aa: {  	v0 =	vld [tilespmem:s0+$0xF268];
	_ =	sdelay $0x4  }
0x2ab: {  	[tilespmem:s4+$0xF268] =	vst v0  }
0x2ac: {  	v0 =	vld [tilespmem:s0+$0xF278];
	_ =	sdelay $0x4  }
0x2ad: {  	[tilespmem:s4+$0xF278] =	vst v0  }
0x2ae: {  	v0 =	vld [tilespmem:s0+$0xF288];
	_ =	sdelay $0x4  }
0x2af: {  	[tilespmem:s4+$0xF288] =	vst v0  }
0x2b0: {  	v0 =	vld [tilespmem:s0+$0xF298];
	_ =	sdelay $0x4  }
0x2b1: {  	[tilespmem:s4+$0xF298] =	vst v0  }
0x2b2: {  	v0 =	vld [tilespmem:s0+$0xF2A8];
	_ =	sdelay $0x4  }
0x2b3: {  	s2 =	sadd.s32 $0x1, s2;
	[tilespmem:s4+$0xF2A8] =	vst v0  }
.LBB3_48:
0x2b4: {  	s3 =	sadd.s32 $0x1, s3  }
0x2b5: {  	p1 =	sne.s32 s3, $0x20  }
.Ltmp40:
0x2b6: {  	_ = 	snop;
	(pc) =	sbr.rel @!p1 .LBB3_49-.Ltmp40, $1  }
0x2b7: {  	_ =	sdelay $0x3  }
.LBB3_41:
0x2b8: {  	v0 =	vld.msk [tilespmem:s3+$0xF218], $0x1;
	_ =	sdelay $0x4  }
0x2b9: {  	(v2sf) =	vpush v0, $0x0;
	_ =	sdelay $0xe  }
0x2ba: {  	s4 =	spop (v2sf)  }
0x2bb: {  	p1 =	seq.s32 s4, $0xFFFFFFFF  }
.Ltmp41:
0x2bc: {  	_ = 	snop;
	(pc) =	sbr.rel @p1 .LBB3_48-.Ltmp41, $1  }
0x2bd: {  	_ =	sdelay $0x3  }
0x2be: {  	p1 =	slt.s32 s2, $0x1  }
.Ltmp42:
0x2bf: {  	_ = 	snop;
	(pc) =	sbr.rel @p1 .LBB3_47-.Ltmp42, $1  }
0x2c0: {  	_ =	sdelay $0x3  }
0x2c1: {  	s5 =	simm.s32 $0xF218;
	p1 =	por $0x0, $0x0  }
0x2c2: {  	v1 =	vld.msk @!p1 [tilespmem:s5+$0x0], $0x1;
	_ =	sdelay $0x4  }
0x2c3: {  	(v2sf) =	vpush @!p1 v1, $0x0;
	_ =	sdelay $0xd  }
0x2c4: {  	p3 =	sne.s32 s2, $0x1  }
.Ltmp43:
0x2c5: {  	s0 =	spop @!p1 (v2sf);
	(pc) =	sbr.rel @!p3 .LBB3_45-.Ltmp43, $4  }
0x2c6: {  	p2 =	seq.s32 @!p1 s4, s0  }
0x2c7: {  	s6 =	simm.s32 $0x0;
	p2 =	por !p2, p1  }
0x2c8: {  	s7 =	simm.s32 $0xFFFFFFFF;
	s6 =	simm.s32 @p2 $0xFFFFFFFF  }
0x2c9: {  	s0 =	simm.s32 $0x1;
	s6 =	smov.u32 @p1 s7  }
.LBB3_44:
0x2ca: {  	s7 =	smov.u32 s6;
	p1 =	sne.s32 s6, $0xFFFFFFFF  }
0x2cb: {  	s5 =	sadd.s32 $0x1, s5;
	s6 =	smov.u32 s0;
	s0 =	sadd.s32 $0x1, s0  }
0x2cc: {  	p2 =	sne.s32 s2, s0;
	v1 =	vld.msk @!p1 [tilespmem:s5+$0x0], $0x1;
	_ =	sdelay $0x4  }
0x2cd: {  	(v2sf) =	vpush @!p1 v1, $0x0;
	_ =	sdelay $0xe  }
.Ltmp44:
0x2ce: {  	s8 =	spop @!p1 (v2sf);
	(pc) =	sbr.rel @p2 .LBB3_44-.Ltmp44, $4  }
0x2cf: {  	p3 =	seq.s32 @!p1 s4, s8  }
0x2d0: {  	p3 =	por !p3, p1  }
0x2d1: {  	s6 =	simm.s32 @p3 $0xFFFFFFFF  }
0x2d2: {  	s6 =	smov.u32 @p1 s7  }
.LBB3_45:
0x2d3: {  	p1 =	seq.s32 s6, $0xFFFFFFFF  }
.Ltmp45:
0x2d4: {  	_ = 	snop;
	(pc) =	sbr.rel @p1 .LBB3_47-.Ltmp45, $1  }
0x2d5: {  	_ =	sdelay $0x3  }
0x2d6: {  	s0 =	sshll.u32 s3, $0x7  }
0x2d7: {  	s0 =	sand.u32 $0x3FFFFF80, s0  }
0x2d8: {  	v0 =	vld [tilespmem:s0+$0xF238];
	_ =	sdelay $0x2  }
0x2d9: {  	s4 =	sshll.u32 s6, $0x9  }
0x2da: {  	s4 =	sshra.s32 s4, $0x2  }
0x2db: {  	[tilespmem:s4+$0xF238] =	vst.add.f32.msk $0xffff, v0  }
0x2dc: {  	v0 =	vld [tilespmem:s0+$0xF248];
	_ =	sdelay $0x4  }
0x2dd: {  	[tilespmem:s4+$0xF248] =	vst.add.f32.msk $0xffff, v0  }
0x2de: {  	v0 =	vld [tilespmem:s0+$0xF258];
	_ =	sdelay $0x4  }
0x2df: {  	[tilespmem:s4+$0xF258] =	vst.add.f32.msk $0xffff, v0  }
0x2e0: {  	v0 =	vld [tilespmem:s0+$0xF268];
	_ =	sdelay $0x4  }
0x2e1: {  	[tilespmem:s4+$0xF268] =	vst.add.f32.msk $0xffff, v0  }
0x2e2: {  	v0 =	vld [tilespmem:s0+$0xF278];
	_ =	sdelay $0x4  }
0x2e3: {  	[tilespmem:s4+$0xF278] =	vst.add.f32.msk $0xffff, v0  }
0x2e4: {  	v0 =	vld [tilespmem:s0+$0xF288];
	_ =	sdelay $0x4  }
0x2e5: {  	[tilespmem:s4+$0xF288] =	vst.add.f32.msk $0xffff, v0  }
0x2e6: {  	v0 =	vld [tilespmem:s0+$0xF298];
	_ =	sdelay $0x4  }
0x2e7: {  	[tilespmem:s4+$0xF298] =	vst.add.f32.msk $0xffff, v0  }
0x2e8: {  	v0 =	vld [tilespmem:s0+$0xF2A8]  }
.Ltmp46:
0x2e9: {  	_ = 	snop;
	(pc) =	sbr.rel .LBB3_48-.Ltmp46, $2  }
0x2ea: {  	_ =	sdelay $0x2  }
0x2eb: {  	[tilespmem:s4+$0xF2A8] =	vst.add.f32.msk $0xffff, v0  }
.LBB3_49:
0x2ec: {  	p1 =	slt.s32 s2, $0x1  }
.Ltmp47:
0x2ed: {  	_ = 	snop;
	(pc) =	sbr.rel @p1 .LBB3_53-.Ltmp47, $3  }
0x2ee: {  	_ =	sdelay $0x1  }
0x2ef: {  	s0 =	simm.s32 $0x8  }
0x2f0: {  	s3 =	simm.s32 $0x0;
	[sflag:s0] =	ssyncpa.u1 $0x1  }
0x2f1: {  	s0 =	simm.s32 $0xF218  }
0x2f2: {  	v0 =	vld.msk [tilespmem:s0+$0x0], $0x1;
	_ =	sdelay $0x4  }
0x2f3: {  	(v2sf) =	vpush v0, $0x0;
	_ =	sdelay $0xe  }
0x2f4: {  	s0 =	sadd.s32 $0xFFFFFFFF, s2;
	s5 =	spop (v2sf)  }
0x2f5: {  	p2 =	sne.s32 s0, $0x0;
	p1 =	sgt.u32 s5, $0x270F0  }
.Ltmp48:
0x2f6: {  	s6 =	sand.u32 @!p1 $0x3FFF8, s5;
	(pc) =	sbr.rel @!p2 .LBB3_52-.Ltmp48, $4  }
0x2f7: {  	s4 =	simm.s32 $0xF238;
	s5 =	sand.u32 @!p1 $0x7, s5;
	s2 =	sadd.s32 @!p1 s1, s6  }
0x2f8: {  	[hbm4b:s2+s5] =	stream.linear.scatter @!p1 [tilespmem:s4], [sflag:$0x7], $0x80, $0x38;
	[tilespmem:$0x1F6F8] =	vst v63  }
0x2f9: {  	s5 =	simm.s32 $0x0  }
0x2fa: {  	s2 =	simm.s32 $0xF219;
	s5 =	simm.s32 @!p1 $0x200  }
.LBB3_51:
0x2fb: {  	v0 =	vld.msk [tilespmem:s2+$0x0], $0x1;
	s0 =	sadd.s32 $0xFFFFFFFF, s0;
	s3 =	sadd.s32 s3, s5  }
0x2fc: {  	p1 =	sne.s32 s0, $0x0;
	_ =	sdelay $0x3  }
0x2fd: {  	(v2sf) =	vpush v0, $0x0;
	_ =	sdelay $0xe  }
.Ltmp49:
0x2fe: {  	s6 =	spop (v2sf);
	(pc) =	sbr.rel @p1 .LBB3_51-.Ltmp49, $4  }
0x2ff: {  	s5 =	simm.s32 $0x0;
	p2 =	sgt.u32 s6, $0x270F0  }
0x300: {  	s4 =	sadd.s32 $0x80, s4;
	s5 =	simm.s32 @!p2 $0x200;
	s7 =	sand.u32 @!p2 $0x3FFF8, s6  }
0x301: {  	s2 =	sadd.s32 $0x1, s2;
	s6 =	sand.u32 @!p2 $0x7, s6;
	s7 =	sadd.s32 @!p2 s1, s7  }
0x302: {  	[hbm4b:s7+s6] =	stream.linear.scatter @!p2 [tilespmem:s4], [sflag:$0x7], $0x80, $0x38;
	[tilespmem:$0x1F6F8] =	vst v63  }
.LBB3_52:
0x303: {  	s0 =	sadd.s32 s3, s5  }
0x304: {  	s3 =	sshrl.u32 s0, $0x2  }
.LBB3_53:
0x305: {  	s0 =	simm.s32 $0x7  }
0x306: {  	_ =	swait.ge [sflag:s0], s3  }
0x307: {  	s1 =	ssub.s32 $0x0, s3;
	[sflag:s0] =	ssyncset.done $0x0  }
0x308: {  	[sflag:s0] =	ssyncadd.s32 s1  }
0x309: {  	[sflag:s0] =	ssyncpa.u1 $0x1  }
.LBB3_54:
0x30a: {  	_ =	sfence;
	s0 =	simm.s32 $0x1  }
0x30b: {  	[sflag:s0] =	ssyncpa.u1 $0x1  }
0x30c: {  	_ =	strace $0x90000053  }
0x30d: {  	[bflag:$0x2] =	sbarrier.arrive $0xFFFF  }
0x30e: {  	s0 =	rddreg [dreg:$0x3]  }
0x30f: {  	s0 =	sadd.s32 @!p0 $0x100000, s0  }
0x310: {  	[sflag:s0] =	ssyncadd.tile.s32 @!p0 $0x1;
	_ =	shalt  }
.Lfunc_end3:
_tile_overlayer_lowered:
.L_overlay_start_3:
0x311: {  	(tag) =	ssettag $0x3  }
0x312: {  	s0 =	rddreg [dreg:$0x0];
	s2 =	stileid.u32  }
0x313: {  	s1 =	rddreg [dreg:$0x1];
	p0 =	sne.s32 s2, $0x0  }
0x314: {  	s3 =	rddreg [dreg:$0x2];
	[bflag:$0x3] =	sbarrier.arrive $0xFFFF;
	s2 =	simm.s32 @!p0 $0x1C01  }
0x315: {  	[timem:s3], [sflag:s2] =	dma.local @!p0 [hbm:s0], s1  }
0x316: {  	s0 =	simm.s32 @!p0 $0x1  }
0x317: {  	_ =	swait.ge @!p0 [sflag:s0], s1  }
0x318: {  	s1 =	ssub.s32 @!p0 $0x0, s1;
	[sflag:s0] =	ssyncset.done @!p0 $0x0  }
0x319: {  	[sflag:s0] =	ssyncadd.s32 @!p0 s1  }
0x31a: {  	[bflag:$0x3] =	sbarrier.arrive $0xFFFF  }
0x31b: {  	_ =	shalt  }

</sc_bundles>
